<compile_context>
chip_gen: v7x
topology: tpu7x:2x2x1
jax: 0.10.2.dev20260603
libtpu: 0.0.44.dev20260713+nightly
codegen_flags: <defaults>
</compile_context>

<pallas_src>
import functools

import jax
import jax.experimental.layout as _layout
import jax.numpy as jnp
from jax import lax
from jax.experimental import pallas as pl
from jax.experimental.pallas import tpu as pltpu
from jax.experimental.pallas import tpu_sc as plsc

B, T, D = 4096, 200, 128
NOUT = 5
COLS = (0, 5, 17, 42, 99)

NC, NS = 2, 16
NW = NC * NS
BATCH_PER_W = B // NW
OW = 16
OSTR = 5
NWIN = BATCH_PER_W // OW
NGRP = T // 16
TAIL = T - NGRP * 16

_mesh = plsc.VectorSubcoreMesh(core_axis_name="c", subcore_axis_name="s")


@functools.partial(
    pl.kernel,
    mesh=_mesh,
    out_type=jax.ShapeDtypeStruct((B * T * OSTR,), jnp.float32),
    compiler_params=pltpu.CompilerParams(needs_layout_passes=False),
    scratch_types=[
        pltpu.VMEM((1, T, D), jnp.float32),
        pltpu.VMEM((1, T, D), jnp.float32),
        pltpu.VMEM((OW * T * OSTR,), jnp.float32),
        pltpu.SemaphoreType.DMA,
        pltpu.SemaphoreType.DMA,
        pltpu.SemaphoreType.DMA,
    ],
)
def _sc_gather(x_hbm, out_hbm, buf0, buf1, obuf, sem_i0, sem_i1, sem_o):
    wid = lax.axis_index("s") * NC + lax.axis_index("c")
    base0 = wid * BATCH_PER_W

    ibufs = ((buf0, sem_i0), (buf1, sem_i1))

    def in_copy(g, buf, sem_i):
        return pltpu.make_async_copy(
            x_hbm.at[pl.ds(base0 + g, 1)], buf, sem_i)

    def out_copy(w):
        return pltpu.make_async_copy(
            obuf,
            out_hbm.at[pl.ds((base0 + w * OW) * T * OSTR, OW * T * OSTR)],
            sem_o)

    def compute(buf, ib):
        def grp(r, mask):
            tv = lax.iota(jnp.int32, 16) + r * 16
            ov = tv * OSTR + ib * (T * OSTR)
            for j in range(NOUT):
                col = jnp.full((16,), COLS[j], jnp.int32)
                v = plsc.load_gather(
                    buf, [jnp.zeros((16,), jnp.int32), tv, col], mask=mask)
                plsc.store_scatter(obuf, [ov + j], v, mask=mask)

        def grp_body(r, c2):
            grp(r, None)
            return c2

        lax.fori_loop(0, NGRP, grp_body, 0)
        grp(NGRP, lax.iota(jnp.int32, 16) < TAIL)

    in_copy(0, buf0, sem_i0).start()

    def win_body(w, carry):
        @pl.when(w > 0)
        def _():
            out_copy(w - 1).wait()

        for ib in range(OW):
            g = w * OW + ib
            buf, sem_i = ibufs[ib % 2]
            nbuf, nsem_i = ibufs[1 - ib % 2]

            @pl.when(g + 1 < BATCH_PER_W)
            def _():
                in_copy(g + 1, nbuf, nsem_i).start()

            in_copy(g, buf, sem_i).wait()
            compute(buf, ib)

        out_copy(w).start()
        return carry

    lax.fori_loop(0, NWIN, win_body, 0)
    out_copy(NWIN - 1).wait()


def kernel(inputs):
    dense = _layout.Layout((0, 1, 2), tiling=((1,),))
    y = _sc_gather(inputs).reshape(B, T, NOUT)
    return _layout.with_layout_constraint(y, dense)

# --- scband reference (transcript-rebuilt; emitter-appended) ---
"""Pipeline reference for scband-baseline-1812476199218 (READ-ONLY COPY).

The authoritative reference and input builder live on the scoring server;
editing this copy changes nothing except your own understanding.
"""

import jax, jax.numpy as jnp
import numpy as np

LABEL_INDICES = jnp.array([0, 5, 17, 42, 99], dtype=jnp.int32)

def setup_inputs(seed: int = 0) -> dict:
    key = jax.random.key(seed)
    inputs = jax.random.normal(key, (4096, 200, 128), dtype=jnp.float32)
    return {"inputs": inputs}

def reference(inputs):
    # Baseline.call: tf.gather(inputs, indices=label_indices, axis=2)
    result = jnp.take(inputs, LABEL_INDICES, axis=2)
    return result

if __name__ == "__main__":
    import jax
    _d = setup_inputs()
    print(jax.jit(kernel)(*tuple(_d.values())))

</pallas_src>

<mosaic_0001>
#map = affine_map<(d0, d1) -> (0, 0, 0)>
#map1 = affine_map<(d0, d1) -> (0)>
module attributes {stable_mosaic.version = 14 : i64} {
  func.func @_sc_gather(%arg0: i32, %arg1: i32, %arg2: memref<4096x200x128xf32, #tpu.memory_space<hbm>>, %arg3: memref<4096000xf32, #tpu.memory_space<hbm>>, %arg4: memref<1x200x128xf32, #tpu.memory_space<vmem>>, %arg5: memref<1x200x128xf32, #tpu.memory_space<vmem>>, %arg6: memref<16000xf32, #tpu.memory_space<vmem>>, %arg7: memref<!tpu.dma_semaphore, #tpu.memory_space<semaphore_mem>>, %arg8: memref<!tpu.dma_semaphore, #tpu.memory_space<semaphore_mem>>, %arg9: memref<!tpu.dma_semaphore, #tpu.memory_space<semaphore_mem>>) attributes {dimension_semantics = [#tpu.dimension_semantics<core_parallel>, #tpu.dimension_semantics<subcore_parallel>], iteration_bounds = array<i64: 2, 16>, scalar_prefetch = 0 : i64, scratch_operands = 6 : i64, tpu.core_type = #tpu.core_type<sc_vector_subcore>, window_params = [{transform_indices = #map}, {transform_indices = #map1}]} {
    %mul3A = arith.constant 2 : i32
    %mul3A_0 = arith.muli %arg1, %mul3A : i32
    %add3A = arith.addi %mul3A_0, %arg0 : i32
    %mul3A_1 = arith.constant 128 : i32
    %mul3A_2 = arith.muli %add3A, %mul3A_1 : i32
    %add3A_3 = arith.constant 0 : i32
    %add3A_4 = arith.addi %mul3A_2, %add3A_3 : i32
    %dma_start3A = arith.constant 0 : i32
    %dma_start3A_5 = arith.constant 0 : i32
    %dma_start3A_6 = tpu.memref_slice %arg2[%add3A_4, %dma_start3A, %dma_start3A_5] : memref<4096x200x128xf32, #tpu.memory_space<hbm>> -> memref<1x200x128xf32, #tpu.memory_space<hbm>>
    %dma_start3A_7 = arith.constant 0 : i32
    %dma_start3A_8 = arith.constant 0 : i32
    %dma_start3A_9 = tpu.memref_slice %arg2[%add3A_4, %dma_start3A_7, %dma_start3A_8] : memref<4096x200x128xf32, #tpu.memory_space<hbm>> -> memref<1x200x128xf32, #tpu.memory_space<hbm>>
    tpu.enqueue_dma source(%dma_start3A_9 : memref<1x200x128xf32, #tpu.memory_space<hbm>>) target(%arg4 : memref<1x200x128xf32, #tpu.memory_space<vmem>>) target_semaphore(%arg7 : memref<!tpu.dma_semaphore, #tpu.memory_space<semaphore_mem>>)
    %scan3A = arith.constant 0 : i32
    %scan3A_10 = arith.constant 0 : i32
    %scan3A_11 = arith.constant 8 : i32
    %scan3A_12 = arith.addi %scan3A_10, %scan3A_11 : i32
    %scan3A_13 = arith.constant 1 : i32
    scf.for %scan3A_22 = %scan3A_10 to %scan3A_12 step %scan3A_13  : i32 {
      %gt3A = arith.constant 0 : i32
      %gt3A_23 = arith.cmpi sgt, %scan3A_22, %gt3A : i32
      %convert_element_type3A = arith.extui %gt3A_23 : i1 to i32
      %cond3A = arith.constant 0 : i32
      %cond3A_24 = arith.cmpi ne, %convert_element_type3A, %cond3A : i32
      scf.if %cond3A_24 {
        %sub3A = arith.constant 1 : i32
        %sub3A_1278 = arith.subi %scan3A_22, %sub3A : i32
        %mul3A_1279 = arith.constant 16 : i32
        %mul3A_1280 = arith.muli %sub3A_1278, %mul3A_1279 : i32
        %add3A_1281 = arith.addi %mul3A_2, %mul3A_1280 : i32
        %mul3A_1282 = arith.constant 200 : i32
        %mul3A_1283 = arith.muli %add3A_1281, %mul3A_1282 : i32
        %mul3A_1284 = arith.constant 5 : i32
        %mul3A_1285 = arith.muli %mul3A_1283, %mul3A_1284 : i32
        %dma_wait3A_1286 = tpu.memref_slice %arg3[%mul3A_1285] : memref<4096000xf32, #tpu.memory_space<hbm>> -> memref<16000xf32, #tpu.memory_space<hbm>>
        %dma_wait3A_1287 = tpu.memref_slice %arg3[%mul3A_1285] : memref<4096000xf32, #tpu.memory_space<hbm>> -> memref<16000xf32, #tpu.memory_space<hbm>>
        tpu.wait_dma2 semaphore(%arg9 : memref<!tpu.dma_semaphore, #tpu.memory_space<semaphore_mem>>) src(%arg6 : memref<16000xf32, #tpu.memory_space<vmem>>) dst(%dma_wait3A_1287 : memref<16000xf32, #tpu.memory_space<hbm>>)
      } else {
      }
      %mul3A_25 = arith.constant 16 : i32
      %mul3A_26 = arith.muli %scan3A_22, %mul3A_25 : i32
      %add3A_27 = arith.constant 0 : i32
      %add3A_28 = arith.addi %mul3A_26, %add3A_27 : i32
      %add3A_29 = arith.constant 1 : i32
      %add3A_30 = arith.addi %add3A_28, %add3A_29 : i32
      %lt3A = arith.constant 128 : i32
      %lt3A_31 = arith.cmpi slt, %add3A_30, %lt3A : i32
      %convert_element_type3A_32 = arith.extui %lt3A_31 : i1 to i32
      %cond3A_33 = arith.constant 0 : i32
      %cond3A_34 = arith.cmpi ne, %convert_element_type3A_32, %cond3A_33 : i32
      scf.if %cond3A_34 {
        %add3A_1278 = arith.constant 1 : i32
        %add3A_1279 = arith.addi %add3A_28, %add3A_1278 : i32
        %add3A_1280 = arith.addi %mul3A_2, %add3A_1279 : i32
        %dma_start3A_1281 = arith.constant 0 : i32
        %dma_start3A_1282 = arith.constant 0 : i32
        %dma_start3A_1283 = tpu.memref_slice %arg2[%add3A_1280, %dma_start3A_1281, %dma_start3A_1282] : memref<4096x200x128xf32, #tpu.memory_space<hbm>> -> memref<1x200x128xf32, #tpu.memory_space<hbm>>
        %dma_start3A_1284 = arith.constant 0 : i32
        %dma_start3A_1285 = arith.constant 0 : i32
        %dma_start3A_1286 = tpu.memref_slice %arg2[%add3A_1280, %dma_start3A_1284, %dma_start3A_1285] : memref<4096x200x128xf32, #tpu.memory_space<hbm>> -> memref<1x200x128xf32, #tpu.memory_space<hbm>>
        tpu.enqueue_dma source(%dma_start3A_1286 : memref<1x200x128xf32, #tpu.memory_space<hbm>>) target(%arg5 : memref<1x200x128xf32, #tpu.memory_space<vmem>>) target_semaphore(%arg8 : memref<!tpu.dma_semaphore, #tpu.memory_space<semaphore_mem>>)
      } else {
      }
      %add3A_35 = arith.addi %mul3A_2, %add3A_28 : i32
      %dma_wait3A_36 = arith.constant 0 : i32
      %dma_wait3A_37 = arith.constant 0 : i32
      %dma_wait3A_38 = tpu.memref_slice %arg2[%add3A_35, %dma_wait3A_36, %dma_wait3A_37] : memref<4096x200x128xf32, #tpu.memory_space<hbm>> -> memref<1x200x128xf32, #tpu.memory_space<hbm>>
      %dma_wait3A_39 = arith.constant 0 : i32
      %dma_wait3A_40 = arith.constant 0 : i32
      %dma_wait3A_41 = tpu.memref_slice %arg2[%add3A_35, %dma_wait3A_39, %dma_wait3A_40] : memref<4096x200x128xf32, #tpu.memory_space<hbm>> -> memref<1x200x128xf32, #tpu.memory_space<hbm>>
      tpu.wait_dma2 semaphore(%arg7 : memref<!tpu.dma_semaphore, #tpu.memory_space<semaphore_mem>>) src(%dma_wait3A_41 : memref<1x200x128xf32, #tpu.memory_space<hbm>>) dst(%arg4 : memref<1x200x128xf32, #tpu.memory_space<vmem>>)
      %scan3A_42 = arith.constant 0 : i32
      %scan3A_43 = arith.constant 0 : i32
      %scan3A_44 = arith.constant 12 : i32
      %scan3A_45 = arith.addi %scan3A_43, %scan3A_44 : i32
      %scan3A_46 = arith.constant 1 : i32
      scf.for %scan3A_1278 = %scan3A_43 to %scan3A_45 step %scan3A_46  : i32 {
        %iota3A_1279 = tpu.iota {dimensions = array<i32: 0>} : vector<16xi32>
        %mul3A_1280 = arith.constant 16 : i32
        %mul3A_1281 = arith.muli %scan3A_1278, %mul3A_1280 : i32
        %add3A_1282 = vector.broadcast %mul3A_1281 : i32 to vector<16xi32>
        %add3A_1283 = arith.addi %iota3A_1279, %add3A_1282 : vector<16xi32>
        %mul3A_1284 = arith.constant 5 : i32
        %mul3A_1285 = vector.broadcast %mul3A_1284 : i32 to vector<16xi32>
        %mul3A_1286 = arith.muli %add3A_1283, %mul3A_1285 : vector<16xi32>
        %add3A_1287 = arith.constant 0 : i32
        %add3A_1288 = vector.broadcast %add3A_1287 : i32 to vector<16xi32>
        %add3A_1289 = arith.addi %mul3A_1286, %add3A_1288 : vector<16xi32>
        %broadcast_in_dim3A_1290 = arith.constant 0 : i32
        %broadcast_in_dim3A_1291 = vector.broadcast %broadcast_in_dim3A_1290 : i32 to vector<16xi32>
        %broadcast_in_dim3A_1292 = arith.constant 0 : i32
        %broadcast_in_dim3A_1293 = vector.broadcast %broadcast_in_dim3A_1292 : i32 to vector<16xi32>
        %gather3A_1294 = tpu.vector_load_idx %arg4[%broadcast_in_dim3A_1293, %add3A_1283, %broadcast_in_dim3A_1291] : memref<1x200x128xf32, #tpu.memory_space<vmem>>[vector<16xi32>, vector<16xi32>, vector<16xi32>], vector<16xf32>,
        %add3A_1295 = arith.constant 0 : i32
        %add3A_1296 = vector.broadcast %add3A_1295 : i32 to vector<16xi32>
        %add3A_1297 = arith.addi %add3A_1289, %add3A_1296 : vector<16xi32>
        tpu.vector_store_idx %arg6[%add3A_1297], %gather3A_1294 : memref<16000xf32, #tpu.memory_space<vmem>>[vector<16xi32>], vector<16xf32>,
        %broadcast_in_dim3A_1298 = arith.constant 5 : i32
        %broadcast_in_dim3A_1299 = vector.broadcast %broadcast_in_dim3A_1298 : i32 to vector<16xi32>
        %broadcast_in_dim3A_1300 = arith.constant 0 : i32
        %broadcast_in_dim3A_1301 = vector.broadcast %broadcast_in_dim3A_1300 : i32 to vector<16xi32>
        %gather3A_1302 = tpu.vector_load_idx %arg4[%broadcast_in_dim3A_1301, %add3A_1283, %broadcast_in_dim3A_1299] : memref<1x200x128xf32, #tpu.memory_space<vmem>>[vector<16xi32>, vector<16xi32>, vector<16xi32>], vector<16xf32>,
        %add3A_1303 = arith.constant 1 : i32
        %add3A_1304 = vector.broadcast %add3A_1303 : i32 to vector<16xi32>
        %add3A_1305 = arith.addi %add3A_1289, %add3A_1304 : vector<16xi32>
        tpu.vector_store_idx %arg6[%add3A_1305], %gather3A_1302 : memref<16000xf32, #tpu.memory_space<vmem>>[vector<16xi32>], vector<16xf32>,
        %broadcast_in_dim3A_1306 = arith.constant 17 : i32
        %broadcast_in_dim3A_1307 = vector.broadcast %broadcast_in_dim3A_1306 : i32 to vector<16xi32>
        %broadcast_in_dim3A_1308 = arith.constant 0 : i32
        %broadcast_in_dim3A_1309 = vector.broadcast %broadcast_in_dim3A_1308 : i32 to vector<16xi32>
        %gather3A_1310 = tpu.vector_load_idx %arg4[%broadcast_in_dim3A_1309, %add3A_1283, %broadcast_in_dim3A_1307] : memref<1x200x128xf32, #tpu.memory_space<vmem>>[vector<16xi32>, vector<16xi32>, vector<16xi32>], vector<16xf32>,
        %add3A_1311 = arith.constant 2 : i32
        %add3A_1312 = vector.broadcast %add3A_1311 : i32 to vector<16xi32>
        %add3A_1313 = arith.addi %add3A_1289, %add3A_1312 : vector<16xi32>
        tpu.vector_store_idx %arg6[%add3A_1313], %gather3A_1310 : memref<16000xf32, #tpu.memory_space<vmem>>[vector<16xi32>], vector<16xf32>,
        %broadcast_in_dim3A_1314 = arith.constant 42 : i32
        %broadcast_in_dim3A_1315 = vector.broadcast %broadcast_in_dim3A_1314 : i32 to vector<16xi32>
        %broadcast_in_dim3A_1316 = arith.constant 0 : i32
        %broadcast_in_dim3A_1317 = vector.broadcast %broadcast_in_dim3A_1316 : i32 to vector<16xi32>
        %gather3A_1318 = tpu.vector_load_idx %arg4[%broadcast_in_dim3A_1317, %add3A_1283, %broadcast_in_dim3A_1315] : memref<1x200x128xf32, #tpu.memory_space<vmem>>[vector<16xi32>, vector<16xi32>, vector<16xi32>], vector<16xf32>,
        %add3A_1319 = arith.constant 3 : i32
        %add3A_1320 = vector.broadcast %add3A_1319 : i32 to vector<16xi32>
        %add3A_1321 = arith.addi %add3A_1289, %add3A_1320 : vector<16xi32>
        tpu.vector_store_idx %arg6[%add3A_1321], %gather3A_1318 : memref<16000xf32, #tpu.memory_space<vmem>>[vector<16xi32>], vector<16xf32>,
        %broadcast_in_dim3A_1322 = arith.constant 99 : i32
        %broadcast_in_dim3A_1323 = vector.broadcast %broadcast_in_dim3A_1322 : i32 to vector<16xi32>
        %broadcast_in_dim3A_1324 = arith.constant 0 : i32
        %broadcast_in_dim3A_1325 = vector.broadcast %broadcast_in_dim3A_1324 : i32 to vector<16xi32>
        %gather3A_1326 = tpu.vector_load_idx %arg4[%broadcast_in_dim3A_1325, %add3A_1283, %broadcast_in_dim3A_1323] : memref<1x200x128xf32, #tpu.memory_space<vmem>>[vector<16xi32>, vector<16xi32>, vector<16xi32>], vector<16xf32>,
        %add3A_1327 = arith.constant 4 : i32
        %add3A_1328 = vector.broadcast %add3A_1327 : i32 to vector<16xi32>
        %add3A_1329 = arith.addi %add3A_1289, %add3A_1328 : vector<16xi32>
        tpu.vector_store_idx %arg6[%add3A_1329], %gather3A_1326 : memref<16000xf32, #tpu.memory_space<vmem>>[vector<16xi32>], vector<16xf32>,
      }
      %scan3A_47 = arith.constant 12 : i32
      %iota3A = tpu.iota {dimensions = array<i32: 0>} : vector<16xi32>
      %lt3A_48 = arith.constant 8 : i32
      %lt3A_49 = vector.broadcast %lt3A_48 : i32 to vector<16xi32>
      %lt3A_50 = arith.cmpi slt, %iota3A, %lt3A_49 : vector<16xi32>
      %iota3A_51 = tpu.iota {dimensions = array<i32: 0>} : vector<16xi32>
      %add3A_52 = arith.constant 192 : i32
      %add3A_53 = vector.broadcast %add3A_52 : i32 to vector<16xi32>
      %add3A_54 = arith.addi %iota3A_51, %add3A_53 : vector<16xi32>
      %mul3A_55 = arith.constant 5 : i32
      %mul3A_56 = vector.broadcast %mul3A_55 : i32 to vector<16xi32>
      %mul3A_57 = arith.muli %add3A_54, %mul3A_56 : vector<16xi32>
      %add3A_58 = arith.constant 0 : i32
      %add3A_59 = vector.broadcast %add3A_58 : i32 to vector<16xi32>
      %add3A_60 = arith.addi %mul3A_57, %add3A_59 : vector<16xi32>
      %broadcast_in_dim3A = arith.constant 0 : i32
      %broadcast_in_dim3A_61 = vector.broadcast %broadcast_in_dim3A : i32 to vector<16xi32>
      %broadcast_in_dim3A_62 = arith.constant 0 : i32
      %broadcast_in_dim3A_63 = vector.broadcast %broadcast_in_dim3A_62 : i32 to vector<16xi32>
      %gather3A = tpu.vector_load_idx %arg4[%broadcast_in_dim3A_63, %add3A_54, %broadcast_in_dim3A_61] masked %lt3A_50 : memref<1x200x128xf32, #tpu.memory_space<vmem>>[vector<16xi32>, vector<16xi32>, vector<16xi32>], vector<16xf32>, vector<16xi1>
      %add3A_64 = arith.constant 0 : i32
      %add3A_65 = vector.broadcast %add3A_64 : i32 to vector<16xi32>
      %add3A_66 = arith.addi %add3A_60, %add3A_65 : vector<16xi32>
      tpu.vector_store_idx %arg6[%add3A_66], %gather3A masked %lt3A_50 : memref<16000xf32, #tpu.memory_space<vmem>>[vector<16xi32>], vector<16xf32>, vector<16xi1>
      %broadcast_in_dim3A_67 = arith.constant 5 : i32
      %broadcast_in_dim3A_68 = vector.broadcast %broadcast_in_dim3A_67 : i32 to vector<16xi32>
      %broadcast_in_dim3A_69 = arith.constant 0 : i32
      %broadcast_in_dim3A_70 = vector.broadcast %broadcast_in_dim3A_69 : i32 to vector<16xi32>
      %gather3A_71 = tpu.vector_load_idx %arg4[%broadcast_in_dim3A_70, %add3A_54, %broadcast_in_dim3A_68] masked %lt3A_50 : memref<1x200x128xf32, #tpu.memory_space<vmem>>[vector<16xi32>, vector<16xi32>, vector<16xi32>], vector<16xf32>, vector<16xi1>
      %add3A_72 = arith.constant 1 : i32
      %add3A_73 = vector.broadcast %add3A_72 : i32 to vector<16xi32>
      %add3A_74 = arith.addi %add3A_60, %add3A_73 : vector<16xi32>
      tpu.vector_store_idx %arg6[%add3A_74], %gather3A_71 masked %lt3A_50 : memref<16000xf32, #tpu.memory_space<vmem>>[vector<16xi32>], vector<16xf32>, vector<16xi1>
      %broadcast_in_dim3A_75 = arith.constant 17 : i32
      %broadcast_in_dim3A_76 = vector.broadcast %broadcast_in_dim3A_75 : i32 to vector<16xi32>
      %broadcast_in_dim3A_77 = arith.constant 0 : i32
      %broadcast_in_dim3A_78 = vector.broadcast %broadcast_in_dim3A_77 : i32 to vector<16xi32>
      %gather3A_79 = tpu.vector_load_idx %arg4[%broadcast_in_dim3A_78, %add3A_54, %broadcast_in_dim3A_76] masked %lt3A_50 : memref<1x200x128xf32, #tpu.memory_space<vmem>>[vector<16xi32>, vector<16xi32>, vector<16xi32>], vector<16xf32>, vector<16xi1>
      %add3A_80 = arith.constant 2 : i32
      %add3A_81 = vector.broadcast %add3A_80 : i32 to vector<16xi32>
      %add3A_82 = arith.addi %add3A_60, %add3A_81 : vector<16xi32>
      tpu.vector_store_idx %arg6[%add3A_82], %gather3A_79 masked %lt3A_50 : memref<16000xf32, #tpu.memory_space<vmem>>[vector<16xi32>], vector<16xf32>, vector<16xi1>
      %broadcast_in_dim3A_83 = arith.constant 42 : i32
      %broadcast_in_dim3A_84 = vector.broadcast %broadcast_in_dim3A_83 : i32 to vector<16xi32>
      %broadcast_in_dim3A_85 = arith.constant 0 : i32
      %broadcast_in_dim3A_86 = vector.broadcast %broadcast_in_dim3A_85 : i32 to vector<16xi32>
      %gather3A_87 = tpu.vector_load_idx %arg4[%broadcast_in_dim3A_86, %add3A_54, %broadcast_in_dim3A_84] masked %lt3A_50 : memref<1x200x128xf32, #tpu.memory_space<vmem>>[vector<16xi32>, vector<16xi32>, vector<16xi32>], vector<16xf32>, vector<16xi1>
      %add3A_88 = arith.constant 3 : i32
      %add3A_89 = vector.broadcast %add3A_88 : i32 to vector<16xi32>
      %add3A_90 = arith.addi %add3A_60, %add3A_89 : vector<16xi32>
      tpu.vector_store_idx %arg6[%add3A_90], %gather3A_87 masked %lt3A_50 : memref<16000xf32, #tpu.memory_space<vmem>>[vector<16xi32>], vector<16xf32>, vector<16xi1>
      %broadcast_in_dim3A_91 = arith.constant 99 : i32
      %broadcast_in_dim3A_92 = vector.broadcast %broadcast_in_dim3A_91 : i32 to vector<16xi32>
      %broadcast_in_dim3A_93 = arith.constant 0 : i32
      %broadcast_in_dim3A_94 = vector.broadcast %broadcast_in_dim3A_93 : i32 to vector<16xi32>
      %gather3A_95 = tpu.vector_load_idx %arg4[%broadcast_in_dim3A_94, %add3A_54, %broadcast_in_dim3A_92] masked %lt3A_50 : memref<1x200x128xf32, #tpu.memory_space<vmem>>[vector<16xi32>, vector<16xi32>, vector<16xi32>], vector<16xf32>, vector<16xi1>
      %add3A_96 = arith.constant 4 : i32
      %add3A_97 = vector.broadcast %add3A_96 : i32 to vector<16xi32>
      %add3A_98 = arith.addi %add3A_60, %add3A_97 : vector<16xi32>
      tpu.vector_store_idx %arg6[%add3A_98], %gather3A_95 masked %lt3A_50 : memref<16000xf32, #tpu.memory_space<vmem>>[vector<16xi32>], vector<16xf32>, vector<16xi1>
      %mul3A_99 = arith.constant 16 : i32
      %mul3A_100 = arith.muli %scan3A_22, %mul3A_99 : i32
      %add3A_101 = arith.constant 1 : i32
      %add3A_102 = arith.addi %mul3A_100, %add3A_101 : i32
      %add3A_103 = arith.constant 1 : i32
      %add3A_104 = arith.addi %add3A_102, %add3A_103 : i32
      %lt3A_105 = arith.constant 128 : i32
      %lt3A_106 = arith.cmpi slt, %add3A_104, %lt3A_105 : i32
      %convert_element_type3A_107 = arith.extui %lt3A_106 : i1 to i32
      %cond3A_108 = arith.constant 0 : i32
      %cond3A_109 = arith.cmpi ne, %convert_element_type3A_107, %cond3A_108 : i32
      scf.if %cond3A_109 {
        %add3A_1278 = arith.constant 1 : i32
        %add3A_1279 = arith.addi %add3A_102, %add3A_1278 : i32
        %add3A_1280 = arith.addi %mul3A_2, %add3A_1279 : i32
        %dma_start3A_1281 = arith.constant 0 : i32
        %dma_start3A_1282 = arith.constant 0 : i32
        %dma_start3A_1283 = tpu.memref_slice %arg2[%add3A_1280, %dma_start3A_1281, %dma_start3A_1282] : memref<4096x200x128xf32, #tpu.memory_space<hbm>> -> memref<1x200x128xf32, #tpu.memory_space<hbm>>
        %dma_start3A_1284 = arith.constant 0 : i32
        %dma_start3A_1285 = arith.constant 0 : i32
        %dma_start3A_1286 = tpu.memref_slice %arg2[%add3A_1280, %dma_start3A_1284, %dma_start3A_1285] : memref<4096x200x128xf32, #tpu.memory_space<hbm>> -> memref<1x200x128xf32, #tpu.memory_space<hbm>>
        tpu.enqueue_dma source(%dma_start3A_1286 : memref<1x200x128xf32, #tpu.memory_space<hbm>>) target(%arg4 : memref<1x200x128xf32, #tpu.memory_space<vmem>>) target_semaphore(%arg7 : memref<!tpu.dma_semaphore, #tpu.memory_space<semaphore_mem>>)
      } else {
      }
      %add3A_110 = arith.addi %mul3A_2, %add3A_102 : i32
      %dma_wait3A_111 = arith.constant 0 : i32
      %dma_wait3A_112 = arith.constant 0 : i32
      %dma_wait3A_113 = tpu.memref_slice %arg2[%add3A_110, %dma_wait3A_111, %dma_wait3A_112] : memref<4096x200x128xf32, #tpu.memory_space<hbm>> -> memref<1x200x128xf32, #tpu.memory_space<hbm>>
      %dma_wait3A_114 = arith.constant 0 : i32
      %dma_wait3A_115 = arith.constant 0 : i32
      %dma_wait3A_116 = tpu.memref_slice %arg2[%add3A_110, %dma_wait3A_114, %dma_wait3A_115] : memref<4096x200x128xf32, #tpu.memory_space<hbm>> -> memref<1x200x128xf32, #tpu.memory_space<hbm>>
      tpu.wait_dma2 semaphore(%arg8 : memref<!tpu.dma_semaphore, #tpu.memory_space<semaphore_mem>>) src(%dma_wait3A_116 : memref<1x200x128xf32, #tpu.memory_space<hbm>>) dst(%arg5 : memref<1x200x128xf32, #tpu.memory_space<vmem>>)
      %scan3A_117 = arith.constant 0 : i32
      %scan3A_118 = arith.constant 0 : i32
      %scan3A_119 = arith.constant 12 : i32
      %scan3A_120 = arith.addi %scan3A_118, %scan3A_119 : i32
      %scan3A_121 = arith.constant 1 : i32
      scf.for %scan3A_1278 = %scan3A_118 to %scan3A_120 step %scan3A_121  : i32 {
        %iota3A_1279 = tpu.iota {dimensions = array<i32: 0>} : vector<16xi32>
        %mul3A_1280 = arith.constant 16 : i32
        %mul3A_1281 = arith.muli %scan3A_1278, %mul3A_1280 : i32
        %add3A_1282 = vector.broadcast %mul3A_1281 : i32 to vector<16xi32>
        %add3A_1283 = arith.addi %iota3A_1279, %add3A_1282 : vector<16xi32>
        %mul3A_1284 = arith.constant 5 : i32
        %mul3A_1285 = vector.broadcast %mul3A_1284 : i32 to vector<16xi32>
        %mul3A_1286 = arith.muli %add3A_1283, %mul3A_1285 : vector<16xi32>
        %add3A_1287 = arith.constant 1000 : i32
        %add3A_1288 = vector.broadcast %add3A_1287 : i32 to vector<16xi32>
        %add3A_1289 = arith.addi %mul3A_1286, %add3A_1288 : vector<16xi32>
        %broadcast_in_dim3A_1290 = arith.constant 0 : i32
        %broadcast_in_dim3A_1291 = vector.broadcast %broadcast_in_dim3A_1290 : i32 to vector<16xi32>
        %broadcast_in_dim3A_1292 = arith.constant 0 : i32
        %broadcast_in_dim3A_1293 = vector.broadcast %broadcast_in_dim3A_1292 : i32 to vector<16xi32>
        %gather3A_1294 = tpu.vector_load_idx %arg5[%broadcast_in_dim3A_1293, %add3A_1283, %broadcast_in_dim3A_1291] : memref<1x200x128xf32, #tpu.memory_space<vmem>>[vector<16xi32>, vector<16xi32>, vector<16xi32>], vector<16xf32>,
        %add3A_1295 = arith.constant 0 : i32
        %add3A_1296 = vector.broadcast %add3A_1295 : i32 to vector<16xi32>
        %add3A_1297 = arith.addi %add3A_1289, %add3A_1296 : vector<16xi32>
        tpu.vector_store_idx %arg6[%add3A_1297], %gather3A_1294 : memref<16000xf32, #tpu.memory_space<vmem>>[vector<16xi32>], vector<16xf32>,
        %broadcast_in_dim3A_1298 = arith.constant 5 : i32
        %broadcast_in_dim3A_1299 = vector.broadcast %broadcast_in_dim3A_1298 : i32 to vector<16xi32>
        %broadcast_in_dim3A_1300 = arith.constant 0 : i32
        %broadcast_in_dim3A_1301 = vector.broadcast %broadcast_in_dim3A_1300 : i32 to vector<16xi32>
        %gather3A_1302 = tpu.vector_load_idx %arg5[%broadcast_in_dim3A_1301, %add3A_1283, %broadcast_in_dim3A_1299] : memref<1x200x128xf32, #tpu.memory_space<vmem>>[vector<16xi32>, vector<16xi32>, vector<16xi32>], vector<16xf32>,
        %add3A_1303 = arith.constant 1 : i32
        %add3A_1304 = vector.broadcast %add3A_1303 : i32 to vector<16xi32>
        %add3A_1305 = arith.addi %add3A_1289, %add3A_1304 : vector<16xi32>
        tpu.vector_store_idx %arg6[%add3A_1305], %gather3A_1302 : memref<16000xf32, #tpu.memory_space<vmem>>[vector<16xi32>], vector<16xf32>,
        %broadcast_in_dim3A_1306 = arith.constant 17 : i32
        %broadcast_in_dim3A_1307 = vector.broadcast %broadcast_in_dim3A_1306 : i32 to vector<16xi32>
        %broadcast_in_dim3A_1308 = arith.constant 0 : i32
        %broadcast_in_dim3A_1309 = vector.broadcast %broadcast_in_dim3A_1308 : i32 to vector<16xi32>
        %gather3A_1310 = tpu.vector_load_idx %arg5[%broadcast_in_dim3A_1309, %add3A_1283, %broadcast_in_dim3A_1307] : memref<1x200x128xf32, #tpu.memory_space<vmem>>[vector<16xi32>, vector<16xi32>, vector<16xi32>], vector<16xf32>,
        %add3A_1311 = arith.constant 2 : i32
        %add3A_1312 = vector.broadcast %add3A_1311 : i32 to vector<16xi32>
        %add3A_1313 = arith.addi %add3A_1289, %add3A_1312 : vector<16xi32>
        tpu.vector_store_idx %arg6[%add3A_1313], %gather3A_1310 : memref<16000xf32, #tpu.memory_space<vmem>>[vector<16xi32>], vector<16xf32>,
        %broadcast_in_dim3A_1314 = arith.constant 42 : i32
        %broadcast_in_dim3A_1315 = vector.broadcast %broadcast_in_dim3A_1314 : i32 to vector<16xi32>
        %broadcast_in_dim3A_1316 = arith.constant 0 : i32
        %broadcast_in_dim3A_1317 = vector.broadcast %broadcast_in_dim3A_1316 : i32 to vector<16xi32>
        %gather3A_1318 = tpu.vector_load_idx %arg5[%broadcast_in_dim3A_1317, %add3A_1283, %broadcast_in_dim3A_1315] : memref<1x200x128xf32, #tpu.memory_space<vmem>>[vector<16xi32>, vector<16xi32>, vector<16xi32>], vector<16xf32>,
        %add3A_1319 = arith.constant 3 : i32
        %add3A_1320 = vector.broadcast %add3A_1319 : i32 to vector<16xi32>
        %add3A_1321 = arith.addi %add3A_1289, %add3A_1320 : vector<16xi32>
        tpu.vector_store_idx %arg6[%add3A_1321], %gather3A_1318 : memref<16000xf32, #tpu.memory_space<vmem>>[vector<16xi32>], vector<16xf32>,
        %broadcast_in_dim3A_1322 = arith.constant 99 : i32
        %broadcast_in_dim3A_1323 = vector.broadcast %broadcast_in_dim3A_1322 : i32 to vector<16xi32>
        %broadcast_in_dim3A_1324 = arith.constant 0 : i32
        %broadcast_in_dim3A_1325 = vector.broadcast %broadcast_in_dim3A_1324 : i32 to vector<16xi32>
        %gather3A_1326 = tpu.vector_load_idx %arg5[%broadcast_in_dim3A_1325, %add3A_1283, %broadcast_in_dim3A_1323] : memref<1x200x128xf32, #tpu.memory_space<vmem>>[vector<16xi32>, vector<16xi32>, vector<16xi32>], vector<16xf32>,
        %add3A_1327 = arith.constant 4 : i32
        %add3A_1328 = vector.broadcast %add3A_1327 : i32 to vector<16xi32>
        %add3A_1329 = arith.addi %add3A_1289, %add3A_1328 : vector<16xi32>
        tpu.vector_store_idx %arg6[%add3A_1329], %gather3A_1326 : memref<16000xf32, #tpu.memory_space<vmem>>[vector<16xi32>], vector<16xf32>,
      }
      %scan3A_122 = arith.constant 12 : i32
      %iota3A_123 = tpu.iota {dimensions = array<i32: 0>} : vector<16xi32>
      %lt3A_124 = arith.constant 8 : i32
      %lt3A_125 = vector.broadcast %lt3A_124 : i32 to vector<16xi32>
      %lt3A_126 = arith.cmpi slt, %iota3A_123, %lt3A_125 : vector<16xi32>
      %iota3A_127 = tpu.iota {dimensions = array<i32: 0>} : vector<16xi32>
      %add3A_128 = arith.constant 192 : i32
      %add3A_129 = vector.broadcast %add3A_128 : i32 to vector<16xi32>
      %add3A_130 = arith.addi %iota3A_127, %add3A_129 : vector<16xi32>
      %mul3A_131 = arith.constant 5 : i32
      %mul3A_132 = vector.broadcast %mul3A_131 : i32 to vector<16xi32>
      %mul3A_133 = arith.muli %add3A_130, %mul3A_132 : vector<16xi32>
      %add3A_134 = arith.constant 1000 : i32
      %add3A_135 = vector.broadcast %add3A_134 : i32 to vector<16xi32>
      %add3A_136 = arith.addi %mul3A_133, %add3A_135 : vector<16xi32>
      %broadcast_in_dim3A_137 = arith.constant 0 : i32
      %broadcast_in_dim3A_138 = vector.broadcast %broadcast_in_dim3A_137 : i32 to vector<16xi32>
      %broadcast_in_dim3A_139 = arith.constant 0 : i32
      %broadcast_in_dim3A_140 = vector.broadcast %broadcast_in_dim3A_139 : i32 to vector<16xi32>
      %gather3A_141 = tpu.vector_load_idx %arg5[%broadcast_in_dim3A_140, %add3A_130, %broadcast_in_dim3A_138] masked %lt3A_126 : memref<1x200x128xf32, #tpu.memory_space<vmem>>[vector<16xi32>, vector<16xi32>, vector<16xi32>], vector<16xf32>, vector<16xi1>
      %add3A_142 = arith.constant 0 : i32
      %add3A_143 = vector.broadcast %add3A_142 : i32 to vector<16xi32>
      %add3A_144 = arith.addi %add3A_136, %add3A_143 : vector<16xi32>
      tpu.vector_store_idx %arg6[%add3A_144], %gather3A_141 masked %lt3A_126 : memref<16000xf32, #tpu.memory_space<vmem>>[vector<16xi32>], vector<16xf32>, vector<16xi1>
      %broadcast_in_dim3A_145 = arith.constant 5 : i32
      %broadcast_in_dim3A_146 = vector.broadcast %broadcast_in_dim3A_145 : i32 to vector<16xi32>
      %broadcast_in_dim3A_147 = arith.constant 0 : i32
      %broadcast_in_dim3A_148 = vector.broadcast %broadcast_in_dim3A_147 : i32 to vector<16xi32>
      %gather3A_149 = tpu.vector_load_idx %arg5[%broadcast_in_dim3A_148, %add3A_130, %broadcast_in_dim3A_146] masked %lt3A_126 : memref<1x200x128xf32, #tpu.memory_space<vmem>>[vector<16xi32>, vector<16xi32>, vector<16xi32>], vector<16xf32>, vector<16xi1>
      %add3A_150 = arith.constant 1 : i32
      %add3A_151 = vector.broadcast %add3A_150 : i32 to vector<16xi32>
      %add3A_152 = arith.addi %add3A_136, %add3A_151 : vector<16xi32>
      tpu.vector_store_idx %arg6[%add3A_152], %gather3A_149 masked %lt3A_126 : memref<16000xf32, #tpu.memory_space<vmem>>[vector<16xi32>], vector<16xf32>, vector<16xi1>
      %broadcast_in_dim3A_153 = arith.constant 17 : i32
      %broadcast_in_dim3A_154 = vector.broadcast %broadcast_in_dim3A_153 : i32 to vector<16xi32>
      %broadcast_in_dim3A_155 = arith.constant 0 : i32
      %broadcast_in_dim3A_156 = vector.broadcast %broadcast_in_dim3A_155 : i32 to vector<16xi32>
      %gather3A_157 = tpu.vector_load_idx %arg5[%broadcast_in_dim3A_156, %add3A_130, %broadcast_in_dim3A_154] masked %lt3A_126 : memref<1x200x128xf32, #tpu.memory_space<vmem>>[vector<16xi32>, vector<16xi32>, vector<16xi32>], vector<16xf32>, vector<16xi1>
      %add3A_158 = arith.constant 2 : i32
      %add3A_159 = vector.broadcast %add3A_158 : i32 to vector<16xi32>
      %add3A_160 = arith.addi %add3A_136, %add3A_159 : vector<16xi32>
      tpu.vector_store_idx %arg6[%add3A_160], %gather3A_157 masked %lt3A_126 : memref<16000xf32, #tpu.memory_space<vmem>>[vector<16xi32>], vector<16xf32>, vector<16xi1>
      %broadcast_in_dim3A_161 = arith.constant 42 : i32
      %broadcast_in_dim3A_162 = vector.broadcast %broadcast_in_dim3A_161 : i32 to vector<16xi32>
      %broadcast_in_dim3A_163 = arith.constant 0 : i32
      %broadcast_in_dim3A_164 = vector.broadcast %broadcast_in_dim3A_163 : i32 to vector<16xi32>
      %gather3A_165 = tpu.vector_load_idx %arg5[%broadcast_in_dim3A_164, %add3A_130, %broadcast_in_dim3A_162] masked %lt3A_126 : memref<1x200x128xf32, #tpu.memory_space<vmem>>[vector<16xi32>, vector<16xi32>, vector<16xi32>], vector<16xf32>, vector<16xi1>
      %add3A_166 = arith.constant 3 : i32
      %add3A_167 = vector.broadcast %add3A_166 : i32 to vector<16xi32>
      %add3A_168 = arith.addi %add3A_136, %add3A_167 : vector<16xi32>
      tpu.vector_store_idx %arg6[%add3A_168], %gather3A_165 masked %lt3A_126 : memref<16000xf32, #tpu.memory_space<vmem>>[vector<16xi32>], vector<16xf32>, vector<16xi1>
      %broadcast_in_dim3A_169 = arith.constant 99 : i32
      %broadcast_in_dim3A_170 = vector.broadcast %broadcast_in_dim3A_169 : i32 to vector<16xi32>
      %broadcast_in_dim3A_171 = arith.constant 0 : i32
      %broadcast_in_dim3A_172 = vector.broadcast %broadcast_in_dim3A_171 : i32 to vector<16xi32>
      %gather3A_173 = tpu.vector_load_idx %arg5[%broadcast_in_dim3A_172, %add3A_130, %broadcast_in_dim3A_170] masked %lt3A_126 : memref<1x200x128xf32, #tpu.memory_space<vmem>>[vector<16xi32>, vector<16xi32>, vector<16xi32>], vector<16xf32>, vector<16xi1>
      %add3A_174 = arith.constant 4 : i32
      %add3A_175 = vector.broadcast %add3A_174 : i32 to vector<16xi32>
      %add3A_176 = arith.addi %add3A_136, %add3A_175 : vector<16xi32>
      tpu.vector_store_idx %arg6[%add3A_176], %gather3A_173 masked %lt3A_126 : memref<16000xf32, #tpu.memory_space<vmem>>[vector<16xi32>], vector<16xf32>, vector<16xi1>
      %mul3A_177 = arith.constant 16 : i32
      %mul3A_178 = arith.muli %scan3A_22, %mul3A_177 : i32
      %add3A_179 = arith.constant 2 : i32
      %add3A_180 = arith.addi %mul3A_178, %add3A_179 : i32
      %add3A_181 = arith.constant 1 : i32
      %add3A_182 = arith.addi %add3A_180, %add3A_181 : i32
      %lt3A_183 = arith.constant 128 : i32
      %lt3A_184 = arith.cmpi slt, %add3A_182, %lt3A_183 : i32
      %convert_element_type3A_185 = arith.extui %lt3A_184 : i1 to i32
      %cond3A_186 = arith.constant 0 : i32
      %cond3A_187 = arith.cmpi ne, %convert_element_type3A_185, %cond3A_186 : i32
      scf.if %cond3A_187 {
        %add3A_1278 = arith.constant 1 : i32
        %add3A_1279 = arith.addi %add3A_180, %add3A_1278 : i32
        %add3A_1280 = arith.addi %mul3A_2, %add3A_1279 : i32
        %dma_start3A_1281 = arith.constant 0 : i32
        %dma_start3A_1282 = arith.constant 0 : i32
        %dma_start3A_1283 = tpu.memref_slice %arg2[%add3A_1280, %dma_start3A_1281, %dma_start3A_1282] : memref<4096x200x128xf32, #tpu.memory_space<hbm>> -> memref<1x200x128xf32, #tpu.memory_space<hbm>>
        %dma_start3A_1284 = arith.constant 0 : i32
        %dma_start3A_1285 = arith.constant 0 : i32
        %dma_start3A_1286 = tpu.memref_slice %arg2[%add3A_1280, %dma_start3A_1284, %dma_start3A_1285] : memref<4096x200x128xf32, #tpu.memory_space<hbm>> -> memref<1x200x128xf32, #tpu.memory_space<hbm>>
        tpu.enqueue_dma source(%dma_start3A_1286 : memref<1x200x128xf32, #tpu.memory_space<hbm>>) target(%arg5 : memref<1x200x128xf32, #tpu.memory_space<vmem>>) target_semaphore(%arg8 : memref<!tpu.dma_semaphore, #tpu.memory_space<semaphore_mem>>)
      } else {
      }
      %add3A_188 = arith.addi %mul3A_2, %add3A_180 : i32
      %dma_wait3A_189 = arith.constant 0 : i32
      %dma_wait3A_190 = arith.constant 0 : i32
      %dma_wait3A_191 = tpu.memref_slice %arg2[%add3A_188, %dma_wait3A_189, %dma_wait3A_190] : memref<4096x200x128xf32, #tpu.memory_space<hbm>> -> memref<1x200x128xf32, #tpu.memory_space<hbm>>
      %dma_wait3A_192 = arith.constant 0 : i32
      %dma_wait3A_193 = arith.constant 0 : i32
      %dma_wait3A_194 = tpu.memref_slice %arg2[%add3A_188, %dma_wait3A_192, %dma_wait3A_193] : memref<4096x200x128xf32, #tpu.memory_space<hbm>> -> memref<1x200x128xf32, #tpu.memory_space<hbm>>
      tpu.wait_dma2 semaphore(%arg7 : memref<!tpu.dma_semaphore, #tpu.memory_space<semaphore_mem>>) src(%dma_wait3A_194 : memref<1x200x128xf32, #tpu.memory_space<hbm>>) dst(%arg4 : memref<1x200x128xf32, #tpu.memory_space<vmem>>)
      %scan3A_195 = arith.constant 0 : i32
      %scan3A_196 = arith.constant 0 : i32
      %scan3A_197 = arith.constant 12 : i32
      %scan3A_198 = arith.addi %scan3A_196, %scan3A_197 : i32
      %scan3A_199 = arith.constant 1 : i32
      scf.for %scan3A_1278 = %scan3A_196 to %scan3A_198 step %scan3A_199  : i32 {
        %iota3A_1279 = tpu.iota {dimensions = array<i32: 0>} : vector<16xi32>
        %mul3A_1280 = arith.constant 16 : i32
        %mul3A_1281 = arith.muli %scan3A_1278, %mul3A_1280 : i32
        %add3A_1282 = vector.broadcast %mul3A_1281 : i32 to vector<16xi32>
        %add3A_1283 = arith.addi %iota3A_1279, %add3A_1282 : vector<16xi32>
        %mul3A_1284 = arith.constant 5 : i32
        %mul3A_1285 = vector.broadcast %mul3A_1284 : i32 to vector<16xi32>
        %mul3A_1286 = arith.muli %add3A_1283, %mul3A_1285 : vector<16xi32>
        %add3A_1287 = arith.constant 2000 : i32
        %add3A_1288 = vector.broadcast %add3A_1287 : i32 to vector<16xi32>
        %add3A_1289 = arith.addi %mul3A_1286, %add3A_1288 : vector<16xi32>
        %broadcast_in_dim3A_1290 = arith.constant 0 : i32
        %broadcast_in_dim3A_1291 = vector.broadcast %broadcast_in_dim3A_1290 : i32 to vector<16xi32>
        %broadcast_in_dim3A_1292 = arith.constant 0 : i32
        %broadcast_in_dim3A_1293 = vector.broadcast %broadcast_in_dim3A_1292 : i32 to vector<16xi32>
        %gather3A_1294 = tpu.vector_load_idx %arg4[%broadcast_in_dim3A_1293, %add3A_1283, %broadcast_in_dim3A_1291] : memref<1x200x128xf32, #tpu.memory_space<vmem>>[vector<16xi32>, vector<16xi32>, vector<16xi32>], vector<16xf32>,
        %add3A_1295 = arith.constant 0 : i32
        %add3A_1296 = vector.broadcast %add3A_1295 : i32 to vector<16xi32>
        %add3A_1297 = arith.addi %add3A_1289, %add3A_1296 : vector<16xi32>
        tpu.vector_store_idx %arg6[%add3A_1297], %gather3A_1294 : memref<16000xf32, #tpu.memory_space<vmem>>[vector<16xi32>], vector<16xf32>,
        %broadcast_in_dim3A_1298 = arith.constant 5 : i32
        %broadcast_in_dim3A_1299 = vector.broadcast %broadcast_in_dim3A_1298 : i32 to vector<16xi32>
        %broadcast_in_dim3A_1300 = arith.constant 0 : i32
        %broadcast_in_dim3A_1301 = vector.broadcast %broadcast_in_dim3A_1300 : i32 to vector<16xi32>
        %gather3A_1302 = tpu.vector_load_idx %arg4[%broadcast_in_dim3A_1301, %add3A_1283, %broadcast_in_dim3A_1299] : memref<1x200x128xf32, #tpu.memory_space<vmem>>[vector<16xi32>, vector<16xi32>, vector<16xi32>], vector<16xf32>,
        %add3A_1303 = arith.constant 1 : i32
        %add3A_1304 = vector.broadcast %add3A_1303 : i32 to vector<16xi32>
        %add3A_1305 = arith.addi %add3A_1289, %add3A_1304 : vector<16xi32>
        tpu.vector_store_idx %arg6[%add3A_1305], %gather3A_1302 : memref<16000xf32, #tpu.memory_space<vmem>>[vector<16xi32>], vector<16xf32>,
        %broadcast_in_dim3A_1306 = arith.constant 17 : i32
        %broadcast_in_dim3A_1307 = vector.broadcast %broadcast_in_dim3A_1306 : i32 to vector<16xi32>
        %broadcast_in_dim3A_1308 = arith.constant 0 : i32
        %broadcast_in_dim3A_1309 = vector.broadcast %broadcast_in_dim3A_1308 : i32 to vector<16xi32>
        %gather3A_1310 = tpu.vector_load_idx %arg4[%broadcast_in_dim3A_1309, %add3A_1283, %broadcast_in_dim3A_1307] : memref<1x200x128xf32, #tpu.memory_space<vmem>>[vector<16xi32>, vector<16xi32>, vector<16xi32>], vector<16xf32>,
        %add3A_1311 = arith.constant 2 : i32
        %add3A_1312 = vector.broadcast %add3A_1311 : i32 to vector<16xi32>
        %add3A_1313 = arith.addi %add3A_1289, %add3A_1312 : vector<16xi32>
        tpu.vector_store_idx %arg6[%add3A_1313], %gather3A_1310 : memref<16000xf32, #tpu.memory_space<vmem>>[vector<16xi32>], vector<16xf32>,
        %broadcast_in_dim3A_1314 = arith.constant 42 : i32
        %broadcast_in_dim3A_1315 = vector.broadcast %broadcast_in_dim3A_1314 : i32 to vector<16xi32>
        %broadcast_in_dim3A_1316 = arith.constant 0 : i32
        %broadcast_in_dim3A_1317 = vector.broadcast %broadcast_in_dim3A_1316 : i32 to vector<16xi32>
        %gather3A_1318 = tpu.vector_load_idx %arg4[%broadcast_in_dim3A_1317, %add3A_1283, %broadcast_in_dim3A_1315] : memref<1x200x128xf32, #tpu.memory_space<vmem>>[vector<16xi32>, vector<16xi32>, vector<16xi32>], vector<16xf32>,
        %add3A_1319 = arith.constant 3 : i32
        %add3A_1320 = vector.broadcast %add3A_1319 : i32 to vector<16xi32>
        %add3A_1321 = arith.addi %add3A_1289, %add3A_1320 : vector<16xi32>
        tpu.vector_store_idx %arg6[%add3A_1321], %gather3A_1318 : memref<16000xf32, #tpu.memory_space<vmem>>[vector<16xi32>], vector<16xf32>,
        %broadcast_in_dim3A_1322 = arith.constant 99 : i32
        %broadcast_in_dim3A_1323 = vector.broadcast %broadcast_in_dim3A_1322 : i32 to vector<16xi32>
        %broadcast_in_dim3A_1324 = arith.constant 0 : i32
        %broadcast_in_dim3A_1325 = vector.broadcast %broadcast_in_dim3A_1324 : i32 to vector<16xi32>
        %gather3A_1326 = tpu.vector_load_idx %arg4[%broadcast_in_dim3A_1325, %add3A_1283, %broadcast_in_dim3A_1323] : memref<1x200x128xf32, #tpu.memory_space<vmem>>[vector<16xi32>, vector<16xi32>, vector<16xi32>], vector<16xf32>,
        %add3A_1327 = arith.constant 4 : i32
        %add3A_1328 = vector.broadcast %add3A_1327 : i32 to vector<16xi32>
        %add3A_1329 = arith.addi %add3A_1289, %add3A_1328 : vector<16xi32>
        tpu.vector_store_idx %arg6[%add3A_1329], %gather3A_1326 : memref<16000xf32, #tpu.memory_space<vmem>>[vector<16xi32>], vector<16xf32>,
      }
      %scan3A_200 = arith.constant 12 : i32
      %iota3A_201 = tpu.iota {dimensions = array<i32: 0>} : vector<16xi32>
      %lt3A_202 = arith.constant 8 : i32
      %lt3A_203 = vector.broadcast %lt3A_202 : i32 to vector<16xi32>
      %lt3A_204 = arith.cmpi slt, %iota3A_201, %lt3A_203 : vector<16xi32>
      %iota3A_205 = tpu.iota {dimensions = array<i32: 0>} : vector<16xi32>
      %add3A_206 = arith.constant 192 : i32
      %add3A_207 = vector.broadcast %add3A_206 : i32 to vector<16xi32>
      %add3A_208 = arith.addi %iota3A_205, %add3A_207 : vector<16xi32>
      %mul3A_209 = arith.constant 5 : i32
      %mul3A_210 = vector.broadcast %mul3A_209 : i32 to vector<16xi32>
      %mul3A_211 = arith.muli %add3A_208, %mul3A_210 : vector<16xi32>
      %add3A_212 = arith.constant 2000 : i32
      %add3A_213 = vector.broadcast %add3A_212 : i32 to vector<16xi32>
      %add3A_214 = arith.addi %mul3A_211, %add3A_213 : vector<16xi32>
      %broadcast_in_dim3A_215 = arith.constant 0 : i32
      %broadcast_in_dim3A_216 = vector.broadcast %broadcast_in_dim3A_215 : i32 to vector<16xi32>
      %broadcast_in_dim3A_217 = arith.constant 0 : i32
      %broadcast_in_dim3A_218 = vector.broadcast %broadcast_in_dim3A_217 : i32 to vector<16xi32>
      %gather3A_219 = tpu.vector_load_idx %arg4[%broadcast_in_dim3A_218, %add3A_208, %broadcast_in_dim3A_216] masked %lt3A_204 : memref<1x200x128xf32, #tpu.memory_space<vmem>>[vector<16xi32>, vector<16xi32>, vector<16xi32>], vector<16xf32>, vector<16xi1>
      %add3A_220 = arith.constant 0 : i32
      %add3A_221 = vector.broadcast %add3A_220 : i32 to vector<16xi32>
      %add3A_222 = arith.addi %add3A_214, %add3A_221 : vector<16xi32>
      tpu.vector_store_idx %arg6[%add3A_222], %gather3A_219 masked %lt3A_204 : memref<16000xf32, #tpu.memory_space<vmem>>[vector<16xi32>], vector<16xf32>, vector<16xi1>
      %broadcast_in_dim3A_223 = arith.constant 5 : i32
      %broadcast_in_dim3A_224 = vector.broadcast %broadcast_in_dim3A_223 : i32 to vector<16xi32>
      %broadcast_in_dim3A_225 = arith.constant 0 : i32
      %broadcast_in_dim3A_226 = vector.broadcast %broadcast_in_dim3A_225 : i32 to vector<16xi32>
      %gather3A_227 = tpu.vector_load_idx %arg4[%broadcast_in_dim3A_226, %add3A_208, %broadcast_in_dim3A_224] masked %lt3A_204 : memref<1x200x128xf32, #tpu.memory_space<vmem>>[vector<16xi32>, vector<16xi32>, vector<16xi32>], vector<16xf32>, vector<16xi1>
      %add3A_228 = arith.constant 1 : i32
      %add3A_229 = vector.broadcast %add3A_228 : i32 to vector<16xi32>
      %add3A_230 = arith.addi %add3A_214, %add3A_229 : vector<16xi32>
      tpu.vector_store_idx %arg6[%add3A_230], %gather3A_227 masked %lt3A_204 : memref<16000xf32, #tpu.memory_space<vmem>>[vector<16xi32>], vector<16xf32>, vector<16xi1>
      %broadcast_in_dim3A_231 = arith.constant 17 : i32
      %broadcast_in_dim3A_232 = vector.broadcast %broadcast_in_dim3A_231 : i32 to vector<16xi32>
      %broadcast_in_dim3A_233 = arith.constant 0 : i32
      %broadcast_in_dim3A_234 = vector.broadcast %broadcast_in_dim3A_233 : i32 to vector<16xi32>
      %gather3A_235 = tpu.vector_load_idx %arg4[%broadcast_in_dim3A_234, %add3A_208, %broadcast_in_dim3A_232] masked %lt3A_204 : memref<1x200x128xf32, #tpu.memory_space<vmem>>[vector<16xi32>, vector<16xi32>, vector<16xi32>], vector<16xf32>, vector<16xi1>
      %add3A_236 = arith.constant 2 : i32
      %add3A_237 = vector.broadcast %add3A_236 : i32 to vector<16xi32>
      %add3A_238 = arith.addi %add3A_214, %add3A_237 : vector<16xi32>
      tpu.vector_store_idx %arg6[%add3A_238], %gather3A_235 masked %lt3A_204 : memref<16000xf32, #tpu.memory_space<vmem>>[vector<16xi32>], vector<16xf32>, vector<16xi1>
      %broadcast_in_dim3A_239 = arith.constant 42 : i32
      %broadcast_in_dim3A_240 = vector.broadcast %broadcast_in_dim3A_239 : i32 to vector<16xi32>
      %broadcast_in_dim3A_241 = arith.constant 0 : i32
      %broadcast_in_dim3A_242 = vector.broadcast %broadcast_in_dim3A_241 : i32 to vector<16xi32>
      %gather3A_243 = tpu.vector_load_idx %arg4[%broadcast_in_dim3A_242, %add3A_208, %broadcast_in_dim3A_240] masked %lt3A_204 : memref<1x200x128xf32, #tpu.memory_space<vmem>>[vector<16xi32>, vector<16xi32>, vector<16xi32>], vector<16xf32>, vector<16xi1>
      %add3A_244 = arith.constant 3 : i32
      %add3A_245 = vector.broadcast %add3A_244 : i32 to vector<16xi32>
      %add3A_246 = arith.addi %add3A_214, %add3A_245 : vector<16xi32>
      tpu.vector_store_idx %arg6[%add3A_246], %gather3A_243 masked %lt3A_204 : memref<16000xf32, #tpu.memory_space<vmem>>[vector<16xi32>], vector<16xf32>, vector<16xi1>
      %broadcast_in_dim3A_247 = arith.constant 99 : i32
      %broadcast_in_dim3A_248 = vector.broadcast %broadcast_in_dim3A_247 : i32 to vector<16xi32>
      %broadcast_in_dim3A_249 = arith.constant 0 : i32
      %broadcast_in_dim3A_250 = vector.broadcast %broadcast_in_dim3A_249 : i32 to vector<16xi32>
      %gather3A_251 = tpu.vector_load_idx %arg4[%broadcast_in_dim3A_250, %add3A_208, %broadcast_in_dim3A_248] masked %lt3A_204 : memref<1x200x128xf32, #tpu.memory_space<vmem>>[vector<16xi32>, vector<16xi32>, vector<16xi32>], vector<16xf32>, vector<16xi1>
      %add3A_252 = arith.constant 4 : i32
      %add3A_253 = vector.broadcast %add3A_252 : i32 to vector<16xi32>
      %add3A_254 = arith.addi %add3A_214, %add3A_253 : vector<16xi32>
      tpu.vector_store_idx %arg6[%add3A_254], %gather3A_251 masked %lt3A_204 : memref<16000xf32, #tpu.memory_space<vmem>>[vector<16xi32>], vector<16xf32>, vector<16xi1>
      %mul3A_255 = arith.constant 16 : i32
      %mul3A_256 = arith.muli %scan3A_22, %mul3A_255 : i32
      %add3A_257 = arith.constant 3 : i32
      %add3A_258 = arith.addi %mul3A_256, %add3A_257 : i32
      %add3A_259 = arith.constant 1 : i32
      %add3A_260 = arith.addi %add3A_258, %add3A_259 : i32
      %lt3A_261 = arith.constant 128 : i32
      %lt3A_262 = arith.cmpi slt, %add3A_260, %lt3A_261 : i32
      %convert_element_type3A_263 = arith.extui %lt3A_262 : i1 to i32
      %cond3A_264 = arith.constant 0 : i32
      %cond3A_265 = arith.cmpi ne, %convert_element_type3A_263, %cond3A_264 : i32
      scf.if %cond3A_265 {
        %add3A_1278 = arith.constant 1 : i32
        %add3A_1279 = arith.addi %add3A_258, %add3A_1278 : i32
        %add3A_1280 = arith.addi %mul3A_2, %add3A_1279 : i32
        %dma_start3A_1281 = arith.constant 0 : i32
        %dma_start3A_1282 = arith.constant 0 : i32
        %dma_start3A_1283 = tpu.memref_slice %arg2[%add3A_1280, %dma_start3A_1281, %dma_start3A_1282] : memref<4096x200x128xf32, #tpu.memory_space<hbm>> -> memref<1x200x128xf32, #tpu.memory_space<hbm>>
        %dma_start3A_1284 = arith.constant 0 : i32
        %dma_start3A_1285 = arith.constant 0 : i32
        %dma_start3A_1286 = tpu.memref_slice %arg2[%add3A_1280, %dma_start3A_1284, %dma_start3A_1285] : memref<4096x200x128xf32, #tpu.memory_space<hbm>> -> memref<1x200x128xf32, #tpu.memory_space<hbm>>
        tpu.enqueue_dma source(%dma_start3A_1286 : memref<1x200x128xf32, #tpu.memory_space<hbm>>) target(%arg4 : memref<1x200x128xf32, #tpu.memory_space<vmem>>) target_semaphore(%arg7 : memref<!tpu.dma_semaphore, #tpu.memory_space<semaphore_mem>>)
      } else {
      }
      %add3A_266 = arith.addi %mul3A_2, %add3A_258 : i32
      %dma_wait3A_267 = arith.constant 0 : i32
      %dma_wait3A_268 = arith.constant 0 : i32
      %dma_wait3A_269 = tpu.memref_slice %arg2[%add3A_266, %dma_wait3A_267, %dma_wait3A_268] : memref<4096x200x128xf32, #tpu.memory_space<hbm>> -> memref<1x200x128xf32, #tpu.memory_space<hbm>>
      %dma_wait3A_270 = arith.constant 0 : i32
      %dma_wait3A_271 = arith.constant 0 : i32
      %dma_wait3A_272 = tpu.memref_slice %arg2[%add3A_266, %dma_wait3A_270, %dma_wait3A_271] : memref<4096x200x128xf32, #tpu.memory_space<hbm>> -> memref<1x200x128xf32, #tpu.memory_space<hbm>>
      tpu.wait_dma2 semaphore(%arg8 : memref<!tpu.dma_semaphore, #tpu.memory_space<semaphore_mem>>) src(%dma_wait3A_272 : memref<1x200x128xf32, #tpu.memory_space<hbm>>) dst(%arg5 : memref<1x200x128xf32, #tpu.memory_space<vmem>>)
      %scan3A_273 = arith.constant 0 : i32
      %scan3A_274 = arith.constant 0 : i32
      %scan3A_275 = arith.constant 12 : i32
      %scan3A_276 = arith.addi %scan3A_274, %scan3A_275 : i32
      %scan3A_277 = arith.constant 1 : i32
      scf.for %scan3A_1278 = %scan3A_274 to %scan3A_276 step %scan3A_277  : i32 {
        %iota3A_1279 = tpu.iota {dimensions = array<i32: 0>} : vector<16xi32>
        %mul3A_1280 = arith.constant 16 : i32
        %mul3A_1281 = arith.muli %scan3A_1278, %mul3A_1280 : i32
        %add3A_1282 = vector.broadcast %mul3A_1281 : i32 to vector<16xi32>
        %add3A_1283 = arith.addi %iota3A_1279, %add3A_1282 : vector<16xi32>
        %mul3A_1284 = arith.constant 5 : i32
        %mul3A_1285 = vector.broadcast %mul3A_1284 : i32 to vector<16xi32>
        %mul3A_1286 = arith.muli %add3A_1283, %mul3A_1285 : vector<16xi32>
        %add3A_1287 = arith.constant 3000 : i32
        %add3A_1288 = vector.broadcast %add3A_1287 : i32 to vector<16xi32>
        %add3A_1289 = arith.addi %mul3A_1286, %add3A_1288 : vector<16xi32>
        %broadcast_in_dim3A_1290 = arith.constant 0 : i32
        %broadcast_in_dim3A_1291 = vector.broadcast %broadcast_in_dim3A_1290 : i32 to vector<16xi32>
        %broadcast_in_dim3A_1292 = arith.constant 0 : i32
        %broadcast_in_dim3A_1293 = vector.broadcast %broadcast_in_dim3A_1292 : i32 to vector<16xi32>
        %gather3A_1294 = tpu.vector_load_idx %arg5[%broadcast_in_dim3A_1293, %add3A_1283, %broadcast_in_dim3A_1291] : memref<1x200x128xf32, #tpu.memory_space<vmem>>[vector<16xi32>, vector<16xi32>, vector<16xi32>], vector<16xf32>,
        %add3A_1295 = arith.constant 0 : i32
        %add3A_1296 = vector.broadcast %add3A_1295 : i32 to vector<16xi32>
        %add3A_1297 = arith.addi %add3A_1289, %add3A_1296 : vector<16xi32>
        tpu.vector_store_idx %arg6[%add3A_1297], %gather3A_1294 : memref<16000xf32, #tpu.memory_space<vmem>>[vector<16xi32>], vector<16xf32>,
        %broadcast_in_dim3A_1298 = arith.constant 5 : i32
        %broadcast_in_dim3A_1299 = vector.broadcast %broadcast_in_dim3A_1298 : i32 to vector<16xi32>
        %broadcast_in_dim3A_1300 = arith.constant 0 : i32
        %broadcast_in_dim3A_1301 = vector.broadcast %broadcast_in_dim3A_1300 : i32 to vector<16xi32>
        %gather3A_1302 = tpu.vector_load_idx %arg5[%broadcast_in_dim3A_1301, %add3A_1283, %broadcast_in_dim3A_1299] : memref<1x200x128xf32, #tpu.memory_space<vmem>>[vector<16xi32>, vector<16xi32>, vector<16xi32>], vector<16xf32>,
        %add3A_1303 = arith.constant 1 : i32
        %add3A_1304 = vector.broadcast %add3A_1303 : i32 to vector<16xi32>
        %add3A_1305 = arith.addi %add3A_1289, %add3A_1304 : vector<16xi32>
        tpu.vector_store_idx %arg6[%add3A_1305], %gather3A_1302 : memref<16000xf32, #tpu.memory_space<vmem>>[vector<16xi32>], vector<16xf32>,
        %broadcast_in_dim3A_1306 = arith.constant 17 : i32
        %broadcast_in_dim3A_1307 = vector.broadcast %broadcast_in_dim3A_1306 : i32 to vector<16xi32>
        %broadcast_in_dim3A_1308 = arith.constant 0 : i32
        %broadcast_in_dim3A_1309 = vector.broadcast %broadcast_in_dim3A_1308 : i32 to vector<16xi32>
        %gather3A_1310 = tpu.vector_load_idx %arg5[%broadcast_in_dim3A_1309, %add3A_1283, %broadcast_in_dim3A_1307] : memref<1x200x128xf32, #tpu.memory_space<vmem>>[vector<16xi32>, vector<16xi32>, vector<16xi32>], vector<16xf32>,
        %add3A_1311 = arith.constant 2 : i32
        %add3A_1312 = vector.broadcast %add3A_1311 : i32 to vector<16xi32>
        %add3A_1313 = arith.addi %add3A_1289, %add3A_1312 : vector<16xi32>
        tpu.vector_store_idx %arg6[%add3A_1313], %gather3A_1310 : memref<16000xf32, #tpu.memory_space<vmem>>[vector<16xi32>], vector<16xf32>,
        %broadcast_in_dim3A_1314 = arith.constant 42 : i32
        %broadcast_in_dim3A_1315 = vector.broadcast %broadcast_in_dim3A_1314 : i32 to vector<16xi32>
        %broadcast_in_dim3A_1316 = arith.constant 0 : i32
        %broadcast_in_dim3A_1317 = vector.broadcast %broadcast_in_dim3A_1316 : i32 to vector<16xi32>
        %gather3A_1318 = tpu.vector_load_idx %arg5[%broadcast_in_dim3A_1317, %add3A_1283, %broadcast_in_dim3A_1315] : memref<1x200x128xf32, #tpu.memory_space<vmem>>[vector<16xi32>, vector<16xi32>, vector<16xi32>], vector<16xf32>,
        %add3A_1319 = arith.constant 3 : i32
        %add3A_1320 = vector.broadcast %add3A_1319 : i32 to vector<16xi32>
        %add3A_1321 = arith.addi %add3A_1289, %add3A_1320 : vector<16xi32>
        tpu.vector_store_idx %arg6[%add3A_1321], %gather3A_1318 : memref<16000xf32, #tpu.memory_space<vmem>>[vector<16xi32>], vector<16xf32>,
        %broadcast_in_dim3A_1322 = arith.constant 99 : i32
        %broadcast_in_dim3A_1323 = vector.broadcast %broadcast_in_dim3A_1322 : i32 to vector<16xi32>
        %broadcast_in_dim3A_1324 = arith.constant 0 : i32
        %broadcast_in_dim3A_1325 = vector.broadcast %broadcast_in_dim3A_1324 : i32 to vector<16xi32>
        %gather3A_1326 = tpu.vector_load_idx %arg5[%broadcast_in_dim3A_1325, %add3A_1283, %broadcast_in_dim3A_1323] : memref<1x200x128xf32, #tpu.memory_space<vmem>>[vector<16xi32>, vector<16xi32>, vector<16xi32>], vector<16xf32>,
        %add3A_1327 = arith.constant 4 : i32
        %add3A_1328 = vector.broadcast %add3A_1327 : i32 to vector<16xi32>
        %add3A_1329 = arith.addi %add3A_1289, %add3A_1328 : vector<16xi32>
        tpu.vector_store_idx %arg6[%add3A_1329], %gather3A_1326 : memref<16000xf32, #tpu.memory_space<vmem>>[vector<16xi32>], vector<16xf32>,
      }
      %scan3A_278 = arith.constant 12 : i32
      %iota3A_279 = tpu.iota {dimensions = array<i32: 0>} : vector<16xi32>
      %lt3A_280 = arith.constant 8 : i32
      %lt3A_281 = vector.broadcast %lt3A_280 : i32 to vector<16xi32>
      %lt3A_282 = arith.cmpi slt, %iota3A_279, %lt3A_281 : vector<16xi32>
      %iota3A_283 = tpu.iota {dimensions = array<i32: 0>} : vector<16xi32>
      %add3A_284 = arith.constant 192 : i32
      %add3A_285 = vector.broadcast %add3A_284 : i32 to vector<16xi32>
      %add3A_286 = arith.addi %iota3A_283, %add3A_285 : vector<16xi32>
      %mul3A_287 = arith.constant 5 : i32
      %mul3A_288 = vector.broadcast %mul3A_287 : i32 to vector<16xi32>
      %mul3A_289 = arith.muli %add3A_286, %mul3A_288 : vector<16xi32>
      %add3A_290 = arith.constant 3000 : i32
      %add3A_291 = vector.broadcast %add3A_290 : i32 to vector<16xi32>
      %add3A_292 = arith.addi %mul3A_289, %add3A_291 : vector<16xi32>
      %broadcast_in_dim3A_293 = arith.constant 0 : i32
      %broadcast_in_dim3A_294 = vector.broadcast %broadcast_in_dim3A_293 : i32 to vector<16xi32>
      %broadcast_in_dim3A_295 = arith.constant 0 : i32
      %broadcast_in_dim3A_296 = vector.broadcast %broadcast_in_dim3A_295 : i32 to vector<16xi32>
      %gather3A_297 = tpu.vector_load_idx %arg5[%broadcast_in_dim3A_296, %add3A_286, %broadcast_in_dim3A_294] masked %lt3A_282 : memref<1x200x128xf32, #tpu.memory_space<vmem>>[vector<16xi32>, vector<16xi32>, vector<16xi32>], vector<16xf32>, vector<16xi1>
      %add3A_298 = arith.constant 0 : i32
      %add3A_299 = vector.broadcast %add3A_298 : i32 to vector<16xi32>
      %add3A_300 = arith.addi %add3A_292, %add3A_299 : vector<16xi32>
      tpu.vector_store_idx %arg6[%add3A_300], %gather3A_297 masked %lt3A_282 : memref<16000xf32, #tpu.memory_space<vmem>>[vector<16xi32>], vector<16xf32>, vector<16xi1>
      %broadcast_in_dim3A_301 = arith.constant 5 : i32
      %broadcast_in_dim3A_302 = vector.broadcast %broadcast_in_dim3A_301 : i32 to vector<16xi32>
      %broadcast_in_dim3A_303 = arith.constant 0 : i32
      %broadcast_in_dim3A_304 = vector.broadcast %broadcast_in_dim3A_303 : i32 to vector<16xi32>
      %gather3A_305 = tpu.vector_load_idx %arg5[%broadcast_in_dim3A_304, %add3A_286, %broadcast_in_dim3A_302] masked %lt3A_282 : memref<1x200x128xf32, #tpu.memory_space<vmem>>[vector<16xi32>, vector<16xi32>, vector<16xi32>], vector<16xf32>, vector<16xi1>
      %add3A_306 = arith.constant 1 : i32
      %add3A_307 = vector.broadcast %add3A_306 : i32 to vector<16xi32>
      %add3A_308 = arith.addi %add3A_292, %add3A_307 : vector<16xi32>
      tpu.vector_store_idx %arg6[%add3A_308], %gather3A_305 masked %lt3A_282 : memref<16000xf32, #tpu.memory_space<vmem>>[vector<16xi32>], vector<16xf32>, vector<16xi1>
      %broadcast_in_dim3A_309 = arith.constant 17 : i32
      %broadcast_in_dim3A_310 = vector.broadcast %broadcast_in_dim3A_309 : i32 to vector<16xi32>
      %broadcast_in_dim3A_311 = arith.constant 0 : i32
      %broadcast_in_dim3A_312 = vector.broadcast %broadcast_in_dim3A_311 : i32 to vector<16xi32>
      %gather3A_313 = tpu.vector_load_idx %arg5[%broadcast_in_dim3A_312, %add3A_286, %broadcast_in_dim3A_310] masked %lt3A_282 : memref<1x200x128xf32, #tpu.memory_space<vmem>>[vector<16xi32>, vector<16xi32>, vector<16xi32>], vector<16xf32>, vector<16xi1>
      %add3A_314 = arith.constant 2 : i32
      %add3A_315 = vector.broadcast %add3A_314 : i32 to vector<16xi32>
      %add3A_316 = arith.addi %add3A_292, %add3A_315 : vector<16xi32>
      tpu.vector_store_idx %arg6[%add3A_316], %gather3A_313 masked %lt3A_282 : memref<16000xf32, #tpu.memory_space<vmem>>[vector<16xi32>], vector<16xf32>, vector<16xi1>
      %broadcast_in_dim3A_317 = arith.constant 42 : i32
      %broadcast_in_dim3A_318 = vector.broadcast %broadcast_in_dim3A_317 : i32 to vector<16xi32>
      %broadcast_in_dim3A_319 = arith.constant 0 : i32
      %broadcast_in_dim3A_320 = vector.broadcast %broadcast_in_dim3A_319 : i32 to vector<16xi32>
      %gather3A_321 = tpu.vector_load_idx %arg5[%broadcast_in_dim3A_320, %add3A_286, %broadcast_in_dim3A_318] masked %lt3A_282 : memref<1x200x128xf32, #tpu.memory_space<vmem>>[vector<16xi32>, vector<16xi32>, vector<16xi32>], vector<16xf32>, vector<16xi1>
      %add3A_322 = arith.constant 3 : i32
      %add3A_323 = vector.broadcast %add3A_322 : i32 to vector<16xi32>
      %add3A_324 = arith.addi %add3A_292, %add3A_323 : vector<16xi32>
      tpu.vector_store_idx %arg6[%add3A_324], %gather3A_321 masked %lt3A_282 : memref<16000xf32, #tpu.memory_space<vmem>>[vector<16xi32>], vector<16xf32>, vector<16xi1>
      %broadcast_in_dim3A_325 = arith.constant 99 : i32
      %broadcast_in_dim3A_326 = vector.broadcast %broadcast_in_dim3A_325 : i32 to vector<16xi32>
      %broadcast_in_dim3A_327 = arith.constant 0 : i32
      %broadcast_in_dim3A_328 = vector.broadcast %broadcast_in_dim3A_327 : i32 to vector<16xi32>
      %gather3A_329 = tpu.vector_load_idx %arg5[%broadcast_in_dim3A_328, %add3A_286, %broadcast_in_dim3A_326] masked %lt3A_282 : memref<1x200x128xf32, #tpu.memory_space<vmem>>[vector<16xi32>, vector<16xi32>, vector<16xi32>], vector<16xf32>, vector<16xi1>
      %add3A_330 = arith.constant 4 : i32
      %add3A_331 = vector.broadcast %add3A_330 : i32 to vector<16xi32>
      %add3A_332 = arith.addi %add3A_292, %add3A_331 : vector<16xi32>
      tpu.vector_store_idx %arg6[%add3A_332], %gather3A_329 masked %lt3A_282 : memref<16000xf32, #tpu.memory_space<vmem>>[vector<16xi32>], vector<16xf32>, vector<16xi1>
      %mul3A_333 = arith.constant 16 : i32
      %mul3A_334 = arith.muli %scan3A_22, %mul3A_333 : i32
      %add3A_335 = arith.constant 4 : i32
      %add3A_336 = arith.addi %mul3A_334, %add3A_335 : i32
      %add3A_337 = arith.constant 1 : i32
      %add3A_338 = arith.addi %add3A_336, %add3A_337 : i32
      %lt3A_339 = arith.constant 128 : i32
      %lt3A_340 = arith.cmpi slt, %add3A_338, %lt3A_339 : i32
      %convert_element_type3A_341 = arith.extui %lt3A_340 : i1 to i32
      %cond3A_342 = arith.constant 0 : i32
      %cond3A_343 = arith.cmpi ne, %convert_element_type3A_341, %cond3A_342 : i32
      scf.if %cond3A_343 {
        %add3A_1278 = arith.constant 1 : i32
        %add3A_1279 = arith.addi %add3A_336, %add3A_1278 : i32
        %add3A_1280 = arith.addi %mul3A_2, %add3A_1279 : i32
        %dma_start3A_1281 = arith.constant 0 : i32
        %dma_start3A_1282 = arith.constant 0 : i32
        %dma_start3A_1283 = tpu.memref_slice %arg2[%add3A_1280, %dma_start3A_1281, %dma_start3A_1282] : memref<4096x200x128xf32, #tpu.memory_space<hbm>> -> memref<1x200x128xf32, #tpu.memory_space<hbm>>
        %dma_start3A_1284 = arith.constant 0 : i32
        %dma_start3A_1285 = arith.constant 0 : i32
        %dma_start3A_1286 = tpu.memref_slice %arg2[%add3A_1280, %dma_start3A_1284, %dma_start3A_1285] : memref<4096x200x128xf32, #tpu.memory_space<hbm>> -> memref<1x200x128xf32, #tpu.memory_space<hbm>>
        tpu.enqueue_dma source(%dma_start3A_1286 : memref<1x200x128xf32, #tpu.memory_space<hbm>>) target(%arg5 : memref<1x200x128xf32, #tpu.memory_space<vmem>>) target_semaphore(%arg8 : memref<!tpu.dma_semaphore, #tpu.memory_space<semaphore_mem>>)
      } else {
      }
      %add3A_344 = arith.addi %mul3A_2, %add3A_336 : i32
      %dma_wait3A_345 = arith.constant 0 : i32
      %dma_wait3A_346 = arith.constant 0 : i32
      %dma_wait3A_347 = tpu.memref_slice %arg2[%add3A_344, %dma_wait3A_345, %dma_wait3A_346] : memref<4096x200x128xf32, #tpu.memory_space<hbm>> -> memref<1x200x128xf32, #tpu.memory_space<hbm>>
      %dma_wait3A_348 = arith.constant 0 : i32
      %dma_wait3A_349 = arith.constant 0 : i32
      %dma_wait3A_350 = tpu.memref_slice %arg2[%add3A_344, %dma_wait3A_348, %dma_wait3A_349] : memref<4096x200x128xf32, #tpu.memory_space<hbm>> -> memref<1x200x128xf32, #tpu.memory_space<hbm>>
      tpu.wait_dma2 semaphore(%arg7 : memref<!tpu.dma_semaphore, #tpu.memory_space<semaphore_mem>>) src(%dma_wait3A_350 : memref<1x200x128xf32, #tpu.memory_space<hbm>>) dst(%arg4 : memref<1x200x128xf32, #tpu.memory_space<vmem>>)
      %scan3A_351 = arith.constant 0 : i32
      %scan3A_352 = arith.constant 0 : i32
      %scan3A_353 = arith.constant 12 : i32
      %scan3A_354 = arith.addi %scan3A_352, %scan3A_353 : i32
      %scan3A_355 = arith.constant 1 : i32
      scf.for %scan3A_1278 = %scan3A_352 to %scan3A_354 step %scan3A_355  : i32 {
        %iota3A_1279 = tpu.iota {dimensions = array<i32: 0>} : vector<16xi32>
        %mul3A_1280 = arith.constant 16 : i32
        %mul3A_1281 = arith.muli %scan3A_1278, %mul3A_1280 : i32
        %add3A_1282 = vector.broadcast %mul3A_1281 : i32 to vector<16xi32>
        %add3A_1283 = arith.addi %iota3A_1279, %add3A_1282 : vector<16xi32>
        %mul3A_1284 = arith.constant 5 : i32
        %mul3A_1285 = vector.broadcast %mul3A_1284 : i32 to vector<16xi32>
        %mul3A_1286 = arith.muli %add3A_1283, %mul3A_1285 : vector<16xi32>
        %add3A_1287 = arith.constant 4000 : i32
        %add3A_1288 = vector.broadcast %add3A_1287 : i32 to vector<16xi32>
        %add3A_1289 = arith.addi %mul3A_1286, %add3A_1288 : vector<16xi32>
        %broadcast_in_dim3A_1290 = arith.constant 0 : i32
        %broadcast_in_dim3A_1291 = vector.broadcast %broadcast_in_dim3A_1290 : i32 to vector<16xi32>
        %broadcast_in_dim3A_1292 = arith.constant 0 : i32
        %broadcast_in_dim3A_1293 = vector.broadcast %broadcast_in_dim3A_1292 : i32 to vector<16xi32>
        %gather3A_1294 = tpu.vector_load_idx %arg4[%broadcast_in_dim3A_1293, %add3A_1283, %broadcast_in_dim3A_1291] : memref<1x200x128xf32, #tpu.memory_space<vmem>>[vector<16xi32>, vector<16xi32>, vector<16xi32>], vector<16xf32>,
        %add3A_1295 = arith.constant 0 : i32
        %add3A_1296 = vector.broadcast %add3A_1295 : i32 to vector<16xi32>
        %add3A_1297 = arith.addi %add3A_1289, %add3A_1296 : vector<16xi32>
        tpu.vector_store_idx %arg6[%add3A_1297], %gather3A_1294 : memref<16000xf32, #tpu.memory_space<vmem>>[vector<16xi32>], vector<16xf32>,
        %broadcast_in_dim3A_1298 = arith.constant 5 : i32
        %broadcast_in_dim3A_1299 = vector.broadcast %broadcast_in_dim3A_1298 : i32 to vector<16xi32>
        %broadcast_in_dim3A_1300 = arith.constant 0 : i32
        %broadcast_in_dim3A_1301 = vector.broadcast %broadcast_in_dim3A_1300 : i32 to vector<16xi32>
        %gather3A_1302 = tpu.vector_load_idx %arg4[%broadcast_in_dim3A_1301, %add3A_1283, %broadcast_in_dim3A_1299] : memref<1x200x128xf32, #tpu.memory_space<vmem>>[vector<16xi32>, vector<16xi32>, vector<16xi32>], vector<16xf32>,
        %add3A_1303 = arith.constant 1 : i32
        %add3A_1304 = vector.broadcast %add3A_1303 : i32 to vector<16xi32>
        %add3A_1305 = arith.addi %add3A_1289, %add3A_1304 : vector<16xi32>
        tpu.vector_store_idx %arg6[%add3A_1305], %gather3A_1302 : memref<16000xf32, #tpu.memory_space<vmem>>[vector<16xi32>], vector<16xf32>,
        %broadcast_in_dim3A_1306 = arith.constant 17 : i32
        %broadcast_in_dim3A_1307 = vector.broadcast %broadcast_in_dim3A_1306 : i32 to vector<16xi32>
        %broadcast_in_dim3A_1308 = arith.constant 0 : i32
        %broadcast_in_dim3A_1309 = vector.broadcast %broadcast_in_dim3A_1308 : i32 to vector<16xi32>
        %gather3A_1310 = tpu.vector_load_idx %arg4[%broadcast_in_dim3A_1309, %add3A_1283, %broadcast_in_dim3A_1307] : memref<1x200x128xf32, #tpu.memory_space<vmem>>[vector<16xi32>, vector<16xi32>, vector<16xi32>], vector<16xf32>,
        %add3A_1311 = arith.constant 2 : i32
        %add3A_1312 = vector.broadcast %add3A_1311 : i32 to vector<16xi32>
        %add3A_1313 = arith.addi %add3A_1289, %add3A_1312 : vector<16xi32>
        tpu.vector_store_idx %arg6[%add3A_1313], %gather3A_1310 : memref<16000xf32, #tpu.memory_space<vmem>>[vector<16xi32>], vector<16xf32>,
        %broadcast_in_dim3A_1314 = arith.constant 42 : i32
        %broadcast_in_dim3A_1315 = vector.broadcast %broadcast_in_dim3A_1314 : i32 to vector<16xi32>
        %broadcast_in_dim3A_1316 = arith.constant 0 : i32
        %broadcast_in_dim3A_1317 = vector.broadcast %broadcast_in_dim3A_1316 : i32 to vector<16xi32>
        %gather3A_1318 = tpu.vector_load_idx %arg4[%broadcast_in_dim3A_1317, %add3A_1283, %broadcast_in_dim3A_1315] : memref<1x200x128xf32, #tpu.memory_space<vmem>>[vector<16xi32>, vector<16xi32>, vector<16xi32>], vector<16xf32>,
        %add3A_1319 = arith.constant 3 : i32
        %add3A_1320 = vector.broadcast %add3A_1319 : i32 to vector<16xi32>
        %add3A_1321 = arith.addi %add3A_1289, %add3A_1320 : vector<16xi32>
        tpu.vector_store_idx %arg6[%add3A_1321], %gather3A_1318 : memref<16000xf32, #tpu.memory_space<vmem>>[vector<16xi32>], vector<16xf32>,
        %broadcast_in_dim3A_1322 = arith.constant 99 : i32
        %broadcast_in_dim3A_1323 = vector.broadcast %broadcast_in_dim3A_1322 : i32 to vector<16xi32>
        %broadcast_in_dim3A_1324 = arith.constant 0 : i32
        %broadcast_in_dim3A_1325 = vector.broadcast %broadcast_in_dim3A_1324 : i32 to vector<16xi32>
        %gather3A_1326 = tpu.vector_load_idx %arg4[%broadcast_in_dim3A_1325, %add3A_1283, %broadcast_in_dim3A_1323] : memref<1x200x128xf32, #tpu.memory_space<vmem>>[vector<16xi32>, vector<16xi32>, vector<16xi32>], vector<16xf32>,
        %add3A_1327 = arith.constant 4 : i32
        %add3A_1328 = vector.broadcast %add3A_1327 : i32 to vector<16xi32>
        %add3A_1329 = arith.addi %add3A_1289, %add3A_1328 : vector<16xi32>
        tpu.vector_store_idx %arg6[%add3A_1329], %gather3A_1326 : memref<16000xf32, #tpu.memory_space<vmem>>[vector<16xi32>], vector<16xf32>,
      }
      %scan3A_356 = arith.constant 12 : i32
      %iota3A_357 = tpu.iota {dimensions = array<i32: 0>} : vector<16xi32>
      %lt3A_358 = arith.constant 8 : i32
      %lt3A_359 = vector.broadcast %lt3A_358 : i32 to vector<16xi32>
      %lt3A_360 = arith.cmpi slt, %iota3A_357, %lt3A_359 : vector<16xi32>
      %iota3A_361 = tpu.iota {dimensions = array<i32: 0>} : vector<16xi32>
      %add3A_362 = arith.constant 192 : i32
      %add3A_363 = vector.broadcast %add3A_362 : i32 to vector<16xi32>
      %add3A_364 = arith.addi %iota3A_361, %add3A_363 : vector<16xi32>
      %mul3A_365 = arith.constant 5 : i32
      %mul3A_366 = vector.broadcast %mul3A_365 : i32 to vector<16xi32>
      %mul3A_367 = arith.muli %add3A_364, %mul3A_366 : vector<16xi32>
      %add3A_368 = arith.constant 4000 : i32
      %add3A_369 = vector.broadcast %add3A_368 : i32 to vector<16xi32>
      %add3A_370 = arith.addi %mul3A_367, %add3A_369 : vector<16xi32>
      %broadcast_in_dim3A_371 = arith.constant 0 : i32
      %broadcast_in_dim3A_372 = vector.broadcast %broadcast_in_dim3A_371 : i32 to vector<16xi32>
      %broadcast_in_dim3A_373 = arith.constant 0 : i32
      %broadcast_in_dim3A_374 = vector.broadcast %broadcast_in_dim3A_373 : i32 to vector<16xi32>
      %gather3A_375 = tpu.vector_load_idx %arg4[%broadcast_in_dim3A_374, %add3A_364, %broadcast_in_dim3A_372] masked %lt3A_360 : memref<1x200x128xf32, #tpu.memory_space<vmem>>[vector<16xi32>, vector<16xi32>, vector<16xi32>], vector<16xf32>, vector<16xi1>
      %add3A_376 = arith.constant 0 : i32
      %add3A_377 = vector.broadcast %add3A_376 : i32 to vector<16xi32>
      %add3A_378 = arith.addi %add3A_370, %add3A_377 : vector<16xi32>
      tpu.vector_store_idx %arg6[%add3A_378], %gather3A_375 masked %lt3A_360 : memref<16000xf32, #tpu.memory_space<vmem>>[vector<16xi32>], vector<16xf32>, vector<16xi1>
      %broadcast_in_dim3A_379 = arith.constant 5 : i32
      %broadcast_in_dim3A_380 = vector.broadcast %broadcast_in_dim3A_379 : i32 to vector<16xi32>
      %broadcast_in_dim3A_381 = arith.constant 0 : i32
      %broadcast_in_dim3A_382 = vector.broadcast %broadcast_in_dim3A_381 : i32 to vector<16xi32>
      %gather3A_383 = tpu.vector_load_idx %arg4[%broadcast_in_dim3A_382, %add3A_364, %broadcast_in_dim3A_380] masked %lt3A_360 : memref<1x200x128xf32, #tpu.memory_space<vmem>>[vector<16xi32>, vector<16xi32>, vector<16xi32>], vector<16xf32>, vector<16xi1>
      %add3A_384 = arith.constant 1 : i32
      %add3A_385 = vector.broadcast %add3A_384 : i32 to vector<16xi32>
      %add3A_386 = arith.addi %add3A_370, %add3A_385 : vector<16xi32>
      tpu.vector_store_idx %arg6[%add3A_386], %gather3A_383 masked %lt3A_360 : memref<16000xf32, #tpu.memory_space<vmem>>[vector<16xi32>], vector<16xf32>, vector<16xi1>
      %broadcast_in_dim3A_387 = arith.constant 17 : i32
      %broadcast_in_dim3A_388 = vector.broadcast %broadcast_in_dim3A_387 : i32 to vector<16xi32>
      %broadcast_in_dim3A_389 = arith.constant 0 : i32
      %broadcast_in_dim3A_390 = vector.broadcast %broadcast_in_dim3A_389 : i32 to vector<16xi32>
      %gather3A_391 = tpu.vector_load_idx %arg4[%broadcast_in_dim3A_390, %add3A_364, %broadcast_in_dim3A_388] masked %lt3A_360 : memref<1x200x128xf32, #tpu.memory_space<vmem>>[vector<16xi32>, vector<16xi32>, vector<16xi32>], vector<16xf32>, vector<16xi1>
      %add3A_392 = arith.constant 2 : i32
      %add3A_393 = vector.broadcast %add3A_392 : i32 to vector<16xi32>
      %add3A_394 = arith.addi %add3A_370, %add3A_393 : vector<16xi32>
      tpu.vector_store_idx %arg6[%add3A_394], %gather3A_391 masked %lt3A_360 : memref<16000xf32, #tpu.memory_space<vmem>>[vector<16xi32>], vector<16xf32>, vector<16xi1>
      %broadcast_in_dim3A_395 = arith.constant 42 : i32
      %broadcast_in_dim3A_396 = vector.broadcast %broadcast_in_dim3A_395 : i32 to vector<16xi32>
      %broadcast_in_dim3A_397 = arith.constant 0 : i32
      %broadcast_in_dim3A_398 = vector.broadcast %broadcast_in_dim3A_397 : i32 to vector<16xi32>
      %gather3A_399 = tpu.vector_load_idx %arg4[%broadcast_in_dim3A_398, %add3A_364, %broadcast_in_dim3A_396] masked %lt3A_360 : memref<1x200x128xf32, #tpu.memory_space<vmem>>[vector<16xi32>, vector<16xi32>, vector<16xi32>], vector<16xf32>, vector<16xi1>
      %add3A_400 = arith.constant 3 : i32
      %add3A_401 = vector.broadcast %add3A_400 : i32 to vector<16xi32>
      %add3A_402 = arith.addi %add3A_370, %add3A_401 : vector<16xi32>
      tpu.vector_store_idx %arg6[%add3A_402], %gather3A_399 masked %lt3A_360 : memref<16000xf32, #tpu.memory_space<vmem>>[vector<16xi32>], vector<16xf32>, vector<16xi1>
      %broadcast_in_dim3A_403 = arith.constant 99 : i32
      %broadcast_in_dim3A_404 = vector.broadcast %broadcast_in_dim3A_403 : i32 to vector<16xi32>
      %broadcast_in_dim3A_405 = arith.constant 0 : i32
      %broadcast_in_dim3A_406 = vector.broadcast %broadcast_in_dim3A_405 : i32 to vector<16xi32>
      %gather3A_407 = tpu.vector_load_idx %arg4[%broadcast_in_dim3A_406, %add3A_364, %broadcast_in_dim3A_404] masked %lt3A_360 : memref<1x200x128xf32, #tpu.memory_space<vmem>>[vector<16xi32>, vector<16xi32>, vector<16xi32>], vector<16xf32>, vector<16xi1>
      %add3A_408 = arith.constant 4 : i32
      %add3A_409 = vector.broadcast %add3A_408 : i32 to vector<16xi32>
      %add3A_410 = arith.addi %add3A_370, %add3A_409 : vector<16xi32>
      tpu.vector_store_idx %arg6[%add3A_410], %gather3A_407 masked %lt3A_360 : memref<16000xf32, #tpu.memory_space<vmem>>[vector<16xi32>], vector<16xf32>, vector<16xi1>
      %mul3A_411 = arith.constant 16 : i32
      %mul3A_412 = arith.muli %scan3A_22, %mul3A_411 : i32
      %add3A_413 = arith.constant 5 : i32
      %add3A_414 = arith.addi %mul3A_412, %add3A_413 : i32
      %add3A_415 = arith.constant 1 : i32
      %add3A_416 = arith.addi %add3A_414, %add3A_415 : i32
      %lt3A_417 = arith.constant 128 : i32
      %lt3A_418 = arith.cmpi slt, %add3A_416, %lt3A_417 : i32
      %convert_element_type3A_419 = arith.extui %lt3A_418 : i1 to i32
      %cond3A_420 = arith.constant 0 : i32
      %cond3A_421 = arith.cmpi ne, %convert_element_type3A_419, %cond3A_420 : i32
      scf.if %cond3A_421 {
        %add3A_1278 = arith.constant 1 : i32
        %add3A_1279 = arith.addi %add3A_414, %add3A_1278 : i32
        %add3A_1280 = arith.addi %mul3A_2, %add3A_1279 : i32
        %dma_start3A_1281 = arith.constant 0 : i32
        %dma_start3A_1282 = arith.constant 0 : i32
        %dma_start3A_1283 = tpu.memref_slice %arg2[%add3A_1280, %dma_start3A_1281, %dma_start3A_1282] : memref<4096x200x128xf32, #tpu.memory_space<hbm>> -> memref<1x200x128xf32, #tpu.memory_space<hbm>>
        %dma_start3A_1284 = arith.constant 0 : i32
        %dma_start3A_1285 = arith.constant 0 : i32
        %dma_start3A_1286 = tpu.memref_slice %arg2[%add3A_1280, %dma_start3A_1284, %dma_start3A_1285] : memref<4096x200x128xf32, #tpu.memory_space<hbm>> -> memref<1x200x128xf32, #tpu.memory_space<hbm>>
        tpu.enqueue_dma source(%dma_start3A_1286 : memref<1x200x128xf32, #tpu.memory_space<hbm>>) target(%arg4 : memref<1x200x128xf32, #tpu.memory_space<vmem>>) target_semaphore(%arg7 : memref<!tpu.dma_semaphore, #tpu.memory_space<semaphore_mem>>)
      } else {
      }
      %add3A_422 = arith.addi %mul3A_2, %add3A_414 : i32
      %dma_wait3A_423 = arith.constant 0 : i32
      %dma_wait3A_424 = arith.constant 0 : i32
      %dma_wait3A_425 = tpu.memref_slice %arg2[%add3A_422, %dma_wait3A_423, %dma_wait3A_424] : memref<4096x200x128xf32, #tpu.memory_space<hbm>> -> memref<1x200x128xf32, #tpu.memory_space<hbm>>
      %dma_wait3A_426 = arith.constant 0 : i32
      %dma_wait3A_427 = arith.constant 0 : i32
      %dma_wait3A_428 = tpu.memref_slice %arg2[%add3A_422, %dma_wait3A_426, %dma_wait3A_427] : memref<4096x200x128xf32, #tpu.memory_space<hbm>> -> memref<1x200x128xf32, #tpu.memory_space<hbm>>
      tpu.wait_dma2 semaphore(%arg8 : memref<!tpu.dma_semaphore, #tpu.memory_space<semaphore_mem>>) src(%dma_wait3A_428 : memref<1x200x128xf32, #tpu.memory_space<hbm>>) dst(%arg5 : memref<1x200x128xf32, #tpu.memory_space<vmem>>)
      %scan3A_429 = arith.constant 0 : i32
      %scan3A_430 = arith.constant 0 : i32
      %scan3A_431 = arith.constant 12 : i32
      %scan3A_432 = arith.addi %scan3A_430, %scan3A_431 : i32
      %scan3A_433 = arith.constant 1 : i32
      scf.for %scan3A_1278 = %scan3A_430 to %scan3A_432 step %scan3A_433  : i32 {
        %iota3A_1279 = tpu.iota {dimensions = array<i32: 0>} : vector<16xi32>
        %mul3A_1280 = arith.constant 16 : i32
        %mul3A_1281 = arith.muli %scan3A_1278, %mul3A_1280 : i32
        %add3A_1282 = vector.broadcast %mul3A_1281 : i32 to vector<16xi32>
        %add3A_1283 = arith.addi %iota3A_1279, %add3A_1282 : vector<16xi32>
        %mul3A_1284 = arith.constant 5 : i32
        %mul3A_1285 = vector.broadcast %mul3A_1284 : i32 to vector<16xi32>
        %mul3A_1286 = arith.muli %add3A_1283, %mul3A_1285 : vector<16xi32>
        %add3A_1287 = arith.constant 5000 : i32
        %add3A_1288 = vector.broadcast %add3A_1287 : i32 to vector<16xi32>
        %add3A_1289 = arith.addi %mul3A_1286, %add3A_1288 : vector<16xi32>
        %broadcast_in_dim3A_1290 = arith.constant 0 : i32
        %broadcast_in_dim3A_1291 = vector.broadcast %broadcast_in_dim3A_1290 : i32 to vector<16xi32>
        %broadcast_in_dim3A_1292 = arith.constant 0 : i32
        %broadcast_in_dim3A_1293 = vector.broadcast %broadcast_in_dim3A_1292 : i32 to vector<16xi32>
        %gather3A_1294 = tpu.vector_load_idx %arg5[%broadcast_in_dim3A_1293, %add3A_1283, %broadcast_in_dim3A_1291] : memref<1x200x128xf32, #tpu.memory_space<vmem>>[vector<16xi32>, vector<16xi32>, vector<16xi32>], vector<16xf32>,
        %add3A_1295 = arith.constant 0 : i32
        %add3A_1296 = vector.broadcast %add3A_1295 : i32 to vector<16xi32>
        %add3A_1297 = arith.addi %add3A_1289, %add3A_1296 : vector<16xi32>
        tpu.vector_store_idx %arg6[%add3A_1297], %gather3A_1294 : memref<16000xf32, #tpu.memory_space<vmem>>[vector<16xi32>], vector<16xf32>,
        %broadcast_in_dim3A_1298 = arith.constant 5 : i32
        %broadcast_in_dim3A_1299 = vector.broadcast %broadcast_in_dim3A_1298 : i32 to vector<16xi32>
        %broadcast_in_dim3A_1300 = arith.constant 0 : i32
        %broadcast_in_dim3A_1301 = vector.broadcast %broadcast_in_dim3A_1300 : i32 to vector<16xi32>
        %gather3A_1302 = tpu.vector_load_idx %arg5[%broadcast_in_dim3A_1301, %add3A_1283, %broadcast_in_dim3A_1299] : memref<1x200x128xf32, #tpu.memory_space<vmem>>[vector<16xi32>, vector<16xi32>, vector<16xi32>], vector<16xf32>,
        %add3A_1303 = arith.constant 1 : i32
        %add3A_1304 = vector.broadcast %add3A_1303 : i32 to vector<16xi32>
        %add3A_1305 = arith.addi %add3A_1289, %add3A_1304 : vector<16xi32>
        tpu.vector_store_idx %arg6[%add3A_1305], %gather3A_1302 : memref<16000xf32, #tpu.memory_space<vmem>>[vector<16xi32>], vector<16xf32>,
        %broadcast_in_dim3A_1306 = arith.constant 17 : i32
        %broadcast_in_dim3A_1307 = vector.broadcast %broadcast_in_dim3A_1306 : i32 to vector<16xi32>
        %broadcast_in_dim3A_1308 = arith.constant 0 : i32
        %broadcast_in_dim3A_1309 = vector.broadcast %broadcast_in_dim3A_1308 : i32 to vector<16xi32>
        %gather3A_1310 = tpu.vector_load_idx %arg5[%broadcast_in_dim3A_1309, %add3A_1283, %broadcast_in_dim3A_1307] : memref<1x200x128xf32, #tpu.memory_space<vmem>>[vector<16xi32>, vector<16xi32>, vector<16xi32>], vector<16xf32>,
        %add3A_1311 = arith.constant 2 : i32
        %add3A_1312 = vector.broadcast %add3A_1311 : i32 to vector<16xi32>
        %add3A_1313 = arith.addi %add3A_1289, %add3A_1312 : vector<16xi32>
        tpu.vector_store_idx %arg6[%add3A_1313], %gather3A_1310 : memref<16000xf32, #tpu.memory_space<vmem>>[vector<16xi32>], vector<16xf32>,
        %broadcast_in_dim3A_1314 = arith.constant 42 : i32
        %broadcast_in_dim3A_1315 = vector.broadcast %broadcast_in_dim3A_1314 : i32 to vector<16xi32>
        %broadcast_in_dim3A_1316 = arith.constant 0 : i32
        %broadcast_in_dim3A_1317 = vector.broadcast %broadcast_in_dim3A_1316 : i32 to vector<16xi32>
        %gather3A_1318 = tpu.vector_load_idx %arg5[%broadcast_in_dim3A_1317, %add3A_1283, %broadcast_in_dim3A_1315] : memref<1x200x128xf32, #tpu.memory_space<vmem>>[vector<16xi32>, vector<16xi32>, vector<16xi32>], vector<16xf32>,
        %add3A_1319 = arith.constant 3 : i32
        %add3A_1320 = vector.broadcast %add3A_1319 : i32 to vector<16xi32>
        %add3A_1321 = arith.addi %add3A_1289, %add3A_1320 : vector<16xi32>
        tpu.vector_store_idx %arg6[%add3A_1321], %gather3A_1318 : memref<16000xf32, #tpu.memory_space<vmem>>[vector<16xi32>], vector<16xf32>,
        %broadcast_in_dim3A_1322 = arith.constant 99 : i32
        %broadcast_in_dim3A_1323 = vector.broadcast %broadcast_in_dim3A_1322 : i32 to vector<16xi32>
        %broadcast_in_dim3A_1324 = arith.constant 0 : i32
        %broadcast_in_dim3A_1325 = vector.broadcast %broadcast_in_dim3A_1324 : i32 to vector<16xi32>
        %gather3A_1326 = tpu.vector_load_idx %arg5[%broadcast_in_dim3A_1325, %add3A_1283, %broadcast_in_dim3A_1323] : memref<1x200x128xf32, #tpu.memory_space<vmem>>[vector<16xi32>, vector<16xi32>, vector<16xi32>], vector<16xf32>,
        %add3A_1327 = arith.constant 4 : i32
        %add3A_1328 = vector.broadcast %add3A_1327 : i32 to vector<16xi32>
        %add3A_1329 = arith.addi %add3A_1289, %add3A_1328 : vector<16xi32>
        tpu.vector_store_idx %arg6[%add3A_1329], %gather3A_1326 : memref<16000xf32, #tpu.memory_space<vmem>>[vector<16xi32>], vector<16xf32>,
      }
      %scan3A_434 = arith.constant 12 : i32
      %iota3A_435 = tpu.iota {dimensions = array<i32: 0>} : vector<16xi32>
      %lt3A_436 = arith.constant 8 : i32
      %lt3A_437 = vector.broadcast %lt3A_436 : i32 to vector<16xi32>
      %lt3A_438 = arith.cmpi slt, %iota3A_435, %lt3A_437 : vector<16xi32>
      %iota3A_439 = tpu.iota {dimensions = array<i32: 0>} : vector<16xi32>
      %add3A_440 = arith.constant 192 : i32
      %add3A_441 = vector.broadcast %add3A_440 : i32 to vector<16xi32>
      %add3A_442 = arith.addi %iota3A_439, %add3A_441 : vector<16xi32>
      %mul3A_443 = arith.constant 5 : i32
      %mul3A_444 = vector.broadcast %mul3A_443 : i32 to vector<16xi32>
      %mul3A_445 = arith.muli %add3A_442, %mul3A_444 : vector<16xi32>
      %add3A_446 = arith.constant 5000 : i32
      %add3A_447 = vector.broadcast %add3A_446 : i32 to vector<16xi32>
      %add3A_448 = arith.addi %mul3A_445, %add3A_447 : vector<16xi32>
      %broadcast_in_dim3A_449 = arith.constant 0 : i32
      %broadcast_in_dim3A_450 = vector.broadcast %broadcast_in_dim3A_449 : i32 to vector<16xi32>
      %broadcast_in_dim3A_451 = arith.constant 0 : i32
      %broadcast_in_dim3A_452 = vector.broadcast %broadcast_in_dim3A_451 : i32 to vector<16xi32>
      %gather3A_453 = tpu.vector_load_idx %arg5[%broadcast_in_dim3A_452, %add3A_442, %broadcast_in_dim3A_450] masked %lt3A_438 : memref<1x200x128xf32, #tpu.memory_space<vmem>>[vector<16xi32>, vector<16xi32>, vector<16xi32>], vector<16xf32>, vector<16xi1>
      %add3A_454 = arith.constant 0 : i32
      %add3A_455 = vector.broadcast %add3A_454 : i32 to vector<16xi32>
      %add3A_456 = arith.addi %add3A_448, %add3A_455 : vector<16xi32>
      tpu.vector_store_idx %arg6[%add3A_456], %gather3A_453 masked %lt3A_438 : memref<16000xf32, #tpu.memory_space<vmem>>[vector<16xi32>], vector<16xf32>, vector<16xi1>
      %broadcast_in_dim3A_457 = arith.constant 5 : i32
      %broadcast_in_dim3A_458 = vector.broadcast %broadcast_in_dim3A_457 : i32 to vector<16xi32>
      %broadcast_in_dim3A_459 = arith.constant 0 : i32
      %broadcast_in_dim3A_460 = vector.broadcast %broadcast_in_dim3A_459 : i32 to vector<16xi32>
      %gather3A_461 = tpu.vector_load_idx %arg5[%broadcast_in_dim3A_460, %add3A_442, %broadcast_in_dim3A_458] masked %lt3A_438 : memref<1x200x128xf32, #tpu.memory_space<vmem>>[vector<16xi32>, vector<16xi32>, vector<16xi32>], vector<16xf32>, vector<16xi1>
      %add3A_462 = arith.constant 1 : i32
      %add3A_463 = vector.broadcast %add3A_462 : i32 to vector<16xi32>
      %add3A_464 = arith.addi %add3A_448, %add3A_463 : vector<16xi32>
      tpu.vector_store_idx %arg6[%add3A_464], %gather3A_461 masked %lt3A_438 : memref<16000xf32, #tpu.memory_space<vmem>>[vector<16xi32>], vector<16xf32>, vector<16xi1>
      %broadcast_in_dim3A_465 = arith.constant 17 : i32
      %broadcast_in_dim3A_466 = vector.broadcast %broadcast_in_dim3A_465 : i32 to vector<16xi32>
      %broadcast_in_dim3A_467 = arith.constant 0 : i32
      %broadcast_in_dim3A_468 = vector.broadcast %broadcast_in_dim3A_467 : i32 to vector<16xi32>
      %gather3A_469 = tpu.vector_load_idx %arg5[%broadcast_in_dim3A_468, %add3A_442, %broadcast_in_dim3A_466] masked %lt3A_438 : memref<1x200x128xf32, #tpu.memory_space<vmem>>[vector<16xi32>, vector<16xi32>, vector<16xi32>], vector<16xf32>, vector<16xi1>
      %add3A_470 = arith.constant 2 : i32
      %add3A_471 = vector.broadcast %add3A_470 : i32 to vector<16xi32>
      %add3A_472 = arith.addi %add3A_448, %add3A_471 : vector<16xi32>
      tpu.vector_store_idx %arg6[%add3A_472], %gather3A_469 masked %lt3A_438 : memref<16000xf32, #tpu.memory_space<vmem>>[vector<16xi32>], vector<16xf32>, vector<16xi1>
      %broadcast_in_dim3A_473 = arith.constant 42 : i32
      %broadcast_in_dim3A_474 = vector.broadcast %broadcast_in_dim3A_473 : i32 to vector<16xi32>
      %broadcast_in_dim3A_475 = arith.constant 0 : i32
      %broadcast_in_dim3A_476 = vector.broadcast %broadcast_in_dim3A_475 : i32 to vector<16xi32>
      %gather3A_477 = tpu.vector_load_idx %arg5[%broadcast_in_dim3A_476, %add3A_442, %broadcast_in_dim3A_474] masked %lt3A_438 : memref<1x200x128xf32, #tpu.memory_space<vmem>>[vector<16xi32>, vector<16xi32>, vector<16xi32>], vector<16xf32>, vector<16xi1>
      %add3A_478 = arith.constant 3 : i32
      %add3A_479 = vector.broadcast %add3A_478 : i32 to vector<16xi32>
      %add3A_480 = arith.addi %add3A_448, %add3A_479 : vector<16xi32>
      tpu.vector_store_idx %arg6[%add3A_480], %gather3A_477 masked %lt3A_438 : memref<16000xf32, #tpu.memory_space<vmem>>[vector<16xi32>], vector<16xf32>, vector<16xi1>
      %broadcast_in_dim3A_481 = arith.constant 99 : i32
      %broadcast_in_dim3A_482 = vector.broadcast %broadcast_in_dim3A_481 : i32 to vector<16xi32>
      %broadcast_in_dim3A_483 = arith.constant 0 : i32
      %broadcast_in_dim3A_484 = vector.broadcast %broadcast_in_dim3A_483 : i32 to vector<16xi32>
      %gather3A_485 = tpu.vector_load_idx %arg5[%broadcast_in_dim3A_484, %add3A_442, %broadcast_in_dim3A_482] masked %lt3A_438 : memref<1x200x128xf32, #tpu.memory_space<vmem>>[vector<16xi32>, vector<16xi32>, vector<16xi32>], vector<16xf32>, vector<16xi1>
      %add3A_486 = arith.constant 4 : i32
      %add3A_487 = vector.broadcast %add3A_486 : i32 to vector<16xi32>
      %add3A_488 = arith.addi %add3A_448, %add3A_487 : vector<16xi32>
      tpu.vector_store_idx %arg6[%add3A_488], %gather3A_485 masked %lt3A_438 : memref<16000xf32, #tpu.memory_space<vmem>>[vector<16xi32>], vector<16xf32>, vector<16xi1>
      %mul3A_489 = arith.constant 16 : i32
      %mul3A_490 = arith.muli %scan3A_22, %mul3A_489 : i32
      %add3A_491 = arith.constant 6 : i32
      %add3A_492 = arith.addi %mul3A_490, %add3A_491 : i32
      %add3A_493 = arith.constant 1 : i32
      %add3A_494 = arith.addi %add3A_492, %add3A_493 : i32
      %lt3A_495 = arith.constant 128 : i32
      %lt3A_496 = arith.cmpi slt, %add3A_494, %lt3A_495 : i32
      %convert_element_type3A_497 = arith.extui %lt3A_496 : i1 to i32
      %cond3A_498 = arith.constant 0 : i32
      %cond3A_499 = arith.cmpi ne, %convert_element_type3A_497, %cond3A_498 : i32
      scf.if %cond3A_499 {
        %add3A_1278 = arith.constant 1 : i32
        %add3A_1279 = arith.addi %add3A_492, %add3A_1278 : i32
        %add3A_1280 = arith.addi %mul3A_2, %add3A_1279 : i32
        %dma_start3A_1281 = arith.constant 0 : i32
        %dma_start3A_1282 = arith.constant 0 : i32
        %dma_start3A_1283 = tpu.memref_slice %arg2[%add3A_1280, %dma_start3A_1281, %dma_start3A_1282] : memref<4096x200x128xf32, #tpu.memory_space<hbm>> -> memref<1x200x128xf32, #tpu.memory_space<hbm>>
        %dma_start3A_1284 = arith.constant 0 : i32
        %dma_start3A_1285 = arith.constant 0 : i32
        %dma_start3A_1286 = tpu.memref_slice %arg2[%add3A_1280, %dma_start3A_1284, %dma_start3A_1285] : memref<4096x200x128xf32, #tpu.memory_space<hbm>> -> memref<1x200x128xf32, #tpu.memory_space<hbm>>
        tpu.enqueue_dma source(%dma_start3A_1286 : memref<1x200x128xf32, #tpu.memory_space<hbm>>) target(%arg5 : memref<1x200x128xf32, #tpu.memory_space<vmem>>) target_semaphore(%arg8 : memref<!tpu.dma_semaphore, #tpu.memory_space<semaphore_mem>>)
      } else {
      }
      %add3A_500 = arith.addi %mul3A_2, %add3A_492 : i32
      %dma_wait3A_501 = arith.constant 0 : i32
      %dma_wait3A_502 = arith.constant 0 : i32
      %dma_wait3A_503 = tpu.memref_slice %arg2[%add3A_500, %dma_wait3A_501, %dma_wait3A_502] : memref<4096x200x128xf32, #tpu.memory_space<hbm>> -> memref<1x200x128xf32, #tpu.memory_space<hbm>>
      %dma_wait3A_504 = arith.constant 0 : i32
      %dma_wait3A_505 = arith.constant 0 : i32
      %dma_wait3A_506 = tpu.memref_slice %arg2[%add3A_500, %dma_wait3A_504, %dma_wait3A_505] : memref<4096x200x128xf32, #tpu.memory_space<hbm>> -> memref<1x200x128xf32, #tpu.memory_space<hbm>>
      tpu.wait_dma2 semaphore(%arg7 : memref<!tpu.dma_semaphore, #tpu.memory_space<semaphore_mem>>) src(%dma_wait3A_506 : memref<1x200x128xf32, #tpu.memory_space<hbm>>) dst(%arg4 : memref<1x200x128xf32, #tpu.memory_space<vmem>>)
      %scan3A_507 = arith.constant 0 : i32
      %scan3A_508 = arith.constant 0 : i32
      %scan3A_509 = arith.constant 12 : i32
      %scan3A_510 = arith.addi %scan3A_508, %scan3A_509 : i32
      %scan3A_511 = arith.constant 1 : i32
      scf.for %scan3A_1278 = %scan3A_508 to %scan3A_510 step %scan3A_511  : i32 {
        %iota3A_1279 = tpu.iota {dimensions = array<i32: 0>} : vector<16xi32>
        %mul3A_1280 = arith.constant 16 : i32
        %mul3A_1281 = arith.muli %scan3A_1278, %mul3A_1280 : i32
        %add3A_1282 = vector.broadcast %mul3A_1281 : i32 to vector<16xi32>
        %add3A_1283 = arith.addi %iota3A_1279, %add3A_1282 : vector<16xi32>
        %mul3A_1284 = arith.constant 5 : i32
        %mul3A_1285 = vector.broadcast %mul3A_1284 : i32 to vector<16xi32>
        %mul3A_1286 = arith.muli %add3A_1283, %mul3A_1285 : vector<16xi32>
        %add3A_1287 = arith.constant 6000 : i32
        %add3A_1288 = vector.broadcast %add3A_1287 : i32 to vector<16xi32>
        %add3A_1289 = arith.addi %mul3A_1286, %add3A_1288 : vector<16xi32>
        %broadcast_in_dim3A_1290 = arith.constant 0 : i32
        %broadcast_in_dim3A_1291 = vector.broadcast %broadcast_in_dim3A_1290 : i32 to vector<16xi32>
        %broadcast_in_dim3A_1292 = arith.constant 0 : i32
        %broadcast_in_dim3A_1293 = vector.broadcast %broadcast_in_dim3A_1292 : i32 to vector<16xi32>
        %gather3A_1294 = tpu.vector_load_idx %arg4[%broadcast_in_dim3A_1293, %add3A_1283, %broadcast_in_dim3A_1291] : memref<1x200x128xf32, #tpu.memory_space<vmem>>[vector<16xi32>, vector<16xi32>, vector<16xi32>], vector<16xf32>,
        %add3A_1295 = arith.constant 0 : i32
        %add3A_1296 = vector.broadcast %add3A_1295 : i32 to vector<16xi32>
        %add3A_1297 = arith.addi %add3A_1289, %add3A_1296 : vector<16xi32>
        tpu.vector_store_idx %arg6[%add3A_1297], %gather3A_1294 : memref<16000xf32, #tpu.memory_space<vmem>>[vector<16xi32>], vector<16xf32>,
        %broadcast_in_dim3A_1298 = arith.constant 5 : i32
        %broadcast_in_dim3A_1299 = vector.broadcast %broadcast_in_dim3A_1298 : i32 to vector<16xi32>
        %broadcast_in_dim3A_1300 = arith.constant 0 : i32
        %broadcast_in_dim3A_1301 = vector.broadcast %broadcast_in_dim3A_1300 : i32 to vector<16xi32>
        %gather3A_1302 = tpu.vector_load_idx %arg4[%broadcast_in_dim3A_1301, %add3A_1283, %broadcast_in_dim3A_1299] : memref<1x200x128xf32, #tpu.memory_space<vmem>>[vector<16xi32>, vector<16xi32>, vector<16xi32>], vector<16xf32>,
        %add3A_1303 = arith.constant 1 : i32
        %add3A_1304 = vector.broadcast %add3A_1303 : i32 to vector<16xi32>
        %add3A_1305 = arith.addi %add3A_1289, %add3A_1304 : vector<16xi32>
        tpu.vector_store_idx %arg6[%add3A_1305], %gather3A_1302 : memref<16000xf32, #tpu.memory_space<vmem>>[vector<16xi32>], vector<16xf32>,
        %broadcast_in_dim3A_1306 = arith.constant 17 : i32
        %broadcast_in_dim3A_1307 = vector.broadcast %broadcast_in_dim3A_1306 : i32 to vector<16xi32>
        %broadcast_in_dim3A_1308 = arith.constant 0 : i32
        %broadcast_in_dim3A_1309 = vector.broadcast %broadcast_in_dim3A_1308 : i32 to vector<16xi32>
        %gather3A_1310 = tpu.vector_load_idx %arg4[%broadcast_in_dim3A_1309, %add3A_1283, %broadcast_in_dim3A_1307] : memref<1x200x128xf32, #tpu.memory_space<vmem>>[vector<16xi32>, vector<16xi32>, vector<16xi32>], vector<16xf32>,
        %add3A_1311 = arith.constant 2 : i32
        %add3A_1312 = vector.broadcast %add3A_1311 : i32 to vector<16xi32>
        %add3A_1313 = arith.addi %add3A_1289, %add3A_1312 : vector<16xi32>
        tpu.vector_store_idx %arg6[%add3A_1313], %gather3A_1310 : memref<16000xf32, #tpu.memory_space<vmem>>[vector<16xi32>], vector<16xf32>,
        %broadcast_in_dim3A_1314 = arith.constant 42 : i32
        %broadcast_in_dim3A_1315 = vector.broadcast %broadcast_in_dim3A_1314 : i32 to vector<16xi32>
        %broadcast_in_dim3A_1316 = arith.constant 0 : i32
        %broadcast_in_dim3A_1317 = vector.broadcast %broadcast_in_dim3A_1316 : i32 to vector<16xi32>
        %gather3A_1318 = tpu.vector_load_idx %arg4[%broadcast_in_dim3A_1317, %add3A_1283, %broadcast_in_dim3A_1315] : memref<1x200x128xf32, #tpu.memory_space<vmem>>[vector<16xi32>, vector<16xi32>, vector<16xi32>], vector<16xf32>,
        %add3A_1319 = arith.constant 3 : i32
        %add3A_1320 = vector.broadcast %add3A_1319 : i32 to vector<16xi32>
        %add3A_1321 = arith.addi %add3A_1289, %add3A_1320 : vector<16xi32>
        tpu.vector_store_idx %arg6[%add3A_1321], %gather3A_1318 : memref<16000xf32, #tpu.memory_space<vmem>>[vector<16xi32>], vector<16xf32>,
        %broadcast_in_dim3A_1322 = arith.constant 99 : i32
        %broadcast_in_dim3A_1323 = vector.broadcast %broadcast_in_dim3A_1322 : i32 to vector<16xi32>
        %broadcast_in_dim3A_1324 = arith.constant 0 : i32
        %broadcast_in_dim3A_1325 = vector.broadcast %broadcast_in_dim3A_1324 : i32 to vector<16xi32>
        %gather3A_1326 = tpu.vector_load_idx %arg4[%broadcast_in_dim3A_1325, %add3A_1283, %broadcast_in_dim3A_1323] : memref<1x200x128xf32, #tpu.memory_space<vmem>>[vector<16xi32>, vector<16xi32>, vector<16xi32>], vector<16xf32>,
        %add3A_1327 = arith.constant 4 : i32
        %add3A_1328 = vector.broadcast %add3A_1327 : i32 to vector<16xi32>
        %add3A_1329 = arith.addi %add3A_1289, %add3A_1328 : vector<16xi32>
        tpu.vector_store_idx %arg6[%add3A_1329], %gather3A_1326 : memref<16000xf32, #tpu.memory_space<vmem>>[vector<16xi32>], vector<16xf32>,
      }
      %scan3A_512 = arith.constant 12 : i32
      %iota3A_513 = tpu.iota {dimensions = array<i32: 0>} : vector<16xi32>
      %lt3A_514 = arith.constant 8 : i32
      %lt3A_515 = vector.broadcast %lt3A_514 : i32 to vector<16xi32>
      %lt3A_516 = arith.cmpi slt, %iota3A_513, %lt3A_515 : vector<16xi32>
      %iota3A_517 = tpu.iota {dimensions = array<i32: 0>} : vector<16xi32>
      %add3A_518 = arith.constant 192 : i32
      %add3A_519 = vector.broadcast %add3A_518 : i32 to vector<16xi32>
      %add3A_520 = arith.addi %iota3A_517, %add3A_519 : vector<16xi32>
      %mul3A_521 = arith.constant 5 : i32
      %mul3A_522 = vector.broadcast %mul3A_521 : i32 to vector<16xi32>
      %mul3A_523 = arith.muli %add3A_520, %mul3A_522 : vector<16xi32>
      %add3A_524 = arith.constant 6000 : i32
      %add3A_525 = vector.broadcast %add3A_524 : i32 to vector<16xi32>
      %add3A_526 = arith.addi %mul3A_523, %add3A_525 : vector<16xi32>
      %broadcast_in_dim3A_527 = arith.constant 0 : i32
      %broadcast_in_dim3A_528 = vector.broadcast %broadcast_in_dim3A_527 : i32 to vector<16xi32>
      %broadcast_in_dim3A_529 = arith.constant 0 : i32
      %broadcast_in_dim3A_530 = vector.broadcast %broadcast_in_dim3A_529 : i32 to vector<16xi32>
      %gather3A_531 = tpu.vector_load_idx %arg4[%broadcast_in_dim3A_530, %add3A_520, %broadcast_in_dim3A_528] masked %lt3A_516 : memref<1x200x128xf32, #tpu.memory_space<vmem>>[vector<16xi32>, vector<16xi32>, vector<16xi32>], vector<16xf32>, vector<16xi1>
      %add3A_532 = arith.constant 0 : i32
      %add3A_533 = vector.broadcast %add3A_532 : i32 to vector<16xi32>
      %add3A_534 = arith.addi %add3A_526, %add3A_533 : vector<16xi32>
      tpu.vector_store_idx %arg6[%add3A_534], %gather3A_531 masked %lt3A_516 : memref<16000xf32, #tpu.memory_space<vmem>>[vector<16xi32>], vector<16xf32>, vector<16xi1>
      %broadcast_in_dim3A_535 = arith.constant 5 : i32
      %broadcast_in_dim3A_536 = vector.broadcast %broadcast_in_dim3A_535 : i32 to vector<16xi32>
      %broadcast_in_dim3A_537 = arith.constant 0 : i32
      %broadcast_in_dim3A_538 = vector.broadcast %broadcast_in_dim3A_537 : i32 to vector<16xi32>
      %gather3A_539 = tpu.vector_load_idx %arg4[%broadcast_in_dim3A_538, %add3A_520, %broadcast_in_dim3A_536] masked %lt3A_516 : memref<1x200x128xf32, #tpu.memory_space<vmem>>[vector<16xi32>, vector<16xi32>, vector<16xi32>], vector<16xf32>, vector<16xi1>
      %add3A_540 = arith.constant 1 : i32
      %add3A_541 = vector.broadcast %add3A_540 : i32 to vector<16xi32>
      %add3A_542 = arith.addi %add3A_526, %add3A_541 : vector<16xi32>
      tpu.vector_store_idx %arg6[%add3A_542], %gather3A_539 masked %lt3A_516 : memref<16000xf32, #tpu.memory_space<vmem>>[vector<16xi32>], vector<16xf32>, vector<16xi1>
      %broadcast_in_dim3A_543 = arith.constant 17 : i32
      %broadcast_in_dim3A_544 = vector.broadcast %broadcast_in_dim3A_543 : i32 to vector<16xi32>
      %broadcast_in_dim3A_545 = arith.constant 0 : i32
      %broadcast_in_dim3A_546 = vector.broadcast %broadcast_in_dim3A_545 : i32 to vector<16xi32>
      %gather3A_547 = tpu.vector_load_idx %arg4[%broadcast_in_dim3A_546, %add3A_520, %broadcast_in_dim3A_544] masked %lt3A_516 : memref<1x200x128xf32, #tpu.memory_space<vmem>>[vector<16xi32>, vector<16xi32>, vector<16xi32>], vector<16xf32>, vector<16xi1>
      %add3A_548 = arith.constant 2 : i32
      %add3A_549 = vector.broadcast %add3A_548 : i32 to vector<16xi32>
      %add3A_550 = arith.addi %add3A_526, %add3A_549 : vector<16xi32>
      tpu.vector_store_idx %arg6[%add3A_550], %gather3A_547 masked %lt3A_516 : memref<16000xf32, #tpu.memory_space<vmem>>[vector<16xi32>], vector<16xf32>, vector<16xi1>
      %broadcast_in_dim3A_551 = arith.constant 42 : i32
      %broadcast_in_dim3A_552 = vector.broadcast %broadcast_in_dim3A_551 : i32 to vector<16xi32>
      %broadcast_in_dim3A_553 = arith.constant 0 : i32
      %broadcast_in_dim3A_554 = vector.broadcast %broadcast_in_dim3A_553 : i32 to vector<16xi32>
      %gather3A_555 = tpu.vector_load_idx %arg4[%broadcast_in_dim3A_554, %add3A_520, %broadcast_in_dim3A_552] masked %lt3A_516 : memref<1x200x128xf32, #tpu.memory_space<vmem>>[vector<16xi32>, vector<16xi32>, vector<16xi32>], vector<16xf32>, vector<16xi1>
      %add3A_556 = arith.constant 3 : i32
      %add3A_557 = vector.broadcast %add3A_556 : i32 to vector<16xi32>
      %add3A_558 = arith.addi %add3A_526, %add3A_557 : vector<16xi32>
      tpu.vector_store_idx %arg6[%add3A_558], %gather3A_555 masked %lt3A_516 : memref<16000xf32, #tpu.memory_space<vmem>>[vector<16xi32>], vector<16xf32>, vector<16xi1>
      %broadcast_in_dim3A_559 = arith.constant 99 : i32
      %broadcast_in_dim3A_560 = vector.broadcast %broadcast_in_dim3A_559 : i32 to vector<16xi32>
      %broadcast_in_dim3A_561 = arith.constant 0 : i32
      %broadcast_in_dim3A_562 = vector.broadcast %broadcast_in_dim3A_561 : i32 to vector<16xi32>
      %gather3A_563 = tpu.vector_load_idx %arg4[%broadcast_in_dim3A_562, %add3A_520, %broadcast_in_dim3A_560] masked %lt3A_516 : memref<1x200x128xf32, #tpu.memory_space<vmem>>[vector<16xi32>, vector<16xi32>, vector<16xi32>], vector<16xf32>, vector<16xi1>
      %add3A_564 = arith.constant 4 : i32
      %add3A_565 = vector.broadcast %add3A_564 : i32 to vector<16xi32>
      %add3A_566 = arith.addi %add3A_526, %add3A_565 : vector<16xi32>
      tpu.vector_store_idx %arg6[%add3A_566], %gather3A_563 masked %lt3A_516 : memref<16000xf32, #tpu.memory_space<vmem>>[vector<16xi32>], vector<16xf32>, vector<16xi1>
      %mul3A_567 = arith.constant 16 : i32
      %mul3A_568 = arith.muli %scan3A_22, %mul3A_567 : i32
      %add3A_569 = arith.constant 7 : i32
      %add3A_570 = arith.addi %mul3A_568, %add3A_569 : i32
      %add3A_571 = arith.constant 1 : i32
      %add3A_572 = arith.addi %add3A_570, %add3A_571 : i32
      %lt3A_573 = arith.constant 128 : i32
      %lt3A_574 = arith.cmpi slt, %add3A_572, %lt3A_573 : i32
      %convert_element_type3A_575 = arith.extui %lt3A_574 : i1 to i32
      %cond3A_576 = arith.constant 0 : i32
      %cond3A_577 = arith.cmpi ne, %convert_element_type3A_575, %cond3A_576 : i32
      scf.if %cond3A_577 {
        %add3A_1278 = arith.constant 1 : i32
        %add3A_1279 = arith.addi %add3A_570, %add3A_1278 : i32
        %add3A_1280 = arith.addi %mul3A_2, %add3A_1279 : i32
        %dma_start3A_1281 = arith.constant 0 : i32
        %dma_start3A_1282 = arith.constant 0 : i32
        %dma_start3A_1283 = tpu.memref_slice %arg2[%add3A_1280, %dma_start3A_1281, %dma_start3A_1282] : memref<4096x200x128xf32, #tpu.memory_space<hbm>> -> memref<1x200x128xf32, #tpu.memory_space<hbm>>
        %dma_start3A_1284 = arith.constant 0 : i32
        %dma_start3A_1285 = arith.constant 0 : i32
        %dma_start3A_1286 = tpu.memref_slice %arg2[%add3A_1280, %dma_start3A_1284, %dma_start3A_1285] : memref<4096x200x128xf32, #tpu.memory_space<hbm>> -> memref<1x200x128xf32, #tpu.memory_space<hbm>>
        tpu.enqueue_dma source(%dma_start3A_1286 : memref<1x200x128xf32, #tpu.memory_space<hbm>>) target(%arg4 : memref<1x200x128xf32, #tpu.memory_space<vmem>>) target_semaphore(%arg7 : memref<!tpu.dma_semaphore, #tpu.memory_space<semaphore_mem>>)
      } else {
      }
      %add3A_578 = arith.addi %mul3A_2, %add3A_570 : i32
      %dma_wait3A_579 = arith.constant 0 : i32
      %dma_wait3A_580 = arith.constant 0 : i32
      %dma_wait3A_581 = tpu.memref_slice %arg2[%add3A_578, %dma_wait3A_579, %dma_wait3A_580] : memref<4096x200x128xf32, #tpu.memory_space<hbm>> -> memref<1x200x128xf32, #tpu.memory_space<hbm>>
      %dma_wait3A_582 = arith.constant 0 : i32
      %dma_wait3A_583 = arith.constant 0 : i32
      %dma_wait3A_584 = tpu.memref_slice %arg2[%add3A_578, %dma_wait3A_582, %dma_wait3A_583] : memref<4096x200x128xf32, #tpu.memory_space<hbm>> -> memref<1x200x128xf32, #tpu.memory_space<hbm>>
      tpu.wait_dma2 semaphore(%arg8 : memref<!tpu.dma_semaphore, #tpu.memory_space<semaphore_mem>>) src(%dma_wait3A_584 : memref<1x200x128xf32, #tpu.memory_space<hbm>>) dst(%arg5 : memref<1x200x128xf32, #tpu.memory_space<vmem>>)
      %scan3A_585 = arith.constant 0 : i32
      %scan3A_586 = arith.constant 0 : i32
      %scan3A_587 = arith.constant 12 : i32
      %scan3A_588 = arith.addi %scan3A_586, %scan3A_587 : i32
      %scan3A_589 = arith.constant 1 : i32
      scf.for %scan3A_1278 = %scan3A_586 to %scan3A_588 step %scan3A_589  : i32 {
        %iota3A_1279 = tpu.iota {dimensions = array<i32: 0>} : vector<16xi32>
        %mul3A_1280 = arith.constant 16 : i32
        %mul3A_1281 = arith.muli %scan3A_1278, %mul3A_1280 : i32
        %add3A_1282 = vector.broadcast %mul3A_1281 : i32 to vector<16xi32>
        %add3A_1283 = arith.addi %iota3A_1279, %add3A_1282 : vector<16xi32>
        %mul3A_1284 = arith.constant 5 : i32
        %mul3A_1285 = vector.broadcast %mul3A_1284 : i32 to vector<16xi32>
        %mul3A_1286 = arith.muli %add3A_1283, %mul3A_1285 : vector<16xi32>
        %add3A_1287 = arith.constant 7000 : i32
        %add3A_1288 = vector.broadcast %add3A_1287 : i32 to vector<16xi32>
        %add3A_1289 = arith.addi %mul3A_1286, %add3A_1288 : vector<16xi32>
        %broadcast_in_dim3A_1290 = arith.constant 0 : i32
        %broadcast_in_dim3A_1291 = vector.broadcast %broadcast_in_dim3A_1290 : i32 to vector<16xi32>
        %broadcast_in_dim3A_1292 = arith.constant 0 : i32
        %broadcast_in_dim3A_1293 = vector.broadcast %broadcast_in_dim3A_1292 : i32 to vector<16xi32>
        %gather3A_1294 = tpu.vector_load_idx %arg5[%broadcast_in_dim3A_1293, %add3A_1283, %broadcast_in_dim3A_1291] : memref<1x200x128xf32, #tpu.memory_space<vmem>>[vector<16xi32>, vector<16xi32>, vector<16xi32>], vector<16xf32>,
        %add3A_1295 = arith.constant 0 : i32
        %add3A_1296 = vector.broadcast %add3A_1295 : i32 to vector<16xi32>
        %add3A_1297 = arith.addi %add3A_1289, %add3A_1296 : vector<16xi32>
        tpu.vector_store_idx %arg6[%add3A_1297], %gather3A_1294 : memref<16000xf32, #tpu.memory_space<vmem>>[vector<16xi32>], vector<16xf32>,
        %broadcast_in_dim3A_1298 = arith.constant 5 : i32
        %broadcast_in_dim3A_1299 = vector.broadcast %broadcast_in_dim3A_1298 : i32 to vector<16xi32>
        %broadcast_in_dim3A_1300 = arith.constant 0 : i32
        %broadcast_in_dim3A_1301 = vector.broadcast %broadcast_in_dim3A_1300 : i32 to vector<16xi32>
        %gather3A_1302 = tpu.vector_load_idx %arg5[%broadcast_in_dim3A_1301, %add3A_1283, %broadcast_in_dim3A_1299] : memref<1x200x128xf32, #tpu.memory_space<vmem>>[vector<16xi32>, vector<16xi32>, vector<16xi32>], vector<16xf32>,
        %add3A_1303 = arith.constant 1 : i32
        %add3A_1304 = vector.broadcast %add3A_1303 : i32 to vector<16xi32>
        %add3A_1305 = arith.addi %add3A_1289, %add3A_1304 : vector<16xi32>
        tpu.vector_store_idx %arg6[%add3A_1305], %gather3A_1302 : memref<16000xf32, #tpu.memory_space<vmem>>[vector<16xi32>], vector<16xf32>,
        %broadcast_in_dim3A_1306 = arith.constant 17 : i32
        %broadcast_in_dim3A_1307 = vector.broadcast %broadcast_in_dim3A_1306 : i32 to vector<16xi32>
        %broadcast_in_dim3A_1308 = arith.constant 0 : i32
        %broadcast_in_dim3A_1309 = vector.broadcast %broadcast_in_dim3A_1308 : i32 to vector<16xi32>
        %gather3A_1310 = tpu.vector_load_idx %arg5[%broadcast_in_dim3A_1309, %add3A_1283, %broadcast_in_dim3A_1307] : memref<1x200x128xf32, #tpu.memory_space<vmem>>[vector<16xi32>, vector<16xi32>, vector<16xi32>], vector<16xf32>,
        %add3A_1311 = arith.constant 2 : i32
        %add3A_1312 = vector.broadcast %add3A_1311 : i32 to vector<16xi32>
        %add3A_1313 = arith.addi %add3A_1289, %add3A_1312 : vector<16xi32>
        tpu.vector_store_idx %arg6[%add3A_1313], %gather3A_1310 : memref<16000xf32, #tpu.memory_space<vmem>>[vector<16xi32>], vector<16xf32>,
        %broadcast_in_dim3A_1314 = arith.constant 42 : i32
        %broadcast_in_dim3A_1315 = vector.broadcast %broadcast_in_dim3A_1314 : i32 to vector<16xi32>
        %broadcast_in_dim3A_1316 = arith.constant 0 : i32
        %broadcast_in_dim3A_1317 = vector.broadcast %broadcast_in_dim3A_1316 : i32 to vector<16xi32>
        %gather3A_1318 = tpu.vector_load_idx %arg5[%broadcast_in_dim3A_1317, %add3A_1283, %broadcast_in_dim3A_1315] : memref<1x200x128xf32, #tpu.memory_space<vmem>>[vector<16xi32>, vector<16xi32>, vector<16xi32>], vector<16xf32>,
        %add3A_1319 = arith.constant 3 : i32
        %add3A_1320 = vector.broadcast %add3A_1319 : i32 to vector<16xi32>
        %add3A_1321 = arith.addi %add3A_1289, %add3A_1320 : vector<16xi32>
        tpu.vector_store_idx %arg6[%add3A_1321], %gather3A_1318 : memref<16000xf32, #tpu.memory_space<vmem>>[vector<16xi32>], vector<16xf32>,
        %broadcast_in_dim3A_1322 = arith.constant 99 : i32
        %broadcast_in_dim3A_1323 = vector.broadcast %broadcast_in_dim3A_1322 : i32 to vector<16xi32>
        %broadcast_in_dim3A_1324 = arith.constant 0 : i32
        %broadcast_in_dim3A_1325 = vector.broadcast %broadcast_in_dim3A_1324 : i32 to vector<16xi32>
        %gather3A_1326 = tpu.vector_load_idx %arg5[%broadcast_in_dim3A_1325, %add3A_1283, %broadcast_in_dim3A_1323] : memref<1x200x128xf32, #tpu.memory_space<vmem>>[vector<16xi32>, vector<16xi32>, vector<16xi32>], vector<16xf32>,
        %add3A_1327 = arith.constant 4 : i32
        %add3A_1328 = vector.broadcast %add3A_1327 : i32 to vector<16xi32>
        %add3A_1329 = arith.addi %add3A_1289, %add3A_1328 : vector<16xi32>
        tpu.vector_store_idx %arg6[%add3A_1329], %gather3A_1326 : memref<16000xf32, #tpu.memory_space<vmem>>[vector<16xi32>], vector<16xf32>,
      }
      %scan3A_590 = arith.constant 12 : i32
      %iota3A_591 = tpu.iota {dimensions = array<i32: 0>} : vector<16xi32>
      %lt3A_592 = arith.constant 8 : i32
      %lt3A_593 = vector.broadcast %lt3A_592 : i32 to vector<16xi32>
      %lt3A_594 = arith.cmpi slt, %iota3A_591, %lt3A_593 : vector<16xi32>
      %iota3A_595 = tpu.iota {dimensions = array<i32: 0>} : vector<16xi32>
      %add3A_596 = arith.constant 192 : i32
      %add3A_597 = vector.broadcast %add3A_596 : i32 to vector<16xi32>
      %add3A_598 = arith.addi %iota3A_595, %add3A_597 : vector<16xi32>
      %mul3A_599 = arith.constant 5 : i32
      %mul3A_600 = vector.broadcast %mul3A_599 : i32 to vector<16xi32>
      %mul3A_601 = arith.muli %add3A_598, %mul3A_600 : vector<16xi32>
      %add3A_602 = arith.constant 7000 : i32
      %add3A_603 = vector.broadcast %add3A_602 : i32 to vector<16xi32>
      %add3A_604 = arith.addi %mul3A_601, %add3A_603 : vector<16xi32>
      %broadcast_in_dim3A_605 = arith.constant 0 : i32
      %broadcast_in_dim3A_606 = vector.broadcast %broadcast_in_dim3A_605 : i32 to vector<16xi32>
      %broadcast_in_dim3A_607 = arith.constant 0 : i32
      %broadcast_in_dim3A_608 = vector.broadcast %broadcast_in_dim3A_607 : i32 to vector<16xi32>
      %gather3A_609 = tpu.vector_load_idx %arg5[%broadcast_in_dim3A_608, %add3A_598, %broadcast_in_dim3A_606] masked %lt3A_594 : memref<1x200x128xf32, #tpu.memory_space<vmem>>[vector<16xi32>, vector<16xi32>, vector<16xi32>], vector<16xf32>, vector<16xi1>
      %add3A_610 = arith.constant 0 : i32
      %add3A_611 = vector.broadcast %add3A_610 : i32 to vector<16xi32>
      %add3A_612 = arith.addi %add3A_604, %add3A_611 : vector<16xi32>
      tpu.vector_store_idx %arg6[%add3A_612], %gather3A_609 masked %lt3A_594 : memref<16000xf32, #tpu.memory_space<vmem>>[vector<16xi32>], vector<16xf32>, vector<16xi1>
      %broadcast_in_dim3A_613 = arith.constant 5 : i32
      %broadcast_in_dim3A_614 = vector.broadcast %broadcast_in_dim3A_613 : i32 to vector<16xi32>
      %broadcast_in_dim3A_615 = arith.constant 0 : i32
      %broadcast_in_dim3A_616 = vector.broadcast %broadcast_in_dim3A_615 : i32 to vector<16xi32>
      %gather3A_617 = tpu.vector_load_idx %arg5[%broadcast_in_dim3A_616, %add3A_598, %broadcast_in_dim3A_614] masked %lt3A_594 : memref<1x200x128xf32, #tpu.memory_space<vmem>>[vector<16xi32>, vector<16xi32>, vector<16xi32>], vector<16xf32>, vector<16xi1>
      %add3A_618 = arith.constant 1 : i32
      %add3A_619 = vector.broadcast %add3A_618 : i32 to vector<16xi32>
      %add3A_620 = arith.addi %add3A_604, %add3A_619 : vector<16xi32>
      tpu.vector_store_idx %arg6[%add3A_620], %gather3A_617 masked %lt3A_594 : memref<16000xf32, #tpu.memory_space<vmem>>[vector<16xi32>], vector<16xf32>, vector<16xi1>
      %broadcast_in_dim3A_621 = arith.constant 17 : i32
      %broadcast_in_dim3A_622 = vector.broadcast %broadcast_in_dim3A_621 : i32 to vector<16xi32>
      %broadcast_in_dim3A_623 = arith.constant 0 : i32
      %broadcast_in_dim3A_624 = vector.broadcast %broadcast_in_dim3A_623 : i32 to vector<16xi32>
      %gather3A_625 = tpu.vector_load_idx %arg5[%broadcast_in_dim3A_624, %add3A_598, %broadcast_in_dim3A_622] masked %lt3A_594 : memref<1x200x128xf32, #tpu.memory_space<vmem>>[vector<16xi32>, vector<16xi32>, vector<16xi32>], vector<16xf32>, vector<16xi1>
      %add3A_626 = arith.constant 2 : i32
      %add3A_627 = vector.broadcast %add3A_626 : i32 to vector<16xi32>
      %add3A_628 = arith.addi %add3A_604, %add3A_627 : vector<16xi32>
      tpu.vector_store_idx %arg6[%add3A_628], %gather3A_625 masked %lt3A_594 : memref<16000xf32, #tpu.memory_space<vmem>>[vector<16xi32>], vector<16xf32>, vector<16xi1>
      %broadcast_in_dim3A_629 = arith.constant 42 : i32
      %broadcast_in_dim3A_630 = vector.broadcast %broadcast_in_dim3A_629 : i32 to vector<16xi32>
      %broadcast_in_dim3A_631 = arith.constant 0 : i32
      %broadcast_in_dim3A_632 = vector.broadcast %broadcast_in_dim3A_631 : i32 to vector<16xi32>
      %gather3A_633 = tpu.vector_load_idx %arg5[%broadcast_in_dim3A_632, %add3A_598, %broadcast_in_dim3A_630] masked %lt3A_594 : memref<1x200x128xf32, #tpu.memory_space<vmem>>[vector<16xi32>, vector<16xi32>, vector<16xi32>], vector<16xf32>, vector<16xi1>
      %add3A_634 = arith.constant 3 : i32
      %add3A_635 = vector.broadcast %add3A_634 : i32 to vector<16xi32>
      %add3A_636 = arith.addi %add3A_604, %add3A_635 : vector<16xi32>
      tpu.vector_store_idx %arg6[%add3A_636], %gather3A_633 masked %lt3A_594 : memref<16000xf32, #tpu.memory_space<vmem>>[vector<16xi32>], vector<16xf32>, vector<16xi1>
      %broadcast_in_dim3A_637 = arith.constant 99 : i32
      %broadcast_in_dim3A_638 = vector.broadcast %broadcast_in_dim3A_637 : i32 to vector<16xi32>
      %broadcast_in_dim3A_639 = arith.constant 0 : i32
      %broadcast_in_dim3A_640 = vector.broadcast %broadcast_in_dim3A_639 : i32 to vector<16xi32>
      %gather3A_641 = tpu.vector_load_idx %arg5[%broadcast_in_dim3A_640, %add3A_598, %broadcast_in_dim3A_638] masked %lt3A_594 : memref<1x200x128xf32, #tpu.memory_space<vmem>>[vector<16xi32>, vector<16xi32>, vector<16xi32>], vector<16xf32>, vector<16xi1>
      %add3A_642 = arith.constant 4 : i32
      %add3A_643 = vector.broadcast %add3A_642 : i32 to vector<16xi32>
      %add3A_644 = arith.addi %add3A_604, %add3A_643 : vector<16xi32>
      tpu.vector_store_idx %arg6[%add3A_644], %gather3A_641 masked %lt3A_594 : memref<16000xf32, #tpu.memory_space<vmem>>[vector<16xi32>], vector<16xf32>, vector<16xi1>
      %mul3A_645 = arith.constant 16 : i32
      %mul3A_646 = arith.muli %scan3A_22, %mul3A_645 : i32
      %add3A_647 = arith.constant 8 : i32
      %add3A_648 = arith.addi %mul3A_646, %add3A_647 : i32
      %add3A_649 = arith.constant 1 : i32
      %add3A_650 = arith.addi %add3A_648, %add3A_649 : i32
      %lt3A_651 = arith.constant 128 : i32
      %lt3A_652 = arith.cmpi slt, %add3A_650, %lt3A_651 : i32
      %convert_element_type3A_653 = arith.extui %lt3A_652 : i1 to i32
      %cond3A_654 = arith.constant 0 : i32
      %cond3A_655 = arith.cmpi ne, %convert_element_type3A_653, %cond3A_654 : i32
      scf.if %cond3A_655 {
        %add3A_1278 = arith.constant 1 : i32
        %add3A_1279 = arith.addi %add3A_648, %add3A_1278 : i32
        %add3A_1280 = arith.addi %mul3A_2, %add3A_1279 : i32
        %dma_start3A_1281 = arith.constant 0 : i32
        %dma_start3A_1282 = arith.constant 0 : i32
        %dma_start3A_1283 = tpu.memref_slice %arg2[%add3A_1280, %dma_start3A_1281, %dma_start3A_1282] : memref<4096x200x128xf32, #tpu.memory_space<hbm>> -> memref<1x200x128xf32, #tpu.memory_space<hbm>>
        %dma_start3A_1284 = arith.constant 0 : i32
        %dma_start3A_1285 = arith.constant 0 : i32
        %dma_start3A_1286 = tpu.memref_slice %arg2[%add3A_1280, %dma_start3A_1284, %dma_start3A_1285] : memref<4096x200x128xf32, #tpu.memory_space<hbm>> -> memref<1x200x128xf32, #tpu.memory_space<hbm>>
        tpu.enqueue_dma source(%dma_start3A_1286 : memref<1x200x128xf32, #tpu.memory_space<hbm>>) target(%arg5 : memref<1x200x128xf32, #tpu.memory_space<vmem>>) target_semaphore(%arg8 : memref<!tpu.dma_semaphore, #tpu.memory_space<semaphore_mem>>)
      } else {
      }
      %add3A_656 = arith.addi %mul3A_2, %add3A_648 : i32
      %dma_wait3A_657 = arith.constant 0 : i32
      %dma_wait3A_658 = arith.constant 0 : i32
      %dma_wait3A_659 = tpu.memref_slice %arg2[%add3A_656, %dma_wait3A_657, %dma_wait3A_658] : memref<4096x200x128xf32, #tpu.memory_space<hbm>> -> memref<1x200x128xf32, #tpu.memory_space<hbm>>
      %dma_wait3A_660 = arith.constant 0 : i32
      %dma_wait3A_661 = arith.constant 0 : i32
      %dma_wait3A_662 = tpu.memref_slice %arg2[%add3A_656, %dma_wait3A_660, %dma_wait3A_661] : memref<4096x200x128xf32, #tpu.memory_space<hbm>> -> memref<1x200x128xf32, #tpu.memory_space<hbm>>
      tpu.wait_dma2 semaphore(%arg7 : memref<!tpu.dma_semaphore, #tpu.memory_space<semaphore_mem>>) src(%dma_wait3A_662 : memref<1x200x128xf32, #tpu.memory_space<hbm>>) dst(%arg4 : memref<1x200x128xf32, #tpu.memory_space<vmem>>)
      %scan3A_663 = arith.constant 0 : i32
      %scan3A_664 = arith.constant 0 : i32
      %scan3A_665 = arith.constant 12 : i32
      %scan3A_666 = arith.addi %scan3A_664, %scan3A_665 : i32
      %scan3A_667 = arith.constant 1 : i32
      scf.for %scan3A_1278 = %scan3A_664 to %scan3A_666 step %scan3A_667  : i32 {
        %iota3A_1279 = tpu.iota {dimensions = array<i32: 0>} : vector<16xi32>
        %mul3A_1280 = arith.constant 16 : i32
        %mul3A_1281 = arith.muli %scan3A_1278, %mul3A_1280 : i32
        %add3A_1282 = vector.broadcast %mul3A_1281 : i32 to vector<16xi32>
        %add3A_1283 = arith.addi %iota3A_1279, %add3A_1282 : vector<16xi32>
        %mul3A_1284 = arith.constant 5 : i32
        %mul3A_1285 = vector.broadcast %mul3A_1284 : i32 to vector<16xi32>
        %mul3A_1286 = arith.muli %add3A_1283, %mul3A_1285 : vector<16xi32>
        %add3A_1287 = arith.constant 8000 : i32
        %add3A_1288 = vector.broadcast %add3A_1287 : i32 to vector<16xi32>
        %add3A_1289 = arith.addi %mul3A_1286, %add3A_1288 : vector<16xi32>
        %broadcast_in_dim3A_1290 = arith.constant 0 : i32
        %broadcast_in_dim3A_1291 = vector.broadcast %broadcast_in_dim3A_1290 : i32 to vector<16xi32>
        %broadcast_in_dim3A_1292 = arith.constant 0 : i32
        %broadcast_in_dim3A_1293 = vector.broadcast %broadcast_in_dim3A_1292 : i32 to vector<16xi32>
        %gather3A_1294 = tpu.vector_load_idx %arg4[%broadcast_in_dim3A_1293, %add3A_1283, %broadcast_in_dim3A_1291] : memref<1x200x128xf32, #tpu.memory_space<vmem>>[vector<16xi32>, vector<16xi32>, vector<16xi32>], vector<16xf32>,
        %add3A_1295 = arith.constant 0 : i32
        %add3A_1296 = vector.broadcast %add3A_1295 : i32 to vector<16xi32>
        %add3A_1297 = arith.addi %add3A_1289, %add3A_1296 : vector<16xi32>
        tpu.vector_store_idx %arg6[%add3A_1297], %gather3A_1294 : memref<16000xf32, #tpu.memory_space<vmem>>[vector<16xi32>], vector<16xf32>,
        %broadcast_in_dim3A_1298 = arith.constant 5 : i32
        %broadcast_in_dim3A_1299 = vector.broadcast %broadcast_in_dim3A_1298 : i32 to vector<16xi32>
        %broadcast_in_dim3A_1300 = arith.constant 0 : i32
        %broadcast_in_dim3A_1301 = vector.broadcast %broadcast_in_dim3A_1300 : i32 to vector<16xi32>
        %gather3A_1302 = tpu.vector_load_idx %arg4[%broadcast_in_dim3A_1301, %add3A_1283, %broadcast_in_dim3A_1299] : memref<1x200x128xf32, #tpu.memory_space<vmem>>[vector<16xi32>, vector<16xi32>, vector<16xi32>], vector<16xf32>,
        %add3A_1303 = arith.constant 1 : i32
        %add3A_1304 = vector.broadcast %add3A_1303 : i32 to vector<16xi32>
        %add3A_1305 = arith.addi %add3A_1289, %add3A_1304 : vector<16xi32>
        tpu.vector_store_idx %arg6[%add3A_1305], %gather3A_1302 : memref<16000xf32, #tpu.memory_space<vmem>>[vector<16xi32>], vector<16xf32>,
        %broadcast_in_dim3A_1306 = arith.constant 17 : i32
        %broadcast_in_dim3A_1307 = vector.broadcast %broadcast_in_dim3A_1306 : i32 to vector<16xi32>
        %broadcast_in_dim3A_1308 = arith.constant 0 : i32
        %broadcast_in_dim3A_1309 = vector.broadcast %broadcast_in_dim3A_1308 : i32 to vector<16xi32>
        %gather3A_1310 = tpu.vector_load_idx %arg4[%broadcast_in_dim3A_1309, %add3A_1283, %broadcast_in_dim3A_1307] : memref<1x200x128xf32, #tpu.memory_space<vmem>>[vector<16xi32>, vector<16xi32>, vector<16xi32>], vector<16xf32>,
        %add3A_1311 = arith.constant 2 : i32
        %add3A_1312 = vector.broadcast %add3A_1311 : i32 to vector<16xi32>
        %add3A_1313 = arith.addi %add3A_1289, %add3A_1312 : vector<16xi32>
        tpu.vector_store_idx %arg6[%add3A_1313], %gather3A_1310 : memref<16000xf32, #tpu.memory_space<vmem>>[vector<16xi32>], vector<16xf32>,
        %broadcast_in_dim3A_1314 = arith.constant 42 : i32
        %broadcast_in_dim3A_1315 = vector.broadcast %broadcast_in_dim3A_1314 : i32 to vector<16xi32>
        %broadcast_in_dim3A_1316 = arith.constant 0 : i32
        %broadcast_in_dim3A_1317 = vector.broadcast %broadcast_in_dim3A_1316 : i32 to vector<16xi32>
        %gather3A_1318 = tpu.vector_load_idx %arg4[%broadcast_in_dim3A_1317, %add3A_1283, %broadcast_in_dim3A_1315] : memref<1x200x128xf32, #tpu.memory_space<vmem>>[vector<16xi32>, vector<16xi32>, vector<16xi32>], vector<16xf32>,
        %add3A_1319 = arith.constant 3 : i32
        %add3A_1320 = vector.broadcast %add3A_1319 : i32 to vector<16xi32>
        %add3A_1321 = arith.addi %add3A_1289, %add3A_1320 : vector<16xi32>
        tpu.vector_store_idx %arg6[%add3A_1321], %gather3A_1318 : memref<16000xf32, #tpu.memory_space<vmem>>[vector<16xi32>], vector<16xf32>,
        %broadcast_in_dim3A_1322 = arith.constant 99 : i32
        %broadcast_in_dim3A_1323 = vector.broadcast %broadcast_in_dim3A_1322 : i32 to vector<16xi32>
        %broadcast_in_dim3A_1324 = arith.constant 0 : i32
        %broadcast_in_dim3A_1325 = vector.broadcast %broadcast_in_dim3A_1324 : i32 to vector<16xi32>
        %gather3A_1326 = tpu.vector_load_idx %arg4[%broadcast_in_dim3A_1325, %add3A_1283, %broadcast_in_dim3A_1323] : memref<1x200x128xf32, #tpu.memory_space<vmem>>[vector<16xi32>, vector<16xi32>, vector<16xi32>], vector<16xf32>,
        %add3A_1327 = arith.constant 4 : i32
        %add3A_1328 = vector.broadcast %add3A_1327 : i32 to vector<16xi32>
        %add3A_1329 = arith.addi %add3A_1289, %add3A_1328 : vector<16xi32>
        tpu.vector_store_idx %arg6[%add3A_1329], %gather3A_1326 : memref<16000xf32, #tpu.memory_space<vmem>>[vector<16xi32>], vector<16xf32>,
      }
      %scan3A_668 = arith.constant 12 : i32
      %iota3A_669 = tpu.iota {dimensions = array<i32: 0>} : vector<16xi32>
      %lt3A_670 = arith.constant 8 : i32
      %lt3A_671 = vector.broadcast %lt3A_670 : i32 to vector<16xi32>
      %lt3A_672 = arith.cmpi slt, %iota3A_669, %lt3A_671 : vector<16xi32>
      %iota3A_673 = tpu.iota {dimensions = array<i32: 0>} : vector<16xi32>
      %add3A_674 = arith.constant 192 : i32
      %add3A_675 = vector.broadcast %add3A_674 : i32 to vector<16xi32>
      %add3A_676 = arith.addi %iota3A_673, %add3A_675 : vector<16xi32>
      %mul3A_677 = arith.constant 5 : i32
      %mul3A_678 = vector.broadcast %mul3A_677 : i32 to vector<16xi32>
      %mul3A_679 = arith.muli %add3A_676, %mul3A_678 : vector<16xi32>
      %add3A_680 = arith.constant 8000 : i32
      %add3A_681 = vector.broadcast %add3A_680 : i32 to vector<16xi32>
      %add3A_682 = arith.addi %mul3A_679, %add3A_681 : vector<16xi32>
      %broadcast_in_dim3A_683 = arith.constant 0 : i32
      %broadcast_in_dim3A_684 = vector.broadcast %broadcast_in_dim3A_683 : i32 to vector<16xi32>
      %broadcast_in_dim3A_685 = arith.constant 0 : i32
      %broadcast_in_dim3A_686 = vector.broadcast %broadcast_in_dim3A_685 : i32 to vector<16xi32>
      %gather3A_687 = tpu.vector_load_idx %arg4[%broadcast_in_dim3A_686, %add3A_676, %broadcast_in_dim3A_684] masked %lt3A_672 : memref<1x200x128xf32, #tpu.memory_space<vmem>>[vector<16xi32>, vector<16xi32>, vector<16xi32>], vector<16xf32>, vector<16xi1>
      %add3A_688 = arith.constant 0 : i32
      %add3A_689 = vector.broadcast %add3A_688 : i32 to vector<16xi32>
      %add3A_690 = arith.addi %add3A_682, %add3A_689 : vector<16xi32>
      tpu.vector_store_idx %arg6[%add3A_690], %gather3A_687 masked %lt3A_672 : memref<16000xf32, #tpu.memory_space<vmem>>[vector<16xi32>], vector<16xf32>, vector<16xi1>
      %broadcast_in_dim3A_691 = arith.constant 5 : i32
      %broadcast_in_dim3A_692 = vector.broadcast %broadcast_in_dim3A_691 : i32 to vector<16xi32>
      %broadcast_in_dim3A_693 = arith.constant 0 : i32
      %broadcast_in_dim3A_694 = vector.broadcast %broadcast_in_dim3A_693 : i32 to vector<16xi32>
      %gather3A_695 = tpu.vector_load_idx %arg4[%broadcast_in_dim3A_694, %add3A_676, %broadcast_in_dim3A_692] masked %lt3A_672 : memref<1x200x128xf32, #tpu.memory_space<vmem>>[vector<16xi32>, vector<16xi32>, vector<16xi32>], vector<16xf32>, vector<16xi1>
      %add3A_696 = arith.constant 1 : i32
      %add3A_697 = vector.broadcast %add3A_696 : i32 to vector<16xi32>
      %add3A_698 = arith.addi %add3A_682, %add3A_697 : vector<16xi32>
      tpu.vector_store_idx %arg6[%add3A_698], %gather3A_695 masked %lt3A_672 : memref<16000xf32, #tpu.memory_space<vmem>>[vector<16xi32>], vector<16xf32>, vector<16xi1>
      %broadcast_in_dim3A_699 = arith.constant 17 : i32
      %broadcast_in_dim3A_700 = vector.broadcast %broadcast_in_dim3A_699 : i32 to vector<16xi32>
      %broadcast_in_dim3A_701 = arith.constant 0 : i32
      %broadcast_in_dim3A_702 = vector.broadcast %broadcast_in_dim3A_701 : i32 to vector<16xi32>
      %gather3A_703 = tpu.vector_load_idx %arg4[%broadcast_in_dim3A_702, %add3A_676, %broadcast_in_dim3A_700] masked %lt3A_672 : memref<1x200x128xf32, #tpu.memory_space<vmem>>[vector<16xi32>, vector<16xi32>, vector<16xi32>], vector<16xf32>, vector<16xi1>
      %add3A_704 = arith.constant 2 : i32
      %add3A_705 = vector.broadcast %add3A_704 : i32 to vector<16xi32>
      %add3A_706 = arith.addi %add3A_682, %add3A_705 : vector<16xi32>
      tpu.vector_store_idx %arg6[%add3A_706], %gather3A_703 masked %lt3A_672 : memref<16000xf32, #tpu.memory_space<vmem>>[vector<16xi32>], vector<16xf32>, vector<16xi1>
      %broadcast_in_dim3A_707 = arith.constant 42 : i32
      %broadcast_in_dim3A_708 = vector.broadcast %broadcast_in_dim3A_707 : i32 to vector<16xi32>
      %broadcast_in_dim3A_709 = arith.constant 0 : i32
      %broadcast_in_dim3A_710 = vector.broadcast %broadcast_in_dim3A_709 : i32 to vector<16xi32>
      %gather3A_711 = tpu.vector_load_idx %arg4[%broadcast_in_dim3A_710, %add3A_676, %broadcast_in_dim3A_708] masked %lt3A_672 : memref<1x200x128xf32, #tpu.memory_space<vmem>>[vector<16xi32>, vector<16xi32>, vector<16xi32>], vector<16xf32>, vector<16xi1>
      %add3A_712 = arith.constant 3 : i32
      %add3A_713 = vector.broadcast %add3A_712 : i32 to vector<16xi32>
      %add3A_714 = arith.addi %add3A_682, %add3A_713 : vector<16xi32>
      tpu.vector_store_idx %arg6[%add3A_714], %gather3A_711 masked %lt3A_672 : memref<16000xf32, #tpu.memory_space<vmem>>[vector<16xi32>], vector<16xf32>, vector<16xi1>
      %broadcast_in_dim3A_715 = arith.constant 99 : i32
      %broadcast_in_dim3A_716 = vector.broadcast %broadcast_in_dim3A_715 : i32 to vector<16xi32>
      %broadcast_in_dim3A_717 = arith.constant 0 : i32
      %broadcast_in_dim3A_718 = vector.broadcast %broadcast_in_dim3A_717 : i32 to vector<16xi32>
      %gather3A_719 = tpu.vector_load_idx %arg4[%broadcast_in_dim3A_718, %add3A_676, %broadcast_in_dim3A_716] masked %lt3A_672 : memref<1x200x128xf32, #tpu.memory_space<vmem>>[vector<16xi32>, vector<16xi32>, vector<16xi32>], vector<16xf32>, vector<16xi1>
      %add3A_720 = arith.constant 4 : i32
      %add3A_721 = vector.broadcast %add3A_720 : i32 to vector<16xi32>
      %add3A_722 = arith.addi %add3A_682, %add3A_721 : vector<16xi32>
      tpu.vector_store_idx %arg6[%add3A_722], %gather3A_719 masked %lt3A_672 : memref<16000xf32, #tpu.memory_space<vmem>>[vector<16xi32>], vector<16xf32>, vector<16xi1>
      %mul3A_723 = arith.constant 16 : i32
      %mul3A_724 = arith.muli %scan3A_22, %mul3A_723 : i32
      %add3A_725 = arith.constant 9 : i32
      %add3A_726 = arith.addi %mul3A_724, %add3A_725 : i32
      %add3A_727 = arith.constant 1 : i32
      %add3A_728 = arith.addi %add3A_726, %add3A_727 : i32
      %lt3A_729 = arith.constant 128 : i32
      %lt3A_730 = arith.cmpi slt, %add3A_728, %lt3A_729 : i32
      %convert_element_type3A_731 = arith.extui %lt3A_730 : i1 to i32
      %cond3A_732 = arith.constant 0 : i32
      %cond3A_733 = arith.cmpi ne, %convert_element_type3A_731, %cond3A_732 : i32
      scf.if %cond3A_733 {
        %add3A_1278 = arith.constant 1 : i32
        %add3A_1279 = arith.addi %add3A_726, %add3A_1278 : i32
        %add3A_1280 = arith.addi %mul3A_2, %add3A_1279 : i32
        %dma_start3A_1281 = arith.constant 0 : i32
        %dma_start3A_1282 = arith.constant 0 : i32
        %dma_start3A_1283 = tpu.memref_slice %arg2[%add3A_1280, %dma_start3A_1281, %dma_start3A_1282] : memref<4096x200x128xf32, #tpu.memory_space<hbm>> -> memref<1x200x128xf32, #tpu.memory_space<hbm>>
        %dma_start3A_1284 = arith.constant 0 : i32
        %dma_start3A_1285 = arith.constant 0 : i32
        %dma_start3A_1286 = tpu.memref_slice %arg2[%add3A_1280, %dma_start3A_1284, %dma_start3A_1285] : memref<4096x200x128xf32, #tpu.memory_space<hbm>> -> memref<1x200x128xf32, #tpu.memory_space<hbm>>
        tpu.enqueue_dma source(%dma_start3A_1286 : memref<1x200x128xf32, #tpu.memory_space<hbm>>) target(%arg4 : memref<1x200x128xf32, #tpu.memory_space<vmem>>) target_semaphore(%arg7 : memref<!tpu.dma_semaphore, #tpu.memory_space<semaphore_mem>>)
      } else {
      }
      %add3A_734 = arith.addi %mul3A_2, %add3A_726 : i32
      %dma_wait3A_735 = arith.constant 0 : i32
      %dma_wait3A_736 = arith.constant 0 : i32
      %dma_wait3A_737 = tpu.memref_slice %arg2[%add3A_734, %dma_wait3A_735, %dma_wait3A_736] : memref<4096x200x128xf32, #tpu.memory_space<hbm>> -> memref<1x200x128xf32, #tpu.memory_space<hbm>>
      %dma_wait3A_738 = arith.constant 0 : i32
      %dma_wait3A_739 = arith.constant 0 : i32
      %dma_wait3A_740 = tpu.memref_slice %arg2[%add3A_734, %dma_wait3A_738, %dma_wait3A_739] : memref<4096x200x128xf32, #tpu.memory_space<hbm>> -> memref<1x200x128xf32, #tpu.memory_space<hbm>>
      tpu.wait_dma2 semaphore(%arg8 : memref<!tpu.dma_semaphore, #tpu.memory_space<semaphore_mem>>) src(%dma_wait3A_740 : memref<1x200x128xf32, #tpu.memory_space<hbm>>) dst(%arg5 : memref<1x200x128xf32, #tpu.memory_space<vmem>>)
      %scan3A_741 = arith.constant 0 : i32
      %scan3A_742 = arith.constant 0 : i32
      %scan3A_743 = arith.constant 12 : i32
      %scan3A_744 = arith.addi %scan3A_742, %scan3A_743 : i32
      %scan3A_745 = arith.constant 1 : i32
      scf.for %scan3A_1278 = %scan3A_742 to %scan3A_744 step %scan3A_745  : i32 {
        %iota3A_1279 = tpu.iota {dimensions = array<i32: 0>} : vector<16xi32>
        %mul3A_1280 = arith.constant 16 : i32
        %mul3A_1281 = arith.muli %scan3A_1278, %mul3A_1280 : i32
        %add3A_1282 = vector.broadcast %mul3A_1281 : i32 to vector<16xi32>
        %add3A_1283 = arith.addi %iota3A_1279, %add3A_1282 : vector<16xi32>
        %mul3A_1284 = arith.constant 5 : i32
        %mul3A_1285 = vector.broadcast %mul3A_1284 : i32 to vector<16xi32>
        %mul3A_1286 = arith.muli %add3A_1283, %mul3A_1285 : vector<16xi32>
        %add3A_1287 = arith.constant 9000 : i32
        %add3A_1288 = vector.broadcast %add3A_1287 : i32 to vector<16xi32>
        %add3A_1289 = arith.addi %mul3A_1286, %add3A_1288 : vector<16xi32>
        %broadcast_in_dim3A_1290 = arith.constant 0 : i32
        %broadcast_in_dim3A_1291 = vector.broadcast %broadcast_in_dim3A_1290 : i32 to vector<16xi32>
        %broadcast_in_dim3A_1292 = arith.constant 0 : i32
        %broadcast_in_dim3A_1293 = vector.broadcast %broadcast_in_dim3A_1292 : i32 to vector<16xi32>
        %gather3A_1294 = tpu.vector_load_idx %arg5[%broadcast_in_dim3A_1293, %add3A_1283, %broadcast_in_dim3A_1291] : memref<1x200x128xf32, #tpu.memory_space<vmem>>[vector<16xi32>, vector<16xi32>, vector<16xi32>], vector<16xf32>,
        %add3A_1295 = arith.constant 0 : i32
        %add3A_1296 = vector.broadcast %add3A_1295 : i32 to vector<16xi32>
        %add3A_1297 = arith.addi %add3A_1289, %add3A_1296 : vector<16xi32>
        tpu.vector_store_idx %arg6[%add3A_1297], %gather3A_1294 : memref<16000xf32, #tpu.memory_space<vmem>>[vector<16xi32>], vector<16xf32>,
        %broadcast_in_dim3A_1298 = arith.constant 5 : i32
        %broadcast_in_dim3A_1299 = vector.broadcast %broadcast_in_dim3A_1298 : i32 to vector<16xi32>
        %broadcast_in_dim3A_1300 = arith.constant 0 : i32
        %broadcast_in_dim3A_1301 = vector.broadcast %broadcast_in_dim3A_1300 : i32 to vector<16xi32>
        %gather3A_1302 = tpu.vector_load_idx %arg5[%broadcast_in_dim3A_1301, %add3A_1283, %broadcast_in_dim3A_1299] : memref<1x200x128xf32, #tpu.memory_space<vmem>>[vector<16xi32>, vector<16xi32>, vector<16xi32>], vector<16xf32>,
        %add3A_1303 = arith.constant 1 : i32
        %add3A_1304 = vector.broadcast %add3A_1303 : i32 to vector<16xi32>
        %add3A_1305 = arith.addi %add3A_1289, %add3A_1304 : vector<16xi32>
        tpu.vector_store_idx %arg6[%add3A_1305], %gather3A_1302 : memref<16000xf32, #tpu.memory_space<vmem>>[vector<16xi32>], vector<16xf32>,
        %broadcast_in_dim3A_1306 = arith.constant 17 : i32
        %broadcast_in_dim3A_1307 = vector.broadcast %broadcast_in_dim3A_1306 : i32 to vector<16xi32>
        %broadcast_in_dim3A_1308 = arith.constant 0 : i32
        %broadcast_in_dim3A_1309 = vector.broadcast %broadcast_in_dim3A_1308 : i32 to vector<16xi32>
        %gather3A_1310 = tpu.vector_load_idx %arg5[%broadcast_in_dim3A_1309, %add3A_1283, %broadcast_in_dim3A_1307] : memref<1x200x128xf32, #tpu.memory_space<vmem>>[vector<16xi32>, vector<16xi32>, vector<16xi32>], vector<16xf32>,
        %add3A_1311 = arith.constant 2 : i32
        %add3A_1312 = vector.broadcast %add3A_1311 : i32 to vector<16xi32>
        %add3A_1313 = arith.addi %add3A_1289, %add3A_1312 : vector<16xi32>
        tpu.vector_store_idx %arg6[%add3A_1313], %gather3A_1310 : memref<16000xf32, #tpu.memory_space<vmem>>[vector<16xi32>], vector<16xf32>,
        %broadcast_in_dim3A_1314 = arith.constant 42 : i32
        %broadcast_in_dim3A_1315 = vector.broadcast %broadcast_in_dim3A_1314 : i32 to vector<16xi32>
        %broadcast_in_dim3A_1316 = arith.constant 0 : i32
        %broadcast_in_dim3A_1317 = vector.broadcast %broadcast_in_dim3A_1316 : i32 to vector<16xi32>
        %gather3A_1318 = tpu.vector_load_idx %arg5[%broadcast_in_dim3A_1317, %add3A_1283, %broadcast_in_dim3A_1315] : memref<1x200x128xf32, #tpu.memory_space<vmem>>[vector<16xi32>, vector<16xi32>, vector<16xi32>], vector<16xf32>,
        %add3A_1319 = arith.constant 3 : i32
        %add3A_1320 = vector.broadcast %add3A_1319 : i32 to vector<16xi32>
        %add3A_1321 = arith.addi %add3A_1289, %add3A_1320 : vector<16xi32>
        tpu.vector_store_idx %arg6[%add3A_1321], %gather3A_1318 : memref<16000xf32, #tpu.memory_space<vmem>>[vector<16xi32>], vector<16xf32>,
        %broadcast_in_dim3A_1322 = arith.constant 99 : i32
        %broadcast_in_dim3A_1323 = vector.broadcast %broadcast_in_dim3A_1322 : i32 to vector<16xi32>
        %broadcast_in_dim3A_1324 = arith.constant 0 : i32
        %broadcast_in_dim3A_1325 = vector.broadcast %broadcast_in_dim3A_1324 : i32 to vector<16xi32>
        %gather3A_1326 = tpu.vector_load_idx %arg5[%broadcast_in_dim3A_1325, %add3A_1283, %broadcast_in_dim3A_1323] : memref<1x200x128xf32, #tpu.memory_space<vmem>>[vector<16xi32>, vector<16xi32>, vector<16xi32>], vector<16xf32>,
        %add3A_1327 = arith.constant 4 : i32
        %add3A_1328 = vector.broadcast %add3A_1327 : i32 to vector<16xi32>
        %add3A_1329 = arith.addi %add3A_1289, %add3A_1328 : vector<16xi32>
        tpu.vector_store_idx %arg6[%add3A_1329], %gather3A_1326 : memref<16000xf32, #tpu.memory_space<vmem>>[vector<16xi32>], vector<16xf32>,
      }
      %scan3A_746 = arith.constant 12 : i32
      %iota3A_747 = tpu.iota {dimensions = array<i32: 0>} : vector<16xi32>
      %lt3A_748 = arith.constant 8 : i32
      %lt3A_749 = vector.broadcast %lt3A_748 : i32 to vector<16xi32>
      %lt3A_750 = arith.cmpi slt, %iota3A_747, %lt3A_749 : vector<16xi32>
      %iota3A_751 = tpu.iota {dimensions = array<i32: 0>} : vector<16xi32>
      %add3A_752 = arith.constant 192 : i32
      %add3A_753 = vector.broadcast %add3A_752 : i32 to vector<16xi32>
      %add3A_754 = arith.addi %iota3A_751, %add3A_753 : vector<16xi32>
      %mul3A_755 = arith.constant 5 : i32
      %mul3A_756 = vector.broadcast %mul3A_755 : i32 to vector<16xi32>
      %mul3A_757 = arith.muli %add3A_754, %mul3A_756 : vector<16xi32>
      %add3A_758 = arith.constant 9000 : i32
      %add3A_759 = vector.broadcast %add3A_758 : i32 to vector<16xi32>
      %add3A_760 = arith.addi %mul3A_757, %add3A_759 : vector<16xi32>
      %broadcast_in_dim3A_761 = arith.constant 0 : i32
      %broadcast_in_dim3A_762 = vector.broadcast %broadcast_in_dim3A_761 : i32 to vector<16xi32>
      %broadcast_in_dim3A_763 = arith.constant 0 : i32
      %broadcast_in_dim3A_764 = vector.broadcast %broadcast_in_dim3A_763 : i32 to vector<16xi32>
      %gather3A_765 = tpu.vector_load_idx %arg5[%broadcast_in_dim3A_764, %add3A_754, %broadcast_in_dim3A_762] masked %lt3A_750 : memref<1x200x128xf32, #tpu.memory_space<vmem>>[vector<16xi32>, vector<16xi32>, vector<16xi32>], vector<16xf32>, vector<16xi1>
      %add3A_766 = arith.constant 0 : i32
      %add3A_767 = vector.broadcast %add3A_766 : i32 to vector<16xi32>
      %add3A_768 = arith.addi %add3A_760, %add3A_767 : vector<16xi32>
      tpu.vector_store_idx %arg6[%add3A_768], %gather3A_765 masked %lt3A_750 : memref<16000xf32, #tpu.memory_space<vmem>>[vector<16xi32>], vector<16xf32>, vector<16xi1>
      %broadcast_in_dim3A_769 = arith.constant 5 : i32
      %broadcast_in_dim3A_770 = vector.broadcast %broadcast_in_dim3A_769 : i32 to vector<16xi32>
      %broadcast_in_dim3A_771 = arith.constant 0 : i32
      %broadcast_in_dim3A_772 = vector.broadcast %broadcast_in_dim3A_771 : i32 to vector<16xi32>
      %gather3A_773 = tpu.vector_load_idx %arg5[%broadcast_in_dim3A_772, %add3A_754, %broadcast_in_dim3A_770] masked %lt3A_750 : memref<1x200x128xf32, #tpu.memory_space<vmem>>[vector<16xi32>, vector<16xi32>, vector<16xi32>], vector<16xf32>, vector<16xi1>
      %add3A_774 = arith.constant 1 : i32
      %add3A_775 = vector.broadcast %add3A_774 : i32 to vector<16xi32>
      %add3A_776 = arith.addi %add3A_760, %add3A_775 : vector<16xi32>
      tpu.vector_store_idx %arg6[%add3A_776], %gather3A_773 masked %lt3A_750 : memref<16000xf32, #tpu.memory_space<vmem>>[vector<16xi32>], vector<16xf32>, vector<16xi1>
      %broadcast_in_dim3A_777 = arith.constant 17 : i32
      %broadcast_in_dim3A_778 = vector.broadcast %broadcast_in_dim3A_777 : i32 to vector<16xi32>
      %broadcast_in_dim3A_779 = arith.constant 0 : i32
      %broadcast_in_dim3A_780 = vector.broadcast %broadcast_in_dim3A_779 : i32 to vector<16xi32>
      %gather3A_781 = tpu.vector_load_idx %arg5[%broadcast_in_dim3A_780, %add3A_754, %broadcast_in_dim3A_778] masked %lt3A_750 : memref<1x200x128xf32, #tpu.memory_space<vmem>>[vector<16xi32>, vector<16xi32>, vector<16xi32>], vector<16xf32>, vector<16xi1>
      %add3A_782 = arith.constant 2 : i32
      %add3A_783 = vector.broadcast %add3A_782 : i32 to vector<16xi32>
      %add3A_784 = arith.addi %add3A_760, %add3A_783 : vector<16xi32>
      tpu.vector_store_idx %arg6[%add3A_784], %gather3A_781 masked %lt3A_750 : memref<16000xf32, #tpu.memory_space<vmem>>[vector<16xi32>], vector<16xf32>, vector<16xi1>
      %broadcast_in_dim3A_785 = arith.constant 42 : i32
      %broadcast_in_dim3A_786 = vector.broadcast %broadcast_in_dim3A_785 : i32 to vector<16xi32>
      %broadcast_in_dim3A_787 = arith.constant 0 : i32
      %broadcast_in_dim3A_788 = vector.broadcast %broadcast_in_dim3A_787 : i32 to vector<16xi32>
      %gather3A_789 = tpu.vector_load_idx %arg5[%broadcast_in_dim3A_788, %add3A_754, %broadcast_in_dim3A_786] masked %lt3A_750 : memref<1x200x128xf32, #tpu.memory_space<vmem>>[vector<16xi32>, vector<16xi32>, vector<16xi32>], vector<16xf32>, vector<16xi1>
      %add3A_790 = arith.constant 3 : i32
      %add3A_791 = vector.broadcast %add3A_790 : i32 to vector<16xi32>
      %add3A_792 = arith.addi %add3A_760, %add3A_791 : vector<16xi32>
      tpu.vector_store_idx %arg6[%add3A_792], %gather3A_789 masked %lt3A_750 : memref<16000xf32, #tpu.memory_space<vmem>>[vector<16xi32>], vector<16xf32>, vector<16xi1>
      %broadcast_in_dim3A_793 = arith.constant 99 : i32
      %broadcast_in_dim3A_794 = vector.broadcast %broadcast_in_dim3A_793 : i32 to vector<16xi32>
      %broadcast_in_dim3A_795 = arith.constant 0 : i32
      %broadcast_in_dim3A_796 = vector.broadcast %broadcast_in_dim3A_795 : i32 to vector<16xi32>
      %gather3A_797 = tpu.vector_load_idx %arg5[%broadcast_in_dim3A_796, %add3A_754, %broadcast_in_dim3A_794] masked %lt3A_750 : memref<1x200x128xf32, #tpu.memory_space<vmem>>[vector<16xi32>, vector<16xi32>, vector<16xi32>], vector<16xf32>, vector<16xi1>
      %add3A_798 = arith.constant 4 : i32
      %add3A_799 = vector.broadcast %add3A_798 : i32 to vector<16xi32>
      %add3A_800 = arith.addi %add3A_760, %add3A_799 : vector<16xi32>
      tpu.vector_store_idx %arg6[%add3A_800], %gather3A_797 masked %lt3A_750 : memref<16000xf32, #tpu.memory_space<vmem>>[vector<16xi32>], vector<16xf32>, vector<16xi1>
      %mul3A_801 = arith.constant 16 : i32
      %mul3A_802 = arith.muli %scan3A_22, %mul3A_801 : i32
      %add3A_803 = arith.constant 10 : i32
      %add3A_804 = arith.addi %mul3A_802, %add3A_803 : i32
      %add3A_805 = arith.constant 1 : i32
      %add3A_806 = arith.addi %add3A_804, %add3A_805 : i32
      %lt3A_807 = arith.constant 128 : i32
      %lt3A_808 = arith.cmpi slt, %add3A_806, %lt3A_807 : i32
      %convert_element_type3A_809 = arith.extui %lt3A_808 : i1 to i32
      %cond3A_810 = arith.constant 0 : i32
      %cond3A_811 = arith.cmpi ne, %convert_element_type3A_809, %cond3A_810 : i32
      scf.if %cond3A_811 {
        %add3A_1278 = arith.constant 1 : i32
        %add3A_1279 = arith.addi %add3A_804, %add3A_1278 : i32
        %add3A_1280 = arith.addi %mul3A_2, %add3A_1279 : i32
        %dma_start3A_1281 = arith.constant 0 : i32
        %dma_start3A_1282 = arith.constant 0 : i32
        %dma_start3A_1283 = tpu.memref_slice %arg2[%add3A_1280, %dma_start3A_1281, %dma_start3A_1282] : memref<4096x200x128xf32, #tpu.memory_space<hbm>> -> memref<1x200x128xf32, #tpu.memory_space<hbm>>
        %dma_start3A_1284 = arith.constant 0 : i32
        %dma_start3A_1285 = arith.constant 0 : i32
        %dma_start3A_1286 = tpu.memref_slice %arg2[%add3A_1280, %dma_start3A_1284, %dma_start3A_1285] : memref<4096x200x128xf32, #tpu.memory_space<hbm>> -> memref<1x200x128xf32, #tpu.memory_space<hbm>>
        tpu.enqueue_dma source(%dma_start3A_1286 : memref<1x200x128xf32, #tpu.memory_space<hbm>>) target(%arg5 : memref<1x200x128xf32, #tpu.memory_space<vmem>>) target_semaphore(%arg8 : memref<!tpu.dma_semaphore, #tpu.memory_space<semaphore_mem>>)
      } else {
      }
      %add3A_812 = arith.addi %mul3A_2, %add3A_804 : i32
      %dma_wait3A_813 = arith.constant 0 : i32
      %dma_wait3A_814 = arith.constant 0 : i32
      %dma_wait3A_815 = tpu.memref_slice %arg2[%add3A_812, %dma_wait3A_813, %dma_wait3A_814] : memref<4096x200x128xf32, #tpu.memory_space<hbm>> -> memref<1x200x128xf32, #tpu.memory_space<hbm>>
      %dma_wait3A_816 = arith.constant 0 : i32
      %dma_wait3A_817 = arith.constant 0 : i32
      %dma_wait3A_818 = tpu.memref_slice %arg2[%add3A_812, %dma_wait3A_816, %dma_wait3A_817] : memref<4096x200x128xf32, #tpu.memory_space<hbm>> -> memref<1x200x128xf32, #tpu.memory_space<hbm>>
      tpu.wait_dma2 semaphore(%arg7 : memref<!tpu.dma_semaphore, #tpu.memory_space<semaphore_mem>>) src(%dma_wait3A_818 : memref<1x200x128xf32, #tpu.memory_space<hbm>>) dst(%arg4 : memref<1x200x128xf32, #tpu.memory_space<vmem>>)
      %scan3A_819 = arith.constant 0 : i32
      %scan3A_820 = arith.constant 0 : i32
      %scan3A_821 = arith.constant 12 : i32
      %scan3A_822 = arith.addi %scan3A_820, %scan3A_821 : i32
      %scan3A_823 = arith.constant 1 : i32
      scf.for %scan3A_1278 = %scan3A_820 to %scan3A_822 step %scan3A_823  : i32 {
        %iota3A_1279 = tpu.iota {dimensions = array<i32: 0>} : vector<16xi32>
        %mul3A_1280 = arith.constant 16 : i32
        %mul3A_1281 = arith.muli %scan3A_1278, %mul3A_1280 : i32
        %add3A_1282 = vector.broadcast %mul3A_1281 : i32 to vector<16xi32>
        %add3A_1283 = arith.addi %iota3A_1279, %add3A_1282 : vector<16xi32>
        %mul3A_1284 = arith.constant 5 : i32
        %mul3A_1285 = vector.broadcast %mul3A_1284 : i32 to vector<16xi32>
        %mul3A_1286 = arith.muli %add3A_1283, %mul3A_1285 : vector<16xi32>
        %add3A_1287 = arith.constant 10000 : i32
        %add3A_1288 = vector.broadcast %add3A_1287 : i32 to vector<16xi32>
        %add3A_1289 = arith.addi %mul3A_1286, %add3A_1288 : vector<16xi32>
        %broadcast_in_dim3A_1290 = arith.constant 0 : i32
        %broadcast_in_dim3A_1291 = vector.broadcast %broadcast_in_dim3A_1290 : i32 to vector<16xi32>
        %broadcast_in_dim3A_1292 = arith.constant 0 : i32
        %broadcast_in_dim3A_1293 = vector.broadcast %broadcast_in_dim3A_1292 : i32 to vector<16xi32>
        %gather3A_1294 = tpu.vector_load_idx %arg4[%broadcast_in_dim3A_1293, %add3A_1283, %broadcast_in_dim3A_1291] : memref<1x200x128xf32, #tpu.memory_space<vmem>>[vector<16xi32>, vector<16xi32>, vector<16xi32>], vector<16xf32>,
        %add3A_1295 = arith.constant 0 : i32
        %add3A_1296 = vector.broadcast %add3A_1295 : i32 to vector<16xi32>
        %add3A_1297 = arith.addi %add3A_1289, %add3A_1296 : vector<16xi32>
        tpu.vector_store_idx %arg6[%add3A_1297], %gather3A_1294 : memref<16000xf32, #tpu.memory_space<vmem>>[vector<16xi32>], vector<16xf32>,
        %broadcast_in_dim3A_1298 = arith.constant 5 : i32
        %broadcast_in_dim3A_1299 = vector.broadcast %broadcast_in_dim3A_1298 : i32 to vector<16xi32>
        %broadcast_in_dim3A_1300 = arith.constant 0 : i32
        %broadcast_in_dim3A_1301 = vector.broadcast %broadcast_in_dim3A_1300 : i32 to vector<16xi32>
        %gather3A_1302 = tpu.vector_load_idx %arg4[%broadcast_in_dim3A_1301, %add3A_1283, %broadcast_in_dim3A_1299] : memref<1x200x128xf32, #tpu.memory_space<vmem>>[vector<16xi32>, vector<16xi32>, vector<16xi32>], vector<16xf32>,
        %add3A_1303 = arith.constant 1 : i32
        %add3A_1304 = vector.broadcast %add3A_1303 : i32 to vector<16xi32>
        %add3A_1305 = arith.addi %add3A_1289, %add3A_1304 : vector<16xi32>
        tpu.vector_store_idx %arg6[%add3A_1305], %gather3A_1302 : memref<16000xf32, #tpu.memory_space<vmem>>[vector<16xi32>], vector<16xf32>,
        %broadcast_in_dim3A_1306 = arith.constant 17 : i32
        %broadcast_in_dim3A_1307 = vector.broadcast %broadcast_in_dim3A_1306 : i32 to vector<16xi32>
        %broadcast_in_dim3A_1308 = arith.constant 0 : i32
        %broadcast_in_dim3A_1309 = vector.broadcast %broadcast_in_dim3A_1308 : i32 to vector<16xi32>
        %gather3A_1310 = tpu.vector_load_idx %arg4[%broadcast_in_dim3A_1309, %add3A_1283, %broadcast_in_dim3A_1307] : memref<1x200x128xf32, #tpu.memory_space<vmem>>[vector<16xi32>, vector<16xi32>, vector<16xi32>], vector<16xf32>,
        %add3A_1311 = arith.constant 2 : i32
        %add3A_1312 = vector.broadcast %add3A_1311 : i32 to vector<16xi32>
        %add3A_1313 = arith.addi %add3A_1289, %add3A_1312 : vector<16xi32>
        tpu.vector_store_idx %arg6[%add3A_1313], %gather3A_1310 : memref<16000xf32, #tpu.memory_space<vmem>>[vector<16xi32>], vector<16xf32>,
        %broadcast_in_dim3A_1314 = arith.constant 42 : i32
        %broadcast_in_dim3A_1315 = vector.broadcast %broadcast_in_dim3A_1314 : i32 to vector<16xi32>
        %broadcast_in_dim3A_1316 = arith.constant 0 : i32
        %broadcast_in_dim3A_1317 = vector.broadcast %broadcast_in_dim3A_1316 : i32 to vector<16xi32>
        %gather3A_1318 = tpu.vector_load_idx %arg4[%broadcast_in_dim3A_1317, %add3A_1283, %broadcast_in_dim3A_1315] : memref<1x200x128xf32, #tpu.memory_space<vmem>>[vector<16xi32>, vector<16xi32>, vector<16xi32>], vector<16xf32>,
        %add3A_1319 = arith.constant 3 : i32
        %add3A_1320 = vector.broadcast %add3A_1319 : i32 to vector<16xi32>
        %add3A_1321 = arith.addi %add3A_1289, %add3A_1320 : vector<16xi32>
        tpu.vector_store_idx %arg6[%add3A_1321], %gather3A_1318 : memref<16000xf32, #tpu.memory_space<vmem>>[vector<16xi32>], vector<16xf32>,
        %broadcast_in_dim3A_1322 = arith.constant 99 : i32
        %broadcast_in_dim3A_1323 = vector.broadcast %broadcast_in_dim3A_1322 : i32 to vector<16xi32>
        %broadcast_in_dim3A_1324 = arith.constant 0 : i32
        %broadcast_in_dim3A_1325 = vector.broadcast %broadcast_in_dim3A_1324 : i32 to vector<16xi32>
        %gather3A_1326 = tpu.vector_load_idx %arg4[%broadcast_in_dim3A_1325, %add3A_1283, %broadcast_in_dim3A_1323] : memref<1x200x128xf32, #tpu.memory_space<vmem>>[vector<16xi32>, vector<16xi32>, vector<16xi32>], vector<16xf32>,
        %add3A_1327 = arith.constant 4 : i32
        %add3A_1328 = vector.broadcast %add3A_1327 : i32 to vector<16xi32>
        %add3A_1329 = arith.addi %add3A_1289, %add3A_1328 : vector<16xi32>
        tpu.vector_store_idx %arg6[%add3A_1329], %gather3A_1326 : memref<16000xf32, #tpu.memory_space<vmem>>[vector<16xi32>], vector<16xf32>,
      }
      %scan3A_824 = arith.constant 12 : i32
      %iota3A_825 = tpu.iota {dimensions = array<i32: 0>} : vector<16xi32>
      %lt3A_826 = arith.constant 8 : i32
      %lt3A_827 = vector.broadcast %lt3A_826 : i32 to vector<16xi32>
      %lt3A_828 = arith.cmpi slt, %iota3A_825, %lt3A_827 : vector<16xi32>
      %iota3A_829 = tpu.iota {dimensions = array<i32: 0>} : vector<16xi32>
      %add3A_830 = arith.constant 192 : i32
      %add3A_831 = vector.broadcast %add3A_830 : i32 to vector<16xi32>
      %add3A_832 = arith.addi %iota3A_829, %add3A_831 : vector<16xi32>
      %mul3A_833 = arith.constant 5 : i32
      %mul3A_834 = vector.broadcast %mul3A_833 : i32 to vector<16xi32>
      %mul3A_835 = arith.muli %add3A_832, %mul3A_834 : vector<16xi32>
      %add3A_836 = arith.constant 10000 : i32
      %add3A_837 = vector.broadcast %add3A_836 : i32 to vector<16xi32>
      %add3A_838 = arith.addi %mul3A_835, %add3A_837 : vector<16xi32>
      %broadcast_in_dim3A_839 = arith.constant 0 : i32
      %broadcast_in_dim3A_840 = vector.broadcast %broadcast_in_dim3A_839 : i32 to vector<16xi32>
      %broadcast_in_dim3A_841 = arith.constant 0 : i32
      %broadcast_in_dim3A_842 = vector.broadcast %broadcast_in_dim3A_841 : i32 to vector<16xi32>
      %gather3A_843 = tpu.vector_load_idx %arg4[%broadcast_in_dim3A_842, %add3A_832, %broadcast_in_dim3A_840] masked %lt3A_828 : memref<1x200x128xf32, #tpu.memory_space<vmem>>[vector<16xi32>, vector<16xi32>, vector<16xi32>], vector<16xf32>, vector<16xi1>
      %add3A_844 = arith.constant 0 : i32
      %add3A_845 = vector.broadcast %add3A_844 : i32 to vector<16xi32>
      %add3A_846 = arith.addi %add3A_838, %add3A_845 : vector<16xi32>
      tpu.vector_store_idx %arg6[%add3A_846], %gather3A_843 masked %lt3A_828 : memref<16000xf32, #tpu.memory_space<vmem>>[vector<16xi32>], vector<16xf32>, vector<16xi1>
      %broadcast_in_dim3A_847 = arith.constant 5 : i32
      %broadcast_in_dim3A_848 = vector.broadcast %broadcast_in_dim3A_847 : i32 to vector<16xi32>
      %broadcast_in_dim3A_849 = arith.constant 0 : i32
      %broadcast_in_dim3A_850 = vector.broadcast %broadcast_in_dim3A_849 : i32 to vector<16xi32>
      %gather3A_851 = tpu.vector_load_idx %arg4[%broadcast_in_dim3A_850, %add3A_832, %broadcast_in_dim3A_848] masked %lt3A_828 : memref<1x200x128xf32, #tpu.memory_space<vmem>>[vector<16xi32>, vector<16xi32>, vector<16xi32>], vector<16xf32>, vector<16xi1>
      %add3A_852 = arith.constant 1 : i32
      %add3A_853 = vector.broadcast %add3A_852 : i32 to vector<16xi32>
      %add3A_854 = arith.addi %add3A_838, %add3A_853 : vector<16xi32>
      tpu.vector_store_idx %arg6[%add3A_854], %gather3A_851 masked %lt3A_828 : memref<16000xf32, #tpu.memory_space<vmem>>[vector<16xi32>], vector<16xf32>, vector<16xi1>
      %broadcast_in_dim3A_855 = arith.constant 17 : i32
      %broadcast_in_dim3A_856 = vector.broadcast %broadcast_in_dim3A_855 : i32 to vector<16xi32>
      %broadcast_in_dim3A_857 = arith.constant 0 : i32
      %broadcast_in_dim3A_858 = vector.broadcast %broadcast_in_dim3A_857 : i32 to vector<16xi32>
      %gather3A_859 = tpu.vector_load_idx %arg4[%broadcast_in_dim3A_858, %add3A_832, %broadcast_in_dim3A_856] masked %lt3A_828 : memref<1x200x128xf32, #tpu.memory_space<vmem>>[vector<16xi32>, vector<16xi32>, vector<16xi32>], vector<16xf32>, vector<16xi1>
      %add3A_860 = arith.constant 2 : i32
      %add3A_861 = vector.broadcast %add3A_860 : i32 to vector<16xi32>
      %add3A_862 = arith.addi %add3A_838, %add3A_861 : vector<16xi32>
      tpu.vector_store_idx %arg6[%add3A_862], %gather3A_859 masked %lt3A_828 : memref<16000xf32, #tpu.memory_space<vmem>>[vector<16xi32>], vector<16xf32>, vector<16xi1>
      %broadcast_in_dim3A_863 = arith.constant 42 : i32
      %broadcast_in_dim3A_864 = vector.broadcast %broadcast_in_dim3A_863 : i32 to vector<16xi32>
      %broadcast_in_dim3A_865 = arith.constant 0 : i32
      %broadcast_in_dim3A_866 = vector.broadcast %broadcast_in_dim3A_865 : i32 to vector<16xi32>
      %gather3A_867 = tpu.vector_load_idx %arg4[%broadcast_in_dim3A_866, %add3A_832, %broadcast_in_dim3A_864] masked %lt3A_828 : memref<1x200x128xf32, #tpu.memory_space<vmem>>[vector<16xi32>, vector<16xi32>, vector<16xi32>], vector<16xf32>, vector<16xi1>
      %add3A_868 = arith.constant 3 : i32
      %add3A_869 = vector.broadcast %add3A_868 : i32 to vector<16xi32>
      %add3A_870 = arith.addi %add3A_838, %add3A_869 : vector<16xi32>
      tpu.vector_store_idx %arg6[%add3A_870], %gather3A_867 masked %lt3A_828 : memref<16000xf32, #tpu.memory_space<vmem>>[vector<16xi32>], vector<16xf32>, vector<16xi1>
      %broadcast_in_dim3A_871 = arith.constant 99 : i32
      %broadcast_in_dim3A_872 = vector.broadcast %broadcast_in_dim3A_871 : i32 to vector<16xi32>
      %broadcast_in_dim3A_873 = arith.constant 0 : i32
      %broadcast_in_dim3A_874 = vector.broadcast %broadcast_in_dim3A_873 : i32 to vector<16xi32>
      %gather3A_875 = tpu.vector_load_idx %arg4[%broadcast_in_dim3A_874, %add3A_832, %broadcast_in_dim3A_872] masked %lt3A_828 : memref<1x200x128xf32, #tpu.memory_space<vmem>>[vector<16xi32>, vector<16xi32>, vector<16xi32>], vector<16xf32>, vector<16xi1>
      %add3A_876 = arith.constant 4 : i32
      %add3A_877 = vector.broadcast %add3A_876 : i32 to vector<16xi32>
      %add3A_878 = arith.addi %add3A_838, %add3A_877 : vector<16xi32>
      tpu.vector_store_idx %arg6[%add3A_878], %gather3A_875 masked %lt3A_828 : memref<16000xf32, #tpu.memory_space<vmem>>[vector<16xi32>], vector<16xf32>, vector<16xi1>
      %mul3A_879 = arith.constant 16 : i32
      %mul3A_880 = arith.muli %scan3A_22, %mul3A_879 : i32
      %add3A_881 = arith.constant 11 : i32
      %add3A_882 = arith.addi %mul3A_880, %add3A_881 : i32
      %add3A_883 = arith.constant 1 : i32
      %add3A_884 = arith.addi %add3A_882, %add3A_883 : i32
      %lt3A_885 = arith.constant 128 : i32
      %lt3A_886 = arith.cmpi slt, %add3A_884, %lt3A_885 : i32
      %convert_element_type3A_887 = arith.extui %lt3A_886 : i1 to i32
      %cond3A_888 = arith.constant 0 : i32
      %cond3A_889 = arith.cmpi ne, %convert_element_type3A_887, %cond3A_888 : i32
      scf.if %cond3A_889 {
        %add3A_1278 = arith.constant 1 : i32
        %add3A_1279 = arith.addi %add3A_882, %add3A_1278 : i32
        %add3A_1280 = arith.addi %mul3A_2, %add3A_1279 : i32
        %dma_start3A_1281 = arith.constant 0 : i32
        %dma_start3A_1282 = arith.constant 0 : i32
        %dma_start3A_1283 = tpu.memref_slice %arg2[%add3A_1280, %dma_start3A_1281, %dma_start3A_1282] : memref<4096x200x128xf32, #tpu.memory_space<hbm>> -> memref<1x200x128xf32, #tpu.memory_space<hbm>>
        %dma_start3A_1284 = arith.constant 0 : i32
        %dma_start3A_1285 = arith.constant 0 : i32
        %dma_start3A_1286 = tpu.memref_slice %arg2[%add3A_1280, %dma_start3A_1284, %dma_start3A_1285] : memref<4096x200x128xf32, #tpu.memory_space<hbm>> -> memref<1x200x128xf32, #tpu.memory_space<hbm>>
        tpu.enqueue_dma source(%dma_start3A_1286 : memref<1x200x128xf32, #tpu.memory_space<hbm>>) target(%arg4 : memref<1x200x128xf32, #tpu.memory_space<vmem>>) target_semaphore(%arg7 : memref<!tpu.dma_semaphore, #tpu.memory_space<semaphore_mem>>)
      } else {
      }
      %add3A_890 = arith.addi %mul3A_2, %add3A_882 : i32
      %dma_wait3A_891 = arith.constant 0 : i32
      %dma_wait3A_892 = arith.constant 0 : i32
      %dma_wait3A_893 = tpu.memref_slice %arg2[%add3A_890, %dma_wait3A_891, %dma_wait3A_892] : memref<4096x200x128xf32, #tpu.memory_space<hbm>> -> memref<1x200x128xf32, #tpu.memory_space<hbm>>
      %dma_wait3A_894 = arith.constant 0 : i32
      %dma_wait3A_895 = arith.constant 0 : i32
      %dma_wait3A_896 = tpu.memref_slice %arg2[%add3A_890, %dma_wait3A_894, %dma_wait3A_895] : memref<4096x200x128xf32, #tpu.memory_space<hbm>> -> memref<1x200x128xf32, #tpu.memory_space<hbm>>
      tpu.wait_dma2 semaphore(%arg8 : memref<!tpu.dma_semaphore, #tpu.memory_space<semaphore_mem>>) src(%dma_wait3A_896 : memref<1x200x128xf32, #tpu.memory_space<hbm>>) dst(%arg5 : memref<1x200x128xf32, #tpu.memory_space<vmem>>)
      %scan3A_897 = arith.constant 0 : i32
      %scan3A_898 = arith.constant 0 : i32
      %scan3A_899 = arith.constant 12 : i32
      %scan3A_900 = arith.addi %scan3A_898, %scan3A_899 : i32
      %scan3A_901 = arith.constant 1 : i32
      scf.for %scan3A_1278 = %scan3A_898 to %scan3A_900 step %scan3A_901  : i32 {
        %iota3A_1279 = tpu.iota {dimensions = array<i32: 0>} : vector<16xi32>
        %mul3A_1280 = arith.constant 16 : i32
        %mul3A_1281 = arith.muli %scan3A_1278, %mul3A_1280 : i32
        %add3A_1282 = vector.broadcast %mul3A_1281 : i32 to vector<16xi32>
        %add3A_1283 = arith.addi %iota3A_1279, %add3A_1282 : vector<16xi32>
        %mul3A_1284 = arith.constant 5 : i32
        %mul3A_1285 = vector.broadcast %mul3A_1284 : i32 to vector<16xi32>
        %mul3A_1286 = arith.muli %add3A_1283, %mul3A_1285 : vector<16xi32>
        %add3A_1287 = arith.constant 11000 : i32
        %add3A_1288 = vector.broadcast %add3A_1287 : i32 to vector<16xi32>
        %add3A_1289 = arith.addi %mul3A_1286, %add3A_1288 : vector<16xi32>
        %broadcast_in_dim3A_1290 = arith.constant 0 : i32
        %broadcast_in_dim3A_1291 = vector.broadcast %broadcast_in_dim3A_1290 : i32 to vector<16xi32>
        %broadcast_in_dim3A_1292 = arith.constant 0 : i32
        %broadcast_in_dim3A_1293 = vector.broadcast %broadcast_in_dim3A_1292 : i32 to vector<16xi32>
        %gather3A_1294 = tpu.vector_load_idx %arg5[%broadcast_in_dim3A_1293, %add3A_1283, %broadcast_in_dim3A_1291] : memref<1x200x128xf32, #tpu.memory_space<vmem>>[vector<16xi32>, vector<16xi32>, vector<16xi32>], vector<16xf32>,
        %add3A_1295 = arith.constant 0 : i32
        %add3A_1296 = vector.broadcast %add3A_1295 : i32 to vector<16xi32>
        %add3A_1297 = arith.addi %add3A_1289, %add3A_1296 : vector<16xi32>
        tpu.vector_store_idx %arg6[%add3A_1297], %gather3A_1294 : memref<16000xf32, #tpu.memory_space<vmem>>[vector<16xi32>], vector<16xf32>,
        %broadcast_in_dim3A_1298 = arith.constant 5 : i32
        %broadcast_in_dim3A_1299 = vector.broadcast %broadcast_in_dim3A_1298 : i32 to vector<16xi32>
        %broadcast_in_dim3A_1300 = arith.constant 0 : i32
        %broadcast_in_dim3A_1301 = vector.broadcast %broadcast_in_dim3A_1300 : i32 to vector<16xi32>
        %gather3A_1302 = tpu.vector_load_idx %arg5[%broadcast_in_dim3A_1301, %add3A_1283, %broadcast_in_dim3A_1299] : memref<1x200x128xf32, #tpu.memory_space<vmem>>[vector<16xi32>, vector<16xi32>, vector<16xi32>], vector<16xf32>,
        %add3A_1303 = arith.constant 1 : i32
        %add3A_1304 = vector.broadcast %add3A_1303 : i32 to vector<16xi32>
        %add3A_1305 = arith.addi %add3A_1289, %add3A_1304 : vector<16xi32>
        tpu.vector_store_idx %arg6[%add3A_1305], %gather3A_1302 : memref<16000xf32, #tpu.memory_space<vmem>>[vector<16xi32>], vector<16xf32>,
        %broadcast_in_dim3A_1306 = arith.constant 17 : i32
        %broadcast_in_dim3A_1307 = vector.broadcast %broadcast_in_dim3A_1306 : i32 to vector<16xi32>
        %broadcast_in_dim3A_1308 = arith.constant 0 : i32
        %broadcast_in_dim3A_1309 = vector.broadcast %broadcast_in_dim3A_1308 : i32 to vector<16xi32>
        %gather3A_1310 = tpu.vector_load_idx %arg5[%broadcast_in_dim3A_1309, %add3A_1283, %broadcast_in_dim3A_1307] : memref<1x200x128xf32, #tpu.memory_space<vmem>>[vector<16xi32>, vector<16xi32>, vector<16xi32>], vector<16xf32>,
        %add3A_1311 = arith.constant 2 : i32
        %add3A_1312 = vector.broadcast %add3A_1311 : i32 to vector<16xi32>
        %add3A_1313 = arith.addi %add3A_1289, %add3A_1312 : vector<16xi32>
        tpu.vector_store_idx %arg6[%add3A_1313], %gather3A_1310 : memref<16000xf32, #tpu.memory_space<vmem>>[vector<16xi32>], vector<16xf32>,
        %broadcast_in_dim3A_1314 = arith.constant 42 : i32
        %broadcast_in_dim3A_1315 = vector.broadcast %broadcast_in_dim3A_1314 : i32 to vector<16xi32>
        %broadcast_in_dim3A_1316 = arith.constant 0 : i32
        %broadcast_in_dim3A_1317 = vector.broadcast %broadcast_in_dim3A_1316 : i32 to vector<16xi32>
        %gather3A_1318 = tpu.vector_load_idx %arg5[%broadcast_in_dim3A_1317, %add3A_1283, %broadcast_in_dim3A_1315] : memref<1x200x128xf32, #tpu.memory_space<vmem>>[vector<16xi32>, vector<16xi32>, vector<16xi32>], vector<16xf32>,
        %add3A_1319 = arith.constant 3 : i32
        %add3A_1320 = vector.broadcast %add3A_1319 : i32 to vector<16xi32>
        %add3A_1321 = arith.addi %add3A_1289, %add3A_1320 : vector<16xi32>
        tpu.vector_store_idx %arg6[%add3A_1321], %gather3A_1318 : memref<16000xf32, #tpu.memory_space<vmem>>[vector<16xi32>], vector<16xf32>,
        %broadcast_in_dim3A_1322 = arith.constant 99 : i32
        %broadcast_in_dim3A_1323 = vector.broadcast %broadcast_in_dim3A_1322 : i32 to vector<16xi32>
        %broadcast_in_dim3A_1324 = arith.constant 0 : i32
        %broadcast_in_dim3A_1325 = vector.broadcast %broadcast_in_dim3A_1324 : i32 to vector<16xi32>
        %gather3A_1326 = tpu.vector_load_idx %arg5[%broadcast_in_dim3A_1325, %add3A_1283, %broadcast_in_dim3A_1323] : memref<1x200x128xf32, #tpu.memory_space<vmem>>[vector<16xi32>, vector<16xi32>, vector<16xi32>], vector<16xf32>,
        %add3A_1327 = arith.constant 4 : i32
        %add3A_1328 = vector.broadcast %add3A_1327 : i32 to vector<16xi32>
        %add3A_1329 = arith.addi %add3A_1289, %add3A_1328 : vector<16xi32>
        tpu.vector_store_idx %arg6[%add3A_1329], %gather3A_1326 : memref<16000xf32, #tpu.memory_space<vmem>>[vector<16xi32>], vector<16xf32>,
      }
      %scan3A_902 = arith.constant 12 : i32
      %iota3A_903 = tpu.iota {dimensions = array<i32: 0>} : vector<16xi32>
      %lt3A_904 = arith.constant 8 : i32
      %lt3A_905 = vector.broadcast %lt3A_904 : i32 to vector<16xi32>
      %lt3A_906 = arith.cmpi slt, %iota3A_903, %lt3A_905 : vector<16xi32>
      %iota3A_907 = tpu.iota {dimensions = array<i32: 0>} : vector<16xi32>
      %add3A_908 = arith.constant 192 : i32
      %add3A_909 = vector.broadcast %add3A_908 : i32 to vector<16xi32>
      %add3A_910 = arith.addi %iota3A_907, %add3A_909 : vector<16xi32>
      %mul3A_911 = arith.constant 5 : i32
      %mul3A_912 = vector.broadcast %mul3A_911 : i32 to vector<16xi32>
      %mul3A_913 = arith.muli %add3A_910, %mul3A_912 : vector<16xi32>
      %add3A_914 = arith.constant 11000 : i32
      %add3A_915 = vector.broadcast %add3A_914 : i32 to vector<16xi32>
      %add3A_916 = arith.addi %mul3A_913, %add3A_915 : vector<16xi32>
      %broadcast_in_dim3A_917 = arith.constant 0 : i32
      %broadcast_in_dim3A_918 = vector.broadcast %broadcast_in_dim3A_917 : i32 to vector<16xi32>
      %broadcast_in_dim3A_919 = arith.constant 0 : i32
      %broadcast_in_dim3A_920 = vector.broadcast %broadcast_in_dim3A_919 : i32 to vector<16xi32>
      %gather3A_921 = tpu.vector_load_idx %arg5[%broadcast_in_dim3A_920, %add3A_910, %broadcast_in_dim3A_918] masked %lt3A_906 : memref<1x200x128xf32, #tpu.memory_space<vmem>>[vector<16xi32>, vector<16xi32>, vector<16xi32>], vector<16xf32>, vector<16xi1>
      %add3A_922 = arith.constant 0 : i32
      %add3A_923 = vector.broadcast %add3A_922 : i32 to vector<16xi32>
      %add3A_924 = arith.addi %add3A_916, %add3A_923 : vector<16xi32>
      tpu.vector_store_idx %arg6[%add3A_924], %gather3A_921 masked %lt3A_906 : memref<16000xf32, #tpu.memory_space<vmem>>[vector<16xi32>], vector<16xf32>, vector<16xi1>
      %broadcast_in_dim3A_925 = arith.constant 5 : i32
      %broadcast_in_dim3A_926 = vector.broadcast %broadcast_in_dim3A_925 : i32 to vector<16xi32>
      %broadcast_in_dim3A_927 = arith.constant 0 : i32
      %broadcast_in_dim3A_928 = vector.broadcast %broadcast_in_dim3A_927 : i32 to vector<16xi32>
      %gather3A_929 = tpu.vector_load_idx %arg5[%broadcast_in_dim3A_928, %add3A_910, %broadcast_in_dim3A_926] masked %lt3A_906 : memref<1x200x128xf32, #tpu.memory_space<vmem>>[vector<16xi32>, vector<16xi32>, vector<16xi32>], vector<16xf32>, vector<16xi1>
      %add3A_930 = arith.constant 1 : i32
      %add3A_931 = vector.broadcast %add3A_930 : i32 to vector<16xi32>
      %add3A_932 = arith.addi %add3A_916, %add3A_931 : vector<16xi32>
      tpu.vector_store_idx %arg6[%add3A_932], %gather3A_929 masked %lt3A_906 : memref<16000xf32, #tpu.memory_space<vmem>>[vector<16xi32>], vector<16xf32>, vector<16xi1>
      %broadcast_in_dim3A_933 = arith.constant 17 : i32
      %broadcast_in_dim3A_934 = vector.broadcast %broadcast_in_dim3A_933 : i32 to vector<16xi32>
      %broadcast_in_dim3A_935 = arith.constant 0 : i32
      %broadcast_in_dim3A_936 = vector.broadcast %broadcast_in_dim3A_935 : i32 to vector<16xi32>
      %gather3A_937 = tpu.vector_load_idx %arg5[%broadcast_in_dim3A_936, %add3A_910, %broadcast_in_dim3A_934] masked %lt3A_906 : memref<1x200x128xf32, #tpu.memory_space<vmem>>[vector<16xi32>, vector<16xi32>, vector<16xi32>], vector<16xf32>, vector<16xi1>
      %add3A_938 = arith.constant 2 : i32
      %add3A_939 = vector.broadcast %add3A_938 : i32 to vector<16xi32>
      %add3A_940 = arith.addi %add3A_916, %add3A_939 : vector<16xi32>
      tpu.vector_store_idx %arg6[%add3A_940], %gather3A_937 masked %lt3A_906 : memref<16000xf32, #tpu.memory_space<vmem>>[vector<16xi32>], vector<16xf32>, vector<16xi1>
      %broadcast_in_dim3A_941 = arith.constant 42 : i32
      %broadcast_in_dim3A_942 = vector.broadcast %broadcast_in_dim3A_941 : i32 to vector<16xi32>
      %broadcast_in_dim3A_943 = arith.constant 0 : i32
      %broadcast_in_dim3A_944 = vector.broadcast %broadcast_in_dim3A_943 : i32 to vector<16xi32>
      %gather3A_945 = tpu.vector_load_idx %arg5[%broadcast_in_dim3A_944, %add3A_910, %broadcast_in_dim3A_942] masked %lt3A_906 : memref<1x200x128xf32, #tpu.memory_space<vmem>>[vector<16xi32>, vector<16xi32>, vector<16xi32>], vector<16xf32>, vector<16xi1>
      %add3A_946 = arith.constant 3 : i32
      %add3A_947 = vector.broadcast %add3A_946 : i32 to vector<16xi32>
      %add3A_948 = arith.addi %add3A_916, %add3A_947 : vector<16xi32>
      tpu.vector_store_idx %arg6[%add3A_948], %gather3A_945 masked %lt3A_906 : memref<16000xf32, #tpu.memory_space<vmem>>[vector<16xi32>], vector<16xf32>, vector<16xi1>
      %broadcast_in_dim3A_949 = arith.constant 99 : i32
      %broadcast_in_dim3A_950 = vector.broadcast %broadcast_in_dim3A_949 : i32 to vector<16xi32>
      %broadcast_in_dim3A_951 = arith.constant 0 : i32
      %broadcast_in_dim3A_952 = vector.broadcast %broadcast_in_dim3A_951 : i32 to vector<16xi32>
      %gather3A_953 = tpu.vector_load_idx %arg5[%broadcast_in_dim3A_952, %add3A_910, %broadcast_in_dim3A_950] masked %lt3A_906 : memref<1x200x128xf32, #tpu.memory_space<vmem>>[vector<16xi32>, vector<16xi32>, vector<16xi32>], vector<16xf32>, vector<16xi1>
      %add3A_954 = arith.constant 4 : i32
      %add3A_955 = vector.broadcast %add3A_954 : i32 to vector<16xi32>
      %add3A_956 = arith.addi %add3A_916, %add3A_955 : vector<16xi32>
      tpu.vector_store_idx %arg6[%add3A_956], %gather3A_953 masked %lt3A_906 : memref<16000xf32, #tpu.memory_space<vmem>>[vector<16xi32>], vector<16xf32>, vector<16xi1>
      %mul3A_957 = arith.constant 16 : i32
      %mul3A_958 = arith.muli %scan3A_22, %mul3A_957 : i32
      %add3A_959 = arith.constant 12 : i32
      %add3A_960 = arith.addi %mul3A_958, %add3A_959 : i32
      %add3A_961 = arith.constant 1 : i32
      %add3A_962 = arith.addi %add3A_960, %add3A_961 : i32
      %lt3A_963 = arith.constant 128 : i32
      %lt3A_964 = arith.cmpi slt, %add3A_962, %lt3A_963 : i32
      %convert_element_type3A_965 = arith.extui %lt3A_964 : i1 to i32
      %cond3A_966 = arith.constant 0 : i32
      %cond3A_967 = arith.cmpi ne, %convert_element_type3A_965, %cond3A_966 : i32
      scf.if %cond3A_967 {
        %add3A_1278 = arith.constant 1 : i32
        %add3A_1279 = arith.addi %add3A_960, %add3A_1278 : i32
        %add3A_1280 = arith.addi %mul3A_2, %add3A_1279 : i32
        %dma_start3A_1281 = arith.constant 0 : i32
        %dma_start3A_1282 = arith.constant 0 : i32
        %dma_start3A_1283 = tpu.memref_slice %arg2[%add3A_1280, %dma_start3A_1281, %dma_start3A_1282] : memref<4096x200x128xf32, #tpu.memory_space<hbm>> -> memref<1x200x128xf32, #tpu.memory_space<hbm>>
        %dma_start3A_1284 = arith.constant 0 : i32
        %dma_start3A_1285 = arith.constant 0 : i32
        %dma_start3A_1286 = tpu.memref_slice %arg2[%add3A_1280, %dma_start3A_1284, %dma_start3A_1285] : memref<4096x200x128xf32, #tpu.memory_space<hbm>> -> memref<1x200x128xf32, #tpu.memory_space<hbm>>
        tpu.enqueue_dma source(%dma_start3A_1286 : memref<1x200x128xf32, #tpu.memory_space<hbm>>) target(%arg5 : memref<1x200x128xf32, #tpu.memory_space<vmem>>) target_semaphore(%arg8 : memref<!tpu.dma_semaphore, #tpu.memory_space<semaphore_mem>>)
      } else {
      }
      %add3A_968 = arith.addi %mul3A_2, %add3A_960 : i32
      %dma_wait3A_969 = arith.constant 0 : i32
      %dma_wait3A_970 = arith.constant 0 : i32
      %dma_wait3A_971 = tpu.memref_slice %arg2[%add3A_968, %dma_wait3A_969, %dma_wait3A_970] : memref<4096x200x128xf32, #tpu.memory_space<hbm>> -> memref<1x200x128xf32, #tpu.memory_space<hbm>>
      %dma_wait3A_972 = arith.constant 0 : i32
      %dma_wait3A_973 = arith.constant 0 : i32
      %dma_wait3A_974 = tpu.memref_slice %arg2[%add3A_968, %dma_wait3A_972, %dma_wait3A_973] : memref<4096x200x128xf32, #tpu.memory_space<hbm>> -> memref<1x200x128xf32, #tpu.memory_space<hbm>>
      tpu.wait_dma2 semaphore(%arg7 : memref<!tpu.dma_semaphore, #tpu.memory_space<semaphore_mem>>) src(%dma_wait3A_974 : memref<1x200x128xf32, #tpu.memory_space<hbm>>) dst(%arg4 : memref<1x200x128xf32, #tpu.memory_space<vmem>>)
      %scan3A_975 = arith.constant 0 : i32
      %scan3A_976 = arith.constant 0 : i32
      %scan3A_977 = arith.constant 12 : i32
      %scan3A_978 = arith.addi %scan3A_976, %scan3A_977 : i32
      %scan3A_979 = arith.constant 1 : i32
      scf.for %scan3A_1278 = %scan3A_976 to %scan3A_978 step %scan3A_979  : i32 {
        %iota3A_1279 = tpu.iota {dimensions = array<i32: 0>} : vector<16xi32>
        %mul3A_1280 = arith.constant 16 : i32
        %mul3A_1281 = arith.muli %scan3A_1278, %mul3A_1280 : i32
        %add3A_1282 = vector.broadcast %mul3A_1281 : i32 to vector<16xi32>
        %add3A_1283 = arith.addi %iota3A_1279, %add3A_1282 : vector<16xi32>
        %mul3A_1284 = arith.constant 5 : i32
        %mul3A_1285 = vector.broadcast %mul3A_1284 : i32 to vector<16xi32>
        %mul3A_1286 = arith.muli %add3A_1283, %mul3A_1285 : vector<16xi32>
        %add3A_1287 = arith.constant 12000 : i32
        %add3A_1288 = vector.broadcast %add3A_1287 : i32 to vector<16xi32>
        %add3A_1289 = arith.addi %mul3A_1286, %add3A_1288 : vector<16xi32>
        %broadcast_in_dim3A_1290 = arith.constant 0 : i32
        %broadcast_in_dim3A_1291 = vector.broadcast %broadcast_in_dim3A_1290 : i32 to vector<16xi32>
        %broadcast_in_dim3A_1292 = arith.constant 0 : i32
        %broadcast_in_dim3A_1293 = vector.broadcast %broadcast_in_dim3A_1292 : i32 to vector<16xi32>
        %gather3A_1294 = tpu.vector_load_idx %arg4[%broadcast_in_dim3A_1293, %add3A_1283, %broadcast_in_dim3A_1291] : memref<1x200x128xf32, #tpu.memory_space<vmem>>[vector<16xi32>, vector<16xi32>, vector<16xi32>], vector<16xf32>,
        %add3A_1295 = arith.constant 0 : i32
        %add3A_1296 = vector.broadcast %add3A_1295 : i32 to vector<16xi32>
        %add3A_1297 = arith.addi %add3A_1289, %add3A_1296 : vector<16xi32>
        tpu.vector_store_idx %arg6[%add3A_1297], %gather3A_1294 : memref<16000xf32, #tpu.memory_space<vmem>>[vector<16xi32>], vector<16xf32>,
        %broadcast_in_dim3A_1298 = arith.constant 5 : i32
        %broadcast_in_dim3A_1299 = vector.broadcast %broadcast_in_dim3A_1298 : i32 to vector<16xi32>
        %broadcast_in_dim3A_1300 = arith.constant 0 : i32
        %broadcast_in_dim3A_1301 = vector.broadcast %broadcast_in_dim3A_1300 : i32 to vector<16xi32>
        %gather3A_1302 = tpu.vector_load_idx %arg4[%broadcast_in_dim3A_1301, %add3A_1283, %broadcast_in_dim3A_1299] : memref<1x200x128xf32, #tpu.memory_space<vmem>>[vector<16xi32>, vector<16xi32>, vector<16xi32>], vector<16xf32>,
        %add3A_1303 = arith.constant 1 : i32
        %add3A_1304 = vector.broadcast %add3A_1303 : i32 to vector<16xi32>
        %add3A_1305 = arith.addi %add3A_1289, %add3A_1304 : vector<16xi32>
        tpu.vector_store_idx %arg6[%add3A_1305], %gather3A_1302 : memref<16000xf32, #tpu.memory_space<vmem>>[vector<16xi32>], vector<16xf32>,
        %broadcast_in_dim3A_1306 = arith.constant 17 : i32
        %broadcast_in_dim3A_1307 = vector.broadcast %broadcast_in_dim3A_1306 : i32 to vector<16xi32>
        %broadcast_in_dim3A_1308 = arith.constant 0 : i32
        %broadcast_in_dim3A_1309 = vector.broadcast %broadcast_in_dim3A_1308 : i32 to vector<16xi32>
        %gather3A_1310 = tpu.vector_load_idx %arg4[%broadcast_in_dim3A_1309, %add3A_1283, %broadcast_in_dim3A_1307] : memref<1x200x128xf32, #tpu.memory_space<vmem>>[vector<16xi32>, vector<16xi32>, vector<16xi32>], vector<16xf32>,
        %add3A_1311 = arith.constant 2 : i32
        %add3A_1312 = vector.broadcast %add3A_1311 : i32 to vector<16xi32>
        %add3A_1313 = arith.addi %add3A_1289, %add3A_1312 : vector<16xi32>
        tpu.vector_store_idx %arg6[%add3A_1313], %gather3A_1310 : memref<16000xf32, #tpu.memory_space<vmem>>[vector<16xi32>], vector<16xf32>,
        %broadcast_in_dim3A_1314 = arith.constant 42 : i32
        %broadcast_in_dim3A_1315 = vector.broadcast %broadcast_in_dim3A_1314 : i32 to vector<16xi32>
        %broadcast_in_dim3A_1316 = arith.constant 0 : i32
        %broadcast_in_dim3A_1317 = vector.broadcast %broadcast_in_dim3A_1316 : i32 to vector<16xi32>
        %gather3A_1318 = tpu.vector_load_idx %arg4[%broadcast_in_dim3A_1317, %add3A_1283, %broadcast_in_dim3A_1315] : memref<1x200x128xf32, #tpu.memory_space<vmem>>[vector<16xi32>, vector<16xi32>, vector<16xi32>], vector<16xf32>,
        %add3A_1319 = arith.constant 3 : i32
        %add3A_1320 = vector.broadcast %add3A_1319 : i32 to vector<16xi32>
        %add3A_1321 = arith.addi %add3A_1289, %add3A_1320 : vector<16xi32>
        tpu.vector_store_idx %arg6[%add3A_1321], %gather3A_1318 : memref<16000xf32, #tpu.memory_space<vmem>>[vector<16xi32>], vector<16xf32>,
        %broadcast_in_dim3A_1322 = arith.constant 99 : i32
        %broadcast_in_dim3A_1323 = vector.broadcast %broadcast_in_dim3A_1322 : i32 to vector<16xi32>
        %broadcast_in_dim3A_1324 = arith.constant 0 : i32
        %broadcast_in_dim3A_1325 = vector.broadcast %broadcast_in_dim3A_1324 : i32 to vector<16xi32>
        %gather3A_1326 = tpu.vector_load_idx %arg4[%broadcast_in_dim3A_1325, %add3A_1283, %broadcast_in_dim3A_1323] : memref<1x200x128xf32, #tpu.memory_space<vmem>>[vector<16xi32>, vector<16xi32>, vector<16xi32>], vector<16xf32>,
        %add3A_1327 = arith.constant 4 : i32
        %add3A_1328 = vector.broadcast %add3A_1327 : i32 to vector<16xi32>
        %add3A_1329 = arith.addi %add3A_1289, %add3A_1328 : vector<16xi32>
        tpu.vector_store_idx %arg6[%add3A_1329], %gather3A_1326 : memref<16000xf32, #tpu.memory_space<vmem>>[vector<16xi32>], vector<16xf32>,
      }
      %scan3A_980 = arith.constant 12 : i32
      %iota3A_981 = tpu.iota {dimensions = array<i32: 0>} : vector<16xi32>
      %lt3A_982 = arith.constant 8 : i32
      %lt3A_983 = vector.broadcast %lt3A_982 : i32 to vector<16xi32>
      %lt3A_984 = arith.cmpi slt, %iota3A_981, %lt3A_983 : vector<16xi32>
      %iota3A_985 = tpu.iota {dimensions = array<i32: 0>} : vector<16xi32>
      %add3A_986 = arith.constant 192 : i32
      %add3A_987 = vector.broadcast %add3A_986 : i32 to vector<16xi32>
      %add3A_988 = arith.addi %iota3A_985, %add3A_987 : vector<16xi32>
      %mul3A_989 = arith.constant 5 : i32
      %mul3A_990 = vector.broadcast %mul3A_989 : i32 to vector<16xi32>
      %mul3A_991 = arith.muli %add3A_988, %mul3A_990 : vector<16xi32>
      %add3A_992 = arith.constant 12000 : i32
      %add3A_993 = vector.broadcast %add3A_992 : i32 to vector<16xi32>
      %add3A_994 = arith.addi %mul3A_991, %add3A_993 : vector<16xi32>
      %broadcast_in_dim3A_995 = arith.constant 0 : i32
      %broadcast_in_dim3A_996 = vector.broadcast %broadcast_in_dim3A_995 : i32 to vector<16xi32>
      %broadcast_in_dim3A_997 = arith.constant 0 : i32
      %broadcast_in_dim3A_998 = vector.broadcast %broadcast_in_dim3A_997 : i32 to vector<16xi32>
      %gather3A_999 = tpu.vector_load_idx %arg4[%broadcast_in_dim3A_998, %add3A_988, %broadcast_in_dim3A_996] masked %lt3A_984 : memref<1x200x128xf32, #tpu.memory_space<vmem>>[vector<16xi32>, vector<16xi32>, vector<16xi32>], vector<16xf32>, vector<16xi1>
      %add3A_1000 = arith.constant 0 : i32
      %add3A_1001 = vector.broadcast %add3A_1000 : i32 to vector<16xi32>
      %add3A_1002 = arith.addi %add3A_994, %add3A_1001 : vector<16xi32>
      tpu.vector_store_idx %arg6[%add3A_1002], %gather3A_999 masked %lt3A_984 : memref<16000xf32, #tpu.memory_space<vmem>>[vector<16xi32>], vector<16xf32>, vector<16xi1>
      %broadcast_in_dim3A_1003 = arith.constant 5 : i32
      %broadcast_in_dim3A_1004 = vector.broadcast %broadcast_in_dim3A_1003 : i32 to vector<16xi32>
      %broadcast_in_dim3A_1005 = arith.constant 0 : i32
      %broadcast_in_dim3A_1006 = vector.broadcast %broadcast_in_dim3A_1005 : i32 to vector<16xi32>
      %gather3A_1007 = tpu.vector_load_idx %arg4[%broadcast_in_dim3A_1006, %add3A_988, %broadcast_in_dim3A_1004] masked %lt3A_984 : memref<1x200x128xf32, #tpu.memory_space<vmem>>[vector<16xi32>, vector<16xi32>, vector<16xi32>], vector<16xf32>, vector<16xi1>
      %add3A_1008 = arith.constant 1 : i32
      %add3A_1009 = vector.broadcast %add3A_1008 : i32 to vector<16xi32>
      %add3A_1010 = arith.addi %add3A_994, %add3A_1009 : vector<16xi32>
      tpu.vector_store_idx %arg6[%add3A_1010], %gather3A_1007 masked %lt3A_984 : memref<16000xf32, #tpu.memory_space<vmem>>[vector<16xi32>], vector<16xf32>, vector<16xi1>
      %broadcast_in_dim3A_1011 = arith.constant 17 : i32
      %broadcast_in_dim3A_1012 = vector.broadcast %broadcast_in_dim3A_1011 : i32 to vector<16xi32>
      %broadcast_in_dim3A_1013 = arith.constant 0 : i32
      %broadcast_in_dim3A_1014 = vector.broadcast %broadcast_in_dim3A_1013 : i32 to vector<16xi32>
      %gather3A_1015 = tpu.vector_load_idx %arg4[%broadcast_in_dim3A_1014, %add3A_988, %broadcast_in_dim3A_1012] masked %lt3A_984 : memref<1x200x128xf32, #tpu.memory_space<vmem>>[vector<16xi32>, vector<16xi32>, vector<16xi32>], vector<16xf32>, vector<16xi1>
      %add3A_1016 = arith.constant 2 : i32
      %add3A_1017 = vector.broadcast %add3A_1016 : i32 to vector<16xi32>
      %add3A_1018 = arith.addi %add3A_994, %add3A_1017 : vector<16xi32>
      tpu.vector_store_idx %arg6[%add3A_1018], %gather3A_1015 masked %lt3A_984 : memref<16000xf32, #tpu.memory_space<vmem>>[vector<16xi32>], vector<16xf32>, vector<16xi1>
      %broadcast_in_dim3A_1019 = arith.constant 42 : i32
      %broadcast_in_dim3A_1020 = vector.broadcast %broadcast_in_dim3A_1019 : i32 to vector<16xi32>
      %broadcast_in_dim3A_1021 = arith.constant 0 : i32
      %broadcast_in_dim3A_1022 = vector.broadcast %broadcast_in_dim3A_1021 : i32 to vector<16xi32>
      %gather3A_1023 = tpu.vector_load_idx %arg4[%broadcast_in_dim3A_1022, %add3A_988, %broadcast_in_dim3A_1020] masked %lt3A_984 : memref<1x200x128xf32, #tpu.memory_space<vmem>>[vector<16xi32>, vector<16xi32>, vector<16xi32>], vector<16xf32>, vector<16xi1>
      %add3A_1024 = arith.constant 3 : i32
      %add3A_1025 = vector.broadcast %add3A_1024 : i32 to vector<16xi32>
      %add3A_1026 = arith.addi %add3A_994, %add3A_1025 : vector<16xi32>
      tpu.vector_store_idx %arg6[%add3A_1026], %gather3A_1023 masked %lt3A_984 : memref<16000xf32, #tpu.memory_space<vmem>>[vector<16xi32>], vector<16xf32>, vector<16xi1>
      %broadcast_in_dim3A_1027 = arith.constant 99 : i32
      %broadcast_in_dim3A_1028 = vector.broadcast %broadcast_in_dim3A_1027 : i32 to vector<16xi32>
      %broadcast_in_dim3A_1029 = arith.constant 0 : i32
      %broadcast_in_dim3A_1030 = vector.broadcast %broadcast_in_dim3A_1029 : i32 to vector<16xi32>
      %gather3A_1031 = tpu.vector_load_idx %arg4[%broadcast_in_dim3A_1030, %add3A_988, %broadcast_in_dim3A_1028] masked %lt3A_984 : memref<1x200x128xf32, #tpu.memory_space<vmem>>[vector<16xi32>, vector<16xi32>, vector<16xi32>], vector<16xf32>, vector<16xi1>
      %add3A_1032 = arith.constant 4 : i32
      %add3A_1033 = vector.broadcast %add3A_1032 : i32 to vector<16xi32>
      %add3A_1034 = arith.addi %add3A_994, %add3A_1033 : vector<16xi32>
      tpu.vector_store_idx %arg6[%add3A_1034], %gather3A_1031 masked %lt3A_984 : memref<16000xf32, #tpu.memory_space<vmem>>[vector<16xi32>], vector<16xf32>, vector<16xi1>
      %mul3A_1035 = arith.constant 16 : i32
      %mul3A_1036 = arith.muli %scan3A_22, %mul3A_1035 : i32
      %add3A_1037 = arith.constant 13 : i32
      %add3A_1038 = arith.addi %mul3A_1036, %add3A_1037 : i32
      %add3A_1039 = arith.constant 1 : i32
      %add3A_1040 = arith.addi %add3A_1038, %add3A_1039 : i32
      %lt3A_1041 = arith.constant 128 : i32
      %lt3A_1042 = arith.cmpi slt, %add3A_1040, %lt3A_1041 : i32
      %convert_element_type3A_1043 = arith.extui %lt3A_1042 : i1 to i32
      %cond3A_1044 = arith.constant 0 : i32
      %cond3A_1045 = arith.cmpi ne, %convert_element_type3A_1043, %cond3A_1044 : i32
      scf.if %cond3A_1045 {
        %add3A_1278 = arith.constant 1 : i32
        %add3A_1279 = arith.addi %add3A_1038, %add3A_1278 : i32
        %add3A_1280 = arith.addi %mul3A_2, %add3A_1279 : i32
        %dma_start3A_1281 = arith.constant 0 : i32
        %dma_start3A_1282 = arith.constant 0 : i32
        %dma_start3A_1283 = tpu.memref_slice %arg2[%add3A_1280, %dma_start3A_1281, %dma_start3A_1282] : memref<4096x200x128xf32, #tpu.memory_space<hbm>> -> memref<1x200x128xf32, #tpu.memory_space<hbm>>
        %dma_start3A_1284 = arith.constant 0 : i32
        %dma_start3A_1285 = arith.constant 0 : i32
        %dma_start3A_1286 = tpu.memref_slice %arg2[%add3A_1280, %dma_start3A_1284, %dma_start3A_1285] : memref<4096x200x128xf32, #tpu.memory_space<hbm>> -> memref<1x200x128xf32, #tpu.memory_space<hbm>>
        tpu.enqueue_dma source(%dma_start3A_1286 : memref<1x200x128xf32, #tpu.memory_space<hbm>>) target(%arg4 : memref<1x200x128xf32, #tpu.memory_space<vmem>>) target_semaphore(%arg7 : memref<!tpu.dma_semaphore, #tpu.memory_space<semaphore_mem>>)
      } else {
      }
      %add3A_1046 = arith.addi %mul3A_2, %add3A_1038 : i32
      %dma_wait3A_1047 = arith.constant 0 : i32
      %dma_wait3A_1048 = arith.constant 0 : i32
      %dma_wait3A_1049 = tpu.memref_slice %arg2[%add3A_1046, %dma_wait3A_1047, %dma_wait3A_1048] : memref<4096x200x128xf32, #tpu.memory_space<hbm>> -> memref<1x200x128xf32, #tpu.memory_space<hbm>>
      %dma_wait3A_1050 = arith.constant 0 : i32
      %dma_wait3A_1051 = arith.constant 0 : i32
      %dma_wait3A_1052 = tpu.memref_slice %arg2[%add3A_1046, %dma_wait3A_1050, %dma_wait3A_1051] : memref<4096x200x128xf32, #tpu.memory_space<hbm>> -> memref<1x200x128xf32, #tpu.memory_space<hbm>>
      tpu.wait_dma2 semaphore(%arg8 : memref<!tpu.dma_semaphore, #tpu.memory_space<semaphore_mem>>) src(%dma_wait3A_1052 : memref<1x200x128xf32, #tpu.memory_space<hbm>>) dst(%arg5 : memref<1x200x128xf32, #tpu.memory_space<vmem>>)
      %scan3A_1053 = arith.constant 0 : i32
      %scan3A_1054 = arith.constant 0 : i32
      %scan3A_1055 = arith.constant 12 : i32
      %scan3A_1056 = arith.addi %scan3A_1054, %scan3A_1055 : i32
      %scan3A_1057 = arith.constant 1 : i32
      scf.for %scan3A_1278 = %scan3A_1054 to %scan3A_1056 step %scan3A_1057  : i32 {
        %iota3A_1279 = tpu.iota {dimensions = array<i32: 0>} : vector<16xi32>
        %mul3A_1280 = arith.constant 16 : i32
        %mul3A_1281 = arith.muli %scan3A_1278, %mul3A_1280 : i32
        %add3A_1282 = vector.broadcast %mul3A_1281 : i32 to vector<16xi32>
        %add3A_1283 = arith.addi %iota3A_1279, %add3A_1282 : vector<16xi32>
        %mul3A_1284 = arith.constant 5 : i32
        %mul3A_1285 = vector.broadcast %mul3A_1284 : i32 to vector<16xi32>
        %mul3A_1286 = arith.muli %add3A_1283, %mul3A_1285 : vector<16xi32>
        %add3A_1287 = arith.constant 13000 : i32
        %add3A_1288 = vector.broadcast %add3A_1287 : i32 to vector<16xi32>
        %add3A_1289 = arith.addi %mul3A_1286, %add3A_1288 : vector<16xi32>
        %broadcast_in_dim3A_1290 = arith.constant 0 : i32
        %broadcast_in_dim3A_1291 = vector.broadcast %broadcast_in_dim3A_1290 : i32 to vector<16xi32>
        %broadcast_in_dim3A_1292 = arith.constant 0 : i32
        %broadcast_in_dim3A_1293 = vector.broadcast %broadcast_in_dim3A_1292 : i32 to vector<16xi32>
        %gather3A_1294 = tpu.vector_load_idx %arg5[%broadcast_in_dim3A_1293, %add3A_1283, %broadcast_in_dim3A_1291] : memref<1x200x128xf32, #tpu.memory_space<vmem>>[vector<16xi32>, vector<16xi32>, vector<16xi32>], vector<16xf32>,
        %add3A_1295 = arith.constant 0 : i32
        %add3A_1296 = vector.broadcast %add3A_1295 : i32 to vector<16xi32>
        %add3A_1297 = arith.addi %add3A_1289, %add3A_1296 : vector<16xi32>
        tpu.vector_store_idx %arg6[%add3A_1297], %gather3A_1294 : memref<16000xf32, #tpu.memory_space<vmem>>[vector<16xi32>], vector<16xf32>,
        %broadcast_in_dim3A_1298 = arith.constant 5 : i32
        %broadcast_in_dim3A_1299 = vector.broadcast %broadcast_in_dim3A_1298 : i32 to vector<16xi32>
        %broadcast_in_dim3A_1300 = arith.constant 0 : i32
        %broadcast_in_dim3A_1301 = vector.broadcast %broadcast_in_dim3A_1300 : i32 to vector<16xi32>
        %gather3A_1302 = tpu.vector_load_idx %arg5[%broadcast_in_dim3A_1301, %add3A_1283, %broadcast_in_dim3A_1299] : memref<1x200x128xf32, #tpu.memory_space<vmem>>[vector<16xi32>, vector<16xi32>, vector<16xi32>], vector<16xf32>,
        %add3A_1303 = arith.constant 1 : i32
        %add3A_1304 = vector.broadcast %add3A_1303 : i32 to vector<16xi32>
        %add3A_1305 = arith.addi %add3A_1289, %add3A_1304 : vector<16xi32>
        tpu.vector_store_idx %arg6[%add3A_1305], %gather3A_1302 : memref<16000xf32, #tpu.memory_space<vmem>>[vector<16xi32>], vector<16xf32>,
        %broadcast_in_dim3A_1306 = arith.constant 17 : i32
        %broadcast_in_dim3A_1307 = vector.broadcast %broadcast_in_dim3A_1306 : i32 to vector<16xi32>
        %broadcast_in_dim3A_1308 = arith.constant 0 : i32
        %broadcast_in_dim3A_1309 = vector.broadcast %broadcast_in_dim3A_1308 : i32 to vector<16xi32>
        %gather3A_1310 = tpu.vector_load_idx %arg5[%broadcast_in_dim3A_1309, %add3A_1283, %broadcast_in_dim3A_1307] : memref<1x200x128xf32, #tpu.memory_space<vmem>>[vector<16xi32>, vector<16xi32>, vector<16xi32>], vector<16xf32>,
        %add3A_1311 = arith.constant 2 : i32
        %add3A_1312 = vector.broadcast %add3A_1311 : i32 to vector<16xi32>
        %add3A_1313 = arith.addi %add3A_1289, %add3A_1312 : vector<16xi32>
        tpu.vector_store_idx %arg6[%add3A_1313], %gather3A_1310 : memref<16000xf32, #tpu.memory_space<vmem>>[vector<16xi32>], vector<16xf32>,
        %broadcast_in_dim3A_1314 = arith.constant 42 : i32
        %broadcast_in_dim3A_1315 = vector.broadcast %broadcast_in_dim3A_1314 : i32 to vector<16xi32>
        %broadcast_in_dim3A_1316 = arith.constant 0 : i32
        %broadcast_in_dim3A_1317 = vector.broadcast %broadcast_in_dim3A_1316 : i32 to vector<16xi32>
        %gather3A_1318 = tpu.vector_load_idx %arg5[%broadcast_in_dim3A_1317, %add3A_1283, %broadcast_in_dim3A_1315] : memref<1x200x128xf32, #tpu.memory_space<vmem>>[vector<16xi32>, vector<16xi32>, vector<16xi32>], vector<16xf32>,
        %add3A_1319 = arith.constant 3 : i32
        %add3A_1320 = vector.broadcast %add3A_1319 : i32 to vector<16xi32>
        %add3A_1321 = arith.addi %add3A_1289, %add3A_1320 : vector<16xi32>
        tpu.vector_store_idx %arg6[%add3A_1321], %gather3A_1318 : memref<16000xf32, #tpu.memory_space<vmem>>[vector<16xi32>], vector<16xf32>,
        %broadcast_in_dim3A_1322 = arith.constant 99 : i32
        %broadcast_in_dim3A_1323 = vector.broadcast %broadcast_in_dim3A_1322 : i32 to vector<16xi32>
        %broadcast_in_dim3A_1324 = arith.constant 0 : i32
        %broadcast_in_dim3A_1325 = vector.broadcast %broadcast_in_dim3A_1324 : i32 to vector<16xi32>
        %gather3A_1326 = tpu.vector_load_idx %arg5[%broadcast_in_dim3A_1325, %add3A_1283, %broadcast_in_dim3A_1323] : memref<1x200x128xf32, #tpu.memory_space<vmem>>[vector<16xi32>, vector<16xi32>, vector<16xi32>], vector<16xf32>,
        %add3A_1327 = arith.constant 4 : i32
        %add3A_1328 = vector.broadcast %add3A_1327 : i32 to vector<16xi32>
        %add3A_1329 = arith.addi %add3A_1289, %add3A_1328 : vector<16xi32>
        tpu.vector_store_idx %arg6[%add3A_1329], %gather3A_1326 : memref<16000xf32, #tpu.memory_space<vmem>>[vector<16xi32>], vector<16xf32>,
      }
      %scan3A_1058 = arith.constant 12 : i32
      %iota3A_1059 = tpu.iota {dimensions = array<i32: 0>} : vector<16xi32>
      %lt3A_1060 = arith.constant 8 : i32
      %lt3A_1061 = vector.broadcast %lt3A_1060 : i32 to vector<16xi32>
      %lt3A_1062 = arith.cmpi slt, %iota3A_1059, %lt3A_1061 : vector<16xi32>
      %iota3A_1063 = tpu.iota {dimensions = array<i32: 0>} : vector<16xi32>
      %add3A_1064 = arith.constant 192 : i32
      %add3A_1065 = vector.broadcast %add3A_1064 : i32 to vector<16xi32>
      %add3A_1066 = arith.addi %iota3A_1063, %add3A_1065 : vector<16xi32>
      %mul3A_1067 = arith.constant 5 : i32
      %mul3A_1068 = vector.broadcast %mul3A_1067 : i32 to vector<16xi32>
      %mul3A_1069 = arith.muli %add3A_1066, %mul3A_1068 : vector<16xi32>
      %add3A_1070 = arith.constant 13000 : i32
      %add3A_1071 = vector.broadcast %add3A_1070 : i32 to vector<16xi32>
      %add3A_1072 = arith.addi %mul3A_1069, %add3A_1071 : vector<16xi32>
      %broadcast_in_dim3A_1073 = arith.constant 0 : i32
      %broadcast_in_dim3A_1074 = vector.broadcast %broadcast_in_dim3A_1073 : i32 to vector<16xi32>
      %broadcast_in_dim3A_1075 = arith.constant 0 : i32
      %broadcast_in_dim3A_1076 = vector.broadcast %broadcast_in_dim3A_1075 : i32 to vector<16xi32>
      %gather3A_1077 = tpu.vector_load_idx %arg5[%broadcast_in_dim3A_1076, %add3A_1066, %broadcast_in_dim3A_1074] masked %lt3A_1062 : memref<1x200x128xf32, #tpu.memory_space<vmem>>[vector<16xi32>, vector<16xi32>, vector<16xi32>], vector<16xf32>, vector<16xi1>
      %add3A_1078 = arith.constant 0 : i32
      %add3A_1079 = vector.broadcast %add3A_1078 : i32 to vector<16xi32>
      %add3A_1080 = arith.addi %add3A_1072, %add3A_1079 : vector<16xi32>
      tpu.vector_store_idx %arg6[%add3A_1080], %gather3A_1077 masked %lt3A_1062 : memref<16000xf32, #tpu.memory_space<vmem>>[vector<16xi32>], vector<16xf32>, vector<16xi1>
      %broadcast_in_dim3A_1081 = arith.constant 5 : i32
      %broadcast_in_dim3A_1082 = vector.broadcast %broadcast_in_dim3A_1081 : i32 to vector<16xi32>
      %broadcast_in_dim3A_1083 = arith.constant 0 : i32
      %broadcast_in_dim3A_1084 = vector.broadcast %broadcast_in_dim3A_1083 : i32 to vector<16xi32>
      %gather3A_1085 = tpu.vector_load_idx %arg5[%broadcast_in_dim3A_1084, %add3A_1066, %broadcast_in_dim3A_1082] masked %lt3A_1062 : memref<1x200x128xf32, #tpu.memory_space<vmem>>[vector<16xi32>, vector<16xi32>, vector<16xi32>], vector<16xf32>, vector<16xi1>
      %add3A_1086 = arith.constant 1 : i32
      %add3A_1087 = vector.broadcast %add3A_1086 : i32 to vector<16xi32>
      %add3A_1088 = arith.addi %add3A_1072, %add3A_1087 : vector<16xi32>
      tpu.vector_store_idx %arg6[%add3A_1088], %gather3A_1085 masked %lt3A_1062 : memref<16000xf32, #tpu.memory_space<vmem>>[vector<16xi32>], vector<16xf32>, vector<16xi1>
      %broadcast_in_dim3A_1089 = arith.constant 17 : i32
      %broadcast_in_dim3A_1090 = vector.broadcast %broadcast_in_dim3A_1089 : i32 to vector<16xi32>
      %broadcast_in_dim3A_1091 = arith.constant 0 : i32
      %broadcast_in_dim3A_1092 = vector.broadcast %broadcast_in_dim3A_1091 : i32 to vector<16xi32>
      %gather3A_1093 = tpu.vector_load_idx %arg5[%broadcast_in_dim3A_1092, %add3A_1066, %broadcast_in_dim3A_1090] masked %lt3A_1062 : memref<1x200x128xf32, #tpu.memory_space<vmem>>[vector<16xi32>, vector<16xi32>, vector<16xi32>], vector<16xf32>, vector<16xi1>
      %add3A_1094 = arith.constant 2 : i32
      %add3A_1095 = vector.broadcast %add3A_1094 : i32 to vector<16xi32>
      %add3A_1096 = arith.addi %add3A_1072, %add3A_1095 : vector<16xi32>
      tpu.vector_store_idx %arg6[%add3A_1096], %gather3A_1093 masked %lt3A_1062 : memref<16000xf32, #tpu.memory_space<vmem>>[vector<16xi32>], vector<16xf32>, vector<16xi1>
      %broadcast_in_dim3A_1097 = arith.constant 42 : i32
      %broadcast_in_dim3A_1098 = vector.broadcast %broadcast_in_dim3A_1097 : i32 to vector<16xi32>
      %broadcast_in_dim3A_1099 = arith.constant 0 : i32
      %broadcast_in_dim3A_1100 = vector.broadcast %broadcast_in_dim3A_1099 : i32 to vector<16xi32>
      %gather3A_1101 = tpu.vector_load_idx %arg5[%broadcast_in_dim3A_1100, %add3A_1066, %broadcast_in_dim3A_1098] masked %lt3A_1062 : memref<1x200x128xf32, #tpu.memory_space<vmem>>[vector<16xi32>, vector<16xi32>, vector<16xi32>], vector<16xf32>, vector<16xi1>
      %add3A_1102 = arith.constant 3 : i32
      %add3A_1103 = vector.broadcast %add3A_1102 : i32 to vector<16xi32>
      %add3A_1104 = arith.addi %add3A_1072, %add3A_1103 : vector<16xi32>
      tpu.vector_store_idx %arg6[%add3A_1104], %gather3A_1101 masked %lt3A_1062 : memref<16000xf32, #tpu.memory_space<vmem>>[vector<16xi32>], vector<16xf32>, vector<16xi1>
      %broadcast_in_dim3A_1105 = arith.constant 99 : i32
      %broadcast_in_dim3A_1106 = vector.broadcast %broadcast_in_dim3A_1105 : i32 to vector<16xi32>
      %broadcast_in_dim3A_1107 = arith.constant 0 : i32
      %broadcast_in_dim3A_1108 = vector.broadcast %broadcast_in_dim3A_1107 : i32 to vector<16xi32>
      %gather3A_1109 = tpu.vector_load_idx %arg5[%broadcast_in_dim3A_1108, %add3A_1066, %broadcast_in_dim3A_1106] masked %lt3A_1062 : memref<1x200x128xf32, #tpu.memory_space<vmem>>[vector<16xi32>, vector<16xi32>, vector<16xi32>], vector<16xf32>, vector<16xi1>
      %add3A_1110 = arith.constant 4 : i32
      %add3A_1111 = vector.broadcast %add3A_1110 : i32 to vector<16xi32>
      %add3A_1112 = arith.addi %add3A_1072, %add3A_1111 : vector<16xi32>
      tpu.vector_store_idx %arg6[%add3A_1112], %gather3A_1109 masked %lt3A_1062 : memref<16000xf32, #tpu.memory_space<vmem>>[vector<16xi32>], vector<16xf32>, vector<16xi1>
      %mul3A_1113 = arith.constant 16 : i32
      %mul3A_1114 = arith.muli %scan3A_22, %mul3A_1113 : i32
      %add3A_1115 = arith.constant 14 : i32
      %add3A_1116 = arith.addi %mul3A_1114, %add3A_1115 : i32
      %add3A_1117 = arith.constant 1 : i32
      %add3A_1118 = arith.addi %add3A_1116, %add3A_1117 : i32
      %lt3A_1119 = arith.constant 128 : i32
      %lt3A_1120 = arith.cmpi slt, %add3A_1118, %lt3A_1119 : i32
      %convert_element_type3A_1121 = arith.extui %lt3A_1120 : i1 to i32
      %cond3A_1122 = arith.constant 0 : i32
      %cond3A_1123 = arith.cmpi ne, %convert_element_type3A_1121, %cond3A_1122 : i32
      scf.if %cond3A_1123 {
        %add3A_1278 = arith.constant 1 : i32
        %add3A_1279 = arith.addi %add3A_1116, %add3A_1278 : i32
        %add3A_1280 = arith.addi %mul3A_2, %add3A_1279 : i32
        %dma_start3A_1281 = arith.constant 0 : i32
        %dma_start3A_1282 = arith.constant 0 : i32
        %dma_start3A_1283 = tpu.memref_slice %arg2[%add3A_1280, %dma_start3A_1281, %dma_start3A_1282] : memref<4096x200x128xf32, #tpu.memory_space<hbm>> -> memref<1x200x128xf32, #tpu.memory_space<hbm>>
        %dma_start3A_1284 = arith.constant 0 : i32
        %dma_start3A_1285 = arith.constant 0 : i32
        %dma_start3A_1286 = tpu.memref_slice %arg2[%add3A_1280, %dma_start3A_1284, %dma_start3A_1285] : memref<4096x200x128xf32, #tpu.memory_space<hbm>> -> memref<1x200x128xf32, #tpu.memory_space<hbm>>
        tpu.enqueue_dma source(%dma_start3A_1286 : memref<1x200x128xf32, #tpu.memory_space<hbm>>) target(%arg5 : memref<1x200x128xf32, #tpu.memory_space<vmem>>) target_semaphore(%arg8 : memref<!tpu.dma_semaphore, #tpu.memory_space<semaphore_mem>>)
      } else {
      }
      %add3A_1124 = arith.addi %mul3A_2, %add3A_1116 : i32
      %dma_wait3A_1125 = arith.constant 0 : i32
      %dma_wait3A_1126 = arith.constant 0 : i32
      %dma_wait3A_1127 = tpu.memref_slice %arg2[%add3A_1124, %dma_wait3A_1125, %dma_wait3A_1126] : memref<4096x200x128xf32, #tpu.memory_space<hbm>> -> memref<1x200x128xf32, #tpu.memory_space<hbm>>
      %dma_wait3A_1128 = arith.constant 0 : i32
      %dma_wait3A_1129 = arith.constant 0 : i32
      %dma_wait3A_1130 = tpu.memref_slice %arg2[%add3A_1124, %dma_wait3A_1128, %dma_wait3A_1129] : memref<4096x200x128xf32, #tpu.memory_space<hbm>> -> memref<1x200x128xf32, #tpu.memory_space<hbm>>
      tpu.wait_dma2 semaphore(%arg7 : memref<!tpu.dma_semaphore, #tpu.memory_space<semaphore_mem>>) src(%dma_wait3A_1130 : memref<1x200x128xf32, #tpu.memory_space<hbm>>) dst(%arg4 : memref<1x200x128xf32, #tpu.memory_space<vmem>>)
      %scan3A_1131 = arith.constant 0 : i32
      %scan3A_1132 = arith.constant 0 : i32
      %scan3A_1133 = arith.constant 12 : i32
      %scan3A_1134 = arith.addi %scan3A_1132, %scan3A_1133 : i32
      %scan3A_1135 = arith.constant 1 : i32
      scf.for %scan3A_1278 = %scan3A_1132 to %scan3A_1134 step %scan3A_1135  : i32 {
        %iota3A_1279 = tpu.iota {dimensions = array<i32: 0>} : vector<16xi32>
        %mul3A_1280 = arith.constant 16 : i32
        %mul3A_1281 = arith.muli %scan3A_1278, %mul3A_1280 : i32
        %add3A_1282 = vector.broadcast %mul3A_1281 : i32 to vector<16xi32>
        %add3A_1283 = arith.addi %iota3A_1279, %add3A_1282 : vector<16xi32>
        %mul3A_1284 = arith.constant 5 : i32
        %mul3A_1285 = vector.broadcast %mul3A_1284 : i32 to vector<16xi32>
        %mul3A_1286 = arith.muli %add3A_1283, %mul3A_1285 : vector<16xi32>
        %add3A_1287 = arith.constant 14000 : i32
        %add3A_1288 = vector.broadcast %add3A_1287 : i32 to vector<16xi32>
        %add3A_1289 = arith.addi %mul3A_1286, %add3A_1288 : vector<16xi32>
        %broadcast_in_dim3A_1290 = arith.constant 0 : i32
        %broadcast_in_dim3A_1291 = vector.broadcast %broadcast_in_dim3A_1290 : i32 to vector<16xi32>
        %broadcast_in_dim3A_1292 = arith.constant 0 : i32
        %broadcast_in_dim3A_1293 = vector.broadcast %broadcast_in_dim3A_1292 : i32 to vector<16xi32>
        %gather3A_1294 = tpu.vector_load_idx %arg4[%broadcast_in_dim3A_1293, %add3A_1283, %broadcast_in_dim3A_1291] : memref<1x200x128xf32, #tpu.memory_space<vmem>>[vector<16xi32>, vector<16xi32>, vector<16xi32>], vector<16xf32>,
        %add3A_1295 = arith.constant 0 : i32
        %add3A_1296 = vector.broadcast %add3A_1295 : i32 to vector<16xi32>
        %add3A_1297 = arith.addi %add3A_1289, %add3A_1296 : vector<16xi32>
        tpu.vector_store_idx %arg6[%add3A_1297], %gather3A_1294 : memref<16000xf32, #tpu.memory_space<vmem>>[vector<16xi32>], vector<16xf32>,
        %broadcast_in_dim3A_1298 = arith.constant 5 : i32
        %broadcast_in_dim3A_1299 = vector.broadcast %broadcast_in_dim3A_1298 : i32 to vector<16xi32>
        %broadcast_in_dim3A_1300 = arith.constant 0 : i32
        %broadcast_in_dim3A_1301 = vector.broadcast %broadcast_in_dim3A_1300 : i32 to vector<16xi32>
        %gather3A_1302 = tpu.vector_load_idx %arg4[%broadcast_in_dim3A_1301, %add3A_1283, %broadcast_in_dim3A_1299] : memref<1x200x128xf32, #tpu.memory_space<vmem>>[vector<16xi32>, vector<16xi32>, vector<16xi32>], vector<16xf32>,
        %add3A_1303 = arith.constant 1 : i32
        %add3A_1304 = vector.broadcast %add3A_1303 : i32 to vector<16xi32>
        %add3A_1305 = arith.addi %add3A_1289, %add3A_1304 : vector<16xi32>
        tpu.vector_store_idx %arg6[%add3A_1305], %gather3A_1302 : memref<16000xf32, #tpu.memory_space<vmem>>[vector<16xi32>], vector<16xf32>,
        %broadcast_in_dim3A_1306 = arith.constant 17 : i32
        %broadcast_in_dim3A_1307 = vector.broadcast %broadcast_in_dim3A_1306 : i32 to vector<16xi32>
        %broadcast_in_dim3A_1308 = arith.constant 0 : i32
        %broadcast_in_dim3A_1309 = vector.broadcast %broadcast_in_dim3A_1308 : i32 to vector<16xi32>
        %gather3A_1310 = tpu.vector_load_idx %arg4[%broadcast_in_dim3A_1309, %add3A_1283, %broadcast_in_dim3A_1307] : memref<1x200x128xf32, #tpu.memory_space<vmem>>[vector<16xi32>, vector<16xi32>, vector<16xi32>], vector<16xf32>,
        %add3A_1311 = arith.constant 2 : i32
        %add3A_1312 = vector.broadcast %add3A_1311 : i32 to vector<16xi32>
        %add3A_1313 = arith.addi %add3A_1289, %add3A_1312 : vector<16xi32>
        tpu.vector_store_idx %arg6[%add3A_1313], %gather3A_1310 : memref<16000xf32, #tpu.memory_space<vmem>>[vector<16xi32>], vector<16xf32>,
        %broadcast_in_dim3A_1314 = arith.constant 42 : i32
        %broadcast_in_dim3A_1315 = vector.broadcast %broadcast_in_dim3A_1314 : i32 to vector<16xi32>
        %broadcast_in_dim3A_1316 = arith.constant 0 : i32
        %broadcast_in_dim3A_1317 = vector.broadcast %broadcast_in_dim3A_1316 : i32 to vector<16xi32>
        %gather3A_1318 = tpu.vector_load_idx %arg4[%broadcast_in_dim3A_1317, %add3A_1283, %broadcast_in_dim3A_1315] : memref<1x200x128xf32, #tpu.memory_space<vmem>>[vector<16xi32>, vector<16xi32>, vector<16xi32>], vector<16xf32>,
        %add3A_1319 = arith.constant 3 : i32
        %add3A_1320 = vector.broadcast %add3A_1319 : i32 to vector<16xi32>
        %add3A_1321 = arith.addi %add3A_1289, %add3A_1320 : vector<16xi32>
        tpu.vector_store_idx %arg6[%add3A_1321], %gather3A_1318 : memref<16000xf32, #tpu.memory_space<vmem>>[vector<16xi32>], vector<16xf32>,
        %broadcast_in_dim3A_1322 = arith.constant 99 : i32
        %broadcast_in_dim3A_1323 = vector.broadcast %broadcast_in_dim3A_1322 : i32 to vector<16xi32>
        %broadcast_in_dim3A_1324 = arith.constant 0 : i32
        %broadcast_in_dim3A_1325 = vector.broadcast %broadcast_in_dim3A_1324 : i32 to vector<16xi32>
        %gather3A_1326 = tpu.vector_load_idx %arg4[%broadcast_in_dim3A_1325, %add3A_1283, %broadcast_in_dim3A_1323] : memref<1x200x128xf32, #tpu.memory_space<vmem>>[vector<16xi32>, vector<16xi32>, vector<16xi32>], vector<16xf32>,
        %add3A_1327 = arith.constant 4 : i32
        %add3A_1328 = vector.broadcast %add3A_1327 : i32 to vector<16xi32>
        %add3A_1329 = arith.addi %add3A_1289, %add3A_1328 : vector<16xi32>
        tpu.vector_store_idx %arg6[%add3A_1329], %gather3A_1326 : memref<16000xf32, #tpu.memory_space<vmem>>[vector<16xi32>], vector<16xf32>,
      }
      %scan3A_1136 = arith.constant 12 : i32
      %iota3A_1137 = tpu.iota {dimensions = array<i32: 0>} : vector<16xi32>
      %lt3A_1138 = arith.constant 8 : i32
      %lt3A_1139 = vector.broadcast %lt3A_1138 : i32 to vector<16xi32>
      %lt3A_1140 = arith.cmpi slt, %iota3A_1137, %lt3A_1139 : vector<16xi32>
      %iota3A_1141 = tpu.iota {dimensions = array<i32: 0>} : vector<16xi32>
      %add3A_1142 = arith.constant 192 : i32
      %add3A_1143 = vector.broadcast %add3A_1142 : i32 to vector<16xi32>
      %add3A_1144 = arith.addi %iota3A_1141, %add3A_1143 : vector<16xi32>
      %mul3A_1145 = arith.constant 5 : i32
      %mul3A_1146 = vector.broadcast %mul3A_1145 : i32 to vector<16xi32>
      %mul3A_1147 = arith.muli %add3A_1144, %mul3A_1146 : vector<16xi32>
      %add3A_1148 = arith.constant 14000 : i32
      %add3A_1149 = vector.broadcast %add3A_1148 : i32 to vector<16xi32>
      %add3A_1150 = arith.addi %mul3A_1147, %add3A_1149 : vector<16xi32>
      %broadcast_in_dim3A_1151 = arith.constant 0 : i32
      %broadcast_in_dim3A_1152 = vector.broadcast %broadcast_in_dim3A_1151 : i32 to vector<16xi32>
      %broadcast_in_dim3A_1153 = arith.constant 0 : i32
      %broadcast_in_dim3A_1154 = vector.broadcast %broadcast_in_dim3A_1153 : i32 to vector<16xi32>
      %gather3A_1155 = tpu.vector_load_idx %arg4[%broadcast_in_dim3A_1154, %add3A_1144, %broadcast_in_dim3A_1152] masked %lt3A_1140 : memref<1x200x128xf32, #tpu.memory_space<vmem>>[vector<16xi32>, vector<16xi32>, vector<16xi32>], vector<16xf32>, vector<16xi1>
      %add3A_1156 = arith.constant 0 : i32
      %add3A_1157 = vector.broadcast %add3A_1156 : i32 to vector<16xi32>
      %add3A_1158 = arith.addi %add3A_1150, %add3A_1157 : vector<16xi32>
      tpu.vector_store_idx %arg6[%add3A_1158], %gather3A_1155 masked %lt3A_1140 : memref<16000xf32, #tpu.memory_space<vmem>>[vector<16xi32>], vector<16xf32>, vector<16xi1>
      %broadcast_in_dim3A_1159 = arith.constant 5 : i32
      %broadcast_in_dim3A_1160 = vector.broadcast %broadcast_in_dim3A_1159 : i32 to vector<16xi32>
      %broadcast_in_dim3A_1161 = arith.constant 0 : i32
      %broadcast_in_dim3A_1162 = vector.broadcast %broadcast_in_dim3A_1161 : i32 to vector<16xi32>
      %gather3A_1163 = tpu.vector_load_idx %arg4[%broadcast_in_dim3A_1162, %add3A_1144, %broadcast_in_dim3A_1160] masked %lt3A_1140 : memref<1x200x128xf32, #tpu.memory_space<vmem>>[vector<16xi32>, vector<16xi32>, vector<16xi32>], vector<16xf32>, vector<16xi1>
      %add3A_1164 = arith.constant 1 : i32
      %add3A_1165 = vector.broadcast %add3A_1164 : i32 to vector<16xi32>
      %add3A_1166 = arith.addi %add3A_1150, %add3A_1165 : vector<16xi32>
      tpu.vector_store_idx %arg6[%add3A_1166], %gather3A_1163 masked %lt3A_1140 : memref<16000xf32, #tpu.memory_space<vmem>>[vector<16xi32>], vector<16xf32>, vector<16xi1>
      %broadcast_in_dim3A_1167 = arith.constant 17 : i32
      %broadcast_in_dim3A_1168 = vector.broadcast %broadcast_in_dim3A_1167 : i32 to vector<16xi32>
      %broadcast_in_dim3A_1169 = arith.constant 0 : i32
      %broadcast_in_dim3A_1170 = vector.broadcast %broadcast_in_dim3A_1169 : i32 to vector<16xi32>
      %gather3A_1171 = tpu.vector_load_idx %arg4[%broadcast_in_dim3A_1170, %add3A_1144, %broadcast_in_dim3A_1168] masked %lt3A_1140 : memref<1x200x128xf32, #tpu.memory_space<vmem>>[vector<16xi32>, vector<16xi32>, vector<16xi32>], vector<16xf32>, vector<16xi1>
      %add3A_1172 = arith.constant 2 : i32
      %add3A_1173 = vector.broadcast %add3A_1172 : i32 to vector<16xi32>
      %add3A_1174 = arith.addi %add3A_1150, %add3A_1173 : vector<16xi32>
      tpu.vector_store_idx %arg6[%add3A_1174], %gather3A_1171 masked %lt3A_1140 : memref<16000xf32, #tpu.memory_space<vmem>>[vector<16xi32>], vector<16xf32>, vector<16xi1>
      %broadcast_in_dim3A_1175 = arith.constant 42 : i32
      %broadcast_in_dim3A_1176 = vector.broadcast %broadcast_in_dim3A_1175 : i32 to vector<16xi32>
      %broadcast_in_dim3A_1177 = arith.constant 0 : i32
      %broadcast_in_dim3A_1178 = vector.broadcast %broadcast_in_dim3A_1177 : i32 to vector<16xi32>
      %gather3A_1179 = tpu.vector_load_idx %arg4[%broadcast_in_dim3A_1178, %add3A_1144, %broadcast_in_dim3A_1176] masked %lt3A_1140 : memref<1x200x128xf32, #tpu.memory_space<vmem>>[vector<16xi32>, vector<16xi32>, vector<16xi32>], vector<16xf32>, vector<16xi1>
      %add3A_1180 = arith.constant 3 : i32
      %add3A_1181 = vector.broadcast %add3A_1180 : i32 to vector<16xi32>
      %add3A_1182 = arith.addi %add3A_1150, %add3A_1181 : vector<16xi32>
      tpu.vector_store_idx %arg6[%add3A_1182], %gather3A_1179 masked %lt3A_1140 : memref<16000xf32, #tpu.memory_space<vmem>>[vector<16xi32>], vector<16xf32>, vector<16xi1>
      %broadcast_in_dim3A_1183 = arith.constant 99 : i32
      %broadcast_in_dim3A_1184 = vector.broadcast %broadcast_in_dim3A_1183 : i32 to vector<16xi32>
      %broadcast_in_dim3A_1185 = arith.constant 0 : i32
      %broadcast_in_dim3A_1186 = vector.broadcast %broadcast_in_dim3A_1185 : i32 to vector<16xi32>
      %gather3A_1187 = tpu.vector_load_idx %arg4[%broadcast_in_dim3A_1186, %add3A_1144, %broadcast_in_dim3A_1184] masked %lt3A_1140 : memref<1x200x128xf32, #tpu.memory_space<vmem>>[vector<16xi32>, vector<16xi32>, vector<16xi32>], vector<16xf32>, vector<16xi1>
      %add3A_1188 = arith.constant 4 : i32
      %add3A_1189 = vector.broadcast %add3A_1188 : i32 to vector<16xi32>
      %add3A_1190 = arith.addi %add3A_1150, %add3A_1189 : vector<16xi32>
      tpu.vector_store_idx %arg6[%add3A_1190], %gather3A_1187 masked %lt3A_1140 : memref<16000xf32, #tpu.memory_space<vmem>>[vector<16xi32>], vector<16xf32>, vector<16xi1>
      %mul3A_1191 = arith.constant 16 : i32
      %mul3A_1192 = arith.muli %scan3A_22, %mul3A_1191 : i32
      %add3A_1193 = arith.constant 15 : i32
      %add3A_1194 = arith.addi %mul3A_1192, %add3A_1193 : i32
      %add3A_1195 = arith.constant 1 : i32
      %add3A_1196 = arith.addi %add3A_1194, %add3A_1195 : i32
      %lt3A_1197 = arith.constant 128 : i32
      %lt3A_1198 = arith.cmpi slt, %add3A_1196, %lt3A_1197 : i32
      %convert_element_type3A_1199 = arith.extui %lt3A_1198 : i1 to i32
      %cond3A_1200 = arith.constant 0 : i32
      %cond3A_1201 = arith.cmpi ne, %convert_element_type3A_1199, %cond3A_1200 : i32
      scf.if %cond3A_1201 {
        %add3A_1278 = arith.constant 1 : i32
        %add3A_1279 = arith.addi %add3A_1194, %add3A_1278 : i32
        %add3A_1280 = arith.addi %mul3A_2, %add3A_1279 : i32
        %dma_start3A_1281 = arith.constant 0 : i32
        %dma_start3A_1282 = arith.constant 0 : i32
        %dma_start3A_1283 = tpu.memref_slice %arg2[%add3A_1280, %dma_start3A_1281, %dma_start3A_1282] : memref<4096x200x128xf32, #tpu.memory_space<hbm>> -> memref<1x200x128xf32, #tpu.memory_space<hbm>>
        %dma_start3A_1284 = arith.constant 0 : i32
        %dma_start3A_1285 = arith.constant 0 : i32
        %dma_start3A_1286 = tpu.memref_slice %arg2[%add3A_1280, %dma_start3A_1284, %dma_start3A_1285] : memref<4096x200x128xf32, #tpu.memory_space<hbm>> -> memref<1x200x128xf32, #tpu.memory_space<hbm>>
        tpu.enqueue_dma source(%dma_start3A_1286 : memref<1x200x128xf32, #tpu.memory_space<hbm>>) target(%arg4 : memref<1x200x128xf32, #tpu.memory_space<vmem>>) target_semaphore(%arg7 : memref<!tpu.dma_semaphore, #tpu.memory_space<semaphore_mem>>)
      } else {
      }
      %add3A_1202 = arith.addi %mul3A_2, %add3A_1194 : i32
      %dma_wait3A_1203 = arith.constant 0 : i32
      %dma_wait3A_1204 = arith.constant 0 : i32
      %dma_wait3A_1205 = tpu.memref_slice %arg2[%add3A_1202, %dma_wait3A_1203, %dma_wait3A_1204] : memref<4096x200x128xf32, #tpu.memory_space<hbm>> -> memref<1x200x128xf32, #tpu.memory_space<hbm>>
      %dma_wait3A_1206 = arith.constant 0 : i32
      %dma_wait3A_1207 = arith.constant 0 : i32
      %dma_wait3A_1208 = tpu.memref_slice %arg2[%add3A_1202, %dma_wait3A_1206, %dma_wait3A_1207] : memref<4096x200x128xf32, #tpu.memory_space<hbm>> -> memref<1x200x128xf32, #tpu.memory_space<hbm>>
      tpu.wait_dma2 semaphore(%arg8 : memref<!tpu.dma_semaphore, #tpu.memory_space<semaphore_mem>>) src(%dma_wait3A_1208 : memref<1x200x128xf32, #tpu.memory_space<hbm>>) dst(%arg5 : memref<1x200x128xf32, #tpu.memory_space<vmem>>)
      %scan3A_1209 = arith.constant 0 : i32
      %scan3A_1210 = arith.constant 0 : i32
      %scan3A_1211 = arith.constant 12 : i32
      %scan3A_1212 = arith.addi %scan3A_1210, %scan3A_1211 : i32
      %scan3A_1213 = arith.constant 1 : i32
      scf.for %scan3A_1278 = %scan3A_1210 to %scan3A_1212 step %scan3A_1213  : i32 {
        %iota3A_1279 = tpu.iota {dimensions = array<i32: 0>} : vector<16xi32>
        %mul3A_1280 = arith.constant 16 : i32
        %mul3A_1281 = arith.muli %scan3A_1278, %mul3A_1280 : i32
        %add3A_1282 = vector.broadcast %mul3A_1281 : i32 to vector<16xi32>
        %add3A_1283 = arith.addi %iota3A_1279, %add3A_1282 : vector<16xi32>
        %mul3A_1284 = arith.constant 5 : i32
        %mul3A_1285 = vector.broadcast %mul3A_1284 : i32 to vector<16xi32>
        %mul3A_1286 = arith.muli %add3A_1283, %mul3A_1285 : vector<16xi32>
        %add3A_1287 = arith.constant 15000 : i32
        %add3A_1288 = vector.broadcast %add3A_1287 : i32 to vector<16xi32>
        %add3A_1289 = arith.addi %mul3A_1286, %add3A_1288 : vector<16xi32>
        %broadcast_in_dim3A_1290 = arith.constant 0 : i32
        %broadcast_in_dim3A_1291 = vector.broadcast %broadcast_in_dim3A_1290 : i32 to vector<16xi32>
        %broadcast_in_dim3A_1292 = arith.constant 0 : i32
        %broadcast_in_dim3A_1293 = vector.broadcast %broadcast_in_dim3A_1292 : i32 to vector<16xi32>
        %gather3A_1294 = tpu.vector_load_idx %arg5[%broadcast_in_dim3A_1293, %add3A_1283, %broadcast_in_dim3A_1291] : memref<1x200x128xf32, #tpu.memory_space<vmem>>[vector<16xi32>, vector<16xi32>, vector<16xi32>], vector<16xf32>,
        %add3A_1295 = arith.constant 0 : i32
        %add3A_1296 = vector.broadcast %add3A_1295 : i32 to vector<16xi32>
        %add3A_1297 = arith.addi %add3A_1289, %add3A_1296 : vector<16xi32>
        tpu.vector_store_idx %arg6[%add3A_1297], %gather3A_1294 : memref<16000xf32, #tpu.memory_space<vmem>>[vector<16xi32>], vector<16xf32>,
        %broadcast_in_dim3A_1298 = arith.constant 5 : i32
        %broadcast_in_dim3A_1299 = vector.broadcast %broadcast_in_dim3A_1298 : i32 to vector<16xi32>
        %broadcast_in_dim3A_1300 = arith.constant 0 : i32
        %broadcast_in_dim3A_1301 = vector.broadcast %broadcast_in_dim3A_1300 : i32 to vector<16xi32>
        %gather3A_1302 = tpu.vector_load_idx %arg5[%broadcast_in_dim3A_1301, %add3A_1283, %broadcast_in_dim3A_1299] : memref<1x200x128xf32, #tpu.memory_space<vmem>>[vector<16xi32>, vector<16xi32>, vector<16xi32>], vector<16xf32>,
        %add3A_1303 = arith.constant 1 : i32
        %add3A_1304 = vector.broadcast %add3A_1303 : i32 to vector<16xi32>
        %add3A_1305 = arith.addi %add3A_1289, %add3A_1304 : vector<16xi32>
        tpu.vector_store_idx %arg6[%add3A_1305], %gather3A_1302 : memref<16000xf32, #tpu.memory_space<vmem>>[vector<16xi32>], vector<16xf32>,
        %broadcast_in_dim3A_1306 = arith.constant 17 : i32
        %broadcast_in_dim3A_1307 = vector.broadcast %broadcast_in_dim3A_1306 : i32 to vector<16xi32>
        %broadcast_in_dim3A_1308 = arith.constant 0 : i32
        %broadcast_in_dim3A_1309 = vector.broadcast %broadcast_in_dim3A_1308 : i32 to vector<16xi32>
        %gather3A_1310 = tpu.vector_load_idx %arg5[%broadcast_in_dim3A_1309, %add3A_1283, %broadcast_in_dim3A_1307] : memref<1x200x128xf32, #tpu.memory_space<vmem>>[vector<16xi32>, vector<16xi32>, vector<16xi32>], vector<16xf32>,
        %add3A_1311 = arith.constant 2 : i32
        %add3A_1312 = vector.broadcast %add3A_1311 : i32 to vector<16xi32>
        %add3A_1313 = arith.addi %add3A_1289, %add3A_1312 : vector<16xi32>
        tpu.vector_store_idx %arg6[%add3A_1313], %gather3A_1310 : memref<16000xf32, #tpu.memory_space<vmem>>[vector<16xi32>], vector<16xf32>,
        %broadcast_in_dim3A_1314 = arith.constant 42 : i32
        %broadcast_in_dim3A_1315 = vector.broadcast %broadcast_in_dim3A_1314 : i32 to vector<16xi32>
        %broadcast_in_dim3A_1316 = arith.constant 0 : i32
        %broadcast_in_dim3A_1317 = vector.broadcast %broadcast_in_dim3A_1316 : i32 to vector<16xi32>
        %gather3A_1318 = tpu.vector_load_idx %arg5[%broadcast_in_dim3A_1317, %add3A_1283, %broadcast_in_dim3A_1315] : memref<1x200x128xf32, #tpu.memory_space<vmem>>[vector<16xi32>, vector<16xi32>, vector<16xi32>], vector<16xf32>,
        %add3A_1319 = arith.constant 3 : i32
        %add3A_1320 = vector.broadcast %add3A_1319 : i32 to vector<16xi32>
        %add3A_1321 = arith.addi %add3A_1289, %add3A_1320 : vector<16xi32>
        tpu.vector_store_idx %arg6[%add3A_1321], %gather3A_1318 : memref<16000xf32, #tpu.memory_space<vmem>>[vector<16xi32>], vector<16xf32>,
        %broadcast_in_dim3A_1322 = arith.constant 99 : i32
        %broadcast_in_dim3A_1323 = vector.broadcast %broadcast_in_dim3A_1322 : i32 to vector<16xi32>
        %broadcast_in_dim3A_1324 = arith.constant 0 : i32
        %broadcast_in_dim3A_1325 = vector.broadcast %broadcast_in_dim3A_1324 : i32 to vector<16xi32>
        %gather3A_1326 = tpu.vector_load_idx %arg5[%broadcast_in_dim3A_1325, %add3A_1283, %broadcast_in_dim3A_1323] : memref<1x200x128xf32, #tpu.memory_space<vmem>>[vector<16xi32>, vector<16xi32>, vector<16xi32>], vector<16xf32>,
        %add3A_1327 = arith.constant 4 : i32
        %add3A_1328 = vector.broadcast %add3A_1327 : i32 to vector<16xi32>
        %add3A_1329 = arith.addi %add3A_1289, %add3A_1328 : vector<16xi32>
        tpu.vector_store_idx %arg6[%add3A_1329], %gather3A_1326 : memref<16000xf32, #tpu.memory_space<vmem>>[vector<16xi32>], vector<16xf32>,
      }
      %scan3A_1214 = arith.constant 12 : i32
      %iota3A_1215 = tpu.iota {dimensions = array<i32: 0>} : vector<16xi32>
      %lt3A_1216 = arith.constant 8 : i32
      %lt3A_1217 = vector.broadcast %lt3A_1216 : i32 to vector<16xi32>
      %lt3A_1218 = arith.cmpi slt, %iota3A_1215, %lt3A_1217 : vector<16xi32>
      %iota3A_1219 = tpu.iota {dimensions = array<i32: 0>} : vector<16xi32>
      %add3A_1220 = arith.constant 192 : i32
      %add3A_1221 = vector.broadcast %add3A_1220 : i32 to vector<16xi32>
      %add3A_1222 = arith.addi %iota3A_1219, %add3A_1221 : vector<16xi32>
      %mul3A_1223 = arith.constant 5 : i32
      %mul3A_1224 = vector.broadcast %mul3A_1223 : i32 to vector<16xi32>
      %mul3A_1225 = arith.muli %add3A_1222, %mul3A_1224 : vector<16xi32>
      %add3A_1226 = arith.constant 15000 : i32
      %add3A_1227 = vector.broadcast %add3A_1226 : i32 to vector<16xi32>
      %add3A_1228 = arith.addi %mul3A_1225, %add3A_1227 : vector<16xi32>
      %broadcast_in_dim3A_1229 = arith.constant 0 : i32
      %broadcast_in_dim3A_1230 = vector.broadcast %broadcast_in_dim3A_1229 : i32 to vector<16xi32>
      %broadcast_in_dim3A_1231 = arith.constant 0 : i32
      %broadcast_in_dim3A_1232 = vector.broadcast %broadcast_in_dim3A_1231 : i32 to vector<16xi32>
      %gather3A_1233 = tpu.vector_load_idx %arg5[%broadcast_in_dim3A_1232, %add3A_1222, %broadcast_in_dim3A_1230] masked %lt3A_1218 : memref<1x200x128xf32, #tpu.memory_space<vmem>>[vector<16xi32>, vector<16xi32>, vector<16xi32>], vector<16xf32>, vector<16xi1>
      %add3A_1234 = arith.constant 0 : i32
      %add3A_1235 = vector.broadcast %add3A_1234 : i32 to vector<16xi32>
      %add3A_1236 = arith.addi %add3A_1228, %add3A_1235 : vector<16xi32>
      tpu.vector_store_idx %arg6[%add3A_1236], %gather3A_1233 masked %lt3A_1218 : memref<16000xf32, #tpu.memory_space<vmem>>[vector<16xi32>], vector<16xf32>, vector<16xi1>
      %broadcast_in_dim3A_1237 = arith.constant 5 : i32
      %broadcast_in_dim3A_1238 = vector.broadcast %broadcast_in_dim3A_1237 : i32 to vector<16xi32>
      %broadcast_in_dim3A_1239 = arith.constant 0 : i32
      %broadcast_in_dim3A_1240 = vector.broadcast %broadcast_in_dim3A_1239 : i32 to vector<16xi32>
      %gather3A_1241 = tpu.vector_load_idx %arg5[%broadcast_in_dim3A_1240, %add3A_1222, %broadcast_in_dim3A_1238] masked %lt3A_1218 : memref<1x200x128xf32, #tpu.memory_space<vmem>>[vector<16xi32>, vector<16xi32>, vector<16xi32>], vector<16xf32>, vector<16xi1>
      %add3A_1242 = arith.constant 1 : i32
      %add3A_1243 = vector.broadcast %add3A_1242 : i32 to vector<16xi32>
      %add3A_1244 = arith.addi %add3A_1228, %add3A_1243 : vector<16xi32>
      tpu.vector_store_idx %arg6[%add3A_1244], %gather3A_1241 masked %lt3A_1218 : memref<16000xf32, #tpu.memory_space<vmem>>[vector<16xi32>], vector<16xf32>, vector<16xi1>
      %broadcast_in_dim3A_1245 = arith.constant 17 : i32
      %broadcast_in_dim3A_1246 = vector.broadcast %broadcast_in_dim3A_1245 : i32 to vector<16xi32>
      %broadcast_in_dim3A_1247 = arith.constant 0 : i32
      %broadcast_in_dim3A_1248 = vector.broadcast %broadcast_in_dim3A_1247 : i32 to vector<16xi32>
      %gather3A_1249 = tpu.vector_load_idx %arg5[%broadcast_in_dim3A_1248, %add3A_1222, %broadcast_in_dim3A_1246] masked %lt3A_1218 : memref<1x200x128xf32, #tpu.memory_space<vmem>>[vector<16xi32>, vector<16xi32>, vector<16xi32>], vector<16xf32>, vector<16xi1>
      %add3A_1250 = arith.constant 2 : i32
      %add3A_1251 = vector.broadcast %add3A_1250 : i32 to vector<16xi32>
      %add3A_1252 = arith.addi %add3A_1228, %add3A_1251 : vector<16xi32>
      tpu.vector_store_idx %arg6[%add3A_1252], %gather3A_1249 masked %lt3A_1218 : memref<16000xf32, #tpu.memory_space<vmem>>[vector<16xi32>], vector<16xf32>, vector<16xi1>
      %broadcast_in_dim3A_1253 = arith.constant 42 : i32
      %broadcast_in_dim3A_1254 = vector.broadcast %broadcast_in_dim3A_1253 : i32 to vector<16xi32>
      %broadcast_in_dim3A_1255 = arith.constant 0 : i32
      %broadcast_in_dim3A_1256 = vector.broadcast %broadcast_in_dim3A_1255 : i32 to vector<16xi32>
      %gather3A_1257 = tpu.vector_load_idx %arg5[%broadcast_in_dim3A_1256, %add3A_1222, %broadcast_in_dim3A_1254] masked %lt3A_1218 : memref<1x200x128xf32, #tpu.memory_space<vmem>>[vector<16xi32>, vector<16xi32>, vector<16xi32>], vector<16xf32>, vector<16xi1>
      %add3A_1258 = arith.constant 3 : i32
      %add3A_1259 = vector.broadcast %add3A_1258 : i32 to vector<16xi32>
      %add3A_1260 = arith.addi %add3A_1228, %add3A_1259 : vector<16xi32>
      tpu.vector_store_idx %arg6[%add3A_1260], %gather3A_1257 masked %lt3A_1218 : memref<16000xf32, #tpu.memory_space<vmem>>[vector<16xi32>], vector<16xf32>, vector<16xi1>
      %broadcast_in_dim3A_1261 = arith.constant 99 : i32
      %broadcast_in_dim3A_1262 = vector.broadcast %broadcast_in_dim3A_1261 : i32 to vector<16xi32>
      %broadcast_in_dim3A_1263 = arith.constant 0 : i32
      %broadcast_in_dim3A_1264 = vector.broadcast %broadcast_in_dim3A_1263 : i32 to vector<16xi32>
      %gather3A_1265 = tpu.vector_load_idx %arg5[%broadcast_in_dim3A_1264, %add3A_1222, %broadcast_in_dim3A_1262] masked %lt3A_1218 : memref<1x200x128xf32, #tpu.memory_space<vmem>>[vector<16xi32>, vector<16xi32>, vector<16xi32>], vector<16xf32>, vector<16xi1>
      %add3A_1266 = arith.constant 4 : i32
      %add3A_1267 = vector.broadcast %add3A_1266 : i32 to vector<16xi32>
      %add3A_1268 = arith.addi %add3A_1228, %add3A_1267 : vector<16xi32>
      tpu.vector_store_idx %arg6[%add3A_1268], %gather3A_1265 masked %lt3A_1218 : memref<16000xf32, #tpu.memory_space<vmem>>[vector<16xi32>], vector<16xf32>, vector<16xi1>
      %mul3A_1269 = arith.constant 16 : i32
      %mul3A_1270 = arith.muli %scan3A_22, %mul3A_1269 : i32
      %add3A_1271 = arith.addi %mul3A_2, %mul3A_1270 : i32
      %mul3A_1272 = arith.constant 200 : i32
      %mul3A_1273 = arith.muli %add3A_1271, %mul3A_1272 : i32
      %mul3A_1274 = arith.constant 5 : i32
      %mul3A_1275 = arith.muli %mul3A_1273, %mul3A_1274 : i32
      %dma_start3A_1276 = tpu.memref_slice %arg3[%mul3A_1275] : memref<4096000xf32, #tpu.memory_space<hbm>> -> memref<16000xf32, #tpu.memory_space<hbm>>
      %dma_start3A_1277 = tpu.memref_slice %arg3[%mul3A_1275] : memref<4096000xf32, #tpu.memory_space<hbm>> -> memref<16000xf32, #tpu.memory_space<hbm>>
      tpu.enqueue_dma source(%arg6 : memref<16000xf32, #tpu.memory_space<vmem>>) target(%dma_start3A_1277 : memref<16000xf32, #tpu.memory_space<hbm>>) target_semaphore(%arg9 : memref<!tpu.dma_semaphore, #tpu.memory_space<semaphore_mem>>)
    }
    %scan3A_14 = arith.constant 8 : i32
    %add3A_15 = arith.constant 112 : i32
    %add3A_16 = arith.addi %mul3A_2, %add3A_15 : i32
    %mul3A_17 = arith.constant 200 : i32
    %mul3A_18 = arith.muli %add3A_16, %mul3A_17 : i32
    %mul3A_19 = arith.constant 5 : i32
    %mul3A_20 = arith.muli %mul3A_18, %mul3A_19 : i32
    %dma_wait3A = tpu.memref_slice %arg3[%mul3A_20] : memref<4096000xf32, #tpu.memory_space<hbm>> -> memref<16000xf32, #tpu.memory_space<hbm>>
    %dma_wait3A_21 = tpu.memref_slice %arg3[%mul3A_20] : memref<4096000xf32, #tpu.memory_space<hbm>> -> memref<16000xf32, #tpu.memory_space<hbm>>
    tpu.wait_dma2 semaphore(%arg9 : memref<!tpu.dma_semaphore, #tpu.memory_space<semaphore_mem>>) src(%arg6 : memref<16000xf32, #tpu.memory_space<vmem>>) dst(%dma_wait3A_21 : memref<16000xf32, #tpu.memory_space<hbm>>)
    return
  }
}

</mosaic_0001>

<sc_bundles>
// kernel: kernel.3.cloned.1.call-start
scs
__scs_entry_jumppad:
0x0: {  	(pc) =	sbr.rel $0x88, $3  }
0x1: {  	(tag) =	ssettag $0x0;
	lr =	simm.s32 $0x1  }
0x2: {  	[smem:$0x3FA0] =	sst lr;
	_ =	strace $0xD0000000  }
0x3: {  	_ = 	snop  }
0x4: {  	_ = 	snop  }
0x5: {  	_ = 	snop  }
0x6: {  	_ = 	snop  }
0x7: {  	_ = 	snop  }
__scs_overlays_trampoline_lowered:
0x8: {  	[smem:$0x3FAF] =	sst s0  }
0x9: {  	[smem:$0x3FB0] =	sst s1  }
0xa: {  	[smem:$0x3FB1] =	sst s2  }
0xb: {  	[smem:$0x3FB2] =	sst s3  }
0xc: {  	[smem:$0x3FB3] =	sst s4  }
0xd: {  	[smem:$0x3FB4] =	sst s5  }
0xe: {  	[smem:$0x3FB5] =	sst s6  }
0xf: {  	[smem:$0x3FB6] =	sst s7  }
0x10: {  	[smem:$0x3FB7] =	sst s8  }
0x11: {  	[smem:$0x3FB8] =	sst s9;
	s0 =	simm.s32 @!p0 $0x0  }
0x12: {  	s1 =	sld [smem:$0x3F9E];
	s0 =	simm.s32 @p0 $0x1  }
0x13: {  	[smem:$0x3FB9] =	sst s0;
	s0 =	simm.s32 @!p1 $0x0  }
0x14: {  	s2 =	sld [smem:$0x3F9D];
	s0 =	simm.s32 @p1 $0x1  }
0x15: {  	[smem:$0x3FBA] =	sst s0;
	s0 =	simm.s32 @!p2 $0x0  }
0x16: {  	s3 =	sld [smem:$0x3FDB];
	s0 =	simm.s32 @p2 $0x1  }
0x17: {  	s4 =	simm.s32 $0x1BF5;
	[smem:$0x3FBC] =	sst s0  }
0x18: {  	s0 =	sld [smem:$0x3F9F];
	_ =	swait.ge [sflag:s4], $0x0  }
0x19: {  	s7 =	sld [smem:$0x3FA0]  }
0x1a: {  	s8 =	sadd.s32 $0xFFFFE003, lr  }
0x1b: {  	s9 =	sadd.s32 $0xFFFFFEF7, lr;
	s5 =	simm.s32 $0xFFFFFFFF;
	p2 =	slt.u32 s8, $0xFFFFF086  }
0x1c: {  	p1 =	slt.u32 s9, $0xF7A;
	s5 =	simm.s32 @!p2 $0x0  }
0x1d: {  	s5 =	simm.s32 @p1 $0x1;
	p0 =	seq.s32 s7, s2  }
0x1e: {  	s7 =	smul.u32 @!p0 $0xF7A, s2;
	p2 =	seq.s32 @!p0 s5, $0x0  }
0x1f: {  	s9 =	smul.u32 $0xF7A, s1;
	s8 =	simm.s32 @!p0 $0x1BF5;
	p2 =	por !p2, p0  }
0x20: {  	[sflag:s8] =	ssyncset.s32 @!p0 $0xFFFFF086;
	s6 =	sadd.s32 @!p0 s3, s7;
	s7 =	simm.s32 @!p0 $0x108  }
0x21: {  	s3 =	sadd.s32 s3, s9;
	s6 =	sadd.s32 @!p0 $0x88, s6;
	s7 =	simm.s32 @p2 $0x1082  }
0x22: {  	[simem:s7], [sflag:s8] =	dma.local @!p0 [hbm:s6], $0xF7A  }
0x23: {  	s9 =	sor.u32 $0xD0000000, s2;
	s6 =	simm.s32 $0x108;
	_ =	swait.ge @!p0 [sflag:s8], $0x0  }
0x24: {  	s3 =	sadd.s32 $0x88, s3;
	s6 =	simm.s32 @!p1 $0x1082;
	[sflag:s4] =	ssyncset.s32 $0xFFFFF086  }
0x25: {  	[simem:s6], [sflag:s4] =	dma.local [hbm:s3], $0xF7A  }
0x26: {  	[smem:$0x3FA0] =	sst s1;
	(tag) =	ssettag s2;
	_ =	strace s9  }
0x27: {  	s1 =	sld [smem:$0x3FB0]  }
0x28: {  	s2 =	sld [smem:$0x3FB1]  }
0x29: {  	s4 =	sld [smem:$0x3FB3]  }
0x2a: {  	p0 =	seq.s32 s5, $0x0;
	s5 =	sld [smem:$0x3FB4]  }
0x2b: {  	s6 =	sld [smem:$0x3FB5]  }
0x2c: {  	s7 =	sld [smem:$0x3FB6]  }
0x2d: {  	s3 =	simm.s32 $0x108;
	s8 =	sld [smem:$0x3FB7]  }
0x2e: {  	s3 =	simm.s32 @!p0 $0x1082;
	s9 =	sld [smem:$0x3FB8]  }
0x2f: {  	lr =	sadd.s32 s0, s3;
	s0 =	sld [smem:$0x3FAF]  }
0x30: {  	s3 =	sld [smem:$0x3FB2]  }
0x31: {  	[smem:$0x3FBB] =	sst s10  }
0x32: {  	s10 =	sld [smem:$0x3FB9];
	_ =	sdelay $0x3  }
0x33: {  	p0 =	seq.s32 s10, $0x1;
	s10 =	sld [smem:$0x3FBB];
	_ =	sdelay $0x3  }
0x34: {  	[smem:$0x3FBB] =	sst s10  }
0x35: {  	s10 =	sld [smem:$0x3FBA];
	_ =	sdelay $0x3  }
0x36: {  	p1 =	seq.s32 s10, $0x1;
	s10 =	sld [smem:$0x3FBB];
	_ =	sdelay $0x3  }
0x37: {  	[smem:$0x3FBB] =	sst s10  }
0x38: {  	s10 =	sld [smem:$0x3FBC]  }
0x39: {  	_ = 	snop;
	(pc) =	sbr.ind lr, $3  }
0x3a: {  	_ = 	snop  }
0x3b: {  	_ = 	snop  }
0x3c: {  	p2 =	seq.s32 s10, $0x1;
	s10 =	sld [smem:$0x3FBB]  }
0x3d: {  	_ =	shalt  }
0x3e: {  	_ =	shalt  }
0x3f: {  	_ =	shalt  }
0x40: {  	_ =	shalt  }
0x41: {  	_ =	shalt  }
0x42: {  	_ =	shalt  }
0x43: {  	_ =	shalt  }
0x44: {  	_ =	shalt  }
0x45: {  	_ =	shalt  }
0x46: {  	_ =	shalt  }
0x47: {  	_ =	shalt  }
0x48: {  	_ =	shalt  }
0x49: {  	_ =	shalt  }
0x4a: {  	_ =	shalt  }
0x4b: {  	_ =	shalt  }
0x4c: {  	_ =	shalt  }
0x4d: {  	_ =	shalt  }
0x4e: {  	_ =	shalt  }
0x4f: {  	_ =	shalt  }
0x50: {  	_ =	shalt  }
0x51: {  	_ =	shalt  }
0x52: {  	_ =	shalt  }
0x53: {  	_ =	shalt  }
0x54: {  	_ =	shalt  }
0x55: {  	_ =	shalt  }
0x56: {  	_ =	shalt  }
0x57: {  	_ =	shalt  }
0x58: {  	_ =	shalt  }
0x59: {  	_ =	shalt  }
0x5a: {  	_ =	shalt  }
0x5b: {  	_ =	shalt  }
0x5c: {  	_ =	shalt  }
0x5d: {  	_ =	shalt  }
0x5e: {  	_ =	shalt  }
0x5f: {  	_ =	shalt  }
0x60: {  	_ =	shalt  }
0x61: {  	_ =	shalt  }
0x62: {  	_ =	shalt  }
0x63: {  	_ =	shalt  }
0x64: {  	_ =	shalt  }
0x65: {  	_ =	shalt  }
0x66: {  	_ =	shalt  }
0x67: {  	_ =	shalt  }
0x68: {  	_ =	shalt  }
0x69: {  	_ =	shalt  }
0x6a: {  	_ =	shalt  }
0x6b: {  	_ =	shalt  }
0x6c: {  	_ =	shalt  }
0x6d: {  	_ =	shalt  }
0x6e: {  	_ =	shalt  }
0x6f: {  	_ =	shalt  }
0x70: {  	_ =	shalt  }
0x71: {  	_ =	shalt  }
0x72: {  	_ =	shalt  }
0x73: {  	_ =	shalt  }
0x74: {  	_ =	shalt  }
0x75: {  	_ =	shalt  }
0x76: {  	_ =	shalt  }
0x77: {  	_ =	shalt  }
0x78: {  	_ =	shalt  }
0x79: {  	_ =	shalt  }
0x7a: {  	_ =	shalt  }
0x7b: {  	_ =	shalt  }
0x7c: {  	_ =	shalt  }
0x7d: {  	_ =	shalt  }
0x7e: {  	_ =	shalt  }
0x7f: {  	_ =	shalt  }
0x80: {  	_ =	shalt  }
0x81: {  	_ =	shalt  }
0x82: {  	_ =	shalt  }
0x83: {  	_ =	shalt  }
0x84: {  	_ =	shalt  }
0x85: {  	_ =	shalt  }
0x86: {  	_ =	shalt  }
0x87: {  	_ =	shalt  }
.Lfunc_end0:
.L_simem_size_0:
called_computation_lowered:
.L_overlay_start_0:
0x88: {  	s2 =	sld [smem:$0x3FD9]  }
0x89: {  	s3 =	sld [smem:$0x3FFE];
	_ =	sdelay $0x1  }
0x8a: {  	s1 =	srdreg.scid  }
0x8b: {  	s0 =	sand.u32 $0x1, s1  }
0x8c: {  	s17 =	sshll.u32 s0, $0xA;
	s2 =	sadd.s32 s3, s2  }
0x8d: {  	s2 =	sadd.s32 s2, s17  }
0x8e: {  	[smem:$0x3FC7] =	sst s2  }
0x8f: {  	_ = 	snop  }
0x90: {  	s2 =	sld [smem:$0x3FC9];
	(tm) =	ssettm $0x1  }
0x91: {  	s18 =	sld [smem:$0x3FFB];
	_ =	sdelay $0x3  }
0x92: {  	_ =	strace s18  }
0x93: {  	s3 =	sld [smem:$0x3FFC];
	_ =	sdelay $0x3  }
0x94: {  	_ =	strace s3  }
0x95: {  	s3 =	sld [smem:$0x3FFD];
	_ =	sdelay $0x3  }
0x96: {  	_ =	strace s3  }
0x97: {  	_ =	strace $0x8FFFFFFF  }
0x98: {  	s19 =	sld [smem:$0x3FDB];
	_ =	sdelay $0x1  }
0x99: {  	s4 =	simm.s32 $_scs_section_size  }
0x9a: {  	s5 =	simm.s32 $_size__tile_overlayer_lowered;
	s6 =	simm.s32 $_tile_overlayer_lowered  }
0x9b: {  	s22 =	simm.s32 $0x1BFF;
	s21 =	sshll.u32 s6, $0x1;
	s3 =	sadd.s32 s4, s19  }
0x9c: {  	s7 =	simm.s32 $0x0;
	s20 =	sshll.u32 s5, $0x1;
	s5 =	sadd.s32 s21, s3  }
0x9d: {  	[timem:s7], [sflag:s22] =	dma.local [hbm:s5], s20  }
0x9e: {  	_ =	swait.ge [sflag:s22], s20  }
0x9f: {  	s4 =	ssub.s32 $0x0, s20;
	[sflag:s22] =	ssyncset.done $0x0  }
0xa0: {  	[sflag:s22] =	ssyncadd.s32 s4;
	_ =	sdelay $0x1  }
0xa1: {  	s23 =	simm.s32 $0x1B8B  }
0xa2: {  	_ =	swait.ge [sflag:s23], $0x1  }
0xa3: {  	[sflag:s23] =	ssyncset.done $0x0  }
0xa4: {  	s25 =	simm.s32 $0x1B8E;
	s24 =	sld [smem:$0x3FFE];
	[sflag:s23] =	ssyncadd.s32 $0xFFFFFFFF  }
0xa5: {  	s26 =	simm.s32 $execute0_lowered;
	[smem:$0x3FD2] =	sst s25  }
0xa6: {  	s5 =	sshll.u32 s26, $0x1;
	_ =	strace $0x80000046;
	[dreg:$0x1] =	wrdreg $0xFFFFFFFF  }
0xa7: {  	s28 =	simm.s32 $_size_execute0_lowered;
	s3 =	sadd.s32 s3, s5;
	[dreg:$0x0] =	wrdreg $0x0  }
0xa8: {  	s5 =	sshll.u32 s28, $0x1;
	[dreg:$0x2] =	wrdreg s3  }
0xa9: {  	[dreg:$0x3] =	wrdreg s5  }
0xaa: {  	[dreg:$0x4] =	wrdreg $0xC0  }
0xab: {  	_ =	task [dreg:s7], $0x5FFFF  }
0xac: {  	[dreg:$0x1] =	wrdreg $0xFFFFFFFF  }
0xad: {  	[dreg:$0x0] =	wrdreg $0x60  }
0xae: {  	[dreg:$0x2] =	wrdreg s2  }
0xaf: {  	[dreg:$0x3] =	wrdreg s24  }
0xb0: {  	[dreg:$0x4] =	wrdreg $0x9  }
0xb1: {  	_ =	task.clear_ibuf [dreg:s7], $0x5FFFF;
	_ =	strace $0x90000046  }
0xb2: {  	s29 =	simm.s32 $0x9;
	_ =	strace $0x80000048  }
0xb3: {  	_ =	swait.ge [sflag:s29], $0x1  }
0xb4: {  	[sflag:s29] =	ssyncadd.s32 $0xFFFFFFFF  }
0xb5: {  	_ =	strace $0x90000048  }
0xb6: {  	_ =	sfence  }
0xb7: {  	s30 =	sld [smem:$0x0];
	_ =	sdelay $0x2  }
0xb8: {  	s31 =	sshll.u32 s1, $0xD;
	s1 =	sshrl.u32 s1, $0x2  }
0xb9: {  	s3 =	sand.u32 $0x4000, s31;
	s1 =	sadd.s32 s1, s30  }
0xba: {  	s0 =	sor.u32 s3, s0;
	s1 =	sshll.u32 s1, $0x11  }
0xbb: {  	s0 =	sor.u32 s1, s0  }
0xbc: {  	s0 =	sadd.s32 $0x8F2B, s0  }
0xbd: {  	[sflag:s0] =	ssyncadd.remote.s32 $0x1  }
0xbe: {  	_ =	sfence.sel $0xFFFF  }
0xbf: {  	[dreg:$0x0] =	wrdreg $0xFFFFFFFF;
	(pc) =	sbr.abs _section_cstart, $3  }
0xc0: {  	[dreg:$0x1] =	wrdreg $0xFFFFFFFF  }
0xc1: {  	_ =	task.clear_ibuf [dreg:s7], $0x2FFFF;
	_ =	strace $0x9FFFFFFF  }
0xc2: {  	(tm) =	ssettm $0x7FFFFFFF  }
0xc3: {  	_ =	shalt  }
tec
execute0_lowered:
.L_overlay_start_1:
0x0: {  	(tag) =	ssettag $0x1  }
0x1: {  	v0 =	vlaneseq.u32  }
0x2: {  	v10 =	vmul.u32 $0x80, v0;
	v1 =	vmul.u32 $0x5, v0;
	_ =	sdelay $0x1  }
0x3: {  	v2 =	vor.u32 $0x6000, v10;
	v3 =	vadd.s32 $0x3C0, v1  }
0x4: {  	v4 =	vor.u32 $0x6005, v10;
	v6 =	vor.u32 $0x6011, v10;
	v7 =	vadd.s32 $0x3C2, v1  }
0x5: {  	v8 =	vor.u32 $0x602A, v10;
	v9 =	vadd.s32 $0x3C3, v1;
	v10 =	vor.u32 $0x6063, v10  }
0x6: {  	v11 =	vadd.s32 $0x3C4, v1;
	v12 =	vadd.s32 $0x7A8, v1;
	v13 =	vadd.s32 $0x7A9, v1  }
0x7: {  	v14 =	vadd.s32 $0x7AA, v1;
	v15 =	vadd.s32 $0x7AB, v1;
	v16 =	vadd.s32 $0x7AC, v1  }
0x8: {  	v17 =	vadd.s32 $0xB90, v1;
	v18 =	vadd.s32 $0xB91, v1;
	v19 =	vadd.s32 $0xB92, v1  }
0x9: {  	v20 =	vadd.s32 $0xB93, v1;
	v21 =	vadd.s32 $0xB94, v1;
	v22 =	vadd.s32 $0xF78, v1  }
0xa: {  	v23 =	vadd.s32 $0xF79, v1;
	v24 =	vadd.s32 $0xF7A, v1;
	v25 =	vadd.s32 $0xF7B, v1  }
0xb: {  	v26 =	vadd.s32 $0xF7C, v1;
	v27 =	vadd.s32 $0x1360, v1;
	v28 =	vadd.s32 $0x1361, v1  }
0xc: {  	v29 =	vadd.s32 $0x1362, v1;
	v30 =	vadd.s32 $0x1363, v1;
	v31 =	vadd.s32 $0x1364, v1  }
0xd: {  	v32 =	vadd.s32 $0x1748, v1;
	v33 =	vadd.s32 $0x1749, v1;
	v34 =	vadd.s32 $0x174A, v1  }
0xe: {  	s0 =	rddreg [dreg:$0x0];
	s2 =	srdreg.scid;
	v35 =	vadd.s32 $0x174B, v1;
	v36 =	vadd.s32 $0x174C, v1;
	v37 =	vadd.s32 $0x1B30, v1  }
0xf: {  	s5 =	rddreg [dreg:$0x1];
	s1 =	stileid.u32;
	s3 =	simm.s32 $0x0;
	v38 =	vadd.s32 $0x1B31, v1;
	v39 =	vadd.s32 $0x1B32, v1;
	v40 =	vadd.s32 $0x1B33, v1  }
0x10: {  	s9 =	simm.s32 $0x6400;
	s10 =	simm.s32 $0x1;
	s11 =	simm.s32 $0xC800;
	v41 =	vadd.s32 $0x1B34, v1;
	v42 =	vadd.s32 $0x1F18, v1;
	v43 =	vadd.s32 $0x1F19, v1  }
0x11: {  	s12 =	simm.s32 $0x2;
	s13 =	simm.s32 $0x3;
	s4 =	sand.u32 $0x1, s2;
	v44 =	vadd.s32 $0x1F1A, v1;
	v45 =	vadd.s32 $0x1F1B, v1;
	v46 =	vadd.s32 $0x1F1C, v1  }
0x12: {  	s6 =	sshll.u32 s1, $0x8;
	s7 =	sshll.u32 s4, $0x7;
	s8 =	ssub.s32 $0x2, s4;
	v47 =	vor.u32 $0x2300, v1;
	v48 =	vadd.s32 $0x2301, v1;
	v49 =	vadd.s32 $0x2302, v1  }
0x13: {  	s14 =	simm.s32 $0x0;
	s4 =	sor.u32 s7, s6;
	s31 =	sshrl.u32 s8, $0x1;
	v50 =	vadd.s32 $0x2303, v1;
	v51 =	vadd.s32 $0x2304, v1;
	v52 =	vadd.s32 $0x26E8, v1  }
0x14: {  	s2 =	rddreg [dreg:$0x2];
	v53 =	vadd.s32 $0x26E9, v1;
	v54 =	vadd.s32 $0x26EA, v1;
	[tilespmem:$0x1FFE0] =	vst v3;
	v3 =	vadd.s32 $0x3C1, v1;
	s7 =	smul.u32 $0xC80, s4;
	s8 =	ssub.s32 s8, s31  }
0x15: {  	[smem:$0x7FF] =	sst s3;
	s5 =	sadd.s32 $0x400, s5;
	v55 =	vadd.s32 $0x26EB, v1;
	v56 =	vadd.s32 $0x26EC, v1;
	v57 =	vadd.s32 $0x2AD0, v1;
	[tilespmem:$0x1FFF0] =	vst v3;
	s8 =	smax.u32 s8, $0x1  }
0x16: {  	v58 =	vadd.s32 $0x2AD1, v1;
	v59 =	vadd.s32 $0x2AD2, v1;
	v60 =	vadd.s32 $0x2AD3, v1;
	_ =	strace $0x80000047;
	s6 =	sadd.s32 s0, s7;
	s7 =	sor.u32 $0x10, s4  }
.LBB2_1:
0x17: {  	[tilespmem:s3], [sflag:$0x1] =	stream.linear.gather [hbm4b:s6+s3], $0x6400, $0x38;
	[tilespmem:$0x10680] =	vst v63  }
0x18: {  	s15 =	simm.s32 $0x0  }
.LBB2_2:
0x19: {  	s16 =	sshll.u32 s15, $0x4  }
0x1a: {  	p0 =	seq.s32 s15, $0x0;
	s17 =	sadd.s32 s16, s4  }
0x1b: {  	s18 =	simm.s32 @!p0 $0x3;
	s17 =	smul.u32 $0xC80, s17  }
0x1c: {  	s19 =	simm.s32 $0x0;
	_ =	swait.ge @!p0 [sflag:s18], $0x3E80  }
0x1d: {  	v61 =	vor.u32 s19, v0;
	[sflag:s18] =	ssyncset.done @!p0 $0x0;
	s17 =	sadd.s32 s0, s17  }
0x1e: {  	v62 =	vshll.u32 v61, $0x7;
	[sflag:s18] =	ssyncadd.s32 @!p0 $0xFFFFC180;
	s30 =	sadd.s32 $0xC80, s17  }
0x1f: {  	[tilespmem:s9], [sflag:$0x2] =	stream.linear.gather [hbm4b:s30+s19], $0x6400, $0x38;
	[tilespmem:$0x10680] =	vst v63  }
0x20: {  	_ =	swait.ge [sflag:s10], $0x6400  }
0x21: {  	[sflag:s10] =	ssyncset.done $0x0  }
0x22: {  	v63 =	vmul.u32 $0x5, v61;
	[sflag:s10] =	ssyncadd.s32 $0xFFFF9C00  }
0x23: {  	v61 =	vld.idx.msk [tilespmem:v62+s3+$0x0], $0xffff  }
0x24: {  	v3 =	vor.u32 $0x5, v62;
	_ =	sdelay $0x3  }
0x25: {  	[tilespmem:v63+s11+$0x0] =	vst.idx.msk $0xffff, v61  }
0x26: {  	v61 =	vadd.s32 $0x1, v63;
	v3 =	vld.idx.msk [tilespmem:v3+s3+$0x0], $0xffff  }
0x27: {  	v5 =	vor.u32 $0x11, v62;
	_ =	sdelay $0x3  }
0x28: {  	[tilespmem:v61+s11+$0x0] =	vst.idx.msk $0xffff, v3  }
0x29: {  	v3 =	vld.idx.msk [tilespmem:v5+s3+$0x0], $0xffff;
	v5 =	vadd.s32 $0x2, v63  }
0x2a: {  	v61 =	vor.u32 $0x2A, v62;
	_ =	sdelay $0x3  }
0x2b: {  	[tilespmem:v5+s11+$0x0] =	vst.idx.msk $0xffff, v3  }
0x2c: {  	v5 =	vadd.s32 $0x3, v63;
	v3 =	vld.idx.msk [tilespmem:v61+s3+$0x0], $0xffff  }
0x2d: {  	v61 =	vor.u32 $0x63, v62;
	_ =	sdelay $0x3  }
0x2e: {  	s31 =	simm.s32 $0x10;
	[tilespmem:v5+s11+$0x0] =	vst.idx.msk $0xffff, v3  }
0x2f: {  	s18 =	simm.s32 $0x20;
	v63 =	vadd.s32 $0x4, v63;
	v62 =	vld.idx.msk [tilespmem:v61+s3+$0x0], $0xffff;
	v61 =	vor.u32 s31, v0  }
.LBB2_3:
0x30: {  	p0 =	sne.s32 s18, $0xB0;
	v3 =	vshll.u32 v61, $0x7;
	_ =	sdelay $0x3  }
0x31: {  	[tilespmem:v63+s11+$0x0] =	vst.idx.msk $0xffff, v62  }
0x32: {  	v5 =	vmul.u32 $0x5, v61;
	v61 =	vld.idx.msk [tilespmem:v3+s3+$0x0], $0xffff;
	_ =	sdelay $0x1  }
0x33: {  	v62 =	vor.u32 $0x5, v3;
	_ =	sdelay $0x3  }
0x34: {  	[tilespmem:v5+s11+$0x0] =	vst.idx.msk $0xffff, v61  }
0x35: {  	v61 =	vld.idx.msk [tilespmem:v62+s3+$0x0], $0xffff  }
0x36: {  	v62 =	vadd.s32 $0x1, v5  }
0x37: {  	v63 =	vor.u32 $0x11, v3;
	_ =	sdelay $0x3  }
0x38: {  	[tilespmem:v62+s11+$0x0] =	vst.idx.msk $0xffff, v61  }
0x39: {  	v61 =	vld.idx.msk [tilespmem:v63+s3+$0x0], $0xffff  }
0x3a: {  	v62 =	vadd.s32 $0x2, v5  }
0x3b: {  	v63 =	vor.u32 $0x2A, v3;
	_ =	sdelay $0x3  }
0x3c: {  	[tilespmem:v62+s11+$0x0] =	vst.idx.msk $0xffff, v61  }
0x3d: {  	v61 =	vld.idx.msk [tilespmem:v63+s3+$0x0], $0xffff  }
0x3e: {  	v62 =	vadd.s32 $0x3, v5  }
0x3f: {  	v3 =	vor.u32 $0x63, v3;
	_ =	sdelay $0x1  }
.Ltmp0:
0x40: {  	(pc) =	sbr.rel @p0 .LBB2_3-.Ltmp0, $4  }
0x41: {  	_ = 	snop  }
0x42: {  	[tilespmem:v62+s11+$0x0] =	vst.idx.msk $0xffff, v61  }
0x43: {  	v62 =	vld.idx.msk [tilespmem:v3+s3+$0x0], $0xffff  }
0x44: {  	v63 =	vadd.s32 $0x4, v5;
	v61 =	vor.u32 s18, v0;
	s18 =	sadd.s32 $0x10, s18  }
0x45: {  	v3 =	vshll.u32 v61, $0x7;
	_ =	sdelay $0x3  }
0x46: {  	v5 =	vmul.u32 $0x5, v61;
	[tilespmem:v63+s11+$0x0] =	vst.idx.msk $0xffff, v62  }
0x47: {  	v61 =	vld.idx.msk [tilespmem:v3+s3+$0x0], $0xffff  }
0x48: {  	v62 =	vor.u32 $0x5, v3;
	_ =	sdelay $0x3  }
0x49: {  	[tilespmem:v5+s11+$0x0] =	vst.idx.msk $0xffff, v61  }
0x4a: {  	v61 =	vld.idx.msk [tilespmem:v62+s3+$0x0], $0xffff;
	v62 =	vadd.s32 $0x1, v5  }
0x4b: {  	v63 =	vor.u32 $0x11, v3;
	_ =	sdelay $0x3  }
0x4c: {  	[tilespmem:v62+s11+$0x0] =	vst.idx.msk $0xffff, v61  }
0x4d: {  	v62 =	vadd.s32 $0x2, v5;
	v61 =	vld.idx.msk [tilespmem:v63+s3+$0x0], $0xffff  }
0x4e: {  	v63 =	vor.u32 $0x2A, v3;
	_ =	sdelay $0x3  }
0x4f: {  	[tilespmem:v62+s11+$0x0] =	vst.idx.msk $0xffff, v61  }
0x50: {  	v62 =	vadd.s32 $0x3, v5;
	v61 =	vld.idx.msk [tilespmem:v63+s3+$0x0], $0xffff  }
0x51: {  	v3 =	vor.u32 $0x63, v3;
	_ =	sdelay $0x3  }
0x52: {  	[tilespmem:v62+s11+$0x0] =	vst.idx.msk $0xffff, v61  }
0x53: {  	v5 =	vadd.s32 $0x4, v5;
	v3 =	vld.idx.msk [tilespmem:v3+s3+$0x0], $0xffff;
	_ =	sdelay $0x4  }
0x54: {  	[tilespmem:v5+s11+$0x0] =	vst.idx.msk $0xffff, v3;
	v5 =	vld [tilespmem:$0x1FFE0];
	_ =	sdelay $0x1  }
0x55: {  	s18 =	simm.s32 $0x0  }
0x56: {  	v3 =	vld.idx.msk [tilespmem:v2+s18+$0x0], $0xff;
	_ =	sdelay $0x4  }
0x57: {  	[tilespmem:v5+s11+$0x0] =	vst.idx.msk $0xff, v3;
	v5 =	vld [tilespmem:$0x1FFF0];
	_ =	sdelay $0x2  }
0x58: {  	v3 =	vld.idx.msk [tilespmem:v4+s18+$0x0], $0xff;
	_ =	sdelay $0x4  }
0x59: {  	[tilespmem:v5+s11+$0x0] =	vst.idx.msk $0xff, v3  }
0x5a: {  	v3 =	vld.idx.msk [tilespmem:v6+s18+$0x0], $0xff;
	_ =	sdelay $0x4  }
0x5b: {  	[tilespmem:v7+s11+$0x0] =	vst.idx.msk $0xff, v3  }
0x5c: {  	v3 =	vld.idx.msk [tilespmem:v8+s18+$0x0], $0xff;
	_ =	sdelay $0x4  }
0x5d: {  	[tilespmem:v9+s11+$0x0] =	vst.idx.msk $0xff, v3  }
0x5e: {  	v3 =	vld.idx.msk [tilespmem:v10+s18+$0x0], $0xff;
	_ =	sdelay $0x3  }
0x5f: {  	v5 =	vor.u32 s18, v0  }
0x60: {  	s19 =	sadd.s32 $0x1900, s17;
	[tilespmem:v11+s11+$0x0] =	vst.idx.msk $0xff, v3;
	v3 =	vshll.u32 v5, $0x7  }
0x61: {  	[tilespmem:s18], [sflag:$0x1] =	stream.linear.gather [hbm4b:s19+s18], $0x6400, $0x38;
	[tilespmem:$0x10680] =	vst v63  }
0x62: {  	_ =	swait.ge [sflag:s12], $0x6400  }
0x63: {  	v5 =	vmul.u32 $0x5, v5;
	[sflag:s12] =	ssyncset.done $0x0  }
0x64: {  	[sflag:s12] =	ssyncadd.s32 $0xFFFF9C00  }
0x65: {  	v62 =	vadd.s32 $0x3E8, v5;
	v61 =	vld.idx.msk [tilespmem:v3+s9+$0x0], $0xffff  }
0x66: {  	v63 =	vor.u32 $0x5, v3;
	_ =	sdelay $0x3  }
0x67: {  	[tilespmem:v62+s11+$0x0] =	vst.idx.msk $0xffff, v61  }
0x68: {  	v62 =	vadd.s32 $0x3E9, v5;
	v61 =	vld.idx.msk [tilespmem:v63+s9+$0x0], $0xffff  }
0x69: {  	v63 =	vor.u32 $0x11, v3;
	_ =	sdelay $0x3  }
0x6a: {  	[tilespmem:v62+s11+$0x0] =	vst.idx.msk $0xffff, v61  }
0x6b: {  	v62 =	vadd.s32 $0x3EA, v5;
	v61 =	vld.idx.msk [tilespmem:v63+s9+$0x0], $0xffff  }
0x6c: {  	v63 =	vor.u32 $0x2A, v3;
	_ =	sdelay $0x3  }
0x6d: {  	[tilespmem:v62+s11+$0x0] =	vst.idx.msk $0xffff, v61  }
0x6e: {  	v62 =	vadd.s32 $0x3EB, v5;
	v61 =	vld.idx.msk [tilespmem:v63+s9+$0x0], $0xffff  }
0x6f: {  	v3 =	vor.u32 $0x63, v3;
	_ =	sdelay $0x3  }
0x70: {  	s31 =	simm.s32 $0x10;
	[tilespmem:v62+s11+$0x0] =	vst.idx.msk $0xffff, v61  }
0x71: {  	s18 =	simm.s32 $0x20;
	v63 =	vadd.s32 $0x3EC, v5;
	v62 =	vor.u32 s31, v0;
	v61 =	vld.idx.msk [tilespmem:v3+s9+$0x0], $0xffff  }
.LBB2_5:
0x72: {  	p0 =	sne.s32 s18, $0xB0;
	v3 =	vshll.u32 v62, $0x7;
	_ =	sdelay $0x3  }
0x73: {  	v5 =	vmul.u32 $0x5, v62;
	[tilespmem:v63+s11+$0x0] =	vst.idx.msk $0xffff, v61  }
0x74: {  	v61 =	vld.idx.msk [tilespmem:v3+s9+$0x0], $0xffff  }
0x75: {  	v62 =	vadd.s32 $0x3E8, v5  }
0x76: {  	v63 =	vor.u32 $0x5, v3;
	_ =	sdelay $0x3  }
0x77: {  	[tilespmem:v62+s11+$0x0] =	vst.idx.msk $0xffff, v61  }
0x78: {  	v61 =	vld.idx.msk [tilespmem:v63+s9+$0x0], $0xffff  }
0x79: {  	v62 =	vadd.s32 $0x3E9, v5  }
0x7a: {  	v63 =	vor.u32 $0x11, v3;
	_ =	sdelay $0x3  }
0x7b: {  	[tilespmem:v62+s11+$0x0] =	vst.idx.msk $0xffff, v61  }
0x7c: {  	v61 =	vld.idx.msk [tilespmem:v63+s9+$0x0], $0xffff  }
0x7d: {  	v62 =	vadd.s32 $0x3EA, v5  }
0x7e: {  	v63 =	vor.u32 $0x2A, v3;
	_ =	sdelay $0x3  }
0x7f: {  	[tilespmem:v62+s11+$0x0] =	vst.idx.msk $0xffff, v61  }
0x80: {  	v61 =	vld.idx.msk [tilespmem:v63+s9+$0x0], $0xffff  }
0x81: {  	v62 =	vadd.s32 $0x3EB, v5  }
0x82: {  	v3 =	vor.u32 $0x63, v3;
	_ =	sdelay $0x1  }
.Ltmp1:
0x83: {  	(pc) =	sbr.rel @p0 .LBB2_5-.Ltmp1, $4  }
0x84: {  	_ = 	snop  }
0x85: {  	[tilespmem:v62+s11+$0x0] =	vst.idx.msk $0xffff, v61  }
0x86: {  	v61 =	vld.idx.msk [tilespmem:v3+s9+$0x0], $0xffff  }
0x87: {  	v63 =	vadd.s32 $0x3EC, v5;
	v62 =	vor.u32 s18, v0;
	s18 =	sadd.s32 $0x10, s18  }
0x88: {  	v3 =	vshll.u32 v62, $0x7;
	_ =	sdelay $0x2  }
0x89: {  	v5 =	vmul.u32 $0x5, v62  }
0x8a: {  	[tilespmem:v63+s11+$0x0] =	vst.idx.msk $0xffff, v61  }
0x8b: {  	v62 =	vadd.s32 $0x3E8, v5;
	v61 =	vld.idx.msk [tilespmem:v3+s9+$0x0], $0xffff  }
0x8c: {  	v63 =	vor.u32 $0x5, v3;
	_ =	sdelay $0x3  }
0x8d: {  	[tilespmem:v62+s11+$0x0] =	vst.idx.msk $0xffff, v61  }
0x8e: {  	v62 =	vadd.s32 $0x3E9, v5;
	v61 =	vld.idx.msk [tilespmem:v63+s9+$0x0], $0xffff  }
0x8f: {  	v63 =	vor.u32 $0x11, v3;
	_ =	sdelay $0x3  }
0x90: {  	[tilespmem:v62+s11+$0x0] =	vst.idx.msk $0xffff, v61  }
0x91: {  	v62 =	vadd.s32 $0x3EA, v5;
	v61 =	vld.idx.msk [tilespmem:v63+s9+$0x0], $0xffff  }
0x92: {  	v63 =	vor.u32 $0x2A, v3;
	_ =	sdelay $0x3  }
0x93: {  	[tilespmem:v62+s11+$0x0] =	vst.idx.msk $0xffff, v61  }
0x94: {  	v62 =	vadd.s32 $0x3EB, v5;
	v61 =	vld.idx.msk [tilespmem:v63+s9+$0x0], $0xffff  }
0x95: {  	v3 =	vor.u32 $0x63, v3;
	_ =	sdelay $0x3  }
0x96: {  	[tilespmem:v62+s11+$0x0] =	vst.idx.msk $0xffff, v61  }
0x97: {  	v5 =	vadd.s32 $0x3EC, v5;
	v3 =	vld.idx.msk [tilespmem:v3+s9+$0x0], $0xffff;
	_ =	sdelay $0x4  }
0x98: {  	[tilespmem:v5+s11+$0x0] =	vst.idx.msk $0xffff, v3  }
0x99: {  	v3 =	vld.idx.msk [tilespmem:v2+s9+$0x0], $0xff;
	_ =	sdelay $0x4  }
0x9a: {  	[tilespmem:v12+s11+$0x0] =	vst.idx.msk $0xff, v3  }
0x9b: {  	v3 =	vld.idx.msk [tilespmem:v4+s9+$0x0], $0xff;
	_ =	sdelay $0x4  }
0x9c: {  	[tilespmem:v13+s11+$0x0] =	vst.idx.msk $0xff, v3  }
0x9d: {  	v3 =	vld.idx.msk [tilespmem:v6+s9+$0x0], $0xff;
	_ =	sdelay $0x4  }
0x9e: {  	[tilespmem:v14+s11+$0x0] =	vst.idx.msk $0xff, v3  }
0x9f: {  	v3 =	vld.idx.msk [tilespmem:v8+s9+$0x0], $0xff;
	_ =	sdelay $0x4  }
0xa0: {  	[tilespmem:v15+s11+$0x0] =	vst.idx.msk $0xff, v3  }
0xa1: {  	v3 =	vld.idx.msk [tilespmem:v10+s9+$0x0], $0xff;
	_ =	sdelay $0x2  }
0xa2: {  	s18 =	simm.s32 $0x0  }
0xa3: {  	v5 =	vor.u32 s18, v0  }
0xa4: {  	s19 =	sadd.s32 $0x2580, s17;
	[tilespmem:v16+s11+$0x0] =	vst.idx.msk $0xff, v3;
	v3 =	vshll.u32 v5, $0x7  }
0xa5: {  	[tilespmem:s9], [sflag:$0x2] =	stream.linear.gather [hbm4b:s19+s18], $0x6400, $0x38;
	[tilespmem:$0x10680] =	vst v63  }
0xa6: {  	_ =	swait.ge [sflag:s10], $0x6400  }
0xa7: {  	v5 =	vmul.u32 $0x5, v5;
	[sflag:s10] =	ssyncset.done $0x0  }
0xa8: {  	[sflag:s10] =	ssyncadd.s32 $0xFFFF9C00  }
0xa9: {  	v62 =	vadd.s32 $0x7D0, v5;
	v61 =	vld.idx.msk [tilespmem:v3+s3+$0x0], $0xffff  }
0xaa: {  	v63 =	vor.u32 $0x5, v3;
	_ =	sdelay $0x3  }
0xab: {  	[tilespmem:v62+s11+$0x0] =	vst.idx.msk $0xffff, v61  }
0xac: {  	v62 =	vadd.s32 $0x7D1, v5;
	v61 =	vld.idx.msk [tilespmem:v63+s3+$0x0], $0xffff  }
0xad: {  	v63 =	vor.u32 $0x11, v3;
	_ =	sdelay $0x3  }
0xae: {  	[tilespmem:v62+s11+$0x0] =	vst.idx.msk $0xffff, v61  }
0xaf: {  	v62 =	vadd.s32 $0x7D2, v5;
	v61 =	vld.idx.msk [tilespmem:v63+s3+$0x0], $0xffff  }
0xb0: {  	v63 =	vor.u32 $0x2A, v3;
	_ =	sdelay $0x3  }
0xb1: {  	[tilespmem:v62+s11+$0x0] =	vst.idx.msk $0xffff, v61  }
0xb2: {  	v62 =	vadd.s32 $0x7D3, v5;
	v61 =	vld.idx.msk [tilespmem:v63+s3+$0x0], $0xffff  }
0xb3: {  	v3 =	vor.u32 $0x63, v3;
	_ =	sdelay $0x3  }
0xb4: {  	s31 =	simm.s32 $0x10;
	[tilespmem:v62+s11+$0x0] =	vst.idx.msk $0xffff, v61  }
0xb5: {  	s18 =	simm.s32 $0x20;
	v63 =	vadd.s32 $0x7D4, v5;
	v62 =	vor.u32 s31, v0;
	v61 =	vld.idx.msk [tilespmem:v3+s3+$0x0], $0xffff  }
.LBB2_7:
0xb6: {  	p0 =	sne.s32 s18, $0xB0;
	v3 =	vshll.u32 v62, $0x7;
	_ =	sdelay $0x3  }
0xb7: {  	v5 =	vmul.u32 $0x5, v62;
	[tilespmem:v63+s11+$0x0] =	vst.idx.msk $0xffff, v61  }
0xb8: {  	v61 =	vld.idx.msk [tilespmem:v3+s3+$0x0], $0xffff  }
0xb9: {  	v62 =	vadd.s32 $0x7D0, v5  }
0xba: {  	v63 =	vor.u32 $0x5, v3;
	_ =	sdelay $0x3  }
0xbb: {  	[tilespmem:v62+s11+$0x0] =	vst.idx.msk $0xffff, v61  }
0xbc: {  	v61 =	vld.idx.msk [tilespmem:v63+s3+$0x0], $0xffff  }
0xbd: {  	v62 =	vadd.s32 $0x7D1, v5  }
0xbe: {  	v63 =	vor.u32 $0x11, v3;
	_ =	sdelay $0x3  }
0xbf: {  	[tilespmem:v62+s11+$0x0] =	vst.idx.msk $0xffff, v61  }
0xc0: {  	v61 =	vld.idx.msk [tilespmem:v63+s3+$0x0], $0xffff  }
0xc1: {  	v62 =	vadd.s32 $0x7D2, v5  }
0xc2: {  	v63 =	vor.u32 $0x2A, v3;
	_ =	sdelay $0x3  }
0xc3: {  	[tilespmem:v62+s11+$0x0] =	vst.idx.msk $0xffff, v61  }
0xc4: {  	v61 =	vld.idx.msk [tilespmem:v63+s3+$0x0], $0xffff  }
0xc5: {  	v62 =	vadd.s32 $0x7D3, v5  }
0xc6: {  	v3 =	vor.u32 $0x63, v3;
	_ =	sdelay $0x1  }
.Ltmp2:
0xc7: {  	(pc) =	sbr.rel @p0 .LBB2_7-.Ltmp2, $4  }
0xc8: {  	_ = 	snop  }
0xc9: {  	[tilespmem:v62+s11+$0x0] =	vst.idx.msk $0xffff, v61  }
0xca: {  	v61 =	vld.idx.msk [tilespmem:v3+s3+$0x0], $0xffff  }
0xcb: {  	v63 =	vadd.s32 $0x7D4, v5;
	v62 =	vor.u32 s18, v0;
	s18 =	sadd.s32 $0x10, s18  }
0xcc: {  	v3 =	vshll.u32 v62, $0x7;
	_ =	sdelay $0x2  }
0xcd: {  	v5 =	vmul.u32 $0x5, v62  }
0xce: {  	[tilespmem:v63+s11+$0x0] =	vst.idx.msk $0xffff, v61  }
0xcf: {  	v62 =	vadd.s32 $0x7D0, v5;
	v61 =	vld.idx.msk [tilespmem:v3+s3+$0x0], $0xffff  }
0xd0: {  	v63 =	vor.u32 $0x5, v3;
	_ =	sdelay $0x3  }
0xd1: {  	[tilespmem:v62+s11+$0x0] =	vst.idx.msk $0xffff, v61  }
0xd2: {  	v62 =	vadd.s32 $0x7D1, v5;
	v61 =	vld.idx.msk [tilespmem:v63+s3+$0x0], $0xffff  }
0xd3: {  	v63 =	vor.u32 $0x11, v3;
	_ =	sdelay $0x3  }
0xd4: {  	[tilespmem:v62+s11+$0x0] =	vst.idx.msk $0xffff, v61  }
0xd5: {  	v62 =	vadd.s32 $0x7D2, v5;
	v61 =	vld.idx.msk [tilespmem:v63+s3+$0x0], $0xffff  }
0xd6: {  	v63 =	vor.u32 $0x2A, v3;
	_ =	sdelay $0x3  }
0xd7: {  	[tilespmem:v62+s11+$0x0] =	vst.idx.msk $0xffff, v61  }
0xd8: {  	v62 =	vadd.s32 $0x7D3, v5;
	v61 =	vld.idx.msk [tilespmem:v63+s3+$0x0], $0xffff  }
0xd9: {  	v3 =	vor.u32 $0x63, v3;
	_ =	sdelay $0x3  }
0xda: {  	[tilespmem:v62+s11+$0x0] =	vst.idx.msk $0xffff, v61  }
0xdb: {  	v5 =	vadd.s32 $0x7D4, v5;
	v3 =	vld.idx.msk [tilespmem:v3+s3+$0x0], $0xffff;
	_ =	sdelay $0x4  }
0xdc: {  	s18 =	simm.s32 $0x0;
	[tilespmem:v5+s11+$0x0] =	vst.idx.msk $0xffff, v3  }
0xdd: {  	v3 =	vld.idx.msk [tilespmem:v2+s18+$0x0], $0xff;
	_ =	sdelay $0x4  }
0xde: {  	[tilespmem:v17+s11+$0x0] =	vst.idx.msk $0xff, v3  }
0xdf: {  	v3 =	vld.idx.msk [tilespmem:v4+s18+$0x0], $0xff;
	_ =	sdelay $0x4  }
0xe0: {  	[tilespmem:v18+s11+$0x0] =	vst.idx.msk $0xff, v3  }
0xe1: {  	v3 =	vld.idx.msk [tilespmem:v6+s18+$0x0], $0xff;
	_ =	sdelay $0x4  }
0xe2: {  	[tilespmem:v19+s11+$0x0] =	vst.idx.msk $0xff, v3  }
0xe3: {  	v3 =	vld.idx.msk [tilespmem:v8+s18+$0x0], $0xff;
	_ =	sdelay $0x4  }
0xe4: {  	[tilespmem:v20+s11+$0x0] =	vst.idx.msk $0xff, v3  }
0xe5: {  	v3 =	vld.idx.msk [tilespmem:v10+s18+$0x0], $0xff;
	_ =	sdelay $0x3  }
0xe6: {  	v5 =	vor.u32 s18, v0  }
0xe7: {  	s19 =	sadd.s32 $0x3200, s17;
	[tilespmem:v21+s11+$0x0] =	vst.idx.msk $0xff, v3;
	v3 =	vshll.u32 v5, $0x7  }
0xe8: {  	[tilespmem:s18], [sflag:$0x1] =	stream.linear.gather [hbm4b:s19+s18], $0x6400, $0x38;
	[tilespmem:$0x10680] =	vst v63  }
0xe9: {  	_ =	swait.ge [sflag:s12], $0x6400  }
0xea: {  	v5 =	vmul.u32 $0x5, v5;
	[sflag:s12] =	ssyncset.done $0x0  }
0xeb: {  	[sflag:s12] =	ssyncadd.s32 $0xFFFF9C00  }
0xec: {  	v62 =	vadd.s32 $0xBB8, v5;
	v61 =	vld.idx.msk [tilespmem:v3+s9+$0x0], $0xffff  }
0xed: {  	v63 =	vor.u32 $0x5, v3;
	_ =	sdelay $0x3  }
0xee: {  	[tilespmem:v62+s11+$0x0] =	vst.idx.msk $0xffff, v61  }
0xef: {  	v62 =	vadd.s32 $0xBB9, v5;
	v61 =	vld.idx.msk [tilespmem:v63+s9+$0x0], $0xffff  }
0xf0: {  	v63 =	vor.u32 $0x11, v3;
	_ =	sdelay $0x3  }
0xf1: {  	[tilespmem:v62+s11+$0x0] =	vst.idx.msk $0xffff, v61  }
0xf2: {  	v62 =	vadd.s32 $0xBBA, v5;
	v61 =	vld.idx.msk [tilespmem:v63+s9+$0x0], $0xffff  }
0xf3: {  	v63 =	vor.u32 $0x2A, v3;
	_ =	sdelay $0x3  }
0xf4: {  	[tilespmem:v62+s11+$0x0] =	vst.idx.msk $0xffff, v61  }
0xf5: {  	v62 =	vadd.s32 $0xBBB, v5;
	v61 =	vld.idx.msk [tilespmem:v63+s9+$0x0], $0xffff  }
0xf6: {  	v3 =	vor.u32 $0x63, v3;
	_ =	sdelay $0x3  }
0xf7: {  	s31 =	simm.s32 $0x10;
	[tilespmem:v62+s11+$0x0] =	vst.idx.msk $0xffff, v61  }
0xf8: {  	s18 =	simm.s32 $0x20;
	v63 =	vadd.s32 $0xBBC, v5;
	v62 =	vor.u32 s31, v0;
	v61 =	vld.idx.msk [tilespmem:v3+s9+$0x0], $0xffff  }
.LBB2_9:
0xf9: {  	p0 =	sne.s32 s18, $0xB0;
	v3 =	vshll.u32 v62, $0x7;
	_ =	sdelay $0x3  }
0xfa: {  	v5 =	vmul.u32 $0x5, v62;
	[tilespmem:v63+s11+$0x0] =	vst.idx.msk $0xffff, v61  }
0xfb: {  	v61 =	vld.idx.msk [tilespmem:v3+s9+$0x0], $0xffff  }
0xfc: {  	v62 =	vadd.s32 $0xBB8, v5  }
0xfd: {  	v63 =	vor.u32 $0x5, v3;
	_ =	sdelay $0x3  }
0xfe: {  	[tilespmem:v62+s11+$0x0] =	vst.idx.msk $0xffff, v61  }
0xff: {  	v61 =	vld.idx.msk [tilespmem:v63+s9+$0x0], $0xffff  }
0x100: {  	v62 =	vadd.s32 $0xBB9, v5  }
0x101: {  	v63 =	vor.u32 $0x11, v3;
	_ =	sdelay $0x3  }
0x102: {  	[tilespmem:v62+s11+$0x0] =	vst.idx.msk $0xffff, v61  }
0x103: {  	v61 =	vld.idx.msk [tilespmem:v63+s9+$0x0], $0xffff  }
0x104: {  	v62 =	vadd.s32 $0xBBA, v5  }
0x105: {  	v63 =	vor.u32 $0x2A, v3;
	_ =	sdelay $0x3  }
0x106: {  	[tilespmem:v62+s11+$0x0] =	vst.idx.msk $0xffff, v61  }
0x107: {  	v61 =	vld.idx.msk [tilespmem:v63+s9+$0x0], $0xffff  }
0x108: {  	v62 =	vadd.s32 $0xBBB, v5  }
0x109: {  	v3 =	vor.u32 $0x63, v3;
	_ =	sdelay $0x1  }
.Ltmp3:
0x10a: {  	(pc) =	sbr.rel @p0 .LBB2_9-.Ltmp3, $4  }
0x10b: {  	_ = 	snop  }
0x10c: {  	[tilespmem:v62+s11+$0x0] =	vst.idx.msk $0xffff, v61  }
0x10d: {  	v61 =	vld.idx.msk [tilespmem:v3+s9+$0x0], $0xffff  }
0x10e: {  	v63 =	vadd.s32 $0xBBC, v5;
	v62 =	vor.u32 s18, v0;
	s18 =	sadd.s32 $0x10, s18  }
0x10f: {  	v3 =	vshll.u32 v62, $0x7;
	_ =	sdelay $0x2  }
0x110: {  	v5 =	vmul.u32 $0x5, v62  }
0x111: {  	[tilespmem:v63+s11+$0x0] =	vst.idx.msk $0xffff, v61  }
0x112: {  	v62 =	vadd.s32 $0xBB8, v5;
	v61 =	vld.idx.msk [tilespmem:v3+s9+$0x0], $0xffff  }
0x113: {  	v63 =	vor.u32 $0x5, v3;
	_ =	sdelay $0x3  }
0x114: {  	[tilespmem:v62+s11+$0x0] =	vst.idx.msk $0xffff, v61  }
0x115: {  	v62 =	vadd.s32 $0xBB9, v5;
	v61 =	vld.idx.msk [tilespmem:v63+s9+$0x0], $0xffff  }
0x116: {  	v63 =	vor.u32 $0x11, v3;
	_ =	sdelay $0x3  }
0x117: {  	[tilespmem:v62+s11+$0x0] =	vst.idx.msk $0xffff, v61  }
0x118: {  	v62 =	vadd.s32 $0xBBA, v5;
	v61 =	vld.idx.msk [tilespmem:v63+s9+$0x0], $0xffff  }
0x119: {  	v63 =	vor.u32 $0x2A, v3;
	_ =	sdelay $0x3  }
0x11a: {  	[tilespmem:v62+s11+$0x0] =	vst.idx.msk $0xffff, v61  }
0x11b: {  	v62 =	vadd.s32 $0xBBB, v5;
	v61 =	vld.idx.msk [tilespmem:v63+s9+$0x0], $0xffff  }
0x11c: {  	v3 =	vor.u32 $0x63, v3;
	_ =	sdelay $0x3  }
0x11d: {  	[tilespmem:v62+s11+$0x0] =	vst.idx.msk $0xffff, v61  }
0x11e: {  	v5 =	vadd.s32 $0xBBC, v5;
	v3 =	vld.idx.msk [tilespmem:v3+s9+$0x0], $0xffff;
	_ =	sdelay $0x4  }
0x11f: {  	[tilespmem:v5+s11+$0x0] =	vst.idx.msk $0xffff, v3  }
0x120: {  	v3 =	vld.idx.msk [tilespmem:v2+s9+$0x0], $0xff;
	_ =	sdelay $0x4  }
0x121: {  	[tilespmem:v22+s11+$0x0] =	vst.idx.msk $0xff, v3  }
0x122: {  	v3 =	vld.idx.msk [tilespmem:v4+s9+$0x0], $0xff;
	_ =	sdelay $0x4  }
0x123: {  	[tilespmem:v23+s11+$0x0] =	vst.idx.msk $0xff, v3  }
0x124: {  	v3 =	vld.idx.msk [tilespmem:v6+s9+$0x0], $0xff;
	_ =	sdelay $0x4  }
0x125: {  	[tilespmem:v24+s11+$0x0] =	vst.idx.msk $0xff, v3  }
0x126: {  	v3 =	vld.idx.msk [tilespmem:v8+s9+$0x0], $0xff;
	_ =	sdelay $0x4  }
0x127: {  	[tilespmem:v25+s11+$0x0] =	vst.idx.msk $0xff, v3  }
0x128: {  	v3 =	vld.idx.msk [tilespmem:v10+s9+$0x0], $0xff;
	_ =	sdelay $0x2  }
0x129: {  	s18 =	simm.s32 $0x0  }
0x12a: {  	v5 =	vor.u32 s18, v0  }
0x12b: {  	s19 =	sadd.s32 $0x3E80, s17;
	[tilespmem:v26+s11+$0x0] =	vst.idx.msk $0xff, v3;
	v3 =	vshll.u32 v5, $0x7  }
0x12c: {  	[tilespmem:s9], [sflag:$0x2] =	stream.linear.gather [hbm4b:s19+s18], $0x6400, $0x38;
	[tilespmem:$0x10680] =	vst v63  }
0x12d: {  	_ =	swait.ge [sflag:s10], $0x6400  }
0x12e: {  	v5 =	vmul.u32 $0x5, v5;
	[sflag:s10] =	ssyncset.done $0x0  }
0x12f: {  	[sflag:s10] =	ssyncadd.s32 $0xFFFF9C00  }
0x130: {  	v62 =	vadd.s32 $0xFA0, v5;
	v61 =	vld.idx.msk [tilespmem:v3+s3+$0x0], $0xffff  }
0x131: {  	v63 =	vor.u32 $0x5, v3;
	_ =	sdelay $0x3  }
0x132: {  	[tilespmem:v62+s11+$0x0] =	vst.idx.msk $0xffff, v61  }
0x133: {  	v62 =	vadd.s32 $0xFA1, v5;
	v61 =	vld.idx.msk [tilespmem:v63+s3+$0x0], $0xffff  }
0x134: {  	v63 =	vor.u32 $0x11, v3;
	_ =	sdelay $0x3  }
0x135: {  	[tilespmem:v62+s11+$0x0] =	vst.idx.msk $0xffff, v61  }
0x136: {  	v62 =	vadd.s32 $0xFA2, v5;
	v61 =	vld.idx.msk [tilespmem:v63+s3+$0x0], $0xffff  }
0x137: {  	v63 =	vor.u32 $0x2A, v3;
	_ =	sdelay $0x3  }
0x138: {  	[tilespmem:v62+s11+$0x0] =	vst.idx.msk $0xffff, v61  }
0x139: {  	v62 =	vadd.s32 $0xFA3, v5;
	v61 =	vld.idx.msk [tilespmem:v63+s3+$0x0], $0xffff  }
0x13a: {  	v3 =	vor.u32 $0x63, v3;
	_ =	sdelay $0x3  }
0x13b: {  	s31 =	simm.s32 $0x10;
	[tilespmem:v62+s11+$0x0] =	vst.idx.msk $0xffff, v61  }
0x13c: {  	s18 =	simm.s32 $0x20;
	v63 =	vadd.s32 $0xFA4, v5;
	v62 =	vor.u32 s31, v0;
	v61 =	vld.idx.msk [tilespmem:v3+s3+$0x0], $0xffff  }
.LBB2_11:
0x13d: {  	p0 =	sne.s32 s18, $0xB0;
	v3 =	vshll.u32 v62, $0x7;
	_ =	sdelay $0x3  }
0x13e: {  	v5 =	vmul.u32 $0x5, v62;
	[tilespmem:v63+s11+$0x0] =	vst.idx.msk $0xffff, v61  }
0x13f: {  	v61 =	vld.idx.msk [tilespmem:v3+s3+$0x0], $0xffff  }
0x140: {  	v62 =	vadd.s32 $0xFA0, v5  }
0x141: {  	v63 =	vor.u32 $0x5, v3;
	_ =	sdelay $0x3  }
0x142: {  	[tilespmem:v62+s11+$0x0] =	vst.idx.msk $0xffff, v61  }
0x143: {  	v61 =	vld.idx.msk [tilespmem:v63+s3+$0x0], $0xffff  }
0x144: {  	v62 =	vadd.s32 $0xFA1, v5  }
0x145: {  	v63 =	vor.u32 $0x11, v3;
	_ =	sdelay $0x3  }
0x146: {  	[tilespmem:v62+s11+$0x0] =	vst.idx.msk $0xffff, v61  }
0x147: {  	v61 =	vld.idx.msk [tilespmem:v63+s3+$0x0], $0xffff  }
0x148: {  	v62 =	vadd.s32 $0xFA2, v5  }
0x149: {  	v63 =	vor.u32 $0x2A, v3;
	_ =	sdelay $0x3  }
0x14a: {  	[tilespmem:v62+s11+$0x0] =	vst.idx.msk $0xffff, v61  }
0x14b: {  	v61 =	vld.idx.msk [tilespmem:v63+s3+$0x0], $0xffff  }
0x14c: {  	v62 =	vadd.s32 $0xFA3, v5  }
0x14d: {  	v3 =	vor.u32 $0x63, v3;
	_ =	sdelay $0x1  }
.Ltmp4:
0x14e: {  	(pc) =	sbr.rel @p0 .LBB2_11-.Ltmp4, $4  }
0x14f: {  	_ = 	snop  }
0x150: {  	[tilespmem:v62+s11+$0x0] =	vst.idx.msk $0xffff, v61  }
0x151: {  	v61 =	vld.idx.msk [tilespmem:v3+s3+$0x0], $0xffff  }
0x152: {  	v63 =	vadd.s32 $0xFA4, v5;
	v62 =	vor.u32 s18, v0;
	s18 =	sadd.s32 $0x10, s18  }
0x153: {  	v3 =	vshll.u32 v62, $0x7;
	_ =	sdelay $0x2  }
0x154: {  	v5 =	vmul.u32 $0x5, v62  }
0x155: {  	[tilespmem:v63+s11+$0x0] =	vst.idx.msk $0xffff, v61  }
0x156: {  	v62 =	vadd.s32 $0xFA0, v5;
	v61 =	vld.idx.msk [tilespmem:v3+s3+$0x0], $0xffff  }
0x157: {  	v63 =	vor.u32 $0x5, v3;
	_ =	sdelay $0x3  }
0x158: {  	[tilespmem:v62+s11+$0x0] =	vst.idx.msk $0xffff, v61  }
0x159: {  	v62 =	vadd.s32 $0xFA1, v5;
	v61 =	vld.idx.msk [tilespmem:v63+s3+$0x0], $0xffff  }
0x15a: {  	v63 =	vor.u32 $0x11, v3;
	_ =	sdelay $0x3  }
0x15b: {  	[tilespmem:v62+s11+$0x0] =	vst.idx.msk $0xffff, v61  }
0x15c: {  	v62 =	vadd.s32 $0xFA2, v5;
	v61 =	vld.idx.msk [tilespmem:v63+s3+$0x0], $0xffff  }
0x15d: {  	v63 =	vor.u32 $0x2A, v3;
	_ =	sdelay $0x3  }
0x15e: {  	[tilespmem:v62+s11+$0x0] =	vst.idx.msk $0xffff, v61  }
0x15f: {  	v62 =	vadd.s32 $0xFA3, v5;
	v61 =	vld.idx.msk [tilespmem:v63+s3+$0x0], $0xffff  }
0x160: {  	v3 =	vor.u32 $0x63, v3;
	_ =	sdelay $0x3  }
0x161: {  	[tilespmem:v62+s11+$0x0] =	vst.idx.msk $0xffff, v61  }
0x162: {  	v5 =	vadd.s32 $0xFA4, v5;
	v3 =	vld.idx.msk [tilespmem:v3+s3+$0x0], $0xffff;
	_ =	sdelay $0x4  }
0x163: {  	s18 =	simm.s32 $0x0;
	[tilespmem:v5+s11+$0x0] =	vst.idx.msk $0xffff, v3  }
0x164: {  	v3 =	vld.idx.msk [tilespmem:v2+s18+$0x0], $0xff;
	_ =	sdelay $0x4  }
0x165: {  	[tilespmem:v27+s11+$0x0] =	vst.idx.msk $0xff, v3  }
0x166: {  	v3 =	vld.idx.msk [tilespmem:v4+s18+$0x0], $0xff;
	_ =	sdelay $0x4  }
0x167: {  	[tilespmem:v28+s11+$0x0] =	vst.idx.msk $0xff, v3  }
0x168: {  	v3 =	vld.idx.msk [tilespmem:v6+s18+$0x0], $0xff;
	_ =	sdelay $0x4  }
0x169: {  	[tilespmem:v29+s11+$0x0] =	vst.idx.msk $0xff, v3  }
0x16a: {  	v3 =	vld.idx.msk [tilespmem:v8+s18+$0x0], $0xff;
	_ =	sdelay $0x4  }
0x16b: {  	[tilespmem:v30+s11+$0x0] =	vst.idx.msk $0xff, v3  }
0x16c: {  	v3 =	vld.idx.msk [tilespmem:v10+s18+$0x0], $0xff;
	_ =	sdelay $0x3  }
0x16d: {  	v5 =	vor.u32 s18, v0  }
0x16e: {  	s19 =	sadd.s32 $0x4B00, s17;
	[tilespmem:v31+s11+$0x0] =	vst.idx.msk $0xff, v3;
	v3 =	vshll.u32 v5, $0x7  }
0x16f: {  	[tilespmem:s18], [sflag:$0x1] =	stream.linear.gather [hbm4b:s19+s18], $0x6400, $0x38;
	[tilespmem:$0x10680] =	vst v63  }
0x170: {  	_ =	swait.ge [sflag:s12], $0x6400  }
0x171: {  	v5 =	vmul.u32 $0x5, v5;
	[sflag:s12] =	ssyncset.done $0x0  }
0x172: {  	[sflag:s12] =	ssyncadd.s32 $0xFFFF9C00  }
0x173: {  	v62 =	vadd.s32 $0x1388, v5;
	v61 =	vld.idx.msk [tilespmem:v3+s9+$0x0], $0xffff  }
0x174: {  	v63 =	vor.u32 $0x5, v3;
	_ =	sdelay $0x3  }
0x175: {  	[tilespmem:v62+s11+$0x0] =	vst.idx.msk $0xffff, v61  }
0x176: {  	v62 =	vadd.s32 $0x1389, v5;
	v61 =	vld.idx.msk [tilespmem:v63+s9+$0x0], $0xffff  }
0x177: {  	v63 =	vor.u32 $0x11, v3;
	_ =	sdelay $0x3  }
0x178: {  	[tilespmem:v62+s11+$0x0] =	vst.idx.msk $0xffff, v61  }
0x179: {  	v62 =	vadd.s32 $0x138A, v5;
	v61 =	vld.idx.msk [tilespmem:v63+s9+$0x0], $0xffff  }
0x17a: {  	v63 =	vor.u32 $0x2A, v3;
	_ =	sdelay $0x3  }
0x17b: {  	[tilespmem:v62+s11+$0x0] =	vst.idx.msk $0xffff, v61  }
0x17c: {  	v62 =	vadd.s32 $0x138B, v5;
	v61 =	vld.idx.msk [tilespmem:v63+s9+$0x0], $0xffff  }
0x17d: {  	v3 =	vor.u32 $0x63, v3;
	_ =	sdelay $0x3  }
0x17e: {  	s31 =	simm.s32 $0x10;
	[tilespmem:v62+s11+$0x0] =	vst.idx.msk $0xffff, v61  }
0x17f: {  	s18 =	simm.s32 $0x20;
	v63 =	vadd.s32 $0x138C, v5;
	v62 =	vor.u32 s31, v0;
	v61 =	vld.idx.msk [tilespmem:v3+s9+$0x0], $0xffff  }
.LBB2_13:
0x180: {  	p0 =	sne.s32 s18, $0xB0;
	v3 =	vshll.u32 v62, $0x7;
	_ =	sdelay $0x3  }
0x181: {  	v5 =	vmul.u32 $0x5, v62;
	[tilespmem:v63+s11+$0x0] =	vst.idx.msk $0xffff, v61  }
0x182: {  	v61 =	vld.idx.msk [tilespmem:v3+s9+$0x0], $0xffff  }
0x183: {  	v62 =	vadd.s32 $0x1388, v5  }
0x184: {  	v63 =	vor.u32 $0x5, v3;
	_ =	sdelay $0x3  }
0x185: {  	[tilespmem:v62+s11+$0x0] =	vst.idx.msk $0xffff, v61  }
0x186: {  	v61 =	vld.idx.msk [tilespmem:v63+s9+$0x0], $0xffff  }
0x187: {  	v62 =	vadd.s32 $0x1389, v5  }
0x188: {  	v63 =	vor.u32 $0x11, v3;
	_ =	sdelay $0x3  }
0x189: {  	[tilespmem:v62+s11+$0x0] =	vst.idx.msk $0xffff, v61  }
0x18a: {  	v61 =	vld.idx.msk [tilespmem:v63+s9+$0x0], $0xffff  }
0x18b: {  	v62 =	vadd.s32 $0x138A, v5  }
0x18c: {  	v63 =	vor.u32 $0x2A, v3;
	_ =	sdelay $0x3  }
0x18d: {  	[tilespmem:v62+s11+$0x0] =	vst.idx.msk $0xffff, v61  }
0x18e: {  	v61 =	vld.idx.msk [tilespmem:v63+s9+$0x0], $0xffff  }
0x18f: {  	v62 =	vadd.s32 $0x138B, v5  }
0x190: {  	v3 =	vor.u32 $0x63, v3;
	_ =	sdelay $0x1  }
.Ltmp5:
0x191: {  	(pc) =	sbr.rel @p0 .LBB2_13-.Ltmp5, $4  }
0x192: {  	_ = 	snop  }
0x193: {  	[tilespmem:v62+s11+$0x0] =	vst.idx.msk $0xffff, v61  }
0x194: {  	v61 =	vld.idx.msk [tilespmem:v3+s9+$0x0], $0xffff  }
0x195: {  	v63 =	vadd.s32 $0x138C, v5;
	v62 =	vor.u32 s18, v0;
	s18 =	sadd.s32 $0x10, s18  }
0x196: {  	v3 =	vshll.u32 v62, $0x7;
	_ =	sdelay $0x2  }
0x197: {  	v5 =	vmul.u32 $0x5, v62  }
0x198: {  	[tilespmem:v63+s11+$0x0] =	vst.idx.msk $0xffff, v61  }
0x199: {  	v62 =	vadd.s32 $0x1388, v5;
	v61 =	vld.idx.msk [tilespmem:v3+s9+$0x0], $0xffff  }
0x19a: {  	v63 =	vor.u32 $0x5, v3;
	_ =	sdelay $0x3  }
0x19b: {  	[tilespmem:v62+s11+$0x0] =	vst.idx.msk $0xffff, v61  }
0x19c: {  	v62 =	vadd.s32 $0x1389, v5;
	v61 =	vld.idx.msk [tilespmem:v63+s9+$0x0], $0xffff  }
0x19d: {  	v63 =	vor.u32 $0x11, v3;
	_ =	sdelay $0x3  }
0x19e: {  	[tilespmem:v62+s11+$0x0] =	vst.idx.msk $0xffff, v61  }
0x19f: {  	v62 =	vadd.s32 $0x138A, v5;
	v61 =	vld.idx.msk [tilespmem:v63+s9+$0x0], $0xffff  }
0x1a0: {  	v63 =	vor.u32 $0x2A, v3;
	_ =	sdelay $0x3  }
0x1a1: {  	[tilespmem:v62+s11+$0x0] =	vst.idx.msk $0xffff, v61  }
0x1a2: {  	v62 =	vadd.s32 $0x138B, v5;
	v61 =	vld.idx.msk [tilespmem:v63+s9+$0x0], $0xffff  }
0x1a3: {  	v3 =	vor.u32 $0x63, v3;
	_ =	sdelay $0x3  }
0x1a4: {  	[tilespmem:v62+s11+$0x0] =	vst.idx.msk $0xffff, v61  }
0x1a5: {  	v5 =	vadd.s32 $0x138C, v5;
	v3 =	vld.idx.msk [tilespmem:v3+s9+$0x0], $0xffff;
	_ =	sdelay $0x4  }
0x1a6: {  	[tilespmem:v5+s11+$0x0] =	vst.idx.msk $0xffff, v3  }
0x1a7: {  	v3 =	vld.idx.msk [tilespmem:v2+s9+$0x0], $0xff;
	_ =	sdelay $0x4  }
0x1a8: {  	[tilespmem:v32+s11+$0x0] =	vst.idx.msk $0xff, v3  }
0x1a9: {  	v3 =	vld.idx.msk [tilespmem:v4+s9+$0x0], $0xff;
	_ =	sdelay $0x4  }
0x1aa: {  	[tilespmem:v33+s11+$0x0] =	vst.idx.msk $0xff, v3  }
0x1ab: {  	v3 =	vld.idx.msk [tilespmem:v6+s9+$0x0], $0xff;
	_ =	sdelay $0x4  }
0x1ac: {  	[tilespmem:v34+s11+$0x0] =	vst.idx.msk $0xff, v3  }
0x1ad: {  	v3 =	vld.idx.msk [tilespmem:v8+s9+$0x0], $0xff;
	_ =	sdelay $0x4  }
0x1ae: {  	[tilespmem:v35+s11+$0x0] =	vst.idx.msk $0xff, v3  }
0x1af: {  	v3 =	vld.idx.msk [tilespmem:v10+s9+$0x0], $0xff;
	_ =	sdelay $0x2  }
0x1b0: {  	s18 =	simm.s32 $0x0  }
0x1b1: {  	v5 =	vor.u32 s18, v0  }
0x1b2: {  	s19 =	sadd.s32 $0x5780, s17;
	[tilespmem:v36+s11+$0x0] =	vst.idx.msk $0xff, v3;
	v3 =	vshll.u32 v5, $0x7  }
0x1b3: {  	[tilespmem:s9], [sflag:$0x2] =	stream.linear.gather [hbm4b:s19+s18], $0x6400, $0x38;
	[tilespmem:$0x10680] =	vst v63  }
0x1b4: {  	_ =	swait.ge [sflag:s10], $0x6400  }
0x1b5: {  	v5 =	vmul.u32 $0x5, v5;
	[sflag:s10] =	ssyncset.done $0x0  }
0x1b6: {  	[sflag:s10] =	ssyncadd.s32 $0xFFFF9C00  }
0x1b7: {  	v62 =	vadd.s32 $0x1770, v5;
	v61 =	vld.idx.msk [tilespmem:v3+s3+$0x0], $0xffff  }
0x1b8: {  	v63 =	vor.u32 $0x5, v3;
	_ =	sdelay $0x3  }
0x1b9: {  	[tilespmem:v62+s11+$0x0] =	vst.idx.msk $0xffff, v61  }
0x1ba: {  	v62 =	vadd.s32 $0x1771, v5;
	v61 =	vld.idx.msk [tilespmem:v63+s3+$0x0], $0xffff  }
0x1bb: {  	v63 =	vor.u32 $0x11, v3;
	_ =	sdelay $0x3  }
0x1bc: {  	[tilespmem:v62+s11+$0x0] =	vst.idx.msk $0xffff, v61  }
0x1bd: {  	v62 =	vadd.s32 $0x1772, v5;
	v61 =	vld.idx.msk [tilespmem:v63+s3+$0x0], $0xffff  }
0x1be: {  	v63 =	vor.u32 $0x2A, v3;
	_ =	sdelay $0x3  }
0x1bf: {  	[tilespmem:v62+s11+$0x0] =	vst.idx.msk $0xffff, v61  }
0x1c0: {  	v62 =	vadd.s32 $0x1773, v5;
	v61 =	vld.idx.msk [tilespmem:v63+s3+$0x0], $0xffff  }
0x1c1: {  	v3 =	vor.u32 $0x63, v3;
	_ =	sdelay $0x3  }
0x1c2: {  	s31 =	simm.s32 $0x10;
	[tilespmem:v62+s11+$0x0] =	vst.idx.msk $0xffff, v61  }
0x1c3: {  	s18 =	simm.s32 $0x20;
	v63 =	vadd.s32 $0x1774, v5;
	v62 =	vor.u32 s31, v0;
	v61 =	vld.idx.msk [tilespmem:v3+s3+$0x0], $0xffff  }
.LBB2_15:
0x1c4: {  	p0 =	sne.s32 s18, $0xB0;
	v3 =	vshll.u32 v62, $0x7;
	_ =	sdelay $0x3  }
0x1c5: {  	v5 =	vmul.u32 $0x5, v62;
	[tilespmem:v63+s11+$0x0] =	vst.idx.msk $0xffff, v61  }
0x1c6: {  	v61 =	vld.idx.msk [tilespmem:v3+s3+$0x0], $0xffff  }
0x1c7: {  	v62 =	vadd.s32 $0x1770, v5  }
0x1c8: {  	v63 =	vor.u32 $0x5, v3;
	_ =	sdelay $0x3  }
0x1c9: {  	[tilespmem:v62+s11+$0x0] =	vst.idx.msk $0xffff, v61  }
0x1ca: {  	v61 =	vld.idx.msk [tilespmem:v63+s3+$0x0], $0xffff  }
0x1cb: {  	v62 =	vadd.s32 $0x1771, v5  }
0x1cc: {  	v63 =	vor.u32 $0x11, v3;
	_ =	sdelay $0x3  }
0x1cd: {  	[tilespmem:v62+s11+$0x0] =	vst.idx.msk $0xffff, v61  }
0x1ce: {  	v61 =	vld.idx.msk [tilespmem:v63+s3+$0x0], $0xffff  }
0x1cf: {  	v62 =	vadd.s32 $0x1772, v5  }
0x1d0: {  	v63 =	vor.u32 $0x2A, v3;
	_ =	sdelay $0x3  }
0x1d1: {  	[tilespmem:v62+s11+$0x0] =	vst.idx.msk $0xffff, v61  }
0x1d2: {  	v61 =	vld.idx.msk [tilespmem:v63+s3+$0x0], $0xffff  }
0x1d3: {  	v62 =	vadd.s32 $0x1773, v5  }
0x1d4: {  	v3 =	vor.u32 $0x63, v3;
	_ =	sdelay $0x1  }
.Ltmp6:
0x1d5: {  	(pc) =	sbr.rel @p0 .LBB2_15-.Ltmp6, $4  }
0x1d6: {  	_ = 	snop  }
0x1d7: {  	[tilespmem:v62+s11+$0x0] =	vst.idx.msk $0xffff, v61  }
0x1d8: {  	v61 =	vld.idx.msk [tilespmem:v3+s3+$0x0], $0xffff  }
0x1d9: {  	v63 =	vadd.s32 $0x1774, v5;
	v62 =	vor.u32 s18, v0;
	s18 =	sadd.s32 $0x10, s18  }
0x1da: {  	v3 =	vshll.u32 v62, $0x7;
	_ =	sdelay $0x2  }
0x1db: {  	v5 =	vmul.u32 $0x5, v62  }
0x1dc: {  	[tilespmem:v63+s11+$0x0] =	vst.idx.msk $0xffff, v61  }
0x1dd: {  	v62 =	vadd.s32 $0x1770, v5;
	v61 =	vld.idx.msk [tilespmem:v3+s3+$0x0], $0xffff  }
0x1de: {  	v63 =	vor.u32 $0x5, v3;
	_ =	sdelay $0x3  }
0x1df: {  	[tilespmem:v62+s11+$0x0] =	vst.idx.msk $0xffff, v61  }
0x1e0: {  	v62 =	vadd.s32 $0x1771, v5;
	v61 =	vld.idx.msk [tilespmem:v63+s3+$0x0], $0xffff  }
0x1e1: {  	v63 =	vor.u32 $0x11, v3;
	_ =	sdelay $0x3  }
0x1e2: {  	[tilespmem:v62+s11+$0x0] =	vst.idx.msk $0xffff, v61  }
0x1e3: {  	v62 =	vadd.s32 $0x1772, v5;
	v61 =	vld.idx.msk [tilespmem:v63+s3+$0x0], $0xffff  }
0x1e4: {  	v63 =	vor.u32 $0x2A, v3;
	_ =	sdelay $0x3  }
0x1e5: {  	[tilespmem:v62+s11+$0x0] =	vst.idx.msk $0xffff, v61  }
0x1e6: {  	v62 =	vadd.s32 $0x1773, v5;
	v61 =	vld.idx.msk [tilespmem:v63+s3+$0x0], $0xffff  }
0x1e7: {  	v3 =	vor.u32 $0x63, v3;
	_ =	sdelay $0x3  }
0x1e8: {  	[tilespmem:v62+s11+$0x0] =	vst.idx.msk $0xffff, v61  }
0x1e9: {  	v5 =	vadd.s32 $0x1774, v5;
	v3 =	vld.idx.msk [tilespmem:v3+s3+$0x0], $0xffff;
	_ =	sdelay $0x4  }
0x1ea: {  	s18 =	simm.s32 $0x0;
	[tilespmem:v5+s11+$0x0] =	vst.idx.msk $0xffff, v3  }
0x1eb: {  	v3 =	vld.idx.msk [tilespmem:v2+s18+$0x0], $0xff;
	_ =	sdelay $0x4  }
0x1ec: {  	[tilespmem:v37+s11+$0x0] =	vst.idx.msk $0xff, v3  }
0x1ed: {  	v3 =	vld.idx.msk [tilespmem:v4+s18+$0x0], $0xff;
	_ =	sdelay $0x4  }
0x1ee: {  	[tilespmem:v38+s11+$0x0] =	vst.idx.msk $0xff, v3  }
0x1ef: {  	v3 =	vld.idx.msk [tilespmem:v6+s18+$0x0], $0xff;
	_ =	sdelay $0x4  }
0x1f0: {  	[tilespmem:v39+s11+$0x0] =	vst.idx.msk $0xff, v3  }
0x1f1: {  	v3 =	vld.idx.msk [tilespmem:v8+s18+$0x0], $0xff;
	_ =	sdelay $0x4  }
0x1f2: {  	[tilespmem:v40+s11+$0x0] =	vst.idx.msk $0xff, v3  }
0x1f3: {  	v3 =	vld.idx.msk [tilespmem:v10+s18+$0x0], $0xff;
	_ =	sdelay $0x3  }
0x1f4: {  	v5 =	vor.u32 s18, v0  }
0x1f5: {  	s19 =	sadd.s32 $0x6400, s17;
	[tilespmem:v41+s11+$0x0] =	vst.idx.msk $0xff, v3;
	v3 =	vshll.u32 v5, $0x7  }
0x1f6: {  	[tilespmem:s18], [sflag:$0x1] =	stream.linear.gather [hbm4b:s19+s18], $0x6400, $0x38;
	[tilespmem:$0x10680] =	vst v63  }
0x1f7: {  	_ =	swait.ge [sflag:s12], $0x6400  }
0x1f8: {  	v5 =	vmul.u32 $0x5, v5;
	[sflag:s12] =	ssyncset.done $0x0  }
0x1f9: {  	[sflag:s12] =	ssyncadd.s32 $0xFFFF9C00  }
0x1fa: {  	v62 =	vadd.s32 $0x1B58, v5;
	v61 =	vld.idx.msk [tilespmem:v3+s9+$0x0], $0xffff  }
0x1fb: {  	v63 =	vor.u32 $0x5, v3;
	_ =	sdelay $0x3  }
0x1fc: {  	[tilespmem:v62+s11+$0x0] =	vst.idx.msk $0xffff, v61  }
0x1fd: {  	v62 =	vadd.s32 $0x1B59, v5;
	v61 =	vld.idx.msk [tilespmem:v63+s9+$0x0], $0xffff  }
0x1fe: {  	v63 =	vor.u32 $0x11, v3;
	_ =	sdelay $0x3  }
0x1ff: {  	[tilespmem:v62+s11+$0x0] =	vst.idx.msk $0xffff, v61  }
0x200: {  	v62 =	vadd.s32 $0x1B5A, v5;
	v61 =	vld.idx.msk [tilespmem:v63+s9+$0x0], $0xffff  }
0x201: {  	v63 =	vor.u32 $0x2A, v3;
	_ =	sdelay $0x3  }
0x202: {  	[tilespmem:v62+s11+$0x0] =	vst.idx.msk $0xffff, v61  }
0x203: {  	v62 =	vadd.s32 $0x1B5B, v5;
	v61 =	vld.idx.msk [tilespmem:v63+s9+$0x0], $0xffff  }
0x204: {  	v3 =	vor.u32 $0x63, v3;
	_ =	sdelay $0x3  }
0x205: {  	s31 =	simm.s32 $0x10;
	[tilespmem:v62+s11+$0x0] =	vst.idx.msk $0xffff, v61  }
0x206: {  	s18 =	simm.s32 $0x20;
	v63 =	vadd.s32 $0x1B5C, v5;
	v62 =	vor.u32 s31, v0;
	v61 =	vld.idx.msk [tilespmem:v3+s9+$0x0], $0xffff  }
.LBB2_17:
0x207: {  	p0 =	sne.s32 s18, $0xB0;
	v3 =	vshll.u32 v62, $0x7;
	_ =	sdelay $0x3  }
0x208: {  	v5 =	vmul.u32 $0x5, v62;
	[tilespmem:v63+s11+$0x0] =	vst.idx.msk $0xffff, v61  }
0x209: {  	v61 =	vld.idx.msk [tilespmem:v3+s9+$0x0], $0xffff  }
0x20a: {  	v62 =	vadd.s32 $0x1B58, v5  }
0x20b: {  	v63 =	vor.u32 $0x5, v3;
	_ =	sdelay $0x3  }
0x20c: {  	[tilespmem:v62+s11+$0x0] =	vst.idx.msk $0xffff, v61  }
0x20d: {  	v61 =	vld.idx.msk [tilespmem:v63+s9+$0x0], $0xffff  }
0x20e: {  	v62 =	vadd.s32 $0x1B59, v5  }
0x20f: {  	v63 =	vor.u32 $0x11, v3;
	_ =	sdelay $0x3  }
0x210: {  	[tilespmem:v62+s11+$0x0] =	vst.idx.msk $0xffff, v61  }
0x211: {  	v61 =	vld.idx.msk [tilespmem:v63+s9+$0x0], $0xffff  }
0x212: {  	v62 =	vadd.s32 $0x1B5A, v5  }
0x213: {  	v63 =	vor.u32 $0x2A, v3;
	_ =	sdelay $0x3  }
0x214: {  	[tilespmem:v62+s11+$0x0] =	vst.idx.msk $0xffff, v61  }
0x215: {  	v61 =	vld.idx.msk [tilespmem:v63+s9+$0x0], $0xffff  }
0x216: {  	v62 =	vadd.s32 $0x1B5B, v5  }
0x217: {  	v3 =	vor.u32 $0x63, v3;
	_ =	sdelay $0x1  }
.Ltmp7:
0x218: {  	(pc) =	sbr.rel @p0 .LBB2_17-.Ltmp7, $4  }
0x219: {  	_ = 	snop  }
0x21a: {  	[tilespmem:v62+s11+$0x0] =	vst.idx.msk $0xffff, v61  }
0x21b: {  	v61 =	vld.idx.msk [tilespmem:v3+s9+$0x0], $0xffff  }
0x21c: {  	v63 =	vadd.s32 $0x1B5C, v5;
	v62 =	vor.u32 s18, v0;
	s18 =	sadd.s32 $0x10, s18  }
0x21d: {  	v3 =	vshll.u32 v62, $0x7;
	_ =	sdelay $0x2  }
0x21e: {  	v5 =	vmul.u32 $0x5, v62  }
0x21f: {  	[tilespmem:v63+s11+$0x0] =	vst.idx.msk $0xffff, v61  }
0x220: {  	v62 =	vadd.s32 $0x1B58, v5;
	v61 =	vld.idx.msk [tilespmem:v3+s9+$0x0], $0xffff  }
0x221: {  	v63 =	vor.u32 $0x5, v3;
	_ =	sdelay $0x3  }
0x222: {  	[tilespmem:v62+s11+$0x0] =	vst.idx.msk $0xffff, v61  }
0x223: {  	v62 =	vadd.s32 $0x1B59, v5;
	v61 =	vld.idx.msk [tilespmem:v63+s9+$0x0], $0xffff  }
0x224: {  	v63 =	vor.u32 $0x11, v3;
	_ =	sdelay $0x3  }
0x225: {  	[tilespmem:v62+s11+$0x0] =	vst.idx.msk $0xffff, v61  }
0x226: {  	v62 =	vadd.s32 $0x1B5A, v5;
	v61 =	vld.idx.msk [tilespmem:v63+s9+$0x0], $0xffff  }
0x227: {  	v63 =	vor.u32 $0x2A, v3;
	_ =	sdelay $0x3  }
0x228: {  	[tilespmem:v62+s11+$0x0] =	vst.idx.msk $0xffff, v61  }
0x229: {  	v62 =	vadd.s32 $0x1B5B, v5;
	v61 =	vld.idx.msk [tilespmem:v63+s9+$0x0], $0xffff  }
0x22a: {  	v3 =	vor.u32 $0x63, v3;
	_ =	sdelay $0x3  }
0x22b: {  	[tilespmem:v62+s11+$0x0] =	vst.idx.msk $0xffff, v61  }
0x22c: {  	v5 =	vadd.s32 $0x1B5C, v5;
	v3 =	vld.idx.msk [tilespmem:v3+s9+$0x0], $0xffff;
	_ =	sdelay $0x4  }
0x22d: {  	[tilespmem:v5+s11+$0x0] =	vst.idx.msk $0xffff, v3  }
0x22e: {  	v3 =	vld.idx.msk [tilespmem:v2+s9+$0x0], $0xff;
	_ =	sdelay $0x4  }
0x22f: {  	[tilespmem:v42+s11+$0x0] =	vst.idx.msk $0xff, v3  }
0x230: {  	v3 =	vld.idx.msk [tilespmem:v4+s9+$0x0], $0xff;
	_ =	sdelay $0x4  }
0x231: {  	[tilespmem:v43+s11+$0x0] =	vst.idx.msk $0xff, v3  }
0x232: {  	v3 =	vld.idx.msk [tilespmem:v6+s9+$0x0], $0xff;
	_ =	sdelay $0x4  }
0x233: {  	[tilespmem:v44+s11+$0x0] =	vst.idx.msk $0xff, v3  }
0x234: {  	v3 =	vld.idx.msk [tilespmem:v8+s9+$0x0], $0xff;
	_ =	sdelay $0x4  }
0x235: {  	[tilespmem:v45+s11+$0x0] =	vst.idx.msk $0xff, v3  }
0x236: {  	v3 =	vld.idx.msk [tilespmem:v10+s9+$0x0], $0xff;
	_ =	sdelay $0x2  }
0x237: {  	s18 =	simm.s32 $0x0  }
0x238: {  	v5 =	vor.u32 s18, v0  }
0x239: {  	s19 =	sadd.s32 $0x7080, s17;
	[tilespmem:v46+s11+$0x0] =	vst.idx.msk $0xff, v3;
	v3 =	vshll.u32 v5, $0x7  }
0x23a: {  	[tilespmem:s9], [sflag:$0x2] =	stream.linear.gather [hbm4b:s19+s18], $0x6400, $0x38;
	[tilespmem:$0x10680] =	vst v63  }
0x23b: {  	_ =	swait.ge [sflag:s10], $0x6400  }
0x23c: {  	v5 =	vmul.u32 $0x5, v5;
	[sflag:s10] =	ssyncset.done $0x0  }
0x23d: {  	[sflag:s10] =	ssyncadd.s32 $0xFFFF9C00  }
0x23e: {  	v62 =	vadd.s32 $0x1F40, v5;
	v61 =	vld.idx.msk [tilespmem:v3+s3+$0x0], $0xffff  }
0x23f: {  	v63 =	vor.u32 $0x5, v3;
	_ =	sdelay $0x3  }
0x240: {  	[tilespmem:v62+s11+$0x0] =	vst.idx.msk $0xffff, v61  }
0x241: {  	v62 =	vadd.s32 $0x1F41, v5;
	v61 =	vld.idx.msk [tilespmem:v63+s3+$0x0], $0xffff  }
0x242: {  	v63 =	vor.u32 $0x11, v3;
	_ =	sdelay $0x3  }
0x243: {  	[tilespmem:v62+s11+$0x0] =	vst.idx.msk $0xffff, v61  }
0x244: {  	v62 =	vadd.s32 $0x1F42, v5;
	v61 =	vld.idx.msk [tilespmem:v63+s3+$0x0], $0xffff  }
0x245: {  	v63 =	vor.u32 $0x2A, v3;
	_ =	sdelay $0x3  }
0x246: {  	[tilespmem:v62+s11+$0x0] =	vst.idx.msk $0xffff, v61  }
0x247: {  	v62 =	vadd.s32 $0x1F43, v5;
	v61 =	vld.idx.msk [tilespmem:v63+s3+$0x0], $0xffff  }
0x248: {  	v3 =	vor.u32 $0x63, v3;
	_ =	sdelay $0x3  }
0x249: {  	s31 =	simm.s32 $0x10;
	[tilespmem:v62+s11+$0x0] =	vst.idx.msk $0xffff, v61  }
0x24a: {  	s18 =	simm.s32 $0x20;
	v63 =	vadd.s32 $0x1F44, v5;
	v62 =	vor.u32 s31, v0;
	v61 =	vld.idx.msk [tilespmem:v3+s3+$0x0], $0xffff  }
.LBB2_19:
0x24b: {  	p0 =	sne.s32 s18, $0xB0;
	v3 =	vshll.u32 v62, $0x7;
	_ =	sdelay $0x3  }
0x24c: {  	v5 =	vmul.u32 $0x5, v62;
	[tilespmem:v63+s11+$0x0] =	vst.idx.msk $0xffff, v61  }
0x24d: {  	v61 =	vld.idx.msk [tilespmem:v3+s3+$0x0], $0xffff  }
0x24e: {  	v62 =	vadd.s32 $0x1F40, v5  }
0x24f: {  	v63 =	vor.u32 $0x5, v3;
	_ =	sdelay $0x3  }
0x250: {  	[tilespmem:v62+s11+$0x0] =	vst.idx.msk $0xffff, v61  }
0x251: {  	v61 =	vld.idx.msk [tilespmem:v63+s3+$0x0], $0xffff  }
0x252: {  	v62 =	vadd.s32 $0x1F41, v5  }
0x253: {  	v63 =	vor.u32 $0x11, v3;
	_ =	sdelay $0x3  }
0x254: {  	[tilespmem:v62+s11+$0x0] =	vst.idx.msk $0xffff, v61  }
0x255: {  	v61 =	vld.idx.msk [tilespmem:v63+s3+$0x0], $0xffff  }
0x256: {  	v62 =	vadd.s32 $0x1F42, v5  }
0x257: {  	v63 =	vor.u32 $0x2A, v3;
	_ =	sdelay $0x3  }
0x258: {  	[tilespmem:v62+s11+$0x0] =	vst.idx.msk $0xffff, v61  }
0x259: {  	v61 =	vld.idx.msk [tilespmem:v63+s3+$0x0], $0xffff  }
0x25a: {  	v62 =	vadd.s32 $0x1F43, v5  }
0x25b: {  	v3 =	vor.u32 $0x63, v3;
	_ =	sdelay $0x1  }
.Ltmp8:
0x25c: {  	(pc) =	sbr.rel @p0 .LBB2_19-.Ltmp8, $4  }
0x25d: {  	_ = 	snop  }
0x25e: {  	[tilespmem:v62+s11+$0x0] =	vst.idx.msk $0xffff, v61  }
0x25f: {  	v61 =	vld.idx.msk [tilespmem:v3+s3+$0x0], $0xffff  }
0x260: {  	v63 =	vadd.s32 $0x1F44, v5;
	v62 =	vor.u32 s18, v0;
	s18 =	sadd.s32 $0x10, s18  }
0x261: {  	v3 =	vshll.u32 v62, $0x7;
	_ =	sdelay $0x2  }
0x262: {  	v5 =	vmul.u32 $0x5, v62  }
0x263: {  	[tilespmem:v63+s11+$0x0] =	vst.idx.msk $0xffff, v61  }
0x264: {  	v62 =	vadd.s32 $0x1F40, v5;
	v61 =	vld.idx.msk [tilespmem:v3+s3+$0x0], $0xffff  }
0x265: {  	v63 =	vor.u32 $0x5, v3;
	_ =	sdelay $0x3  }
0x266: {  	[tilespmem:v62+s11+$0x0] =	vst.idx.msk $0xffff, v61  }
0x267: {  	v62 =	vadd.s32 $0x1F41, v5;
	v61 =	vld.idx.msk [tilespmem:v63+s3+$0x0], $0xffff  }
0x268: {  	v63 =	vor.u32 $0x11, v3;
	_ =	sdelay $0x3  }
0x269: {  	[tilespmem:v62+s11+$0x0] =	vst.idx.msk $0xffff, v61  }
0x26a: {  	v62 =	vadd.s32 $0x1F42, v5;
	v61 =	vld.idx.msk [tilespmem:v63+s3+$0x0], $0xffff  }
0x26b: {  	v63 =	vor.u32 $0x2A, v3;
	_ =	sdelay $0x3  }
0x26c: {  	[tilespmem:v62+s11+$0x0] =	vst.idx.msk $0xffff, v61  }
0x26d: {  	v62 =	vadd.s32 $0x1F43, v5;
	v61 =	vld.idx.msk [tilespmem:v63+s3+$0x0], $0xffff  }
0x26e: {  	v3 =	vor.u32 $0x63, v3;
	_ =	sdelay $0x3  }
0x26f: {  	[tilespmem:v62+s11+$0x0] =	vst.idx.msk $0xffff, v61  }
0x270: {  	v5 =	vadd.s32 $0x1F44, v5;
	v3 =	vld.idx.msk [tilespmem:v3+s3+$0x0], $0xffff;
	_ =	sdelay $0x4  }
0x271: {  	s18 =	simm.s32 $0x0;
	[tilespmem:v5+s11+$0x0] =	vst.idx.msk $0xffff, v3  }
0x272: {  	v3 =	vld.idx.msk [tilespmem:v2+s18+$0x0], $0xff;
	_ =	sdelay $0x4  }
0x273: {  	[tilespmem:v47+s11+$0x0] =	vst.idx.msk $0xff, v3  }
0x274: {  	v3 =	vld.idx.msk [tilespmem:v4+s18+$0x0], $0xff;
	_ =	sdelay $0x4  }
0x275: {  	[tilespmem:v48+s11+$0x0] =	vst.idx.msk $0xff, v3  }
0x276: {  	v3 =	vld.idx.msk [tilespmem:v6+s18+$0x0], $0xff;
	_ =	sdelay $0x4  }
0x277: {  	[tilespmem:v49+s11+$0x0] =	vst.idx.msk $0xff, v3  }
0x278: {  	v3 =	vld.idx.msk [tilespmem:v8+s18+$0x0], $0xff;
	_ =	sdelay $0x4  }
0x279: {  	[tilespmem:v50+s11+$0x0] =	vst.idx.msk $0xff, v3  }
0x27a: {  	v3 =	vld.idx.msk [tilespmem:v10+s18+$0x0], $0xff;
	_ =	sdelay $0x3  }
0x27b: {  	v5 =	vor.u32 s18, v0  }
0x27c: {  	s19 =	sadd.s32 $0x7D00, s17;
	[tilespmem:v51+s11+$0x0] =	vst.idx.msk $0xff, v3;
	v3 =	vshll.u32 v5, $0x7  }
0x27d: {  	[tilespmem:s18], [sflag:$0x1] =	stream.linear.gather [hbm4b:s19+s18], $0x6400, $0x38;
	[tilespmem:$0x10680] =	vst v63  }
0x27e: {  	_ =	swait.ge [sflag:s12], $0x6400  }
0x27f: {  	v5 =	vmul.u32 $0x5, v5;
	[sflag:s12] =	ssyncset.done $0x0  }
0x280: {  	[sflag:s12] =	ssyncadd.s32 $0xFFFF9C00  }
0x281: {  	v62 =	vadd.s32 $0x2328, v5;
	v61 =	vld.idx.msk [tilespmem:v3+s9+$0x0], $0xffff  }
0x282: {  	v63 =	vor.u32 $0x5, v3;
	_ =	sdelay $0x3  }
0x283: {  	[tilespmem:v62+s11+$0x0] =	vst.idx.msk $0xffff, v61  }
0x284: {  	v62 =	vadd.s32 $0x2329, v5;
	v61 =	vld.idx.msk [tilespmem:v63+s9+$0x0], $0xffff  }
0x285: {  	v63 =	vor.u32 $0x11, v3;
	_ =	sdelay $0x3  }
0x286: {  	[tilespmem:v62+s11+$0x0] =	vst.idx.msk $0xffff, v61  }
0x287: {  	v62 =	vadd.s32 $0x232A, v5;
	v61 =	vld.idx.msk [tilespmem:v63+s9+$0x0], $0xffff  }
0x288: {  	v63 =	vor.u32 $0x2A, v3;
	_ =	sdelay $0x3  }
0x289: {  	[tilespmem:v62+s11+$0x0] =	vst.idx.msk $0xffff, v61  }
0x28a: {  	v62 =	vadd.s32 $0x232B, v5;
	v61 =	vld.idx.msk [tilespmem:v63+s9+$0x0], $0xffff  }
0x28b: {  	v3 =	vor.u32 $0x63, v3;
	_ =	sdelay $0x3  }
0x28c: {  	s31 =	simm.s32 $0x10;
	[tilespmem:v62+s11+$0x0] =	vst.idx.msk $0xffff, v61  }
0x28d: {  	s18 =	simm.s32 $0x20;
	v63 =	vadd.s32 $0x232C, v5;
	v62 =	vor.u32 s31, v0;
	v61 =	vld.idx.msk [tilespmem:v3+s9+$0x0], $0xffff  }
.LBB2_21:
0x28e: {  	p0 =	sne.s32 s18, $0xB0;
	v3 =	vshll.u32 v62, $0x7;
	_ =	sdelay $0x3  }
0x28f: {  	v5 =	vmul.u32 $0x5, v62;
	[tilespmem:v63+s11+$0x0] =	vst.idx.msk $0xffff, v61  }
0x290: {  	v61 =	vld.idx.msk [tilespmem:v3+s9+$0x0], $0xffff  }
0x291: {  	v62 =	vadd.s32 $0x2328, v5  }
0x292: {  	v63 =	vor.u32 $0x5, v3;
	_ =	sdelay $0x3  }
0x293: {  	[tilespmem:v62+s11+$0x0] =	vst.idx.msk $0xffff, v61  }
0x294: {  	v61 =	vld.idx.msk [tilespmem:v63+s9+$0x0], $0xffff  }
0x295: {  	v62 =	vadd.s32 $0x2329, v5  }
0x296: {  	v63 =	vor.u32 $0x11, v3;
	_ =	sdelay $0x3  }
0x297: {  	[tilespmem:v62+s11+$0x0] =	vst.idx.msk $0xffff, v61  }
0x298: {  	v61 =	vld.idx.msk [tilespmem:v63+s9+$0x0], $0xffff  }
0x299: {  	v62 =	vadd.s32 $0x232A, v5  }
0x29a: {  	v63 =	vor.u32 $0x2A, v3;
	_ =	sdelay $0x3  }
0x29b: {  	[tilespmem:v62+s11+$0x0] =	vst.idx.msk $0xffff, v61  }
0x29c: {  	v61 =	vld.idx.msk [tilespmem:v63+s9+$0x0], $0xffff  }
0x29d: {  	v62 =	vadd.s32 $0x232B, v5  }
0x29e: {  	v3 =	vor.u32 $0x63, v3;
	_ =	sdelay $0x1  }
.Ltmp9:
0x29f: {  	(pc) =	sbr.rel @p0 .LBB2_21-.Ltmp9, $4  }
0x2a0: {  	_ = 	snop  }
0x2a1: {  	[tilespmem:v62+s11+$0x0] =	vst.idx.msk $0xffff, v61  }
0x2a2: {  	v61 =	vld.idx.msk [tilespmem:v3+s9+$0x0], $0xffff  }
0x2a3: {  	v63 =	vadd.s32 $0x232C, v5;
	v62 =	vor.u32 s18, v0;
	s18 =	sadd.s32 $0x10, s18  }
0x2a4: {  	v3 =	vshll.u32 v62, $0x7;
	_ =	sdelay $0x2  }
0x2a5: {  	v5 =	vmul.u32 $0x5, v62  }
0x2a6: {  	[tilespmem:v63+s11+$0x0] =	vst.idx.msk $0xffff, v61  }
0x2a7: {  	v62 =	vadd.s32 $0x2328, v5;
	v61 =	vld.idx.msk [tilespmem:v3+s9+$0x0], $0xffff  }
0x2a8: {  	v63 =	vor.u32 $0x5, v3;
	_ =	sdelay $0x3  }
0x2a9: {  	[tilespmem:v62+s11+$0x0] =	vst.idx.msk $0xffff, v61  }
0x2aa: {  	v62 =	vadd.s32 $0x2329, v5;
	v61 =	vld.idx.msk [tilespmem:v63+s9+$0x0], $0xffff  }
0x2ab: {  	v63 =	vor.u32 $0x11, v3;
	_ =	sdelay $0x3  }
0x2ac: {  	[tilespmem:v62+s11+$0x0] =	vst.idx.msk $0xffff, v61  }
0x2ad: {  	v62 =	vadd.s32 $0x232A, v5;
	v61 =	vld.idx.msk [tilespmem:v63+s9+$0x0], $0xffff  }
0x2ae: {  	v63 =	vor.u32 $0x2A, v3;
	_ =	sdelay $0x3  }
0x2af: {  	[tilespmem:v62+s11+$0x0] =	vst.idx.msk $0xffff, v61  }
0x2b0: {  	v62 =	vadd.s32 $0x232B, v5;
	v61 =	vld.idx.msk [tilespmem:v63+s9+$0x0], $0xffff  }
0x2b1: {  	v3 =	vor.u32 $0x63, v3;
	_ =	sdelay $0x3  }
0x2b2: {  	[tilespmem:v62+s11+$0x0] =	vst.idx.msk $0xffff, v61  }
0x2b3: {  	v5 =	vadd.s32 $0x232C, v5;
	v3 =	vld.idx.msk [tilespmem:v3+s9+$0x0], $0xffff;
	_ =	sdelay $0x4  }
0x2b4: {  	[tilespmem:v5+s11+$0x0] =	vst.idx.msk $0xffff, v3  }
0x2b5: {  	v3 =	vld.idx.msk [tilespmem:v2+s9+$0x0], $0xff;
	_ =	sdelay $0x4  }
0x2b6: {  	[tilespmem:v52+s11+$0x0] =	vst.idx.msk $0xff, v3  }
0x2b7: {  	v3 =	vld.idx.msk [tilespmem:v4+s9+$0x0], $0xff;
	_ =	sdelay $0x4  }
0x2b8: {  	[tilespmem:v53+s11+$0x0] =	vst.idx.msk $0xff, v3  }
0x2b9: {  	v3 =	vld.idx.msk [tilespmem:v6+s9+$0x0], $0xff;
	_ =	sdelay $0x4  }
0x2ba: {  	[tilespmem:v54+s11+$0x0] =	vst.idx.msk $0xff, v3  }
0x2bb: {  	v3 =	vld.idx.msk [tilespmem:v8+s9+$0x0], $0xff;
	_ =	sdelay $0x4  }
0x2bc: {  	[tilespmem:v55+s11+$0x0] =	vst.idx.msk $0xff, v3  }
0x2bd: {  	v3 =	vld.idx.msk [tilespmem:v10+s9+$0x0], $0xff;
	_ =	sdelay $0x2  }
0x2be: {  	s18 =	simm.s32 $0x0  }
0x2bf: {  	v5 =	vor.u32 s18, v0  }
0x2c0: {  	s19 =	sadd.s32 $0x8980, s17;
	[tilespmem:v56+s11+$0x0] =	vst.idx.msk $0xff, v3;
	v3 =	vshll.u32 v5, $0x7  }
0x2c1: {  	[tilespmem:s9], [sflag:$0x2] =	stream.linear.gather [hbm4b:s19+s18], $0x6400, $0x38;
	[tilespmem:$0x10680] =	vst v63  }
0x2c2: {  	_ =	swait.ge [sflag:s10], $0x6400  }
0x2c3: {  	v5 =	vmul.u32 $0x5, v5;
	[sflag:s10] =	ssyncset.done $0x0  }
0x2c4: {  	[sflag:s10] =	ssyncadd.s32 $0xFFFF9C00  }
0x2c5: {  	v62 =	vadd.s32 $0x2710, v5;
	v61 =	vld.idx.msk [tilespmem:v3+s3+$0x0], $0xffff  }
0x2c6: {  	v63 =	vor.u32 $0x5, v3;
	_ =	sdelay $0x3  }
0x2c7: {  	[tilespmem:v62+s11+$0x0] =	vst.idx.msk $0xffff, v61  }
0x2c8: {  	v62 =	vadd.s32 $0x2711, v5;
	v61 =	vld.idx.msk [tilespmem:v63+s3+$0x0], $0xffff  }
0x2c9: {  	v63 =	vor.u32 $0x11, v3;
	_ =	sdelay $0x3  }
0x2ca: {  	[tilespmem:v62+s11+$0x0] =	vst.idx.msk $0xffff, v61  }
0x2cb: {  	v62 =	vadd.s32 $0x2712, v5;
	v61 =	vld.idx.msk [tilespmem:v63+s3+$0x0], $0xffff  }
0x2cc: {  	v63 =	vor.u32 $0x2A, v3;
	_ =	sdelay $0x3  }
0x2cd: {  	[tilespmem:v62+s11+$0x0] =	vst.idx.msk $0xffff, v61  }
0x2ce: {  	v62 =	vadd.s32 $0x2713, v5;
	v61 =	vld.idx.msk [tilespmem:v63+s3+$0x0], $0xffff  }
0x2cf: {  	v3 =	vor.u32 $0x63, v3;
	_ =	sdelay $0x3  }
0x2d0: {  	s31 =	simm.s32 $0x10;
	[tilespmem:v62+s11+$0x0] =	vst.idx.msk $0xffff, v61  }
0x2d1: {  	s18 =	simm.s32 $0x20;
	v63 =	vadd.s32 $0x2714, v5;
	v62 =	vor.u32 s31, v0;
	v61 =	vld.idx.msk [tilespmem:v3+s3+$0x0], $0xffff  }
.LBB2_23:
0x2d2: {  	p0 =	sne.s32 s18, $0xB0;
	v3 =	vshll.u32 v62, $0x7;
	_ =	sdelay $0x3  }
0x2d3: {  	v5 =	vmul.u32 $0x5, v62;
	[tilespmem:v63+s11+$0x0] =	vst.idx.msk $0xffff, v61  }
0x2d4: {  	v61 =	vld.idx.msk [tilespmem:v3+s3+$0x0], $0xffff  }
0x2d5: {  	v62 =	vadd.s32 $0x2710, v5  }
0x2d6: {  	v63 =	vor.u32 $0x5, v3;
	_ =	sdelay $0x3  }
0x2d7: {  	[tilespmem:v62+s11+$0x0] =	vst.idx.msk $0xffff, v61  }
0x2d8: {  	v61 =	vld.idx.msk [tilespmem:v63+s3+$0x0], $0xffff  }
0x2d9: {  	v62 =	vadd.s32 $0x2711, v5  }
0x2da: {  	v63 =	vor.u32 $0x11, v3;
	_ =	sdelay $0x3  }
0x2db: {  	[tilespmem:v62+s11+$0x0] =	vst.idx.msk $0xffff, v61  }
0x2dc: {  	v61 =	vld.idx.msk [tilespmem:v63+s3+$0x0], $0xffff  }
0x2dd: {  	v62 =	vadd.s32 $0x2712, v5  }
0x2de: {  	v63 =	vor.u32 $0x2A, v3;
	_ =	sdelay $0x3  }
0x2df: {  	[tilespmem:v62+s11+$0x0] =	vst.idx.msk $0xffff, v61  }
0x2e0: {  	v61 =	vld.idx.msk [tilespmem:v63+s3+$0x0], $0xffff  }
0x2e1: {  	v62 =	vadd.s32 $0x2713, v5  }
0x2e2: {  	v3 =	vor.u32 $0x63, v3;
	_ =	sdelay $0x1  }
.Ltmp10:
0x2e3: {  	(pc) =	sbr.rel @p0 .LBB2_23-.Ltmp10, $4  }
0x2e4: {  	_ = 	snop  }
0x2e5: {  	[tilespmem:v62+s11+$0x0] =	vst.idx.msk $0xffff, v61  }
0x2e6: {  	v61 =	vld.idx.msk [tilespmem:v3+s3+$0x0], $0xffff  }
0x2e7: {  	v63 =	vadd.s32 $0x2714, v5;
	v62 =	vor.u32 s18, v0;
	s18 =	sadd.s32 $0x10, s18  }
0x2e8: {  	v3 =	vshll.u32 v62, $0x7;
	_ =	sdelay $0x2  }
0x2e9: {  	v5 =	vmul.u32 $0x5, v62  }
0x2ea: {  	[tilespmem:v63+s11+$0x0] =	vst.idx.msk $0xffff, v61  }
0x2eb: {  	v62 =	vadd.s32 $0x2710, v5;
	v61 =	vld.idx.msk [tilespmem:v3+s3+$0x0], $0xffff  }
0x2ec: {  	v63 =	vor.u32 $0x5, v3;
	_ =	sdelay $0x3  }
0x2ed: {  	[tilespmem:v62+s11+$0x0] =	vst.idx.msk $0xffff, v61  }
0x2ee: {  	v62 =	vadd.s32 $0x2711, v5;
	v61 =	vld.idx.msk [tilespmem:v63+s3+$0x0], $0xffff  }
0x2ef: {  	v63 =	vor.u32 $0x11, v3;
	_ =	sdelay $0x3  }
0x2f0: {  	[tilespmem:v62+s11+$0x0] =	vst.idx.msk $0xffff, v61  }
0x2f1: {  	v62 =	vadd.s32 $0x2712, v5;
	v61 =	vld.idx.msk [tilespmem:v63+s3+$0x0], $0xffff  }
0x2f2: {  	v63 =	vor.u32 $0x2A, v3;
	_ =	sdelay $0x3  }
0x2f3: {  	[tilespmem:v62+s11+$0x0] =	vst.idx.msk $0xffff, v61  }
0x2f4: {  	v62 =	vadd.s32 $0x2713, v5;
	v61 =	vld.idx.msk [tilespmem:v63+s3+$0x0], $0xffff  }
0x2f5: {  	v3 =	vor.u32 $0x63, v3;
	_ =	sdelay $0x3  }
0x2f6: {  	[tilespmem:v62+s11+$0x0] =	vst.idx.msk $0xffff, v61  }
0x2f7: {  	v5 =	vadd.s32 $0x2714, v5;
	v3 =	vld.idx.msk [tilespmem:v3+s3+$0x0], $0xffff;
	_ =	sdelay $0x4  }
0x2f8: {  	s18 =	simm.s32 $0x0;
	[tilespmem:v5+s11+$0x0] =	vst.idx.msk $0xffff, v3  }
0x2f9: {  	v3 =	vld.idx.msk [tilespmem:v2+s18+$0x0], $0xff;
	_ =	sdelay $0x4  }
0x2fa: {  	[tilespmem:v57+s11+$0x0] =	vst.idx.msk $0xff, v3  }
0x2fb: {  	v3 =	vld.idx.msk [tilespmem:v4+s18+$0x0], $0xff;
	_ =	sdelay $0x4  }
0x2fc: {  	[tilespmem:v58+s11+$0x0] =	vst.idx.msk $0xff, v3  }
0x2fd: {  	v3 =	vld.idx.msk [tilespmem:v6+s18+$0x0], $0xff;
	_ =	sdelay $0x4  }
0x2fe: {  	[tilespmem:v59+s11+$0x0] =	vst.idx.msk $0xff, v3  }
0x2ff: {  	v3 =	vld.idx.msk [tilespmem:v8+s18+$0x0], $0xff;
	_ =	sdelay $0x4  }
0x300: {  	[tilespmem:v60+s11+$0x0] =	vst.idx.msk $0xff, v3  }
0x301: {  	v5 =	vadd.s32 $0x2AD4, v1;
	v3 =	vld.idx.msk [tilespmem:v10+s18+$0x0], $0xff;
	_ =	sdelay $0x3  }
0x302: {  	v61 =	vor.u32 s18, v0  }
0x303: {  	s19 =	sadd.s32 $0x9600, s17;
	[tilespmem:v5+s11+$0x0] =	vst.idx.msk $0xff, v3;
	v3 =	vshll.u32 v61, $0x7  }
0x304: {  	[tilespmem:s18], [sflag:$0x1] =	stream.linear.gather [hbm4b:s19+s18], $0x6400, $0x38;
	[tilespmem:$0x10680] =	vst v63  }
0x305: {  	_ =	swait.ge [sflag:s12], $0x6400  }
0x306: {  	v5 =	vmul.u32 $0x5, v61;
	[sflag:s12] =	ssyncset.done $0x0  }
0x307: {  	[sflag:s12] =	ssyncadd.s32 $0xFFFF9C00  }
0x308: {  	v62 =	vadd.s32 $0x2AF8, v5;
	v61 =	vld.idx.msk [tilespmem:v3+s9+$0x0], $0xffff  }
0x309: {  	v63 =	vor.u32 $0x5, v3;
	_ =	sdelay $0x3  }
0x30a: {  	[tilespmem:v62+s11+$0x0] =	vst.idx.msk $0xffff, v61  }
0x30b: {  	v62 =	vadd.s32 $0x2AF9, v5;
	v61 =	vld.idx.msk [tilespmem:v63+s9+$0x0], $0xffff  }
0x30c: {  	v63 =	vor.u32 $0x11, v3;
	_ =	sdelay $0x3  }
0x30d: {  	[tilespmem:v62+s11+$0x0] =	vst.idx.msk $0xffff, v61  }
0x30e: {  	v62 =	vadd.s32 $0x2AFA, v5;
	v61 =	vld.idx.msk [tilespmem:v63+s9+$0x0], $0xffff  }
0x30f: {  	v63 =	vor.u32 $0x2A, v3;
	_ =	sdelay $0x3  }
0x310: {  	[tilespmem:v62+s11+$0x0] =	vst.idx.msk $0xffff, v61  }
0x311: {  	v62 =	vadd.s32 $0x2AFB, v5;
	v61 =	vld.idx.msk [tilespmem:v63+s9+$0x0], $0xffff  }
0x312: {  	v3 =	vor.u32 $0x63, v3;
	_ =	sdelay $0x3  }
0x313: {  	s31 =	simm.s32 $0x10;
	[tilespmem:v62+s11+$0x0] =	vst.idx.msk $0xffff, v61  }
0x314: {  	s18 =	simm.s32 $0x20;
	v63 =	vadd.s32 $0x2AFC, v5;
	v62 =	vor.u32 s31, v0;
	v61 =	vld.idx.msk [tilespmem:v3+s9+$0x0], $0xffff  }
.LBB2_25:
0x315: {  	p0 =	sne.s32 s18, $0xB0;
	v3 =	vshll.u32 v62, $0x7;
	_ =	sdelay $0x3  }
0x316: {  	v5 =	vmul.u32 $0x5, v62;
	[tilespmem:v63+s11+$0x0] =	vst.idx.msk $0xffff, v61  }
0x317: {  	v61 =	vld.idx.msk [tilespmem:v3+s9+$0x0], $0xffff  }
0x318: {  	v62 =	vadd.s32 $0x2AF8, v5  }
0x319: {  	v63 =	vor.u32 $0x5, v3;
	_ =	sdelay $0x3  }
0x31a: {  	[tilespmem:v62+s11+$0x0] =	vst.idx.msk $0xffff, v61  }
0x31b: {  	v61 =	vld.idx.msk [tilespmem:v63+s9+$0x0], $0xffff  }
0x31c: {  	v62 =	vadd.s32 $0x2AF9, v5  }
0x31d: {  	v63 =	vor.u32 $0x11, v3;
	_ =	sdelay $0x3  }
0x31e: {  	[tilespmem:v62+s11+$0x0] =	vst.idx.msk $0xffff, v61  }
0x31f: {  	v61 =	vld.idx.msk [tilespmem:v63+s9+$0x0], $0xffff  }
0x320: {  	v62 =	vadd.s32 $0x2AFA, v5  }
0x321: {  	v63 =	vor.u32 $0x2A, v3;
	_ =	sdelay $0x3  }
0x322: {  	[tilespmem:v62+s11+$0x0] =	vst.idx.msk $0xffff, v61  }
0x323: {  	v61 =	vld.idx.msk [tilespmem:v63+s9+$0x0], $0xffff  }
0x324: {  	v62 =	vadd.s32 $0x2AFB, v5  }
0x325: {  	v3 =	vor.u32 $0x63, v3;
	_ =	sdelay $0x1  }
.Ltmp11:
0x326: {  	(pc) =	sbr.rel @p0 .LBB2_25-.Ltmp11, $4  }
0x327: {  	_ = 	snop  }
0x328: {  	[tilespmem:v62+s11+$0x0] =	vst.idx.msk $0xffff, v61  }
0x329: {  	v61 =	vld.idx.msk [tilespmem:v3+s9+$0x0], $0xffff  }
0x32a: {  	v63 =	vadd.s32 $0x2AFC, v5;
	v62 =	vor.u32 s18, v0;
	s18 =	sadd.s32 $0x10, s18  }
0x32b: {  	v3 =	vshll.u32 v62, $0x7;
	_ =	sdelay $0x2  }
0x32c: {  	v5 =	vmul.u32 $0x5, v62  }
0x32d: {  	[tilespmem:v63+s11+$0x0] =	vst.idx.msk $0xffff, v61  }
0x32e: {  	v62 =	vadd.s32 $0x2AF8, v5;
	v61 =	vld.idx.msk [tilespmem:v3+s9+$0x0], $0xffff  }
0x32f: {  	v63 =	vor.u32 $0x5, v3;
	_ =	sdelay $0x3  }
0x330: {  	[tilespmem:v62+s11+$0x0] =	vst.idx.msk $0xffff, v61  }
0x331: {  	v62 =	vadd.s32 $0x2AF9, v5;
	v61 =	vld.idx.msk [tilespmem:v63+s9+$0x0], $0xffff  }
0x332: {  	v63 =	vor.u32 $0x11, v3;
	_ =	sdelay $0x3  }
0x333: {  	[tilespmem:v62+s11+$0x0] =	vst.idx.msk $0xffff, v61  }
0x334: {  	v62 =	vadd.s32 $0x2AFA, v5;
	v61 =	vld.idx.msk [tilespmem:v63+s9+$0x0], $0xffff  }
0x335: {  	v63 =	vor.u32 $0x2A, v3;
	_ =	sdelay $0x3  }
0x336: {  	[tilespmem:v62+s11+$0x0] =	vst.idx.msk $0xffff, v61  }
0x337: {  	v62 =	vadd.s32 $0x2AFB, v5;
	v61 =	vld.idx.msk [tilespmem:v63+s9+$0x0], $0xffff  }
0x338: {  	v3 =	vor.u32 $0x63, v3;
	_ =	sdelay $0x3  }
0x339: {  	[tilespmem:v62+s11+$0x0] =	vst.idx.msk $0xffff, v61  }
0x33a: {  	v5 =	vadd.s32 $0x2AFC, v5;
	v3 =	vld.idx.msk [tilespmem:v3+s9+$0x0], $0xffff;
	_ =	sdelay $0x4  }
0x33b: {  	[tilespmem:v5+s11+$0x0] =	vst.idx.msk $0xffff, v3  }
0x33c: {  	v5 =	vadd.s32 $0x2EB8, v1;
	v3 =	vld.idx.msk [tilespmem:v2+s9+$0x0], $0xff;
	_ =	sdelay $0x4  }
0x33d: {  	[tilespmem:v5+s11+$0x0] =	vst.idx.msk $0xff, v3  }
0x33e: {  	v5 =	vadd.s32 $0x2EB9, v1;
	v3 =	vld.idx.msk [tilespmem:v4+s9+$0x0], $0xff;
	_ =	sdelay $0x4  }
0x33f: {  	[tilespmem:v5+s11+$0x0] =	vst.idx.msk $0xff, v3  }
0x340: {  	v5 =	vadd.s32 $0x2EBA, v1;
	v3 =	vld.idx.msk [tilespmem:v6+s9+$0x0], $0xff;
	_ =	sdelay $0x4  }
0x341: {  	[tilespmem:v5+s11+$0x0] =	vst.idx.msk $0xff, v3  }
0x342: {  	v5 =	vadd.s32 $0x2EBB, v1;
	v3 =	vld.idx.msk [tilespmem:v8+s9+$0x0], $0xff;
	_ =	sdelay $0x4  }
0x343: {  	[tilespmem:v5+s11+$0x0] =	vst.idx.msk $0xff, v3  }
0x344: {  	v5 =	vadd.s32 $0x2EBC, v1;
	v3 =	vld.idx.msk [tilespmem:v10+s9+$0x0], $0xff;
	_ =	sdelay $0x2  }
0x345: {  	s18 =	simm.s32 $0x0  }
0x346: {  	v61 =	vor.u32 s18, v0  }
0x347: {  	s19 =	sadd.s32 $0xA280, s17;
	[tilespmem:v5+s11+$0x0] =	vst.idx.msk $0xff, v3;
	v3 =	vshll.u32 v61, $0x7  }
0x348: {  	[tilespmem:s9], [sflag:$0x2] =	stream.linear.gather [hbm4b:s19+s18], $0x6400, $0x38;
	[tilespmem:$0x10680] =	vst v63  }
0x349: {  	_ =	swait.ge [sflag:s10], $0x6400  }
0x34a: {  	v5 =	vmul.u32 $0x5, v61;
	[sflag:s10] =	ssyncset.done $0x0  }
0x34b: {  	[sflag:s10] =	ssyncadd.s32 $0xFFFF9C00  }
0x34c: {  	v62 =	vadd.s32 $0x2EE0, v5;
	v61 =	vld.idx.msk [tilespmem:v3+s3+$0x0], $0xffff  }
0x34d: {  	v63 =	vor.u32 $0x5, v3;
	_ =	sdelay $0x3  }
0x34e: {  	[tilespmem:v62+s11+$0x0] =	vst.idx.msk $0xffff, v61  }
0x34f: {  	v62 =	vadd.s32 $0x2EE1, v5;
	v61 =	vld.idx.msk [tilespmem:v63+s3+$0x0], $0xffff  }
0x350: {  	v63 =	vor.u32 $0x11, v3;
	_ =	sdelay $0x3  }
0x351: {  	[tilespmem:v62+s11+$0x0] =	vst.idx.msk $0xffff, v61  }
0x352: {  	v62 =	vadd.s32 $0x2EE2, v5;
	v61 =	vld.idx.msk [tilespmem:v63+s3+$0x0], $0xffff  }
0x353: {  	v63 =	vor.u32 $0x2A, v3;
	_ =	sdelay $0x3  }
0x354: {  	[tilespmem:v62+s11+$0x0] =	vst.idx.msk $0xffff, v61  }
0x355: {  	v62 =	vadd.s32 $0x2EE3, v5;
	v61 =	vld.idx.msk [tilespmem:v63+s3+$0x0], $0xffff  }
0x356: {  	v3 =	vor.u32 $0x63, v3;
	_ =	sdelay $0x3  }
0x357: {  	s31 =	simm.s32 $0x10;
	[tilespmem:v62+s11+$0x0] =	vst.idx.msk $0xffff, v61  }
0x358: {  	s18 =	simm.s32 $0x20;
	v63 =	vadd.s32 $0x2EE4, v5;
	v62 =	vor.u32 s31, v0;
	v61 =	vld.idx.msk [tilespmem:v3+s3+$0x0], $0xffff  }
.LBB2_27:
0x359: {  	p0 =	sne.s32 s18, $0xB0;
	v3 =	vshll.u32 v62, $0x7;
	_ =	sdelay $0x3  }
0x35a: {  	v5 =	vmul.u32 $0x5, v62;
	[tilespmem:v63+s11+$0x0] =	vst.idx.msk $0xffff, v61  }
0x35b: {  	v61 =	vld.idx.msk [tilespmem:v3+s3+$0x0], $0xffff  }
0x35c: {  	v62 =	vadd.s32 $0x2EE0, v5  }
0x35d: {  	v63 =	vor.u32 $0x5, v3;
	_ =	sdelay $0x3  }
0x35e: {  	[tilespmem:v62+s11+$0x0] =	vst.idx.msk $0xffff, v61  }
0x35f: {  	v61 =	vld.idx.msk [tilespmem:v63+s3+$0x0], $0xffff  }
0x360: {  	v62 =	vadd.s32 $0x2EE1, v5  }
0x361: {  	v63 =	vor.u32 $0x11, v3;
	_ =	sdelay $0x3  }
0x362: {  	[tilespmem:v62+s11+$0x0] =	vst.idx.msk $0xffff, v61  }
0x363: {  	v61 =	vld.idx.msk [tilespmem:v63+s3+$0x0], $0xffff  }
0x364: {  	v62 =	vadd.s32 $0x2EE2, v5  }
0x365: {  	v63 =	vor.u32 $0x2A, v3;
	_ =	sdelay $0x3  }
0x366: {  	[tilespmem:v62+s11+$0x0] =	vst.idx.msk $0xffff, v61  }
0x367: {  	v61 =	vld.idx.msk [tilespmem:v63+s3+$0x0], $0xffff  }
0x368: {  	v62 =	vadd.s32 $0x2EE3, v5  }
0x369: {  	v3 =	vor.u32 $0x63, v3;
	_ =	sdelay $0x1  }
.Ltmp12:
0x36a: {  	(pc) =	sbr.rel @p0 .LBB2_27-.Ltmp12, $4  }
0x36b: {  	_ = 	snop  }
0x36c: {  	[tilespmem:v62+s11+$0x0] =	vst.idx.msk $0xffff, v61  }
0x36d: {  	v61 =	vld.idx.msk [tilespmem:v3+s3+$0x0], $0xffff  }
0x36e: {  	v63 =	vadd.s32 $0x2EE4, v5;
	v62 =	vor.u32 s18, v0;
	s18 =	sadd.s32 $0x10, s18  }
0x36f: {  	v3 =	vshll.u32 v62, $0x7;
	_ =	sdelay $0x2  }
0x370: {  	v5 =	vmul.u32 $0x5, v62  }
0x371: {  	[tilespmem:v63+s11+$0x0] =	vst.idx.msk $0xffff, v61  }
0x372: {  	v62 =	vadd.s32 $0x2EE0, v5;
	v61 =	vld.idx.msk [tilespmem:v3+s3+$0x0], $0xffff  }
0x373: {  	v63 =	vor.u32 $0x5, v3;
	_ =	sdelay $0x3  }
0x374: {  	[tilespmem:v62+s11+$0x0] =	vst.idx.msk $0xffff, v61  }
0x375: {  	v62 =	vadd.s32 $0x2EE1, v5;
	v61 =	vld.idx.msk [tilespmem:v63+s3+$0x0], $0xffff  }
0x376: {  	v63 =	vor.u32 $0x11, v3;
	_ =	sdelay $0x3  }
0x377: {  	[tilespmem:v62+s11+$0x0] =	vst.idx.msk $0xffff, v61  }
0x378: {  	v62 =	vadd.s32 $0x2EE2, v5;
	v61 =	vld.idx.msk [tilespmem:v63+s3+$0x0], $0xffff  }
0x379: {  	v63 =	vor.u32 $0x2A, v3;
	_ =	sdelay $0x3  }
0x37a: {  	[tilespmem:v62+s11+$0x0] =	vst.idx.msk $0xffff, v61  }
0x37b: {  	v62 =	vadd.s32 $0x2EE3, v5;
	v61 =	vld.idx.msk [tilespmem:v63+s3+$0x0], $0xffff  }
0x37c: {  	v3 =	vor.u32 $0x63, v3;
	_ =	sdelay $0x3  }
0x37d: {  	[tilespmem:v62+s11+$0x0] =	vst.idx.msk $0xffff, v61  }
0x37e: {  	v5 =	vadd.s32 $0x2EE4, v5;
	v3 =	vld.idx.msk [tilespmem:v3+s3+$0x0], $0xffff;
	_ =	sdelay $0x4  }
0x37f: {  	s18 =	simm.s32 $0x0;
	[tilespmem:v5+s11+$0x0] =	vst.idx.msk $0xffff, v3  }
0x380: {  	v5 =	vadd.s32 $0x32A0, v1;
	v3 =	vld.idx.msk [tilespmem:v2+s18+$0x0], $0xff;
	_ =	sdelay $0x4  }
0x381: {  	[tilespmem:v5+s11+$0x0] =	vst.idx.msk $0xff, v3  }
0x382: {  	v5 =	vadd.s32 $0x32A1, v1;
	v3 =	vld.idx.msk [tilespmem:v4+s18+$0x0], $0xff;
	_ =	sdelay $0x4  }
0x383: {  	[tilespmem:v5+s11+$0x0] =	vst.idx.msk $0xff, v3  }
0x384: {  	v5 =	vadd.s32 $0x32A2, v1;
	v3 =	vld.idx.msk [tilespmem:v6+s18+$0x0], $0xff;
	_ =	sdelay $0x4  }
0x385: {  	[tilespmem:v5+s11+$0x0] =	vst.idx.msk $0xff, v3  }
0x386: {  	v5 =	vadd.s32 $0x32A3, v1;
	v3 =	vld.idx.msk [tilespmem:v8+s18+$0x0], $0xff;
	_ =	sdelay $0x4  }
0x387: {  	[tilespmem:v5+s11+$0x0] =	vst.idx.msk $0xff, v3  }
0x388: {  	v5 =	vadd.s32 $0x32A4, v1;
	v3 =	vld.idx.msk [tilespmem:v10+s18+$0x0], $0xff;
	_ =	sdelay $0x3  }
0x389: {  	v61 =	vor.u32 s18, v0  }
0x38a: {  	s19 =	sadd.s32 $0xAF00, s17;
	[tilespmem:v5+s11+$0x0] =	vst.idx.msk $0xff, v3;
	v3 =	vshll.u32 v61, $0x7  }
0x38b: {  	[tilespmem:s18], [sflag:$0x1] =	stream.linear.gather [hbm4b:s19+s18], $0x6400, $0x38;
	[tilespmem:$0x10680] =	vst v63  }
0x38c: {  	_ =	swait.ge [sflag:s12], $0x6400  }
0x38d: {  	v5 =	vmul.u32 $0x5, v61;
	[sflag:s12] =	ssyncset.done $0x0  }
0x38e: {  	[sflag:s12] =	ssyncadd.s32 $0xFFFF9C00  }
0x38f: {  	v62 =	vadd.s32 $0x32C8, v5;
	v61 =	vld.idx.msk [tilespmem:v3+s9+$0x0], $0xffff  }
0x390: {  	v63 =	vor.u32 $0x5, v3;
	_ =	sdelay $0x3  }
0x391: {  	[tilespmem:v62+s11+$0x0] =	vst.idx.msk $0xffff, v61  }
0x392: {  	v62 =	vadd.s32 $0x32C9, v5;
	v61 =	vld.idx.msk [tilespmem:v63+s9+$0x0], $0xffff  }
0x393: {  	v63 =	vor.u32 $0x11, v3;
	_ =	sdelay $0x3  }
0x394: {  	[tilespmem:v62+s11+$0x0] =	vst.idx.msk $0xffff, v61  }
0x395: {  	v62 =	vadd.s32 $0x32CA, v5;
	v61 =	vld.idx.msk [tilespmem:v63+s9+$0x0], $0xffff  }
0x396: {  	v63 =	vor.u32 $0x2A, v3;
	_ =	sdelay $0x3  }
0x397: {  	[tilespmem:v62+s11+$0x0] =	vst.idx.msk $0xffff, v61  }
0x398: {  	v62 =	vadd.s32 $0x32CB, v5;
	v61 =	vld.idx.msk [tilespmem:v63+s9+$0x0], $0xffff  }
0x399: {  	v3 =	vor.u32 $0x63, v3;
	_ =	sdelay $0x3  }
0x39a: {  	s31 =	simm.s32 $0x10;
	[tilespmem:v62+s11+$0x0] =	vst.idx.msk $0xffff, v61  }
0x39b: {  	s18 =	simm.s32 $0x20;
	v63 =	vadd.s32 $0x32CC, v5;
	v62 =	vor.u32 s31, v0;
	v61 =	vld.idx.msk [tilespmem:v3+s9+$0x0], $0xffff  }
.LBB2_29:
0x39c: {  	p0 =	sne.s32 s18, $0xB0;
	v3 =	vshll.u32 v62, $0x7;
	_ =	sdelay $0x3  }
0x39d: {  	v5 =	vmul.u32 $0x5, v62;
	[tilespmem:v63+s11+$0x0] =	vst.idx.msk $0xffff, v61  }
0x39e: {  	v61 =	vld.idx.msk [tilespmem:v3+s9+$0x0], $0xffff  }
0x39f: {  	v62 =	vadd.s32 $0x32C8, v5  }
0x3a0: {  	v63 =	vor.u32 $0x5, v3;
	_ =	sdelay $0x3  }
0x3a1: {  	[tilespmem:v62+s11+$0x0] =	vst.idx.msk $0xffff, v61  }
0x3a2: {  	v61 =	vld.idx.msk [tilespmem:v63+s9+$0x0], $0xffff  }
0x3a3: {  	v62 =	vadd.s32 $0x32C9, v5  }
0x3a4: {  	v63 =	vor.u32 $0x11, v3;
	_ =	sdelay $0x3  }
0x3a5: {  	[tilespmem:v62+s11+$0x0] =	vst.idx.msk $0xffff, v61  }
0x3a6: {  	v61 =	vld.idx.msk [tilespmem:v63+s9+$0x0], $0xffff  }
0x3a7: {  	v62 =	vadd.s32 $0x32CA, v5  }
0x3a8: {  	v63 =	vor.u32 $0x2A, v3;
	_ =	sdelay $0x3  }
0x3a9: {  	[tilespmem:v62+s11+$0x0] =	vst.idx.msk $0xffff, v61  }
0x3aa: {  	v61 =	vld.idx.msk [tilespmem:v63+s9+$0x0], $0xffff  }
0x3ab: {  	v62 =	vadd.s32 $0x32CB, v5  }
0x3ac: {  	v3 =	vor.u32 $0x63, v3;
	_ =	sdelay $0x1  }
.Ltmp13:
0x3ad: {  	(pc) =	sbr.rel @p0 .LBB2_29-.Ltmp13, $4  }
0x3ae: {  	_ = 	snop  }
0x3af: {  	[tilespmem:v62+s11+$0x0] =	vst.idx.msk $0xffff, v61  }
0x3b0: {  	v61 =	vld.idx.msk [tilespmem:v3+s9+$0x0], $0xffff  }
0x3b1: {  	v63 =	vadd.s32 $0x32CC, v5;
	v62 =	vor.u32 s18, v0;
	s18 =	sadd.s32 $0x10, s18  }
0x3b2: {  	v3 =	vshll.u32 v62, $0x7;
	_ =	sdelay $0x2  }
0x3b3: {  	v5 =	vmul.u32 $0x5, v62  }
0x3b4: {  	[tilespmem:v63+s11+$0x0] =	vst.idx.msk $0xffff, v61  }
0x3b5: {  	v62 =	vadd.s32 $0x32C8, v5;
	v61 =	vld.idx.msk [tilespmem:v3+s9+$0x0], $0xffff  }
0x3b6: {  	v63 =	vor.u32 $0x5, v3;
	_ =	sdelay $0x3  }
0x3b7: {  	[tilespmem:v62+s11+$0x0] =	vst.idx.msk $0xffff, v61  }
0x3b8: {  	v62 =	vadd.s32 $0x32C9, v5;
	v61 =	vld.idx.msk [tilespmem:v63+s9+$0x0], $0xffff  }
0x3b9: {  	v63 =	vor.u32 $0x11, v3;
	_ =	sdelay $0x3  }
0x3ba: {  	[tilespmem:v62+s11+$0x0] =	vst.idx.msk $0xffff, v61  }
0x3bb: {  	v62 =	vadd.s32 $0x32CA, v5;
	v61 =	vld.idx.msk [tilespmem:v63+s9+$0x0], $0xffff  }
0x3bc: {  	v63 =	vor.u32 $0x2A, v3;
	_ =	sdelay $0x3  }
0x3bd: {  	[tilespmem:v62+s11+$0x0] =	vst.idx.msk $0xffff, v61  }
0x3be: {  	v62 =	vadd.s32 $0x32CB, v5;
	v61 =	vld.idx.msk [tilespmem:v63+s9+$0x0], $0xffff  }
0x3bf: {  	v3 =	vor.u32 $0x63, v3;
	_ =	sdelay $0x3  }
0x3c0: {  	[tilespmem:v62+s11+$0x0] =	vst.idx.msk $0xffff, v61  }
0x3c1: {  	v5 =	vadd.s32 $0x32CC, v5;
	v3 =	vld.idx.msk [tilespmem:v3+s9+$0x0], $0xffff;
	_ =	sdelay $0x4  }
0x3c2: {  	[tilespmem:v5+s11+$0x0] =	vst.idx.msk $0xffff, v3  }
0x3c3: {  	v5 =	vadd.s32 $0x3688, v1;
	v3 =	vld.idx.msk [tilespmem:v2+s9+$0x0], $0xff;
	_ =	sdelay $0x4  }
0x3c4: {  	[tilespmem:v5+s11+$0x0] =	vst.idx.msk $0xff, v3  }
0x3c5: {  	v5 =	vadd.s32 $0x3689, v1;
	v3 =	vld.idx.msk [tilespmem:v4+s9+$0x0], $0xff;
	_ =	sdelay $0x4  }
0x3c6: {  	[tilespmem:v5+s11+$0x0] =	vst.idx.msk $0xff, v3  }
0x3c7: {  	v5 =	vadd.s32 $0x368A, v1;
	v3 =	vld.idx.msk [tilespmem:v6+s9+$0x0], $0xff;
	_ =	sdelay $0x4  }
0x3c8: {  	[tilespmem:v5+s11+$0x0] =	vst.idx.msk $0xff, v3  }
0x3c9: {  	v5 =	vadd.s32 $0x368B, v1;
	v3 =	vld.idx.msk [tilespmem:v8+s9+$0x0], $0xff;
	_ =	sdelay $0x4  }
0x3ca: {  	[tilespmem:v5+s11+$0x0] =	vst.idx.msk $0xff, v3  }
0x3cb: {  	v5 =	vadd.s32 $0x368C, v1;
	v3 =	vld.idx.msk [tilespmem:v10+s9+$0x0], $0xff;
	_ =	sdelay $0x2  }
0x3cc: {  	s18 =	simm.s32 $0x0  }
0x3cd: {  	v61 =	vor.u32 s18, v0  }
0x3ce: {  	s17 =	sadd.s32 $0xBB80, s17;
	[tilespmem:v5+s11+$0x0] =	vst.idx.msk $0xff, v3;
	v3 =	vshll.u32 v61, $0x7  }
0x3cf: {  	[tilespmem:s9], [sflag:$0x2] =	stream.linear.gather [hbm4b:s17+s18], $0x6400, $0x38;
	[tilespmem:$0x10680] =	vst v63  }
0x3d0: {  	_ =	swait.ge [sflag:s10], $0x6400  }
0x3d1: {  	v5 =	vmul.u32 $0x5, v61;
	[sflag:s10] =	ssyncset.done $0x0  }
0x3d2: {  	[sflag:s10] =	ssyncadd.s32 $0xFFFF9C00  }
0x3d3: {  	v62 =	vadd.s32 $0x36B0, v5;
	v61 =	vld.idx.msk [tilespmem:v3+s3+$0x0], $0xffff  }
0x3d4: {  	v63 =	vor.u32 $0x5, v3;
	_ =	sdelay $0x3  }
0x3d5: {  	[tilespmem:v62+s11+$0x0] =	vst.idx.msk $0xffff, v61  }
0x3d6: {  	v62 =	vadd.s32 $0x36B1, v5;
	v61 =	vld.idx.msk [tilespmem:v63+s3+$0x0], $0xffff  }
0x3d7: {  	v63 =	vor.u32 $0x11, v3;
	_ =	sdelay $0x3  }
0x3d8: {  	[tilespmem:v62+s11+$0x0] =	vst.idx.msk $0xffff, v61  }
0x3d9: {  	v62 =	vadd.s32 $0x36B2, v5;
	v61 =	vld.idx.msk [tilespmem:v63+s3+$0x0], $0xffff  }
0x3da: {  	v63 =	vor.u32 $0x2A, v3;
	_ =	sdelay $0x3  }
0x3db: {  	[tilespmem:v62+s11+$0x0] =	vst.idx.msk $0xffff, v61  }
0x3dc: {  	v62 =	vadd.s32 $0x36B3, v5;
	v61 =	vld.idx.msk [tilespmem:v63+s3+$0x0], $0xffff  }
0x3dd: {  	v3 =	vor.u32 $0x63, v3;
	_ =	sdelay $0x3  }
0x3de: {  	s31 =	simm.s32 $0x10;
	[tilespmem:v62+s11+$0x0] =	vst.idx.msk $0xffff, v61  }
0x3df: {  	s17 =	simm.s32 $0x20;
	v63 =	vadd.s32 $0x36B4, v5;
	v62 =	vor.u32 s31, v0;
	v61 =	vld.idx.msk [tilespmem:v3+s3+$0x0], $0xffff  }
.LBB2_31:
0x3e0: {  	p0 =	sne.s32 s17, $0xB0;
	v3 =	vshll.u32 v62, $0x7;
	_ =	sdelay $0x3  }
0x3e1: {  	v5 =	vmul.u32 $0x5, v62;
	[tilespmem:v63+s11+$0x0] =	vst.idx.msk $0xffff, v61  }
0x3e2: {  	v61 =	vld.idx.msk [tilespmem:v3+s3+$0x0], $0xffff  }
0x3e3: {  	v62 =	vadd.s32 $0x36B0, v5  }
0x3e4: {  	v63 =	vor.u32 $0x5, v3;
	_ =	sdelay $0x3  }
0x3e5: {  	[tilespmem:v62+s11+$0x0] =	vst.idx.msk $0xffff, v61  }
0x3e6: {  	v61 =	vld.idx.msk [tilespmem:v63+s3+$0x0], $0xffff  }
0x3e7: {  	v62 =	vadd.s32 $0x36B1, v5  }
0x3e8: {  	v63 =	vor.u32 $0x11, v3;
	_ =	sdelay $0x3  }
0x3e9: {  	[tilespmem:v62+s11+$0x0] =	vst.idx.msk $0xffff, v61  }
0x3ea: {  	v61 =	vld.idx.msk [tilespmem:v63+s3+$0x0], $0xffff  }
0x3eb: {  	v62 =	vadd.s32 $0x36B2, v5  }
0x3ec: {  	v63 =	vor.u32 $0x2A, v3;
	_ =	sdelay $0x3  }
0x3ed: {  	[tilespmem:v62+s11+$0x0] =	vst.idx.msk $0xffff, v61  }
0x3ee: {  	v61 =	vld.idx.msk [tilespmem:v63+s3+$0x0], $0xffff  }
0x3ef: {  	v62 =	vadd.s32 $0x36B3, v5  }
0x3f0: {  	v3 =	vor.u32 $0x63, v3;
	_ =	sdelay $0x1  }
.Ltmp14:
0x3f1: {  	(pc) =	sbr.rel @p0 .LBB2_31-.Ltmp14, $4  }
0x3f2: {  	_ = 	snop  }
0x3f3: {  	[tilespmem:v62+s11+$0x0] =	vst.idx.msk $0xffff, v61  }
0x3f4: {  	v61 =	vld.idx.msk [tilespmem:v3+s3+$0x0], $0xffff  }
0x3f5: {  	v63 =	vadd.s32 $0x36B4, v5;
	v62 =	vor.u32 s17, v0;
	s17 =	sadd.s32 $0x10, s17  }
0x3f6: {  	v3 =	vshll.u32 v62, $0x7;
	_ =	sdelay $0x2  }
0x3f7: {  	v5 =	vmul.u32 $0x5, v62  }
0x3f8: {  	[tilespmem:v63+s11+$0x0] =	vst.idx.msk $0xffff, v61  }
0x3f9: {  	v62 =	vadd.s32 $0x36B0, v5;
	v61 =	vld.idx.msk [tilespmem:v3+s3+$0x0], $0xffff  }
0x3fa: {  	v63 =	vor.u32 $0x5, v3;
	_ =	sdelay $0x3  }
0x3fb: {  	[tilespmem:v62+s11+$0x0] =	vst.idx.msk $0xffff, v61  }
0x3fc: {  	v62 =	vadd.s32 $0x36B1, v5;
	v61 =	vld.idx.msk [tilespmem:v63+s3+$0x0], $0xffff  }
0x3fd: {  	v63 =	vor.u32 $0x11, v3;
	_ =	sdelay $0x3  }
0x3fe: {  	[tilespmem:v62+s11+$0x0] =	vst.idx.msk $0xffff, v61  }
0x3ff: {  	v62 =	vadd.s32 $0x36B2, v5;
	v61 =	vld.idx.msk [tilespmem:v63+s3+$0x0], $0xffff  }
0x400: {  	v63 =	vor.u32 $0x2A, v3;
	_ =	sdelay $0x3  }
0x401: {  	[tilespmem:v62+s11+$0x0] =	vst.idx.msk $0xffff, v61  }
0x402: {  	v62 =	vadd.s32 $0x36B3, v5;
	v61 =	vld.idx.msk [tilespmem:v63+s3+$0x0], $0xffff  }
0x403: {  	v3 =	vor.u32 $0x63, v3;
	_ =	sdelay $0x3  }
0x404: {  	[tilespmem:v62+s11+$0x0] =	vst.idx.msk $0xffff, v61  }
0x405: {  	v5 =	vadd.s32 $0x36B4, v5;
	v3 =	vld.idx.msk [tilespmem:v3+s3+$0x0], $0xffff;
	_ =	sdelay $0x4  }
0x406: {  	[tilespmem:v5+s11+$0x0] =	vst.idx.msk $0xffff, v3  }
0x407: {  	v5 =	vadd.s32 $0x3A70, v1;
	v3 =	vld.idx.msk [tilespmem:v2+s3+$0x0], $0xff;
	_ =	sdelay $0x4  }
0x408: {  	[tilespmem:v5+s11+$0x0] =	vst.idx.msk $0xff, v3  }
0x409: {  	v5 =	vadd.s32 $0x3A71, v1;
	v3 =	vld.idx.msk [tilespmem:v4+s3+$0x0], $0xff;
	_ =	sdelay $0x4  }
0x40a: {  	[tilespmem:v5+s11+$0x0] =	vst.idx.msk $0xff, v3  }
0x40b: {  	v5 =	vadd.s32 $0x3A72, v1;
	v3 =	vld.idx.msk [tilespmem:v6+s3+$0x0], $0xff;
	_ =	sdelay $0x4  }
0x40c: {  	[tilespmem:v5+s11+$0x0] =	vst.idx.msk $0xff, v3  }
0x40d: {  	v5 =	vadd.s32 $0x3A73, v1;
	v3 =	vld.idx.msk [tilespmem:v8+s3+$0x0], $0xff;
	_ =	sdelay $0x4  }
0x40e: {  	[tilespmem:v5+s11+$0x0] =	vst.idx.msk $0xff, v3  }
0x40f: {  	v5 =	vadd.s32 $0x3A74, v1;
	v3 =	vld.idx.msk [tilespmem:v10+s3+$0x0], $0xff  }
0x410: {  	p0 =	seq.s32 s15, $0x7  }
0x411: {  	s17 =	sadd.s32 @!p0 s16, s7  }
0x412: {  	s18 =	simm.s32 $0x0;
	s17 =	smul.u32 @!p0 $0xC80, s17  }
0x413: {  	v61 =	vor.u32 s18, v0  }
0x414: {  	s17 =	sadd.s32 @!p0 s0, s17;
	s18 =	simm.s32 @!p0 $0x0;
	[tilespmem:v5+s11+$0x0] =	vst.idx.msk $0xff, v3;
	v3 =	vshll.u32 v61, $0x7  }
0x415: {  	[tilespmem:s18], [sflag:$0x1] =	stream.linear.gather @!p0 [hbm4b:s17+s18], $0x6400, $0x38;
	[tilespmem:$0x10680] =	vst v63  }
0x416: {  	_ =	swait.ge [sflag:s12], $0x6400  }
0x417: {  	v5 =	vmul.u32 $0x5, v61;
	[sflag:s12] =	ssyncset.done $0x0  }
0x418: {  	[sflag:s12] =	ssyncadd.s32 $0xFFFF9C00  }
0x419: {  	v62 =	vadd.s32 $0x3A98, v5;
	v61 =	vld.idx.msk [tilespmem:v3+s9+$0x0], $0xffff  }
0x41a: {  	v63 =	vor.u32 $0x5, v3;
	_ =	sdelay $0x3  }
0x41b: {  	[tilespmem:v62+s11+$0x0] =	vst.idx.msk $0xffff, v61  }
0x41c: {  	v62 =	vadd.s32 $0x3A99, v5;
	v61 =	vld.idx.msk [tilespmem:v63+s9+$0x0], $0xffff  }
0x41d: {  	v63 =	vor.u32 $0x11, v3;
	_ =	sdelay $0x3  }
0x41e: {  	[tilespmem:v62+s11+$0x0] =	vst.idx.msk $0xffff, v61  }
0x41f: {  	v62 =	vadd.s32 $0x3A9A, v5;
	v61 =	vld.idx.msk [tilespmem:v63+s9+$0x0], $0xffff  }
0x420: {  	v63 =	vor.u32 $0x2A, v3;
	_ =	sdelay $0x3  }
0x421: {  	[tilespmem:v62+s11+$0x0] =	vst.idx.msk $0xffff, v61  }
0x422: {  	v62 =	vadd.s32 $0x3A9B, v5;
	v61 =	vld.idx.msk [tilespmem:v63+s9+$0x0], $0xffff  }
0x423: {  	v3 =	vor.u32 $0x63, v3;
	_ =	sdelay $0x3  }
0x424: {  	s31 =	simm.s32 $0x10;
	[tilespmem:v62+s11+$0x0] =	vst.idx.msk $0xffff, v61  }
0x425: {  	s16 =	sadd.s32 s4, s16;
	s17 =	simm.s32 $0x20;
	v63 =	vadd.s32 $0x3A9C, v5;
	v62 =	vor.u32 s31, v0;
	v61 =	vld.idx.msk [tilespmem:v3+s9+$0x0], $0xffff  }
.LBB2_33:
0x426: {  	p0 =	sne.s32 s17, $0xB0;
	v3 =	vshll.u32 v62, $0x7;
	_ =	sdelay $0x3  }
0x427: {  	v5 =	vmul.u32 $0x5, v62;
	[tilespmem:v63+s11+$0x0] =	vst.idx.msk $0xffff, v61  }
0x428: {  	v61 =	vld.idx.msk [tilespmem:v3+s9+$0x0], $0xffff  }
0x429: {  	v62 =	vadd.s32 $0x3A98, v5  }
0x42a: {  	v63 =	vor.u32 $0x5, v3;
	_ =	sdelay $0x3  }
0x42b: {  	[tilespmem:v62+s11+$0x0] =	vst.idx.msk $0xffff, v61  }
0x42c: {  	v61 =	vld.idx.msk [tilespmem:v63+s9+$0x0], $0xffff  }
0x42d: {  	v62 =	vadd.s32 $0x3A99, v5  }
0x42e: {  	v63 =	vor.u32 $0x11, v3;
	_ =	sdelay $0x3  }
0x42f: {  	[tilespmem:v62+s11+$0x0] =	vst.idx.msk $0xffff, v61  }
0x430: {  	v61 =	vld.idx.msk [tilespmem:v63+s9+$0x0], $0xffff  }
0x431: {  	v62 =	vadd.s32 $0x3A9A, v5  }
0x432: {  	v63 =	vor.u32 $0x2A, v3;
	_ =	sdelay $0x3  }
0x433: {  	[tilespmem:v62+s11+$0x0] =	vst.idx.msk $0xffff, v61  }
0x434: {  	v61 =	vld.idx.msk [tilespmem:v63+s9+$0x0], $0xffff  }
0x435: {  	v62 =	vadd.s32 $0x3A9B, v5  }
0x436: {  	v3 =	vor.u32 $0x63, v3;
	_ =	sdelay $0x1  }
.Ltmp15:
0x437: {  	(pc) =	sbr.rel @p0 .LBB2_33-.Ltmp15, $4  }
0x438: {  	_ = 	snop  }
0x439: {  	[tilespmem:v62+s11+$0x0] =	vst.idx.msk $0xffff, v61  }
0x43a: {  	v61 =	vld.idx.msk [tilespmem:v3+s9+$0x0], $0xffff  }
0x43b: {  	v63 =	vadd.s32 $0x3A9C, v5;
	v62 =	vor.u32 s17, v0;
	s17 =	sadd.s32 $0x10, s17  }
0x43c: {  	v3 =	vshll.u32 v62, $0x7;
	_ =	sdelay $0x2  }
0x43d: {  	v5 =	vmul.u32 $0x5, v62  }
0x43e: {  	[tilespmem:v63+s11+$0x0] =	vst.idx.msk $0xffff, v61  }
0x43f: {  	v62 =	vadd.s32 $0x3A98, v5;
	v61 =	vld.idx.msk [tilespmem:v3+s9+$0x0], $0xffff  }
0x440: {  	v63 =	vor.u32 $0x5, v3;
	_ =	sdelay $0x3  }
0x441: {  	[tilespmem:v62+s11+$0x0] =	vst.idx.msk $0xffff, v61  }
0x442: {  	v62 =	vadd.s32 $0x3A99, v5;
	v61 =	vld.idx.msk [tilespmem:v63+s9+$0x0], $0xffff  }
0x443: {  	v63 =	vor.u32 $0x11, v3;
	_ =	sdelay $0x3  }
0x444: {  	[tilespmem:v62+s11+$0x0] =	vst.idx.msk $0xffff, v61  }
0x445: {  	v62 =	vadd.s32 $0x3A9A, v5;
	v61 =	vld.idx.msk [tilespmem:v63+s9+$0x0], $0xffff  }
0x446: {  	v63 =	vor.u32 $0x2A, v3;
	_ =	sdelay $0x3  }
0x447: {  	[tilespmem:v62+s11+$0x0] =	vst.idx.msk $0xffff, v61  }
0x448: {  	v62 =	vadd.s32 $0x3A9B, v5;
	v61 =	vld.idx.msk [tilespmem:v63+s9+$0x0], $0xffff  }
0x449: {  	v3 =	vor.u32 $0x63, v3;
	_ =	sdelay $0x3  }
0x44a: {  	[tilespmem:v62+s11+$0x0] =	vst.idx.msk $0xffff, v61  }
0x44b: {  	v5 =	vadd.s32 $0x3A9C, v5;
	v3 =	vld.idx.msk [tilespmem:v3+s9+$0x0], $0xffff;
	_ =	sdelay $0x4  }
0x44c: {  	[tilespmem:v5+s11+$0x0] =	vst.idx.msk $0xffff, v3  }
0x44d: {  	v5 =	vadd.s32 $0x3E58, v1;
	v3 =	vld.idx.msk [tilespmem:v2+s9+$0x0], $0xff;
	_ =	sdelay $0x4  }
0x44e: {  	[tilespmem:v5+s11+$0x0] =	vst.idx.msk $0xff, v3  }
0x44f: {  	v5 =	vadd.s32 $0x3E59, v1;
	v3 =	vld.idx.msk [tilespmem:v4+s9+$0x0], $0xff;
	_ =	sdelay $0x4  }
0x450: {  	[tilespmem:v5+s11+$0x0] =	vst.idx.msk $0xff, v3  }
0x451: {  	v5 =	vadd.s32 $0x3E5A, v1;
	v3 =	vld.idx.msk [tilespmem:v6+s9+$0x0], $0xff;
	_ =	sdelay $0x4  }
0x452: {  	[tilespmem:v5+s11+$0x0] =	vst.idx.msk $0xff, v3  }
0x453: {  	v5 =	vadd.s32 $0x3E5B, v1;
	v3 =	vld.idx.msk [tilespmem:v8+s9+$0x0], $0xff;
	_ =	sdelay $0x4  }
0x454: {  	[tilespmem:v5+s11+$0x0] =	vst.idx.msk $0xff, v3  }
0x455: {  	s15 =	sadd.s32 $0x1, s15;
	v5 =	vadd.s32 $0x3E5C, v1;
	v3 =	vld.idx.msk [tilespmem:v10+s9+$0x0], $0xff  }
0x456: {  	p0 =	sne.s32 s15, $0x8  }
.Ltmp16:
0x457: {  	_ = 	snop;
	(pc) =	sbr.rel @p0 .LBB2_2-.Ltmp16, $3  }
0x458: {  	s16 =	smul.u32 $0x7D, s16;
	_ =	sdelay $0x1  }
0x459: {  	s16 =	sadd.s32 s5, s16;
	[tilespmem:v5+s11+$0x0] =	vst.idx.msk $0xff, v3  }
0x45a: {  	[hbm4b:s16+s3] =	stream.linear.scatter [tilespmem:s11], [sflag:$0x3], $0x3E80, $0x38;
	[tilespmem:$0x10680] =	vst v63  }
0x45b: {  	s14 =	sadd.s32 $0x1, s14  }
0x45c: {  	p0 =	sne.s32 s14, s8  }
.Ltmp17:
0x45d: {  	_ = 	snop;
	(pc) =	sbr.rel @p0 .LBB2_1-.Ltmp17, $4  }
0x45e: {  	_ = 	snop  }
0x45f: {  	_ =	swait.ge [sflag:s13], $0x3E80  }
0x460: {  	[sflag:s13] =	ssyncset.done $0x0  }
0x461: {  	[sflag:s13] =	ssyncadd.s32 $0xFFFFC180  }
0x462: {  	_ =	sfence.sel $0x180000  }
0x463: {  	[bflag:$0x0] =	sbarrier.arrive $0xFFFF  }
0x464: {  	p0 =	sne.s32 s1, $0x0;
	_ =	strace $0x90000047  }
0x465: {  	s0 =	sadd.s32 @!p0 $0x100000, s2;
	[bflag:$0x2] =	sbarrier.arrive $0xFFFF  }
0x466: {  	[sflag:s0] =	ssyncadd.tile.s32 @!p0 $0x1;
	_ =	shalt  }
.Lfunc_end2:
_tile_overlayer_lowered:
.L_overlay_start_2:
0x467: {  	(tag) =	ssettag $0x2  }
0x468: {  	s0 =	rddreg [dreg:$0x0];
	s2 =	stileid.u32  }
0x469: {  	s1 =	rddreg [dreg:$0x1];
	p0 =	sne.s32 s2, $0x0  }
0x46a: {  	s3 =	rddreg [dreg:$0x2];
	[bflag:$0x3] =	sbarrier.arrive $0xFFFF;
	s2 =	simm.s32 @!p0 $0x1C04  }
0x46b: {  	[timem:s3], [sflag:s2] =	dma.local @!p0 [hbm:s0], s1  }
0x46c: {  	s0 =	simm.s32 @!p0 $0x4  }
0x46d: {  	_ =	swait.ge @!p0 [sflag:s0], s1  }
0x46e: {  	s1 =	ssub.s32 @!p0 $0x0, s1;
	[sflag:s0] =	ssyncset.done @!p0 $0x0  }
0x46f: {  	[sflag:s0] =	ssyncadd.s32 @!p0 s1  }
0x470: {  	[bflag:$0x3] =	sbarrier.arrive $0xFFFF  }
0x471: {  	_ =	shalt  }

</sc_bundles>
